<compile_context>
chip_gen: v7x
topology: tpu7x:2x2x1
jax: 0.10.2.dev20260603
libtpu: 0.0.44.dev20260713+nightly
codegen_flags: <defaults>
</compile_context>

<pallas_src>
import functools

import jax
import jax.numpy as jnp
from jax import lax
from jax.experimental import pallas as pl
from jax.experimental.pallas import tpu as pltpu
from jax.experimental.pallas import tpu_sc as plsc

_NC = 2
_NS = 16
_NW = _NC * _NS
_LANES = 16
_T = 8
_GRP = 4


def _when(cond):
    if isinstance(cond, bool):
        return (lambda f: f() if cond else None)
    return pl.when(cond)


def _compose_body(nt, d, tpw, nsamp, idx_hbm, idx2d_hbm, len_hbm, table_hbm,
                  out_hbm, mask_hbm, idx_all, idx_mine, qidx, mask_v, len_v,
                  gbufs, rows, obufs, zbuf, qsem, gsems, osems, zsem):
    nslots = tpw // _T
    lsz = nt // nsamp
    cid = lax.axis_index("c")
    sid = lax.axis_index("s")
    wid = sid * _NC + cid
    g0 = wid * tpw

    pltpu.sync_copy(len_hbm, len_v)
    pltpu.sync_copy(idx_hbm.at[pl.ds(g0 * 4, tpw * 4)], idx_all)
    lens_vec = len_v[...]
    lane = lax.iota(jnp.int32, _LANES)
    zeros = jnp.zeros((_LANES,), jnp.float32)

    for h in range(nslots // 2 // _LANES):
        qidx[pl.ds(h * _LANES, _LANES)] = (wid + _NW * (lane + h * _LANES)) >> 1
    pltpu.async_copy(idx2d_hbm.at[qidx], idx_mine, qsem)
    col0 = (wid % 2) * (8 * _T)

    for t in range(2 * _T):
        def zinit(dd, c, t=t):
            sl = pl.ds(pl.multiple_of(dd * _LANES, _LANES), _LANES)
            zbuf[t, sl] = zeros
            return c
        lax.fori_loop(0, d // _LANES, zinit, 0, unroll=4)

    lbs = [jnp.max(jnp.where(lane == s, lens_vec, 0)) for s in range(nsamp)]

    def lb_of(sq):
        r = lbs[0]
        for s in range(1, nsamp):
            r = jnp.where(sq == s, lbs[s], r)
        return r

    def slot_nv(j):
        gq = (wid + _NW * (j >> 1)) * (2 * _T) + (j & 1) * _T
        sq = gq // lsz
        return jnp.minimum(jnp.maximum(lb_of(sq) - (gq - sq * lsz), 0), _T)

    def pair_nv(p):
        gp = (wid + _NW * p) * (2 * _T)
        sq = gp // lsz
        return jnp.minimum(jnp.maximum(lb_of(sq) - (gp - sq * lsz), 0), 2 * _T)

    wpersamp = _NW // nsamp
    b = wid // wpersamp
    r0 = (wid % wpersamp) * tpw
    nv = jnp.minimum(jnp.maximum(lb_of(b) - r0, 0), tpw)

    def mask_grp(grp, carry):
        t = lane + grp * _LANES
        p = t * 4
        v = plsc.load_gather(idx_all, [p])
        for j in range(1, 4):
            v = v | plsc.load_gather(idx_all, [p + j])
        m = ((v != 0) & (t < nv)).astype(jnp.int32)
        mask_v[pl.ds(pl.multiple_of(grp * _LANES, _LANES), _LANES)] = m
        return carry

    lax.fori_loop(0, tpw // _LANES, mask_grp, 0)
    pltpu.sync_copy(mask_v, mask_hbm.at[pl.ds(g0, tpw)])

    pltpu.make_async_copy(idx2d_hbm.at[qidx], idx_mine, qsem).wait()

    def prep_gather(j, kr):
        nvq = slot_nv(j)
        rvec = jnp.full((_LANES,), j >> 1, jnp.int32)
        cb = col0 + (j & 1) * (4 * _T)
        for h in range(4 * _T // _LANES):
            tok = (lane >> 2) + 4 * h
            v = plsc.load_gather(idx_mine, [rvec, cb + lane + h * _LANES])
            gbufs[kr][pl.ds(h * _LANES, _LANES)] = jnp.where(tok < nvq, v, 0)

        @pl.when(nvq > 0)
        def _():
            pltpu.async_copy(table_hbm.at[gbufs[kr]], rows[kr], gsems[kr])

    def wait_gather(kr, nvq):
        @pl.when(nvq > 0)
        def _():
            pltpu.make_async_copy(table_hbm.at[gbufs[kr]], rows[kr],
                                  gsems[kr]).wait()

    def wait_write(p, ko):
        nvp = pair_nv(p)

        @pl.when(nvp > 0)
        def _():
            pltpu.make_async_copy(obufs[ko], out_hbm.at[pl.ds(0, 2 * _T), :],
                                  osems[ko]).wait()

        @pl.when(nvp == 0)
        def _():
            pltpu.make_async_copy(zbuf, out_hbm.at[pl.ds(0, 2 * _T), :],
                                  zsem).wait()

    def slot_step(s, k):
        kr = k % 2
        h = k & 1
        ko = (k >> 1) & 1
        nvq = slot_nv(s)
        p = s >> 1

        _when(s + 1 < nslots)(lambda: prep_gather(s + 1, 1 - kr))
        wait_gather(kr, nvq)
        if h == 0:
            _when(s >= 4)(lambda: wait_write(p - 2, ko))

        @pl.when(nvq > 0)
        def _():
            nsl = d // _LANES

            @plsc.parallel_loop(0, _T * nsl, unroll=4)
            def _(ii):
                t = ii // nsl
                dd = ii - t * nsl
                sl = pl.ds(pl.multiple_of(dd * _LANES, _LANES), _LANES)
                rws = rows[kr]
                obufs[ko][h * _T + t, sl] = (
                    (rws[4 * t, sl] + rws[4 * t + 1, sl]) +
                    (rws[4 * t + 2, sl] + rws[4 * t + 3, sl]))

        if h == 1:
            nvp = pair_nv(p)

            @pl.when((nvq == 0) & (nvp > 0))
            def _():
                for t in range(_T):
                    @plsc.parallel_loop(0, d // _LANES, unroll=4)
                    def _(dd, t=t):
                        sl = pl.ds(pl.multiple_of(dd * _LANES, _LANES),
                                   _LANES)
                        obufs[ko][_T + t, sl] = zeros

            gp = (wid + _NW * p) * (2 * _T)

            @pl.when(nvp > 0)
            def _():
                pltpu.async_copy(obufs[ko], out_hbm.at[pl.ds(gp, 2 * _T), :],
                                 osems[ko])

            @pl.when(nvp == 0)
            def _():
                pltpu.async_copy(zbuf, out_hbm.at[pl.ds(gp, 2 * _T), :], zsem)

    prep_gather(0, 0)
    ngroups = nslots // _GRP

    def group_body(i, carry):
        for k in range(_GRP):
            slot_step(_GRP * i + k, k)
        return carry

    lax.fori_loop(0, ngroups, group_body, 0)
    npairs = nslots // 2
    for p in (npairs - 2, npairs - 1):
        wait_write(p, p % 2)


@functools.partial(jax.jit, static_argnames=("nt", "d", "nsamp"))
def _compose_sc(idx_flat, idx2d, len_pad, table, *, nt, d, nsamp):
    tpw = nt // _NW
    nslots = tpw // _T
    mesh = plsc.VectorSubcoreMesh(
        core_axis_name="c", subcore_axis_name="s",
        num_cores=_NC, num_subcores=_NS)
    body = functools.partial(_compose_body, nt, d, tpw, nsamp)
    return pl.kernel(
        body,
        out_type=[
            jax.ShapeDtypeStruct((nt, d), jnp.float32),
            jax.ShapeDtypeStruct((nt,), jnp.int32),
        ],
        mesh=mesh,
        compiler_params=pltpu.CompilerParams(needs_layout_passes=False),
        scratch_types=[
            pltpu.VMEM((tpw * 4,), jnp.int32),
            pltpu.VMEM((nslots // 2, 16 * _T), jnp.int32),
            pltpu.VMEM((nslots // 2,), jnp.int32),
            pltpu.VMEM((tpw,), jnp.int32),
            pltpu.VMEM((_LANES,), jnp.int32),
            [pltpu.VMEM((4 * _T,), jnp.int32)] * 2,
            [pltpu.VMEM((4 * _T, d), jnp.float32)] * 2,
            [pltpu.VMEM((2 * _T, d), jnp.float32)] * 2,
            pltpu.VMEM((2 * _T, d), jnp.float32),
            pltpu.SemaphoreType.DMA,
            [pltpu.SemaphoreType.DMA] * 2,
            [pltpu.SemaphoreType.DMA] * 2,
            pltpu.SemaphoreType.DMA,
        ],
    )(idx_flat, idx2d, len_pad, table)


def kernel(phoneme_flat, phoneme_token_len, table):
    bsz, pt = phoneme_flat.shape
    lx = pt // 4
    nt = bsz * lx
    d = table.shape[1]
    idx_flat = phoneme_flat.reshape(-1).astype(jnp.int32)
    idx2d = idx_flat.reshape(nt // (4 * _T), 16 * _T)
    len_pad = jnp.zeros((_LANES,), jnp.int32).at[:bsz].set(
        phoneme_token_len.astype(jnp.int32))
    out_flat, mask_i = _compose_sc(idx_flat, idx2d, len_pad, table,
                                   nt=nt, d=d, nsamp=bsz)
    out = out_flat.reshape(bsz, lx, d)
    pf_mask = mask_i.reshape(bsz, lx).astype(bool)
    return out, pf_mask

# --- scband reference (transcript-rebuilt; emitter-appended) ---
"""Pipeline reference for scband-qwen2-lminpaint-61649960566840 (READ-ONLY COPY).

The authoritative reference and input builder live on the scoring server;
editing this copy changes nothing except your own understanding.
"""

import jax, jax.numpy as jnp
import numpy as np

VOCAB = 100000
D = 1024
B = 4
L = 4096

def setup_inputs(seed: int = 0) -> dict:
    key = jax.random.key(seed)
    k1, k2, k3 = jax.random.split(key, 3)
    phoneme_flat = jax.random.randint(k1, (B, 4 * L), 0, VOCAB)
    phoneme_token_len = jax.random.randint(k2, (B,), 0, L + 1)
    table = jax.random.normal(k3, (VOCAB, D), dtype=jnp.float32) * 0.02
    # padding_idx=0: nn.Embedding initializes the pad row to zeros
    table = table.at[0].set(0.0)
    return {"phoneme_flat": phoneme_flat, "phoneme_token_len": phoneme_token_len, "table": table}


def reference(phoneme_flat, phoneme_token_len, table):
    # Faithful JAX port of Qwen2LMInpaint.compose_phoneme with composition='sum'.
    Bx, PT = phoneme_flat.shape
    Lx = PT // 4
    # The per-sample Python loop in torch slices the first 4*Li interleaved entries,
    # reshapes to (Li, 4), transposes to (4, Li) and zero-pads the tail. Because the
    # flat layout is interleaved per token, this is equivalent to a global reshape
    # (B, L, 4) -> transpose -> (B, 4, L) followed by masking positions >= Li to 0.
    pf4 = phoneme_flat.reshape(Bx, Lx, 4).transpose(0, 2, 1)
    valid = jnp.arange(Lx)[None, :] < phoneme_token_len[:, None]
    pf4 = pf4 * valid[:, None, :].astype(pf4.dtype)
    pf_flat = pf4.reshape(Bx, 4 * Lx)
    # embedding lookup (padding idx 0 maps to the zero row)
    emb = jnp.take(table, pf_flat, axis=0)
    emb = emb.reshape(Bx, 4, Lx, -1)
    on = emb[:, 0]
    nu = emb[:, 1]
    co = emb[:, 2]
    to = emb[:, 3]
    out = on + nu + co + to  # composition == 'sum'
    pf_mask = (pf4 != 0).any(axis=1)
    return out, pf_mask

if __name__ == "__main__":
    import jax
    _d = setup_inputs()
    print(jax.jit(kernel)(*tuple(_d.values())))

</pallas_src>

<mosaic_0001>
#map = affine_map<(d0, d1) -> (0)>
#map1 = affine_map<(d0, d1) -> (0, 0)>
module attributes {stable_mosaic.version = 14 : i64} {
  func.func @_compose_body(%arg0: i32, %arg1: i32, %arg2: memref<65536xi32, #tpu.memory_space<hbm>>, %arg3: memref<512x128xi32, #tpu.memory_space<hbm>>, %arg4: memref<16xi32, #tpu.memory_space<hbm>>, %arg5: memref<100000x1024xf32, #tpu.memory_space<hbm>>, %arg6: memref<16384x1024xf32, #tpu.memory_space<hbm>>, %arg7: memref<16384xi32, #tpu.memory_space<hbm>>, %arg8: memref<2048xi32, #tpu.memory_space<vmem>>, %arg9: memref<32x128xi32, #tpu.memory_space<vmem>>, %arg10: memref<32xi32, #tpu.memory_space<vmem>>, %arg11: memref<512xi32, #tpu.memory_space<vmem>>, %arg12: memref<16xi32, #tpu.memory_space<vmem>>, %arg13: memref<32xi32, #tpu.memory_space<vmem>>, %arg14: memref<32xi32, #tpu.memory_space<vmem>>, %arg15: memref<32x1024xf32, #tpu.memory_space<vmem>>, %arg16: memref<32x1024xf32, #tpu.memory_space<vmem>>, %arg17: memref<16x1024xf32, #tpu.memory_space<vmem>>, %arg18: memref<16x1024xf32, #tpu.memory_space<vmem>>, %arg19: memref<16x1024xf32, #tpu.memory_space<vmem>>, %arg20: memref<!tpu.dma_semaphore, #tpu.memory_space<semaphore_mem>>, %arg21: memref<!tpu.dma_semaphore, #tpu.memory_space<semaphore_mem>>, %arg22: memref<!tpu.dma_semaphore, #tpu.memory_space<semaphore_mem>>, %arg23: memref<!tpu.dma_semaphore, #tpu.memory_space<semaphore_mem>>, %arg24: memref<!tpu.dma_semaphore, #tpu.memory_space<semaphore_mem>>, %arg25: memref<!tpu.dma_semaphore, #tpu.memory_space<semaphore_mem>>) attributes {dimension_semantics = [#tpu.dimension_semantics<core_parallel>, #tpu.dimension_semantics<subcore_parallel>], iteration_bounds = array<i64: 2, 16>, scalar_prefetch = 0 : i64, scratch_operands = 18 : i64, tpu.core_type = #tpu.core_type<sc_vector_subcore>, window_params = [{transform_indices = #map}, {transform_indices = #map1}, {transform_indices = #map}, {transform_indices = #map1}, {transform_indices = #map1}, {transform_indices = #map}]} {
    %mul3A = arith.constant 2 : i32
    %mul3A_0 = arith.muli %arg1, %mul3A : i32
    %add3A = arith.addi %mul3A_0, %arg0 : i32
    %mul3A_1 = arith.constant 512 : i32
    %mul3A_2 = arith.muli %add3A, %mul3A_1 : i32
    "tpu.region"() ({
      %run_scoped3A = tpu.sem_alloc : memref<!tpu.dma_semaphore, #tpu.memory_space<semaphore_mem>>
      tpu.enqueue_dma source(%arg4 : memref<16xi32, #tpu.memory_space<hbm>>) target(%arg12 : memref<16xi32, #tpu.memory_space<vmem>>) target_semaphore(%run_scoped3A : memref<!tpu.dma_semaphore, #tpu.memory_space<semaphore_mem>>)
      tpu.wait_dma2 semaphore(%run_scoped3A : memref<!tpu.dma_semaphore, #tpu.memory_space<semaphore_mem>>) src(%arg4 : memref<16xi32, #tpu.memory_space<hbm>>) dst(%arg12 : memref<16xi32, #tpu.memory_space<vmem>>)
      tpu.yield
    }) : () -> ()
    %mul3A_3 = arith.constant 4 : i32
    %mul3A_4 = arith.muli %mul3A_2, %mul3A_3 : i32
    "tpu.region"() ({
      %run_scoped3A = tpu.sem_alloc : memref<!tpu.dma_semaphore, #tpu.memory_space<semaphore_mem>>
      %dma_start3A_459 = tpu.memref_slice %arg2[%mul3A_4] : memref<65536xi32, #tpu.memory_space<hbm>> -> memref<2048xi32, #tpu.memory_space<hbm>>
      %dma_start3A_460 = tpu.memref_slice %arg2[%mul3A_4] : memref<65536xi32, #tpu.memory_space<hbm>> -> memref<2048xi32, #tpu.memory_space<hbm>>
      tpu.enqueue_dma source(%dma_start3A_460 : memref<2048xi32, #tpu.memory_space<hbm>>) target(%arg8 : memref<2048xi32, #tpu.memory_space<vmem>>) target_semaphore(%run_scoped3A : memref<!tpu.dma_semaphore, #tpu.memory_space<semaphore_mem>>)
      %dma_wait3A_461 = tpu.memref_slice %arg2[%mul3A_4] : memref<65536xi32, #tpu.memory_space<hbm>> -> memref<2048xi32, #tpu.memory_space<hbm>>
      %dma_wait3A_462 = tpu.memref_slice %arg2[%mul3A_4] : memref<65536xi32, #tpu.memory_space<hbm>> -> memref<2048xi32, #tpu.memory_space<hbm>>
      tpu.wait_dma2 semaphore(%run_scoped3A : memref<!tpu.dma_semaphore, #tpu.memory_space<semaphore_mem>>) src(%dma_wait3A_462 : memref<2048xi32, #tpu.memory_space<hbm>>) dst(%arg8 : memref<2048xi32, #tpu.memory_space<vmem>>)
      tpu.yield
    }) : () -> ()
    %get3A = arith.constant 0 : index
    %get3A_5 = tpu.vector_load %arg12[%get3A] {strides = array<i32>} : memref<16xi32, #tpu.memory_space<vmem>>, vector<16xi32>,
    %iota3A = tpu.iota {dimensions = array<i32: 0>} : vector<16xi32>
    %broadcast_in_dim3A = arith.constant 0.000000e+00 : f32
    %broadcast_in_dim3A_6 = vector.broadcast %broadcast_in_dim3A : f32 to vector<16xf32>
    %add3A_7 = arith.constant 0 : i32
    %add3A_8 = vector.broadcast %add3A_7 : i32 to vector<16xi32>
    %add3A_9 = arith.addi %iota3A, %add3A_8 : vector<16xi32>
    %mul3A_10 = arith.constant 32 : i32
    %mul3A_11 = vector.broadcast %mul3A_10 : i32 to vector<16xi32>
    %mul3A_12 = arith.muli %mul3A_11, %add3A_9 : vector<16xi32>
    %add3A_13 = vector.broadcast %add3A : i32 to vector<16xi32>
    %add3A_14 = arith.addi %add3A_13, %mul3A_12 : vector<16xi32>
    %shift_right_arithmetic3A = arith.constant 1 : i32
    %shift_right_arithmetic3A_15 = vector.broadcast %shift_right_arithmetic3A : i32 to vector<16xi32>
    %shift_right_arithmetic3A_16 = arith.shrsi %add3A_14, %shift_right_arithmetic3A_15 : vector<16xi32>
    %swap3A = arith.constant 0 : index
    %swap3A_17 = tpu.vector_load %arg10[%swap3A] {strides = array<i32>} : memref<32xi32, #tpu.memory_space<vmem>>, vector<16xi32>,
    tpu.vector_store %arg10[%swap3A], %shift_right_arithmetic3A_16 {strides = array<i32>} : memref<32xi32, #tpu.memory_space<vmem>>, vector<16xi32>,
    %add3A_18 = arith.constant 16 : i32
    %add3A_19 = vector.broadcast %add3A_18 : i32 to vector<16xi32>
    %add3A_20 = arith.addi %iota3A, %add3A_19 : vector<16xi32>
    %mul3A_21 = arith.constant 32 : i32
    %mul3A_22 = vector.broadcast %mul3A_21 : i32 to vector<16xi32>
    %mul3A_23 = arith.muli %mul3A_22, %add3A_20 : vector<16xi32>
    %add3A_24 = vector.broadcast %add3A : i32 to vector<16xi32>
    %add3A_25 = arith.addi %add3A_24, %mul3A_23 : vector<16xi32>
    %shift_right_arithmetic3A_26 = arith.constant 1 : i32
    %shift_right_arithmetic3A_27 = vector.broadcast %shift_right_arithmetic3A_26 : i32 to vector<16xi32>
    %shift_right_arithmetic3A_28 = arith.shrsi %add3A_25, %shift_right_arithmetic3A_27 : vector<16xi32>
    %swap3A_29 = arith.constant 16 : index
    %swap3A_30 = tpu.vector_load %arg10[%swap3A_29] {strides = array<i32>} : memref<32xi32, #tpu.memory_space<vmem>>, vector<16xi32>,
    tpu.vector_store %arg10[%swap3A_29], %shift_right_arithmetic3A_28 {strides = array<i32>} : memref<32xi32, #tpu.memory_space<vmem>>, vector<16xi32>,
    %dma_start3A = arith.constant 0 : i32
    %dma_start3A_31 = arith.constant 0 : i32
    %dma_start3A_32 = tpu.memref_slice %arg3[%dma_start3A, %dma_start3A_31] : memref<512x128xi32, #tpu.memory_space<hbm>> -> memref<512x128xi32, #tpu.memory_space<hbm>>
    tpu.enqueue_indirect_dma source(%dma_start3A_32 : memref<512x128xi32, #tpu.memory_space<hbm>>) target(%arg9 : memref<32x128xi32, #tpu.memory_space<vmem>>) offsets(%arg10 : memref<32xi32, #tpu.memory_space<vmem>>) semaphore(%arg20 : memref<!tpu.dma_semaphore, #tpu.memory_space<semaphore_mem>>)
    %jit3A = arith.constant 2 : i32
    %eq3A = arith.constant 0 : i32
    %eq3A_33 = arith.cmpi eq, %jit3A, %eq3A : i32
    %jit3A_34 = arith.constant 1 : i32
    %select_n3A = arith.select %eq3A_33, %jit3A_34, %jit3A : i32
    %rem3A = arith.remsi %add3A, %select_n3A : i32
    %ne3A = arith.constant 0 : i32
    %ne3A_35 = arith.cmpi ne, %rem3A, %ne3A : i32
    %lt3A = arith.constant 0 : i32
    %lt3A_36 = arith.cmpi slt, %rem3A, %lt3A : i32
    %lt3A_37 = arith.constant 0 : i32
    %lt3A_38 = arith.cmpi slt, %select_n3A, %lt3A_37 : i32
    %ne3A_39 = arith.xori %lt3A_36, %lt3A_38 : i1
    %and3A = arith.andi %ne3A_39, %ne3A_35 : i1
    %add3A_40 = arith.addi %rem3A, %select_n3A : i32
    %select_n3A_41 = arith.select %and3A, %add3A_40, %rem3A : i32
    %mul3A_42 = arith.constant 64 : i32
    %mul3A_43 = arith.muli %select_n3A_41, %mul3A_42 : i32
    %scan3A = arith.constant 0 : i32
    %scan3A_44 = arith.constant 0 : i32
    %scan3A_45 = arith.constant 64 : i32
    %scan3A_46 = arith.addi %scan3A_44, %scan3A_45 : i32
    %scan3A_47 = arith.constant 4 : i32
    scf.for %scan3A_459 = %scan3A_44 to %scan3A_46 step %scan3A_47  : i32 {
      %mul3A_460 = arith.constant 16 : i32
      %mul3A_461 = arith.muli %scan3A_459, %mul3A_460 : i32
      %multiple_of3A = tpu.assume_multiple %mul3A_461, 16 : i32
      %swap3A_462 = arith.constant 0 : i32
      %swap3A_463 = arith.index_cast %swap3A_462 : i32 to index
      %swap3A_464 = arith.index_cast %multiple_of3A : i32 to index
      %swap3A_465 = tpu.vector_load %arg19[%swap3A_463, %swap3A_464] {strides = array<i32>} : memref<16x1024xf32, #tpu.memory_space<vmem>>, vector<16xf32>,
      tpu.vector_store %arg19[%swap3A_463, %swap3A_464], %broadcast_in_dim3A_6 {strides = array<i32>} : memref<16x1024xf32, #tpu.memory_space<vmem>>, vector<16xf32>,
      %scan3A_466 = arith.constant 1 : i32
      %scan3A_467 = arith.addi %scan3A_459, %scan3A_466 : i32
      %mul3A_468 = arith.constant 16 : i32
      %mul3A_469 = arith.muli %scan3A_467, %mul3A_468 : i32
      %multiple_of3A_470 = tpu.assume_multiple %mul3A_469, 16 : i32
      %swap3A_471 = arith.constant 0 : i32
      %swap3A_472 = arith.index_cast %swap3A_471 : i32 to index
      %swap3A_473 = arith.index_cast %multiple_of3A_470 : i32 to index
      %swap3A_474 = tpu.vector_load %arg19[%swap3A_472, %swap3A_473] {strides = array<i32>} : memref<16x1024xf32, #tpu.memory_space<vmem>>, vector<16xf32>,
      tpu.vector_store %arg19[%swap3A_472, %swap3A_473], %broadcast_in_dim3A_6 {strides = array<i32>} : memref<16x1024xf32, #tpu.memory_space<vmem>>, vector<16xf32>,
      %scan3A_475 = arith.constant 2 : i32
      %scan3A_476 = arith.addi %scan3A_459, %scan3A_475 : i32
      %mul3A_477 = arith.constant 16 : i32
      %mul3A_478 = arith.muli %scan3A_476, %mul3A_477 : i32
      %multiple_of3A_479 = tpu.assume_multiple %mul3A_478, 16 : i32
      %swap3A_480 = arith.constant 0 : i32
      %swap3A_481 = arith.index_cast %swap3A_480 : i32 to index
      %swap3A_482 = arith.index_cast %multiple_of3A_479 : i32 to index
      %swap3A_483 = tpu.vector_load %arg19[%swap3A_481, %swap3A_482] {strides = array<i32>} : memref<16x1024xf32, #tpu.memory_space<vmem>>, vector<16xf32>,
      tpu.vector_store %arg19[%swap3A_481, %swap3A_482], %broadcast_in_dim3A_6 {strides = array<i32>} : memref<16x1024xf32, #tpu.memory_space<vmem>>, vector<16xf32>,
      %scan3A_484 = arith.constant 3 : i32
      %scan3A_485 = arith.addi %scan3A_459, %scan3A_484 : i32
      %mul3A_486 = arith.constant 16 : i32
      %mul3A_487 = arith.muli %scan3A_485, %mul3A_486 : i32
      %multiple_of3A_488 = tpu.assume_multiple %mul3A_487, 16 : i32
      %swap3A_489 = arith.constant 0 : i32
      %swap3A_490 = arith.index_cast %swap3A_489 : i32 to index
      %swap3A_491 = arith.index_cast %multiple_of3A_488 : i32 to index
      %swap3A_492 = tpu.vector_load %arg19[%swap3A_490, %swap3A_491] {strides = array<i32>} : memref<16x1024xf32, #tpu.memory_space<vmem>>, vector<16xf32>,
      tpu.vector_store %arg19[%swap3A_490, %swap3A_491], %broadcast_in_dim3A_6 {strides = array<i32>} : memref<16x1024xf32, #tpu.memory_space<vmem>>, vector<16xf32>,
    }
    %scan3A_48 = arith.constant 64 : i32
    %scan3A_49 = arith.constant 0 : i32
    %scan3A_50 = arith.constant 0 : i32
    %scan3A_51 = arith.constant 64 : i32
    %scan3A_52 = arith.addi %scan3A_50, %scan3A_51 : i32
    %scan3A_53 = arith.constant 4 : i32
    scf.for %scan3A_459 = %scan3A_50 to %scan3A_52 step %scan3A_53  : i32 {
      %mul3A_460 = arith.constant 16 : i32
      %mul3A_461 = arith.muli %scan3A_459, %mul3A_460 : i32
      %multiple_of3A = tpu.assume_multiple %mul3A_461, 16 : i32
      %swap3A_462 = arith.constant 1 : i32
      %swap3A_463 = arith.index_cast %swap3A_462 : i32 to index
      %swap3A_464 = arith.index_cast %multiple_of3A : i32 to index
      %swap3A_465 = tpu.vector_load %arg19[%swap3A_463, %swap3A_464] {strides = array<i32>} : memref<16x1024xf32, #tpu.memory_space<vmem>>, vector<16xf32>,
      tpu.vector_store %arg19[%swap3A_463, %swap3A_464], %broadcast_in_dim3A_6 {strides = array<i32>} : memref<16x1024xf32, #tpu.memory_space<vmem>>, vector<16xf32>,
      %scan3A_466 = arith.constant 1 : i32
      %scan3A_467 = arith.addi %scan3A_459, %scan3A_466 : i32
      %mul3A_468 = arith.constant 16 : i32
      %mul3A_469 = arith.muli %scan3A_467, %mul3A_468 : i32
      %multiple_of3A_470 = tpu.assume_multiple %mul3A_469, 16 : i32
      %swap3A_471 = arith.constant 1 : i32
      %swap3A_472 = arith.index_cast %swap3A_471 : i32 to index
      %swap3A_473 = arith.index_cast %multiple_of3A_470 : i32 to index
      %swap3A_474 = tpu.vector_load %arg19[%swap3A_472, %swap3A_473] {strides = array<i32>} : memref<16x1024xf32, #tpu.memory_space<vmem>>, vector<16xf32>,
      tpu.vector_store %arg19[%swap3A_472, %swap3A_473], %broadcast_in_dim3A_6 {strides = array<i32>} : memref<16x1024xf32, #tpu.memory_space<vmem>>, vector<16xf32>,
      %scan3A_475 = arith.constant 2 : i32
      %scan3A_476 = arith.addi %scan3A_459, %scan3A_475 : i32
      %mul3A_477 = arith.constant 16 : i32
      %mul3A_478 = arith.muli %scan3A_476, %mul3A_477 : i32
      %multiple_of3A_479 = tpu.assume_multiple %mul3A_478, 16 : i32
      %swap3A_480 = arith.constant 1 : i32
      %swap3A_481 = arith.index_cast %swap3A_480 : i32 to index
      %swap3A_482 = arith.index_cast %multiple_of3A_479 : i32 to index
      %swap3A_483 = tpu.vector_load %arg19[%swap3A_481, %swap3A_482] {strides = array<i32>} : memref<16x1024xf32, #tpu.memory_space<vmem>>, vector<16xf32>,
      tpu.vector_store %arg19[%swap3A_481, %swap3A_482], %broadcast_in_dim3A_6 {strides = array<i32>} : memref<16x1024xf32, #tpu.memory_space<vmem>>, vector<16xf32>,
      %scan3A_484 = arith.constant 3 : i32
      %scan3A_485 = arith.addi %scan3A_459, %scan3A_484 : i32
      %mul3A_486 = arith.constant 16 : i32
      %mul3A_487 = arith.muli %scan3A_485, %mul3A_486 : i32
      %multiple_of3A_488 = tpu.assume_multiple %mul3A_487, 16 : i32
      %swap3A_489 = arith.constant 1 : i32
      %swap3A_490 = arith.index_cast %swap3A_489 : i32 to index
      %swap3A_491 = arith.index_cast %multiple_of3A_488 : i32 to index
      %swap3A_492 = tpu.vector_load %arg19[%swap3A_490, %swap3A_491] {strides = array<i32>} : memref<16x1024xf32, #tpu.memory_space<vmem>>, vector<16xf32>,
      tpu.vector_store %arg19[%swap3A_490, %swap3A_491], %broadcast_in_dim3A_6 {strides = array<i32>} : memref<16x1024xf32, #tpu.memory_space<vmem>>, vector<16xf32>,
    }
    %scan3A_54 = arith.constant 64 : i32
    %scan3A_55 = arith.constant 0 : i32
    %scan3A_56 = arith.constant 0 : i32
    %scan3A_57 = arith.constant 64 : i32
    %scan3A_58 = arith.addi %scan3A_56, %scan3A_57 : i32
    %scan3A_59 = arith.constant 4 : i32
    scf.for %scan3A_459 = %scan3A_56 to %scan3A_58 step %scan3A_59  : i32 {
      %mul3A_460 = arith.constant 16 : i32
      %mul3A_461 = arith.muli %scan3A_459, %mul3A_460 : i32
      %multiple_of3A = tpu.assume_multiple %mul3A_461, 16 : i32
      %swap3A_462 = arith.constant 2 : i32
      %swap3A_463 = arith.index_cast %swap3A_462 : i32 to index
      %swap3A_464 = arith.index_cast %multiple_of3A : i32 to index
      %swap3A_465 = tpu.vector_load %arg19[%swap3A_463, %swap3A_464] {strides = array<i32>} : memref<16x1024xf32, #tpu.memory_space<vmem>>, vector<16xf32>,
      tpu.vector_store %arg19[%swap3A_463, %swap3A_464], %broadcast_in_dim3A_6 {strides = array<i32>} : memref<16x1024xf32, #tpu.memory_space<vmem>>, vector<16xf32>,
      %scan3A_466 = arith.constant 1 : i32
      %scan3A_467 = arith.addi %scan3A_459, %scan3A_466 : i32
      %mul3A_468 = arith.constant 16 : i32
      %mul3A_469 = arith.muli %scan3A_467, %mul3A_468 : i32
      %multiple_of3A_470 = tpu.assume_multiple %mul3A_469, 16 : i32
      %swap3A_471 = arith.constant 2 : i32
      %swap3A_472 = arith.index_cast %swap3A_471 : i32 to index
      %swap3A_473 = arith.index_cast %multiple_of3A_470 : i32 to index
      %swap3A_474 = tpu.vector_load %arg19[%swap3A_472, %swap3A_473] {strides = array<i32>} : memref<16x1024xf32, #tpu.memory_space<vmem>>, vector<16xf32>,
      tpu.vector_store %arg19[%swap3A_472, %swap3A_473], %broadcast_in_dim3A_6 {strides = array<i32>} : memref<16x1024xf32, #tpu.memory_space<vmem>>, vector<16xf32>,
      %scan3A_475 = arith.constant 2 : i32
      %scan3A_476 = arith.addi %scan3A_459, %scan3A_475 : i32
      %mul3A_477 = arith.constant 16 : i32
      %mul3A_478 = arith.muli %scan3A_476, %mul3A_477 : i32
      %multiple_of3A_479 = tpu.assume_multiple %mul3A_478, 16 : i32
      %swap3A_480 = arith.constant 2 : i32
      %swap3A_481 = arith.index_cast %swap3A_480 : i32 to index
      %swap3A_482 = arith.index_cast %multiple_of3A_479 : i32 to index
      %swap3A_483 = tpu.vector_load %arg19[%swap3A_481, %swap3A_482] {strides = array<i32>} : memref<16x1024xf32, #tpu.memory_space<vmem>>, vector<16xf32>,
      tpu.vector_store %arg19[%swap3A_481, %swap3A_482], %broadcast_in_dim3A_6 {strides = array<i32>} : memref<16x1024xf32, #tpu.memory_space<vmem>>, vector<16xf32>,
      %scan3A_484 = arith.constant 3 : i32
      %scan3A_485 = arith.addi %scan3A_459, %scan3A_484 : i32
      %mul3A_486 = arith.constant 16 : i32
      %mul3A_487 = arith.muli %scan3A_485, %mul3A_486 : i32
      %multiple_of3A_488 = tpu.assume_multiple %mul3A_487, 16 : i32
      %swap3A_489 = arith.constant 2 : i32
      %swap3A_490 = arith.index_cast %swap3A_489 : i32 to index
      %swap3A_491 = arith.index_cast %multiple_of3A_488 : i32 to index
      %swap3A_492 = tpu.vector_load %arg19[%swap3A_490, %swap3A_491] {strides = array<i32>} : memref<16x1024xf32, #tpu.memory_space<vmem>>, vector<16xf32>,
      tpu.vector_store %arg19[%swap3A_490, %swap3A_491], %broadcast_in_dim3A_6 {strides = array<i32>} : memref<16x1024xf32, #tpu.memory_space<vmem>>, vector<16xf32>,
    }
    %scan3A_60 = arith.constant 64 : i32
    %scan3A_61 = arith.constant 0 : i32
    %scan3A_62 = arith.constant 0 : i32
    %scan3A_63 = arith.constant 64 : i32
    %scan3A_64 = arith.addi %scan3A_62, %scan3A_63 : i32
    %scan3A_65 = arith.constant 4 : i32
    scf.for %scan3A_459 = %scan3A_62 to %scan3A_64 step %scan3A_65  : i32 {
      %mul3A_460 = arith.constant 16 : i32
      %mul3A_461 = arith.muli %scan3A_459, %mul3A_460 : i32
      %multiple_of3A = tpu.assume_multiple %mul3A_461, 16 : i32
      %swap3A_462 = arith.constant 3 : i32
      %swap3A_463 = arith.index_cast %swap3A_462 : i32 to index
      %swap3A_464 = arith.index_cast %multiple_of3A : i32 to index
      %swap3A_465 = tpu.vector_load %arg19[%swap3A_463, %swap3A_464] {strides = array<i32>} : memref<16x1024xf32, #tpu.memory_space<vmem>>, vector<16xf32>,
      tpu.vector_store %arg19[%swap3A_463, %swap3A_464], %broadcast_in_dim3A_6 {strides = array<i32>} : memref<16x1024xf32, #tpu.memory_space<vmem>>, vector<16xf32>,
      %scan3A_466 = arith.constant 1 : i32
      %scan3A_467 = arith.addi %scan3A_459, %scan3A_466 : i32
      %mul3A_468 = arith.constant 16 : i32
      %mul3A_469 = arith.muli %scan3A_467, %mul3A_468 : i32
      %multiple_of3A_470 = tpu.assume_multiple %mul3A_469, 16 : i32
      %swap3A_471 = arith.constant 3 : i32
      %swap3A_472 = arith.index_cast %swap3A_471 : i32 to index
      %swap3A_473 = arith.index_cast %multiple_of3A_470 : i32 to index
      %swap3A_474 = tpu.vector_load %arg19[%swap3A_472, %swap3A_473] {strides = array<i32>} : memref<16x1024xf32, #tpu.memory_space<vmem>>, vector<16xf32>,
      tpu.vector_store %arg19[%swap3A_472, %swap3A_473], %broadcast_in_dim3A_6 {strides = array<i32>} : memref<16x1024xf32, #tpu.memory_space<vmem>>, vector<16xf32>,
      %scan3A_475 = arith.constant 2 : i32
      %scan3A_476 = arith.addi %scan3A_459, %scan3A_475 : i32
      %mul3A_477 = arith.constant 16 : i32
      %mul3A_478 = arith.muli %scan3A_476, %mul3A_477 : i32
      %multiple_of3A_479 = tpu.assume_multiple %mul3A_478, 16 : i32
      %swap3A_480 = arith.constant 3 : i32
      %swap3A_481 = arith.index_cast %swap3A_480 : i32 to index
      %swap3A_482 = arith.index_cast %multiple_of3A_479 : i32 to index
      %swap3A_483 = tpu.vector_load %arg19[%swap3A_481, %swap3A_482] {strides = array<i32>} : memref<16x1024xf32, #tpu.memory_space<vmem>>, vector<16xf32>,
      tpu.vector_store %arg19[%swap3A_481, %swap3A_482], %broadcast_in_dim3A_6 {strides = array<i32>} : memref<16x1024xf32, #tpu.memory_space<vmem>>, vector<16xf32>,
      %scan3A_484 = arith.constant 3 : i32
      %scan3A_485 = arith.addi %scan3A_459, %scan3A_484 : i32
      %mul3A_486 = arith.constant 16 : i32
      %mul3A_487 = arith.muli %scan3A_485, %mul3A_486 : i32
      %multiple_of3A_488 = tpu.assume_multiple %mul3A_487, 16 : i32
      %swap3A_489 = arith.constant 3 : i32
      %swap3A_490 = arith.index_cast %swap3A_489 : i32 to index
      %swap3A_491 = arith.index_cast %multiple_of3A_488 : i32 to index
      %swap3A_492 = tpu.vector_load %arg19[%swap3A_490, %swap3A_491] {strides = array<i32>} : memref<16x1024xf32, #tpu.memory_space<vmem>>, vector<16xf32>,
      tpu.vector_store %arg19[%swap3A_490, %swap3A_491], %broadcast_in_dim3A_6 {strides = array<i32>} : memref<16x1024xf32, #tpu.memory_space<vmem>>, vector<16xf32>,
    }
    %scan3A_66 = arith.constant 64 : i32
    %scan3A_67 = arith.constant 0 : i32
    %scan3A_68 = arith.constant 0 : i32
    %scan3A_69 = arith.constant 64 : i32
    %scan3A_70 = arith.addi %scan3A_68, %scan3A_69 : i32
    %scan3A_71 = arith.constant 4 : i32
    scf.for %scan3A_459 = %scan3A_68 to %scan3A_70 step %scan3A_71  : i32 {
      %mul3A_460 = arith.constant 16 : i32
      %mul3A_461 = arith.muli %scan3A_459, %mul3A_460 : i32
      %multiple_of3A = tpu.assume_multiple %mul3A_461, 16 : i32
      %swap3A_462 = arith.constant 4 : i32
      %swap3A_463 = arith.index_cast %swap3A_462 : i32 to index
      %swap3A_464 = arith.index_cast %multiple_of3A : i32 to index
      %swap3A_465 = tpu.vector_load %arg19[%swap3A_463, %swap3A_464] {strides = array<i32>} : memref<16x1024xf32, #tpu.memory_space<vmem>>, vector<16xf32>,
      tpu.vector_store %arg19[%swap3A_463, %swap3A_464], %broadcast_in_dim3A_6 {strides = array<i32>} : memref<16x1024xf32, #tpu.memory_space<vmem>>, vector<16xf32>,
      %scan3A_466 = arith.constant 1 : i32
      %scan3A_467 = arith.addi %scan3A_459, %scan3A_466 : i32
      %mul3A_468 = arith.constant 16 : i32
      %mul3A_469 = arith.muli %scan3A_467, %mul3A_468 : i32
      %multiple_of3A_470 = tpu.assume_multiple %mul3A_469, 16 : i32
      %swap3A_471 = arith.constant 4 : i32
      %swap3A_472 = arith.index_cast %swap3A_471 : i32 to index
      %swap3A_473 = arith.index_cast %multiple_of3A_470 : i32 to index
      %swap3A_474 = tpu.vector_load %arg19[%swap3A_472, %swap3A_473] {strides = array<i32>} : memref<16x1024xf32, #tpu.memory_space<vmem>>, vector<16xf32>,
      tpu.vector_store %arg19[%swap3A_472, %swap3A_473], %broadcast_in_dim3A_6 {strides = array<i32>} : memref<16x1024xf32, #tpu.memory_space<vmem>>, vector<16xf32>,
      %scan3A_475 = arith.constant 2 : i32
      %scan3A_476 = arith.addi %scan3A_459, %scan3A_475 : i32
      %mul3A_477 = arith.constant 16 : i32
      %mul3A_478 = arith.muli %scan3A_476, %mul3A_477 : i32
      %multiple_of3A_479 = tpu.assume_multiple %mul3A_478, 16 : i32
      %swap3A_480 = arith.constant 4 : i32
      %swap3A_481 = arith.index_cast %swap3A_480 : i32 to index
      %swap3A_482 = arith.index_cast %multiple_of3A_479 : i32 to index
      %swap3A_483 = tpu.vector_load %arg19[%swap3A_481, %swap3A_482] {strides = array<i32>} : memref<16x1024xf32, #tpu.memory_space<vmem>>, vector<16xf32>,
      tpu.vector_store %arg19[%swap3A_481, %swap3A_482], %broadcast_in_dim3A_6 {strides = array<i32>} : memref<16x1024xf32, #tpu.memory_space<vmem>>, vector<16xf32>,
      %scan3A_484 = arith.constant 3 : i32
      %scan3A_485 = arith.addi %scan3A_459, %scan3A_484 : i32
      %mul3A_486 = arith.constant 16 : i32
      %mul3A_487 = arith.muli %scan3A_485, %mul3A_486 : i32
      %multiple_of3A_488 = tpu.assume_multiple %mul3A_487, 16 : i32
      %swap3A_489 = arith.constant 4 : i32
      %swap3A_490 = arith.index_cast %swap3A_489 : i32 to index
      %swap3A_491 = arith.index_cast %multiple_of3A_488 : i32 to index
      %swap3A_492 = tpu.vector_load %arg19[%swap3A_490, %swap3A_491] {strides = array<i32>} : memref<16x1024xf32, #tpu.memory_space<vmem>>, vector<16xf32>,
      tpu.vector_store %arg19[%swap3A_490, %swap3A_491], %broadcast_in_dim3A_6 {strides = array<i32>} : memref<16x1024xf32, #tpu.memory_space<vmem>>, vector<16xf32>,
    }
    %scan3A_72 = arith.constant 64 : i32
    %scan3A_73 = arith.constant 0 : i32
    %scan3A_74 = arith.constant 0 : i32
    %scan3A_75 = arith.constant 64 : i32
    %scan3A_76 = arith.addi %scan3A_74, %scan3A_75 : i32
    %scan3A_77 = arith.constant 4 : i32
    scf.for %scan3A_459 = %scan3A_74 to %scan3A_76 step %scan3A_77  : i32 {
      %mul3A_460 = arith.constant 16 : i32
      %mul3A_461 = arith.muli %scan3A_459, %mul3A_460 : i32
      %multiple_of3A = tpu.assume_multiple %mul3A_461, 16 : i32
      %swap3A_462 = arith.constant 5 : i32
      %swap3A_463 = arith.index_cast %swap3A_462 : i32 to index
      %swap3A_464 = arith.index_cast %multiple_of3A : i32 to index
      %swap3A_465 = tpu.vector_load %arg19[%swap3A_463, %swap3A_464] {strides = array<i32>} : memref<16x1024xf32, #tpu.memory_space<vmem>>, vector<16xf32>,
      tpu.vector_store %arg19[%swap3A_463, %swap3A_464], %broadcast_in_dim3A_6 {strides = array<i32>} : memref<16x1024xf32, #tpu.memory_space<vmem>>, vector<16xf32>,
      %scan3A_466 = arith.constant 1 : i32
      %scan3A_467 = arith.addi %scan3A_459, %scan3A_466 : i32
      %mul3A_468 = arith.constant 16 : i32
      %mul3A_469 = arith.muli %scan3A_467, %mul3A_468 : i32
      %multiple_of3A_470 = tpu.assume_multiple %mul3A_469, 16 : i32
      %swap3A_471 = arith.constant 5 : i32
      %swap3A_472 = arith.index_cast %swap3A_471 : i32 to index
      %swap3A_473 = arith.index_cast %multiple_of3A_470 : i32 to index
      %swap3A_474 = tpu.vector_load %arg19[%swap3A_472, %swap3A_473] {strides = array<i32>} : memref<16x1024xf32, #tpu.memory_space<vmem>>, vector<16xf32>,
      tpu.vector_store %arg19[%swap3A_472, %swap3A_473], %broadcast_in_dim3A_6 {strides = array<i32>} : memref<16x1024xf32, #tpu.memory_space<vmem>>, vector<16xf32>,
      %scan3A_475 = arith.constant 2 : i32
      %scan3A_476 = arith.addi %scan3A_459, %scan3A_475 : i32
      %mul3A_477 = arith.constant 16 : i32
      %mul3A_478 = arith.muli %scan3A_476, %mul3A_477 : i32
      %multiple_of3A_479 = tpu.assume_multiple %mul3A_478, 16 : i32
      %swap3A_480 = arith.constant 5 : i32
      %swap3A_481 = arith.index_cast %swap3A_480 : i32 to index
      %swap3A_482 = arith.index_cast %multiple_of3A_479 : i32 to index
      %swap3A_483 = tpu.vector_load %arg19[%swap3A_481, %swap3A_482] {strides = array<i32>} : memref<16x1024xf32, #tpu.memory_space<vmem>>, vector<16xf32>,
      tpu.vector_store %arg19[%swap3A_481, %swap3A_482], %broadcast_in_dim3A_6 {strides = array<i32>} : memref<16x1024xf32, #tpu.memory_space<vmem>>, vector<16xf32>,
      %scan3A_484 = arith.constant 3 : i32
      %scan3A_485 = arith.addi %scan3A_459, %scan3A_484 : i32
      %mul3A_486 = arith.constant 16 : i32
      %mul3A_487 = arith.muli %scan3A_485, %mul3A_486 : i32
      %multiple_of3A_488 = tpu.assume_multiple %mul3A_487, 16 : i32
      %swap3A_489 = arith.constant 5 : i32
      %swap3A_490 = arith.index_cast %swap3A_489 : i32 to index
      %swap3A_491 = arith.index_cast %multiple_of3A_488 : i32 to index
      %swap3A_492 = tpu.vector_load %arg19[%swap3A_490, %swap3A_491] {strides = array<i32>} : memref<16x1024xf32, #tpu.memory_space<vmem>>, vector<16xf32>,
      tpu.vector_store %arg19[%swap3A_490, %swap3A_491], %broadcast_in_dim3A_6 {strides = array<i32>} : memref<16x1024xf32, #tpu.memory_space<vmem>>, vector<16xf32>,
    }
    %scan3A_78 = arith.constant 64 : i32
    %scan3A_79 = arith.constant 0 : i32
    %scan3A_80 = arith.constant 0 : i32
    %scan3A_81 = arith.constant 64 : i32
    %scan3A_82 = arith.addi %scan3A_80, %scan3A_81 : i32
    %scan3A_83 = arith.constant 4 : i32
    scf.for %scan3A_459 = %scan3A_80 to %scan3A_82 step %scan3A_83  : i32 {
      %mul3A_460 = arith.constant 16 : i32
      %mul3A_461 = arith.muli %scan3A_459, %mul3A_460 : i32
      %multiple_of3A = tpu.assume_multiple %mul3A_461, 16 : i32
      %swap3A_462 = arith.constant 6 : i32
      %swap3A_463 = arith.index_cast %swap3A_462 : i32 to index
      %swap3A_464 = arith.index_cast %multiple_of3A : i32 to index
      %swap3A_465 = tpu.vector_load %arg19[%swap3A_463, %swap3A_464] {strides = array<i32>} : memref<16x1024xf32, #tpu.memory_space<vmem>>, vector<16xf32>,
      tpu.vector_store %arg19[%swap3A_463, %swap3A_464], %broadcast_in_dim3A_6 {strides = array<i32>} : memref<16x1024xf32, #tpu.memory_space<vmem>>, vector<16xf32>,
      %scan3A_466 = arith.constant 1 : i32
      %scan3A_467 = arith.addi %scan3A_459, %scan3A_466 : i32
      %mul3A_468 = arith.constant 16 : i32
      %mul3A_469 = arith.muli %scan3A_467, %mul3A_468 : i32
      %multiple_of3A_470 = tpu.assume_multiple %mul3A_469, 16 : i32
      %swap3A_471 = arith.constant 6 : i32
      %swap3A_472 = arith.index_cast %swap3A_471 : i32 to index
      %swap3A_473 = arith.index_cast %multiple_of3A_470 : i32 to index
      %swap3A_474 = tpu.vector_load %arg19[%swap3A_472, %swap3A_473] {strides = array<i32>} : memref<16x1024xf32, #tpu.memory_space<vmem>>, vector<16xf32>,
      tpu.vector_store %arg19[%swap3A_472, %swap3A_473], %broadcast_in_dim3A_6 {strides = array<i32>} : memref<16x1024xf32, #tpu.memory_space<vmem>>, vector<16xf32>,
      %scan3A_475 = arith.constant 2 : i32
      %scan3A_476 = arith.addi %scan3A_459, %scan3A_475 : i32
      %mul3A_477 = arith.constant 16 : i32
      %mul3A_478 = arith.muli %scan3A_476, %mul3A_477 : i32
      %multiple_of3A_479 = tpu.assume_multiple %mul3A_478, 16 : i32
      %swap3A_480 = arith.constant 6 : i32
      %swap3A_481 = arith.index_cast %swap3A_480 : i32 to index
      %swap3A_482 = arith.index_cast %multiple_of3A_479 : i32 to index
      %swap3A_483 = tpu.vector_load %arg19[%swap3A_481, %swap3A_482] {strides = array<i32>} : memref<16x1024xf32, #tpu.memory_space<vmem>>, vector<16xf32>,
      tpu.vector_store %arg19[%swap3A_481, %swap3A_482], %broadcast_in_dim3A_6 {strides = array<i32>} : memref<16x1024xf32, #tpu.memory_space<vmem>>, vector<16xf32>,
      %scan3A_484 = arith.constant 3 : i32
      %scan3A_485 = arith.addi %scan3A_459, %scan3A_484 : i32
      %mul3A_486 = arith.constant 16 : i32
      %mul3A_487 = arith.muli %scan3A_485, %mul3A_486 : i32
      %multiple_of3A_488 = tpu.assume_multiple %mul3A_487, 16 : i32
      %swap3A_489 = arith.constant 6 : i32
      %swap3A_490 = arith.index_cast %swap3A_489 : i32 to index
      %swap3A_491 = arith.index_cast %multiple_of3A_488 : i32 to index
      %swap3A_492 = tpu.vector_load %arg19[%swap3A_490, %swap3A_491] {strides = array<i32>} : memref<16x1024xf32, #tpu.memory_space<vmem>>, vector<16xf32>,
      tpu.vector_store %arg19[%swap3A_490, %swap3A_491], %broadcast_in_dim3A_6 {strides = array<i32>} : memref<16x1024xf32, #tpu.memory_space<vmem>>, vector<16xf32>,
    }
    %scan3A_84 = arith.constant 64 : i32
    %scan3A_85 = arith.constant 0 : i32
    %scan3A_86 = arith.constant 0 : i32
    %scan3A_87 = arith.constant 64 : i32
    %scan3A_88 = arith.addi %scan3A_86, %scan3A_87 : i32
    %scan3A_89 = arith.constant 4 : i32
    scf.for %scan3A_459 = %scan3A_86 to %scan3A_88 step %scan3A_89  : i32 {
      %mul3A_460 = arith.constant 16 : i32
      %mul3A_461 = arith.muli %scan3A_459, %mul3A_460 : i32
      %multiple_of3A = tpu.assume_multiple %mul3A_461, 16 : i32
      %swap3A_462 = arith.constant 7 : i32
      %swap3A_463 = arith.index_cast %swap3A_462 : i32 to index
      %swap3A_464 = arith.index_cast %multiple_of3A : i32 to index
      %swap3A_465 = tpu.vector_load %arg19[%swap3A_463, %swap3A_464] {strides = array<i32>} : memref<16x1024xf32, #tpu.memory_space<vmem>>, vector<16xf32>,
      tpu.vector_store %arg19[%swap3A_463, %swap3A_464], %broadcast_in_dim3A_6 {strides = array<i32>} : memref<16x1024xf32, #tpu.memory_space<vmem>>, vector<16xf32>,
      %scan3A_466 = arith.constant 1 : i32
      %scan3A_467 = arith.addi %scan3A_459, %scan3A_466 : i32
      %mul3A_468 = arith.constant 16 : i32
      %mul3A_469 = arith.muli %scan3A_467, %mul3A_468 : i32
      %multiple_of3A_470 = tpu.assume_multiple %mul3A_469, 16 : i32
      %swap3A_471 = arith.constant 7 : i32
      %swap3A_472 = arith.index_cast %swap3A_471 : i32 to index
      %swap3A_473 = arith.index_cast %multiple_of3A_470 : i32 to index
      %swap3A_474 = tpu.vector_load %arg19[%swap3A_472, %swap3A_473] {strides = array<i32>} : memref<16x1024xf32, #tpu.memory_space<vmem>>, vector<16xf32>,
      tpu.vector_store %arg19[%swap3A_472, %swap3A_473], %broadcast_in_dim3A_6 {strides = array<i32>} : memref<16x1024xf32, #tpu.memory_space<vmem>>, vector<16xf32>,
      %scan3A_475 = arith.constant 2 : i32
      %scan3A_476 = arith.addi %scan3A_459, %scan3A_475 : i32
      %mul3A_477 = arith.constant 16 : i32
      %mul3A_478 = arith.muli %scan3A_476, %mul3A_477 : i32
      %multiple_of3A_479 = tpu.assume_multiple %mul3A_478, 16 : i32
      %swap3A_480 = arith.constant 7 : i32
      %swap3A_481 = arith.index_cast %swap3A_480 : i32 to index
      %swap3A_482 = arith.index_cast %multiple_of3A_479 : i32 to index
      %swap3A_483 = tpu.vector_load %arg19[%swap3A_481, %swap3A_482] {strides = array<i32>} : memref<16x1024xf32, #tpu.memory_space<vmem>>, vector<16xf32>,
      tpu.vector_store %arg19[%swap3A_481, %swap3A_482], %broadcast_in_dim3A_6 {strides = array<i32>} : memref<16x1024xf32, #tpu.memory_space<vmem>>, vector<16xf32>,
      %scan3A_484 = arith.constant 3 : i32
      %scan3A_485 = arith.addi %scan3A_459, %scan3A_484 : i32
      %mul3A_486 = arith.constant 16 : i32
      %mul3A_487 = arith.muli %scan3A_485, %mul3A_486 : i32
      %multiple_of3A_488 = tpu.assume_multiple %mul3A_487, 16 : i32
      %swap3A_489 = arith.constant 7 : i32
      %swap3A_490 = arith.index_cast %swap3A_489 : i32 to index
      %swap3A_491 = arith.index_cast %multiple_of3A_488 : i32 to index
      %swap3A_492 = tpu.vector_load %arg19[%swap3A_490, %swap3A_491] {strides = array<i32>} : memref<16x1024xf32, #tpu.memory_space<vmem>>, vector<16xf32>,
      tpu.vector_store %arg19[%swap3A_490, %swap3A_491], %broadcast_in_dim3A_6 {strides = array<i32>} : memref<16x1024xf32, #tpu.memory_space<vmem>>, vector<16xf32>,
    }
    %scan3A_90 = arith.constant 64 : i32
    %scan3A_91 = arith.constant 0 : i32
    %scan3A_92 = arith.constant 0 : i32
    %scan3A_93 = arith.constant 64 : i32
    %scan3A_94 = arith.addi %scan3A_92, %scan3A_93 : i32
    %scan3A_95 = arith.constant 4 : i32
    scf.for %scan3A_459 = %scan3A_92 to %scan3A_94 step %scan3A_95  : i32 {
      %mul3A_460 = arith.constant 16 : i32
      %mul3A_461 = arith.muli %scan3A_459, %mul3A_460 : i32
      %multiple_of3A = tpu.assume_multiple %mul3A_461, 16 : i32
      %swap3A_462 = arith.constant 8 : i32
      %swap3A_463 = arith.index_cast %swap3A_462 : i32 to index
      %swap3A_464 = arith.index_cast %multiple_of3A : i32 to index
      %swap3A_465 = tpu.vector_load %arg19[%swap3A_463, %swap3A_464] {strides = array<i32>} : memref<16x1024xf32, #tpu.memory_space<vmem>>, vector<16xf32>,
      tpu.vector_store %arg19[%swap3A_463, %swap3A_464], %broadcast_in_dim3A_6 {strides = array<i32>} : memref<16x1024xf32, #tpu.memory_space<vmem>>, vector<16xf32>,
      %scan3A_466 = arith.constant 1 : i32
      %scan3A_467 = arith.addi %scan3A_459, %scan3A_466 : i32
      %mul3A_468 = arith.constant 16 : i32
      %mul3A_469 = arith.muli %scan3A_467, %mul3A_468 : i32
      %multiple_of3A_470 = tpu.assume_multiple %mul3A_469, 16 : i32
      %swap3A_471 = arith.constant 8 : i32
      %swap3A_472 = arith.index_cast %swap3A_471 : i32 to index
      %swap3A_473 = arith.index_cast %multiple_of3A_470 : i32 to index
      %swap3A_474 = tpu.vector_load %arg19[%swap3A_472, %swap3A_473] {strides = array<i32>} : memref<16x1024xf32, #tpu.memory_space<vmem>>, vector<16xf32>,
      tpu.vector_store %arg19[%swap3A_472, %swap3A_473], %broadcast_in_dim3A_6 {strides = array<i32>} : memref<16x1024xf32, #tpu.memory_space<vmem>>, vector<16xf32>,
      %scan3A_475 = arith.constant 2 : i32
      %scan3A_476 = arith.addi %scan3A_459, %scan3A_475 : i32
      %mul3A_477 = arith.constant 16 : i32
      %mul3A_478 = arith.muli %scan3A_476, %mul3A_477 : i32
      %multiple_of3A_479 = tpu.assume_multiple %mul3A_478, 16 : i32
      %swap3A_480 = arith.constant 8 : i32
      %swap3A_481 = arith.index_cast %swap3A_480 : i32 to index
      %swap3A_482 = arith.index_cast %multiple_of3A_479 : i32 to index
      %swap3A_483 = tpu.vector_load %arg19[%swap3A_481, %swap3A_482] {strides = array<i32>} : memref<16x1024xf32, #tpu.memory_space<vmem>>, vector<16xf32>,
      tpu.vector_store %arg19[%swap3A_481, %swap3A_482], %broadcast_in_dim3A_6 {strides = array<i32>} : memref<16x1024xf32, #tpu.memory_space<vmem>>, vector<16xf32>,
      %scan3A_484 = arith.constant 3 : i32
      %scan3A_485 = arith.addi %scan3A_459, %scan3A_484 : i32
      %mul3A_486 = arith.constant 16 : i32
      %mul3A_487 = arith.muli %scan3A_485, %mul3A_486 : i32
      %multiple_of3A_488 = tpu.assume_multiple %mul3A_487, 16 : i32
      %swap3A_489 = arith.constant 8 : i32
      %swap3A_490 = arith.index_cast %swap3A_489 : i32 to index
      %swap3A_491 = arith.index_cast %multiple_of3A_488 : i32 to index
      %swap3A_492 = tpu.vector_load %arg19[%swap3A_490, %swap3A_491] {strides = array<i32>} : memref<16x1024xf32, #tpu.memory_space<vmem>>, vector<16xf32>,
      tpu.vector_store %arg19[%swap3A_490, %swap3A_491], %broadcast_in_dim3A_6 {strides = array<i32>} : memref<16x1024xf32, #tpu.memory_space<vmem>>, vector<16xf32>,
    }
    %scan3A_96 = arith.constant 64 : i32
    %scan3A_97 = arith.constant 0 : i32
    %scan3A_98 = arith.constant 0 : i32
    %scan3A_99 = arith.constant 64 : i32
    %scan3A_100 = arith.addi %scan3A_98, %scan3A_99 : i32
    %scan3A_101 = arith.constant 4 : i32
    scf.for %scan3A_459 = %scan3A_98 to %scan3A_100 step %scan3A_101  : i32 {
      %mul3A_460 = arith.constant 16 : i32
      %mul3A_461 = arith.muli %scan3A_459, %mul3A_460 : i32
      %multiple_of3A = tpu.assume_multiple %mul3A_461, 16 : i32
      %swap3A_462 = arith.constant 9 : i32
      %swap3A_463 = arith.index_cast %swap3A_462 : i32 to index
      %swap3A_464 = arith.index_cast %multiple_of3A : i32 to index
      %swap3A_465 = tpu.vector_load %arg19[%swap3A_463, %swap3A_464] {strides = array<i32>} : memref<16x1024xf32, #tpu.memory_space<vmem>>, vector<16xf32>,
      tpu.vector_store %arg19[%swap3A_463, %swap3A_464], %broadcast_in_dim3A_6 {strides = array<i32>} : memref<16x1024xf32, #tpu.memory_space<vmem>>, vector<16xf32>,
      %scan3A_466 = arith.constant 1 : i32
      %scan3A_467 = arith.addi %scan3A_459, %scan3A_466 : i32
      %mul3A_468 = arith.constant 16 : i32
      %mul3A_469 = arith.muli %scan3A_467, %mul3A_468 : i32
      %multiple_of3A_470 = tpu.assume_multiple %mul3A_469, 16 : i32
      %swap3A_471 = arith.constant 9 : i32
      %swap3A_472 = arith.index_cast %swap3A_471 : i32 to index
      %swap3A_473 = arith.index_cast %multiple_of3A_470 : i32 to index
      %swap3A_474 = tpu.vector_load %arg19[%swap3A_472, %swap3A_473] {strides = array<i32>} : memref<16x1024xf32, #tpu.memory_space<vmem>>, vector<16xf32>,
      tpu.vector_store %arg19[%swap3A_472, %swap3A_473], %broadcast_in_dim3A_6 {strides = array<i32>} : memref<16x1024xf32, #tpu.memory_space<vmem>>, vector<16xf32>,
      %scan3A_475 = arith.constant 2 : i32
      %scan3A_476 = arith.addi %scan3A_459, %scan3A_475 : i32
      %mul3A_477 = arith.constant 16 : i32
      %mul3A_478 = arith.muli %scan3A_476, %mul3A_477 : i32
      %multiple_of3A_479 = tpu.assume_multiple %mul3A_478, 16 : i32
      %swap3A_480 = arith.constant 9 : i32
      %swap3A_481 = arith.index_cast %swap3A_480 : i32 to index
      %swap3A_482 = arith.index_cast %multiple_of3A_479 : i32 to index
      %swap3A_483 = tpu.vector_load %arg19[%swap3A_481, %swap3A_482] {strides = array<i32>} : memref<16x1024xf32, #tpu.memory_space<vmem>>, vector<16xf32>,
      tpu.vector_store %arg19[%swap3A_481, %swap3A_482], %broadcast_in_dim3A_6 {strides = array<i32>} : memref<16x1024xf32, #tpu.memory_space<vmem>>, vector<16xf32>,
      %scan3A_484 = arith.constant 3 : i32
      %scan3A_485 = arith.addi %scan3A_459, %scan3A_484 : i32
      %mul3A_486 = arith.constant 16 : i32
      %mul3A_487 = arith.muli %scan3A_485, %mul3A_486 : i32
      %multiple_of3A_488 = tpu.assume_multiple %mul3A_487, 16 : i32
      %swap3A_489 = arith.constant 9 : i32
      %swap3A_490 = arith.index_cast %swap3A_489 : i32 to index
      %swap3A_491 = arith.index_cast %multiple_of3A_488 : i32 to index
      %swap3A_492 = tpu.vector_load %arg19[%swap3A_490, %swap3A_491] {strides = array<i32>} : memref<16x1024xf32, #tpu.memory_space<vmem>>, vector<16xf32>,
      tpu.vector_store %arg19[%swap3A_490, %swap3A_491], %broadcast_in_dim3A_6 {strides = array<i32>} : memref<16x1024xf32, #tpu.memory_space<vmem>>, vector<16xf32>,
    }
    %scan3A_102 = arith.constant 64 : i32
    %scan3A_103 = arith.constant 0 : i32
    %scan3A_104 = arith.constant 0 : i32
    %scan3A_105 = arith.constant 64 : i32
    %scan3A_106 = arith.addi %scan3A_104, %scan3A_105 : i32
    %scan3A_107 = arith.constant 4 : i32
    scf.for %scan3A_459 = %scan3A_104 to %scan3A_106 step %scan3A_107  : i32 {
      %mul3A_460 = arith.constant 16 : i32
      %mul3A_461 = arith.muli %scan3A_459, %mul3A_460 : i32
      %multiple_of3A = tpu.assume_multiple %mul3A_461, 16 : i32
      %swap3A_462 = arith.constant 10 : i32
      %swap3A_463 = arith.index_cast %swap3A_462 : i32 to index
      %swap3A_464 = arith.index_cast %multiple_of3A : i32 to index
      %swap3A_465 = tpu.vector_load %arg19[%swap3A_463, %swap3A_464] {strides = array<i32>} : memref<16x1024xf32, #tpu.memory_space<vmem>>, vector<16xf32>,
      tpu.vector_store %arg19[%swap3A_463, %swap3A_464], %broadcast_in_dim3A_6 {strides = array<i32>} : memref<16x1024xf32, #tpu.memory_space<vmem>>, vector<16xf32>,
      %scan3A_466 = arith.constant 1 : i32
      %scan3A_467 = arith.addi %scan3A_459, %scan3A_466 : i32
      %mul3A_468 = arith.constant 16 : i32
      %mul3A_469 = arith.muli %scan3A_467, %mul3A_468 : i32
      %multiple_of3A_470 = tpu.assume_multiple %mul3A_469, 16 : i32
      %swap3A_471 = arith.constant 10 : i32
      %swap3A_472 = arith.index_cast %swap3A_471 : i32 to index
      %swap3A_473 = arith.index_cast %multiple_of3A_470 : i32 to index
      %swap3A_474 = tpu.vector_load %arg19[%swap3A_472, %swap3A_473] {strides = array<i32>} : memref<16x1024xf32, #tpu.memory_space<vmem>>, vector<16xf32>,
      tpu.vector_store %arg19[%swap3A_472, %swap3A_473], %broadcast_in_dim3A_6 {strides = array<i32>} : memref<16x1024xf32, #tpu.memory_space<vmem>>, vector<16xf32>,
      %scan3A_475 = arith.constant 2 : i32
      %scan3A_476 = arith.addi %scan3A_459, %scan3A_475 : i32
      %mul3A_477 = arith.constant 16 : i32
      %mul3A_478 = arith.muli %scan3A_476, %mul3A_477 : i32
      %multiple_of3A_479 = tpu.assume_multiple %mul3A_478, 16 : i32
      %swap3A_480 = arith.constant 10 : i32
      %swap3A_481 = arith.index_cast %swap3A_480 : i32 to index
      %swap3A_482 = arith.index_cast %multiple_of3A_479 : i32 to index
      %swap3A_483 = tpu.vector_load %arg19[%swap3A_481, %swap3A_482] {strides = array<i32>} : memref<16x1024xf32, #tpu.memory_space<vmem>>, vector<16xf32>,
      tpu.vector_store %arg19[%swap3A_481, %swap3A_482], %broadcast_in_dim3A_6 {strides = array<i32>} : memref<16x1024xf32, #tpu.memory_space<vmem>>, vector<16xf32>,
      %scan3A_484 = arith.constant 3 : i32
      %scan3A_485 = arith.addi %scan3A_459, %scan3A_484 : i32
      %mul3A_486 = arith.constant 16 : i32
      %mul3A_487 = arith.muli %scan3A_485, %mul3A_486 : i32
      %multiple_of3A_488 = tpu.assume_multiple %mul3A_487, 16 : i32
      %swap3A_489 = arith.constant 10 : i32
      %swap3A_490 = arith.index_cast %swap3A_489 : i32 to index
      %swap3A_491 = arith.index_cast %multiple_of3A_488 : i32 to index
      %swap3A_492 = tpu.vector_load %arg19[%swap3A_490, %swap3A_491] {strides = array<i32>} : memref<16x1024xf32, #tpu.memory_space<vmem>>, vector<16xf32>,
      tpu.vector_store %arg19[%swap3A_490, %swap3A_491], %broadcast_in_dim3A_6 {strides = array<i32>} : memref<16x1024xf32, #tpu.memory_space<vmem>>, vector<16xf32>,
    }
    %scan3A_108 = arith.constant 64 : i32
    %scan3A_109 = arith.constant 0 : i32
    %scan3A_110 = arith.constant 0 : i32
    %scan3A_111 = arith.constant 64 : i32
    %scan3A_112 = arith.addi %scan3A_110, %scan3A_111 : i32
    %scan3A_113 = arith.constant 4 : i32
    scf.for %scan3A_459 = %scan3A_110 to %scan3A_112 step %scan3A_113  : i32 {
      %mul3A_460 = arith.constant 16 : i32
      %mul3A_461 = arith.muli %scan3A_459, %mul3A_460 : i32
      %multiple_of3A = tpu.assume_multiple %mul3A_461, 16 : i32
      %swap3A_462 = arith.constant 11 : i32
      %swap3A_463 = arith.index_cast %swap3A_462 : i32 to index
      %swap3A_464 = arith.index_cast %multiple_of3A : i32 to index
      %swap3A_465 = tpu.vector_load %arg19[%swap3A_463, %swap3A_464] {strides = array<i32>} : memref<16x1024xf32, #tpu.memory_space<vmem>>, vector<16xf32>,
      tpu.vector_store %arg19[%swap3A_463, %swap3A_464], %broadcast_in_dim3A_6 {strides = array<i32>} : memref<16x1024xf32, #tpu.memory_space<vmem>>, vector<16xf32>,
      %scan3A_466 = arith.constant 1 : i32
      %scan3A_467 = arith.addi %scan3A_459, %scan3A_466 : i32
      %mul3A_468 = arith.constant 16 : i32
      %mul3A_469 = arith.muli %scan3A_467, %mul3A_468 : i32
      %multiple_of3A_470 = tpu.assume_multiple %mul3A_469, 16 : i32
      %swap3A_471 = arith.constant 11 : i32
      %swap3A_472 = arith.index_cast %swap3A_471 : i32 to index
      %swap3A_473 = arith.index_cast %multiple_of3A_470 : i32 to index
      %swap3A_474 = tpu.vector_load %arg19[%swap3A_472, %swap3A_473] {strides = array<i32>} : memref<16x1024xf32, #tpu.memory_space<vmem>>, vector<16xf32>,
      tpu.vector_store %arg19[%swap3A_472, %swap3A_473], %broadcast_in_dim3A_6 {strides = array<i32>} : memref<16x1024xf32, #tpu.memory_space<vmem>>, vector<16xf32>,
      %scan3A_475 = arith.constant 2 : i32
      %scan3A_476 = arith.addi %scan3A_459, %scan3A_475 : i32
      %mul3A_477 = arith.constant 16 : i32
      %mul3A_478 = arith.muli %scan3A_476, %mul3A_477 : i32
      %multiple_of3A_479 = tpu.assume_multiple %mul3A_478, 16 : i32
      %swap3A_480 = arith.constant 11 : i32
      %swap3A_481 = arith.index_cast %swap3A_480 : i32 to index
      %swap3A_482 = arith.index_cast %multiple_of3A_479 : i32 to index
      %swap3A_483 = tpu.vector_load %arg19[%swap3A_481, %swap3A_482] {strides = array<i32>} : memref<16x1024xf32, #tpu.memory_space<vmem>>, vector<16xf32>,
      tpu.vector_store %arg19[%swap3A_481, %swap3A_482], %broadcast_in_dim3A_6 {strides = array<i32>} : memref<16x1024xf32, #tpu.memory_space<vmem>>, vector<16xf32>,
      %scan3A_484 = arith.constant 3 : i32
      %scan3A_485 = arith.addi %scan3A_459, %scan3A_484 : i32
      %mul3A_486 = arith.constant 16 : i32
      %mul3A_487 = arith.muli %scan3A_485, %mul3A_486 : i32
      %multiple_of3A_488 = tpu.assume_multiple %mul3A_487, 16 : i32
      %swap3A_489 = arith.constant 11 : i32
      %swap3A_490 = arith.index_cast %swap3A_489 : i32 to index
      %swap3A_491 = arith.index_cast %multiple_of3A_488 : i32 to index
      %swap3A_492 = tpu.vector_load %arg19[%swap3A_490, %swap3A_491] {strides = array<i32>} : memref<16x1024xf32, #tpu.memory_space<vmem>>, vector<16xf32>,
      tpu.vector_store %arg19[%swap3A_490, %swap3A_491], %broadcast_in_dim3A_6 {strides = array<i32>} : memref<16x1024xf32, #tpu.memory_space<vmem>>, vector<16xf32>,
    }
    %scan3A_114 = arith.constant 64 : i32
    %scan3A_115 = arith.constant 0 : i32
    %scan3A_116 = arith.constant 0 : i32
    %scan3A_117 = arith.constant 64 : i32
    %scan3A_118 = arith.addi %scan3A_116, %scan3A_117 : i32
    %scan3A_119 = arith.constant 4 : i32
    scf.for %scan3A_459 = %scan3A_116 to %scan3A_118 step %scan3A_119  : i32 {
      %mul3A_460 = arith.constant 16 : i32
      %mul3A_461 = arith.muli %scan3A_459, %mul3A_460 : i32
      %multiple_of3A = tpu.assume_multiple %mul3A_461, 16 : i32
      %swap3A_462 = arith.constant 12 : i32
      %swap3A_463 = arith.index_cast %swap3A_462 : i32 to index
      %swap3A_464 = arith.index_cast %multiple_of3A : i32 to index
      %swap3A_465 = tpu.vector_load %arg19[%swap3A_463, %swap3A_464] {strides = array<i32>} : memref<16x1024xf32, #tpu.memory_space<vmem>>, vector<16xf32>,
      tpu.vector_store %arg19[%swap3A_463, %swap3A_464], %broadcast_in_dim3A_6 {strides = array<i32>} : memref<16x1024xf32, #tpu.memory_space<vmem>>, vector<16xf32>,
      %scan3A_466 = arith.constant 1 : i32
      %scan3A_467 = arith.addi %scan3A_459, %scan3A_466 : i32
      %mul3A_468 = arith.constant 16 : i32
      %mul3A_469 = arith.muli %scan3A_467, %mul3A_468 : i32
      %multiple_of3A_470 = tpu.assume_multiple %mul3A_469, 16 : i32
      %swap3A_471 = arith.constant 12 : i32
      %swap3A_472 = arith.index_cast %swap3A_471 : i32 to index
      %swap3A_473 = arith.index_cast %multiple_of3A_470 : i32 to index
      %swap3A_474 = tpu.vector_load %arg19[%swap3A_472, %swap3A_473] {strides = array<i32>} : memref<16x1024xf32, #tpu.memory_space<vmem>>, vector<16xf32>,
      tpu.vector_store %arg19[%swap3A_472, %swap3A_473], %broadcast_in_dim3A_6 {strides = array<i32>} : memref<16x1024xf32, #tpu.memory_space<vmem>>, vector<16xf32>,
      %scan3A_475 = arith.constant 2 : i32
      %scan3A_476 = arith.addi %scan3A_459, %scan3A_475 : i32
      %mul3A_477 = arith.constant 16 : i32
      %mul3A_478 = arith.muli %scan3A_476, %mul3A_477 : i32
      %multiple_of3A_479 = tpu.assume_multiple %mul3A_478, 16 : i32
      %swap3A_480 = arith.constant 12 : i32
      %swap3A_481 = arith.index_cast %swap3A_480 : i32 to index
      %swap3A_482 = arith.index_cast %multiple_of3A_479 : i32 to index
      %swap3A_483 = tpu.vector_load %arg19[%swap3A_481, %swap3A_482] {strides = array<i32>} : memref<16x1024xf32, #tpu.memory_space<vmem>>, vector<16xf32>,
      tpu.vector_store %arg19[%swap3A_481, %swap3A_482], %broadcast_in_dim3A_6 {strides = array<i32>} : memref<16x1024xf32, #tpu.memory_space<vmem>>, vector<16xf32>,
      %scan3A_484 = arith.constant 3 : i32
      %scan3A_485 = arith.addi %scan3A_459, %scan3A_484 : i32
      %mul3A_486 = arith.constant 16 : i32
      %mul3A_487 = arith.muli %scan3A_485, %mul3A_486 : i32
      %multiple_of3A_488 = tpu.assume_multiple %mul3A_487, 16 : i32
      %swap3A_489 = arith.constant 12 : i32
      %swap3A_490 = arith.index_cast %swap3A_489 : i32 to index
      %swap3A_491 = arith.index_cast %multiple_of3A_488 : i32 to index
      %swap3A_492 = tpu.vector_load %arg19[%swap3A_490, %swap3A_491] {strides = array<i32>} : memref<16x1024xf32, #tpu.memory_space<vmem>>, vector<16xf32>,
      tpu.vector_store %arg19[%swap3A_490, %swap3A_491], %broadcast_in_dim3A_6 {strides = array<i32>} : memref<16x1024xf32, #tpu.memory_space<vmem>>, vector<16xf32>,
    }
    %scan3A_120 = arith.constant 64 : i32
    %scan3A_121 = arith.constant 0 : i32
    %scan3A_122 = arith.constant 0 : i32
    %scan3A_123 = arith.constant 64 : i32
    %scan3A_124 = arith.addi %scan3A_122, %scan3A_123 : i32
    %scan3A_125 = arith.constant 4 : i32
    scf.for %scan3A_459 = %scan3A_122 to %scan3A_124 step %scan3A_125  : i32 {
      %mul3A_460 = arith.constant 16 : i32
      %mul3A_461 = arith.muli %scan3A_459, %mul3A_460 : i32
      %multiple_of3A = tpu.assume_multiple %mul3A_461, 16 : i32
      %swap3A_462 = arith.constant 13 : i32
      %swap3A_463 = arith.index_cast %swap3A_462 : i32 to index
      %swap3A_464 = arith.index_cast %multiple_of3A : i32 to index
      %swap3A_465 = tpu.vector_load %arg19[%swap3A_463, %swap3A_464] {strides = array<i32>} : memref<16x1024xf32, #tpu.memory_space<vmem>>, vector<16xf32>,
      tpu.vector_store %arg19[%swap3A_463, %swap3A_464], %broadcast_in_dim3A_6 {strides = array<i32>} : memref<16x1024xf32, #tpu.memory_space<vmem>>, vector<16xf32>,
      %scan3A_466 = arith.constant 1 : i32
      %scan3A_467 = arith.addi %scan3A_459, %scan3A_466 : i32
      %mul3A_468 = arith.constant 16 : i32
      %mul3A_469 = arith.muli %scan3A_467, %mul3A_468 : i32
      %multiple_of3A_470 = tpu.assume_multiple %mul3A_469, 16 : i32
      %swap3A_471 = arith.constant 13 : i32
      %swap3A_472 = arith.index_cast %swap3A_471 : i32 to index
      %swap3A_473 = arith.index_cast %multiple_of3A_470 : i32 to index
      %swap3A_474 = tpu.vector_load %arg19[%swap3A_472, %swap3A_473] {strides = array<i32>} : memref<16x1024xf32, #tpu.memory_space<vmem>>, vector<16xf32>,
      tpu.vector_store %arg19[%swap3A_472, %swap3A_473], %broadcast_in_dim3A_6 {strides = array<i32>} : memref<16x1024xf32, #tpu.memory_space<vmem>>, vector<16xf32>,
      %scan3A_475 = arith.constant 2 : i32
      %scan3A_476 = arith.addi %scan3A_459, %scan3A_475 : i32
      %mul3A_477 = arith.constant 16 : i32
      %mul3A_478 = arith.muli %scan3A_476, %mul3A_477 : i32
      %multiple_of3A_479 = tpu.assume_multiple %mul3A_478, 16 : i32
      %swap3A_480 = arith.constant 13 : i32
      %swap3A_481 = arith.index_cast %swap3A_480 : i32 to index
      %swap3A_482 = arith.index_cast %multiple_of3A_479 : i32 to index
      %swap3A_483 = tpu.vector_load %arg19[%swap3A_481, %swap3A_482] {strides = array<i32>} : memref<16x1024xf32, #tpu.memory_space<vmem>>, vector<16xf32>,
      tpu.vector_store %arg19[%swap3A_481, %swap3A_482], %broadcast_in_dim3A_6 {strides = array<i32>} : memref<16x1024xf32, #tpu.memory_space<vmem>>, vector<16xf32>,
      %scan3A_484 = arith.constant 3 : i32
      %scan3A_485 = arith.addi %scan3A_459, %scan3A_484 : i32
      %mul3A_486 = arith.constant 16 : i32
      %mul3A_487 = arith.muli %scan3A_485, %mul3A_486 : i32
      %multiple_of3A_488 = tpu.assume_multiple %mul3A_487, 16 : i32
      %swap3A_489 = arith.constant 13 : i32
      %swap3A_490 = arith.index_cast %swap3A_489 : i32 to index
      %swap3A_491 = arith.index_cast %multiple_of3A_488 : i32 to index
      %swap3A_492 = tpu.vector_load %arg19[%swap3A_490, %swap3A_491] {strides = array<i32>} : memref<16x1024xf32, #tpu.memory_space<vmem>>, vector<16xf32>,
      tpu.vector_store %arg19[%swap3A_490, %swap3A_491], %broadcast_in_dim3A_6 {strides = array<i32>} : memref<16x1024xf32, #tpu.memory_space<vmem>>, vector<16xf32>,
    }
    %scan3A_126 = arith.constant 64 : i32
    %scan3A_127 = arith.constant 0 : i32
    %scan3A_128 = arith.constant 0 : i32
    %scan3A_129 = arith.constant 64 : i32
    %scan3A_130 = arith.addi %scan3A_128, %scan3A_129 : i32
    %scan3A_131 = arith.constant 4 : i32
    scf.for %scan3A_459 = %scan3A_128 to %scan3A_130 step %scan3A_131  : i32 {
      %mul3A_460 = arith.constant 16 : i32
      %mul3A_461 = arith.muli %scan3A_459, %mul3A_460 : i32
      %multiple_of3A = tpu.assume_multiple %mul3A_461, 16 : i32
      %swap3A_462 = arith.constant 14 : i32
      %swap3A_463 = arith.index_cast %swap3A_462 : i32 to index
      %swap3A_464 = arith.index_cast %multiple_of3A : i32 to index
      %swap3A_465 = tpu.vector_load %arg19[%swap3A_463, %swap3A_464] {strides = array<i32>} : memref<16x1024xf32, #tpu.memory_space<vmem>>, vector<16xf32>,
      tpu.vector_store %arg19[%swap3A_463, %swap3A_464], %broadcast_in_dim3A_6 {strides = array<i32>} : memref<16x1024xf32, #tpu.memory_space<vmem>>, vector<16xf32>,
      %scan3A_466 = arith.constant 1 : i32
      %scan3A_467 = arith.addi %scan3A_459, %scan3A_466 : i32
      %mul3A_468 = arith.constant 16 : i32
      %mul3A_469 = arith.muli %scan3A_467, %mul3A_468 : i32
      %multiple_of3A_470 = tpu.assume_multiple %mul3A_469, 16 : i32
      %swap3A_471 = arith.constant 14 : i32
      %swap3A_472 = arith.index_cast %swap3A_471 : i32 to index
      %swap3A_473 = arith.index_cast %multiple_of3A_470 : i32 to index
      %swap3A_474 = tpu.vector_load %arg19[%swap3A_472, %swap3A_473] {strides = array<i32>} : memref<16x1024xf32, #tpu.memory_space<vmem>>, vector<16xf32>,
      tpu.vector_store %arg19[%swap3A_472, %swap3A_473], %broadcast_in_dim3A_6 {strides = array<i32>} : memref<16x1024xf32, #tpu.memory_space<vmem>>, vector<16xf32>,
      %scan3A_475 = arith.constant 2 : i32
      %scan3A_476 = arith.addi %scan3A_459, %scan3A_475 : i32
      %mul3A_477 = arith.constant 16 : i32
      %mul3A_478 = arith.muli %scan3A_476, %mul3A_477 : i32
      %multiple_of3A_479 = tpu.assume_multiple %mul3A_478, 16 : i32
      %swap3A_480 = arith.constant 14 : i32
      %swap3A_481 = arith.index_cast %swap3A_480 : i32 to index
      %swap3A_482 = arith.index_cast %multiple_of3A_479 : i32 to index
      %swap3A_483 = tpu.vector_load %arg19[%swap3A_481, %swap3A_482] {strides = array<i32>} : memref<16x1024xf32, #tpu.memory_space<vmem>>, vector<16xf32>,
      tpu.vector_store %arg19[%swap3A_481, %swap3A_482], %broadcast_in_dim3A_6 {strides = array<i32>} : memref<16x1024xf32, #tpu.memory_space<vmem>>, vector<16xf32>,
      %scan3A_484 = arith.constant 3 : i32
      %scan3A_485 = arith.addi %scan3A_459, %scan3A_484 : i32
      %mul3A_486 = arith.constant 16 : i32
      %mul3A_487 = arith.muli %scan3A_485, %mul3A_486 : i32
      %multiple_of3A_488 = tpu.assume_multiple %mul3A_487, 16 : i32
      %swap3A_489 = arith.constant 14 : i32
      %swap3A_490 = arith.index_cast %swap3A_489 : i32 to index
      %swap3A_491 = arith.index_cast %multiple_of3A_488 : i32 to index
      %swap3A_492 = tpu.vector_load %arg19[%swap3A_490, %swap3A_491] {strides = array<i32>} : memref<16x1024xf32, #tpu.memory_space<vmem>>, vector<16xf32>,
      tpu.vector_store %arg19[%swap3A_490, %swap3A_491], %broadcast_in_dim3A_6 {strides = array<i32>} : memref<16x1024xf32, #tpu.memory_space<vmem>>, vector<16xf32>,
    }
    %scan3A_132 = arith.constant 64 : i32
    %scan3A_133 = arith.constant 0 : i32
    %scan3A_134 = arith.constant 0 : i32
    %scan3A_135 = arith.constant 64 : i32
    %scan3A_136 = arith.addi %scan3A_134, %scan3A_135 : i32
    %scan3A_137 = arith.constant 4 : i32
    scf.for %scan3A_459 = %scan3A_134 to %scan3A_136 step %scan3A_137  : i32 {
      %mul3A_460 = arith.constant 16 : i32
      %mul3A_461 = arith.muli %scan3A_459, %mul3A_460 : i32
      %multiple_of3A = tpu.assume_multiple %mul3A_461, 16 : i32
      %swap3A_462 = arith.constant 15 : i32
      %swap3A_463 = arith.index_cast %swap3A_462 : i32 to index
      %swap3A_464 = arith.index_cast %multiple_of3A : i32 to index
      %swap3A_465 = tpu.vector_load %arg19[%swap3A_463, %swap3A_464] {strides = array<i32>} : memref<16x1024xf32, #tpu.memory_space<vmem>>, vector<16xf32>,
      tpu.vector_store %arg19[%swap3A_463, %swap3A_464], %broadcast_in_dim3A_6 {strides = array<i32>} : memref<16x1024xf32, #tpu.memory_space<vmem>>, vector<16xf32>,
      %scan3A_466 = arith.constant 1 : i32
      %scan3A_467 = arith.addi %scan3A_459, %scan3A_466 : i32
      %mul3A_468 = arith.constant 16 : i32
      %mul3A_469 = arith.muli %scan3A_467, %mul3A_468 : i32
      %multiple_of3A_470 = tpu.assume_multiple %mul3A_469, 16 : i32
      %swap3A_471 = arith.constant 15 : i32
      %swap3A_472 = arith.index_cast %swap3A_471 : i32 to index
      %swap3A_473 = arith.index_cast %multiple_of3A_470 : i32 to index
      %swap3A_474 = tpu.vector_load %arg19[%swap3A_472, %swap3A_473] {strides = array<i32>} : memref<16x1024xf32, #tpu.memory_space<vmem>>, vector<16xf32>,
      tpu.vector_store %arg19[%swap3A_472, %swap3A_473], %broadcast_in_dim3A_6 {strides = array<i32>} : memref<16x1024xf32, #tpu.memory_space<vmem>>, vector<16xf32>,
      %scan3A_475 = arith.constant 2 : i32
      %scan3A_476 = arith.addi %scan3A_459, %scan3A_475 : i32
      %mul3A_477 = arith.constant 16 : i32
      %mul3A_478 = arith.muli %scan3A_476, %mul3A_477 : i32
      %multiple_of3A_479 = tpu.assume_multiple %mul3A_478, 16 : i32
      %swap3A_480 = arith.constant 15 : i32
      %swap3A_481 = arith.index_cast %swap3A_480 : i32 to index
      %swap3A_482 = arith.index_cast %multiple_of3A_479 : i32 to index
      %swap3A_483 = tpu.vector_load %arg19[%swap3A_481, %swap3A_482] {strides = array<i32>} : memref<16x1024xf32, #tpu.memory_space<vmem>>, vector<16xf32>,
      tpu.vector_store %arg19[%swap3A_481, %swap3A_482], %broadcast_in_dim3A_6 {strides = array<i32>} : memref<16x1024xf32, #tpu.memory_space<vmem>>, vector<16xf32>,
      %scan3A_484 = arith.constant 3 : i32
      %scan3A_485 = arith.addi %scan3A_459, %scan3A_484 : i32
      %mul3A_486 = arith.constant 16 : i32
      %mul3A_487 = arith.muli %scan3A_485, %mul3A_486 : i32
      %multiple_of3A_488 = tpu.assume_multiple %mul3A_487, 16 : i32
      %swap3A_489 = arith.constant 15 : i32
      %swap3A_490 = arith.index_cast %swap3A_489 : i32 to index
      %swap3A_491 = arith.index_cast %multiple_of3A_488 : i32 to index
      %swap3A_492 = tpu.vector_load %arg19[%swap3A_490, %swap3A_491] {strides = array<i32>} : memref<16x1024xf32, #tpu.memory_space<vmem>>, vector<16xf32>,
      tpu.vector_store %arg19[%swap3A_490, %swap3A_491], %broadcast_in_dim3A_6 {strides = array<i32>} : memref<16x1024xf32, #tpu.memory_space<vmem>>, vector<16xf32>,
    }
    %scan3A_138 = arith.constant 64 : i32
    %eq3A_139 = arith.constant 0 : i32
    %eq3A_140 = vector.broadcast %eq3A_139 : i32 to vector<16xi32>
    %eq3A_141 = arith.cmpi eq, %iota3A, %eq3A_140 : vector<16xi32>
    %jit3A_142 = arith.constant 0 : i32
    %broadcast_in_dim3A_143 = vector.broadcast %jit3A_142 : i32 to vector<16xi32>
    %select_n3A_144 = arith.select %eq3A_141, %get3A_5, %broadcast_in_dim3A_143 : vector<16xi1>, vector<16xi32>
    %reduce_max3A = arith.constant true
    %reduce_max3A_145 = vector.broadcast %reduce_max3A : i1 to vector<16xi1>
    %reduce_max3A_146 = arith.constant -2147483648 : i32
    %reduce_max3A_147 = vector.broadcast %reduce_max3A_146 : i32 to vector<16xi32>
    %reduce_max3A_148 = arith.xori %select_n3A_144, %reduce_max3A_147 : vector<16xi32>
    %reduce_max3A_149 = tpu.scan <max>, %reduce_max3A_148 masked %reduce_max3A_145 : vector<16xi32>, vector<16xi1> -> vector<16xi32>
    %reduce_max3A_150 = arith.xori %reduce_max3A_149, %reduce_max3A_147 : vector<16xi32>
    %reduce_max3A_151 = vector.extract %reduce_max3A_150[15] : i32 from vector<16xi32>
    %eq3A_152 = arith.constant 1 : i32
    %eq3A_153 = vector.broadcast %eq3A_152 : i32 to vector<16xi32>
    %eq3A_154 = arith.cmpi eq, %iota3A, %eq3A_153 : vector<16xi32>
    %jit3A_155 = arith.constant 0 : i32
    %broadcast_in_dim3A_156 = vector.broadcast %jit3A_155 : i32 to vector<16xi32>
    %select_n3A_157 = arith.select %eq3A_154, %get3A_5, %broadcast_in_dim3A_156 : vector<16xi1>, vector<16xi32>
    %reduce_max3A_158 = arith.constant true
    %reduce_max3A_159 = vector.broadcast %reduce_max3A_158 : i1 to vector<16xi1>
    %reduce_max3A_160 = arith.constant -2147483648 : i32
    %reduce_max3A_161 = vector.broadcast %reduce_max3A_160 : i32 to vector<16xi32>
    %reduce_max3A_162 = arith.xori %select_n3A_157, %reduce_max3A_161 : vector<16xi32>
    %reduce_max3A_163 = tpu.scan <max>, %reduce_max3A_162 masked %reduce_max3A_159 : vector<16xi32>, vector<16xi1> -> vector<16xi32>
    %reduce_max3A_164 = arith.xori %reduce_max3A_163, %reduce_max3A_161 : vector<16xi32>
    %reduce_max3A_165 = vector.extract %reduce_max3A_164[15] : i32 from vector<16xi32>
    %eq3A_166 = arith.constant 2 : i32
    %eq3A_167 = vector.broadcast %eq3A_166 : i32 to vector<16xi32>
    %eq3A_168 = arith.cmpi eq, %iota3A, %eq3A_167 : vector<16xi32>
    %jit3A_169 = arith.constant 0 : i32
    %broadcast_in_dim3A_170 = vector.broadcast %jit3A_169 : i32 to vector<16xi32>
    %select_n3A_171 = arith.select %eq3A_168, %get3A_5, %broadcast_in_dim3A_170 : vector<16xi1>, vector<16xi32>
    %reduce_max3A_172 = arith.constant true
    %reduce_max3A_173 = vector.broadcast %reduce_max3A_172 : i1 to vector<16xi1>
    %reduce_max3A_174 = arith.constant -2147483648 : i32
    %reduce_max3A_175 = vector.broadcast %reduce_max3A_174 : i32 to vector<16xi32>
    %reduce_max3A_176 = arith.xori %select_n3A_171, %reduce_max3A_175 : vector<16xi32>
    %reduce_max3A_177 = tpu.scan <max>, %reduce_max3A_176 masked %reduce_max3A_173 : vector<16xi32>, vector<16xi1> -> vector<16xi32>
    %reduce_max3A_178 = arith.xori %reduce_max3A_177, %reduce_max3A_175 : vector<16xi32>
    %reduce_max3A_179 = vector.extract %reduce_max3A_178[15] : i32 from vector<16xi32>
    %eq3A_180 = arith.constant 3 : i32
    %eq3A_181 = vector.broadcast %eq3A_180 : i32 to vector<16xi32>
    %eq3A_182 = arith.cmpi eq, %iota3A, %eq3A_181 : vector<16xi32>
    %jit3A_183 = arith.constant 0 : i32
    %broadcast_in_dim3A_184 = vector.broadcast %jit3A_183 : i32 to vector<16xi32>
    %select_n3A_185 = arith.select %eq3A_182, %get3A_5, %broadcast_in_dim3A_184 : vector<16xi1>, vector<16xi32>
    %reduce_max3A_186 = arith.constant true
    %reduce_max3A_187 = vector.broadcast %reduce_max3A_186 : i1 to vector<16xi1>
    %reduce_max3A_188 = arith.constant -2147483648 : i32
    %reduce_max3A_189 = vector.broadcast %reduce_max3A_188 : i32 to vector<16xi32>
    %reduce_max3A_190 = arith.xori %select_n3A_185, %reduce_max3A_189 : vector<16xi32>
    %reduce_max3A_191 = tpu.scan <max>, %reduce_max3A_190 masked %reduce_max3A_187 : vector<16xi32>, vector<16xi1> -> vector<16xi32>
    %reduce_max3A_192 = arith.xori %reduce_max3A_191, %reduce_max3A_189 : vector<16xi32>
    %reduce_max3A_193 = vector.extract %reduce_max3A_192[15] : i32 from vector<16xi32>
    %jit3A_194 = arith.constant 8 : i32
    %div3A = arith.divsi %add3A, %jit3A_194 : i32
    %sign3A = arith.constant 0 : i32
    %sign3A_195 = arith.cmpi sgt, %add3A, %sign3A : i32
    %sign3A_196 = arith.extui %sign3A_195 : i1 to i32
    %sign3A_197 = arith.constant 0 : i32
    %sign3A_198 = arith.cmpi slt, %add3A, %sign3A_197 : i32
    %sign3A_199 = arith.extui %sign3A_198 : i1 to i32
    %sign3A_200 = arith.subi %sign3A_196, %sign3A_199 : i32
    %sign3A_201 = arith.constant 0 : i32
    %sign3A_202 = arith.cmpi sgt, %jit3A_194, %sign3A_201 : i32
    %sign3A_203 = arith.extui %sign3A_202 : i1 to i32
    %sign3A_204 = arith.constant 0 : i32
    %sign3A_205 = arith.cmpi slt, %jit3A_194, %sign3A_204 : i32
    %sign3A_206 = arith.extui %sign3A_205 : i1 to i32
    %sign3A_207 = arith.subi %sign3A_203, %sign3A_206 : i32
    %ne3A_208 = arith.cmpi ne, %sign3A_200, %sign3A_207 : i32
    %rem3A_209 = arith.remsi %add3A, %jit3A_194 : i32
    %ne3A_210 = arith.constant 0 : i32
    %ne3A_211 = arith.cmpi ne, %rem3A_209, %ne3A_210 : i32
    %and3A_212 = arith.andi %ne3A_208, %ne3A_211 : i1
    %sub3A = arith.constant 1 : i32
    %sub3A_213 = arith.subi %div3A, %sub3A : i32
    %select_n3A_214 = arith.select %and3A_212, %sub3A_213, %div3A : i32
    %jit3A_215 = arith.constant 8 : i32
    %eq3A_216 = arith.constant 0 : i32
    %eq3A_217 = arith.cmpi eq, %jit3A_215, %eq3A_216 : i32
    %jit3A_218 = arith.constant 1 : i32
    %select_n3A_219 = arith.select %eq3A_217, %jit3A_218, %jit3A_215 : i32
    %rem3A_220 = arith.remsi %add3A, %select_n3A_219 : i32
    %ne3A_221 = arith.constant 0 : i32
    %ne3A_222 = arith.cmpi ne, %rem3A_220, %ne3A_221 : i32
    %lt3A_223 = arith.constant 0 : i32
    %lt3A_224 = arith.cmpi slt, %rem3A_220, %lt3A_223 : i32
    %lt3A_225 = arith.constant 0 : i32
    %lt3A_226 = arith.cmpi slt, %select_n3A_219, %lt3A_225 : i32
    %ne3A_227 = arith.xori %lt3A_224, %lt3A_226 : i1
    %and3A_228 = arith.andi %ne3A_227, %ne3A_222 : i1
    %add3A_229 = arith.addi %rem3A_220, %select_n3A_219 : i32
    %select_n3A_230 = arith.select %and3A_228, %add3A_229, %rem3A_220 : i32
    %mul3A_231 = arith.constant 512 : i32
    %mul3A_232 = arith.muli %select_n3A_230, %mul3A_231 : i32
    %eq3A_233 = arith.constant 1 : i32
    %eq3A_234 = arith.cmpi eq, %select_n3A_214, %eq3A_233 : i32
    %select_n3A_235 = arith.select %eq3A_234, %reduce_max3A_165, %reduce_max3A_151 : i32
    %eq3A_236 = arith.constant 2 : i32
    %eq3A_237 = arith.cmpi eq, %select_n3A_214, %eq3A_236 : i32
    %select_n3A_238 = arith.select %eq3A_237, %reduce_max3A_179, %select_n3A_235 : i32
    %eq3A_239 = arith.constant 3 : i32
    %eq3A_240 = arith.cmpi eq, %select_n3A_214, %eq3A_239 : i32
    %select_n3A_241 = arith.select %eq3A_240, %reduce_max3A_193, %select_n3A_238 : i32
    %sub3A_242 = arith.subi %select_n3A_241, %mul3A_232 : i32
    %max3A = arith.constant 0 : i32
    %max3A_243 = arith.maxsi %sub3A_242, %max3A : i32
    %min3A = arith.constant 512 : i32
    %min3A_244 = arith.minsi %max3A_243, %min3A : i32
    %scan3A_245 = arith.constant 0 : i32
    %scan3A_246 = arith.constant 0 : i32
    %scan3A_247 = arith.constant 32 : i32
    %scan3A_248 = arith.addi %scan3A_246, %scan3A_247 : i32
    %scan3A_249 = arith.constant 1 : i32
    scf.for %scan3A_459 = %scan3A_246 to %scan3A_248 step %scan3A_249  : i32 {
      %mul3A_460 = arith.constant 16 : i32
      %mul3A_461 = arith.muli %scan3A_459, %mul3A_460 : i32
      %add3A_462 = vector.broadcast %mul3A_461 : i32 to vector<16xi32>
      %add3A_463 = arith.addi %iota3A, %add3A_462 : vector<16xi32>
      %mul3A_464 = arith.constant 4 : i32
      %mul3A_465 = vector.broadcast %mul3A_464 : i32 to vector<16xi32>
      %mul3A_466 = arith.muli %add3A_463, %mul3A_465 : vector<16xi32>
      %gather3A_467 = tpu.vector_load_idx %arg8[%mul3A_466] : memref<2048xi32, #tpu.memory_space<vmem>>[vector<16xi32>], vector<16xi32>,
      %add3A_468 = arith.constant 1 : i32
      %add3A_469 = vector.broadcast %add3A_468 : i32 to vector<16xi32>
      %add3A_470 = arith.addi %mul3A_466, %add3A_469 : vector<16xi32>
      %gather3A_471 = tpu.vector_load_idx %arg8[%add3A_470] : memref<2048xi32, #tpu.memory_space<vmem>>[vector<16xi32>], vector<16xi32>,
      %or3A = arith.ori %gather3A_467, %gather3A_471 : vector<16xi32>
      %add3A_472 = arith.constant 2 : i32
      %add3A_473 = vector.broadcast %add3A_472 : i32 to vector<16xi32>
      %add3A_474 = arith.addi %mul3A_466, %add3A_473 : vector<16xi32>
      %gather3A_475 = tpu.vector_load_idx %arg8[%add3A_474] : memref<2048xi32, #tpu.memory_space<vmem>>[vector<16xi32>], vector<16xi32>,
      %or3A_476 = arith.ori %or3A, %gather3A_475 : vector<16xi32>
      %add3A_477 = arith.constant 3 : i32
      %add3A_478 = vector.broadcast %add3A_477 : i32 to vector<16xi32>
      %add3A_479 = arith.addi %mul3A_466, %add3A_478 : vector<16xi32>
      %gather3A_480 = tpu.vector_load_idx %arg8[%add3A_479] : memref<2048xi32, #tpu.memory_space<vmem>>[vector<16xi32>], vector<16xi32>,
      %or3A_481 = arith.ori %or3A_476, %gather3A_480 : vector<16xi32>
      %ne3A_482 = arith.constant 0 : i32
      %ne3A_483 = vector.broadcast %ne3A_482 : i32 to vector<16xi32>
      %ne3A_484 = arith.cmpi ne, %or3A_481, %ne3A_483 : vector<16xi32>
      %lt3A_485 = vector.broadcast %min3A_244 : i32 to vector<16xi32>
      %lt3A_486 = arith.cmpi slt, %add3A_463, %lt3A_485 : vector<16xi32>
      %and3A_487 = arith.andi %ne3A_484, %lt3A_486 : vector<16xi1>
      %convert_element_type3A_488 = arith.extui %and3A_487 : vector<16xi1> to vector<16xi32>
      %mul3A_489 = arith.constant 16 : i32
      %mul3A_490 = arith.muli %scan3A_459, %mul3A_489 : i32
      %multiple_of3A = tpu.assume_multiple %mul3A_490, 16 : i32
      %swap3A_491 = arith.index_cast %multiple_of3A : i32 to index
      %swap3A_492 = tpu.vector_load %arg11[%swap3A_491] {strides = array<i32>} : memref<512xi32, #tpu.memory_space<vmem>>, vector<16xi32>,
      tpu.vector_store %arg11[%swap3A_491], %convert_element_type3A_488 {strides = array<i32>} : memref<512xi32, #tpu.memory_space<vmem>>, vector<16xi32>,
    }
    %scan3A_250 = arith.constant 32 : i32
    "tpu.region"() ({
      %run_scoped3A = tpu.sem_alloc : memref<!tpu.dma_semaphore, #tpu.memory_space<semaphore_mem>>
      %dma_start3A_459 = tpu.memref_slice %arg7[%mul3A_2] : memref<16384xi32, #tpu.memory_space<hbm>> -> memref<512xi32, #tpu.memory_space<hbm>>
      %dma_start3A_460 = tpu.memref_slice %arg7[%mul3A_2] : memref<16384xi32, #tpu.memory_space<hbm>> -> memref<512xi32, #tpu.memory_space<hbm>>
      tpu.enqueue_dma source(%arg11 : memref<512xi32, #tpu.memory_space<vmem>>) target(%dma_start3A_460 : memref<512xi32, #tpu.memory_space<hbm>>) target_semaphore(%run_scoped3A : memref<!tpu.dma_semaphore, #tpu.memory_space<semaphore_mem>>)
      %dma_wait3A_461 = tpu.memref_slice %arg7[%mul3A_2] : memref<16384xi32, #tpu.memory_space<hbm>> -> memref<512xi32, #tpu.memory_space<hbm>>
      %dma_wait3A_462 = tpu.memref_slice %arg7[%mul3A_2] : memref<16384xi32, #tpu.memory_space<hbm>> -> memref<512xi32, #tpu.memory_space<hbm>>
      tpu.wait_dma2 semaphore(%run_scoped3A : memref<!tpu.dma_semaphore, #tpu.memory_space<semaphore_mem>>) src(%arg11 : memref<512xi32, #tpu.memory_space<vmem>>) dst(%dma_wait3A_462 : memref<512xi32, #tpu.memory_space<hbm>>)
      tpu.yield
    }) : () -> ()
    %dma_wait3A = arith.constant 0 : i32
    %dma_wait3A_251 = arith.constant 0 : i32
    %dma_wait3A_252 = tpu.memref_slice %arg3[%dma_wait3A, %dma_wait3A_251] : memref<512x128xi32, #tpu.memory_space<hbm>> -> memref<512x128xi32, #tpu.memory_space<hbm>>
    tpu.wait_indirect_dma semaphore(%arg20 : memref<!tpu.dma_semaphore, #tpu.memory_space<semaphore_mem>>) src(%dma_wait3A_252 : memref<512x128xi32, #tpu.memory_space<hbm>>) dst(%arg9 : memref<32x128xi32, #tpu.memory_space<vmem>>)
    %add3A_253 = arith.constant 0 : i32
    %add3A_254 = arith.addi %add3A, %add3A_253 : i32
    %mul3A_255 = arith.constant 16 : i32
    %mul3A_256 = arith.muli %add3A_254, %mul3A_255 : i32
    %add3A_257 = arith.constant 0 : i32
    %add3A_258 = arith.addi %mul3A_256, %add3A_257 : i32
    %jit3A_259 = arith.constant 4096 : i32
    %div3A_260 = arith.divsi %add3A_258, %jit3A_259 : i32
    %sign3A_261 = arith.constant 0 : i32
    %sign3A_262 = arith.cmpi sgt, %add3A_258, %sign3A_261 : i32
    %sign3A_263 = arith.extui %sign3A_262 : i1 to i32
    %sign3A_264 = arith.constant 0 : i32
    %sign3A_265 = arith.cmpi slt, %add3A_258, %sign3A_264 : i32
    %sign3A_266 = arith.extui %sign3A_265 : i1 to i32
    %sign3A_267 = arith.subi %sign3A_263, %sign3A_266 : i32
    %sign3A_268 = arith.constant 0 : i32
    %sign3A_269 = arith.cmpi sgt, %jit3A_259, %sign3A_268 : i32
    %sign3A_270 = arith.extui %sign3A_269 : i1 to i32
    %sign3A_271 = arith.constant 0 : i32
    %sign3A_272 = arith.cmpi slt, %jit3A_259, %sign3A_271 : i32
    %sign3A_273 = arith.extui %sign3A_272 : i1 to i32
    %sign3A_274 = arith.subi %sign3A_270, %sign3A_273 : i32
    %ne3A_275 = arith.cmpi ne, %sign3A_267, %sign3A_274 : i32
    %rem3A_276 = arith.remsi %add3A_258, %jit3A_259 : i32
    %ne3A_277 = arith.constant 0 : i32
    %ne3A_278 = arith.cmpi ne, %rem3A_276, %ne3A_277 : i32
    %and3A_279 = arith.andi %ne3A_275, %ne3A_278 : i1
    %sub3A_280 = arith.constant 1 : i32
    %sub3A_281 = arith.subi %div3A_260, %sub3A_280 : i32
    %select_n3A_282 = arith.select %and3A_279, %sub3A_281, %div3A_260 : i32
    %eq3A_283 = arith.constant 1 : i32
    %eq3A_284 = arith.cmpi eq, %select_n3A_282, %eq3A_283 : i32
    %select_n3A_285 = arith.select %eq3A_284, %reduce_max3A_165, %reduce_max3A_151 : i32
    %eq3A_286 = arith.constant 2 : i32
    %eq3A_287 = arith.cmpi eq, %select_n3A_282, %eq3A_286 : i32
    %select_n3A_288 = arith.select %eq3A_287, %reduce_max3A_179, %select_n3A_285 : i32
    %eq3A_289 = arith.constant 3 : i32
    %eq3A_290 = arith.cmpi eq, %select_n3A_282, %eq3A_289 : i32
    %select_n3A_291 = arith.select %eq3A_290, %reduce_max3A_193, %select_n3A_288 : i32
    %mul3A_292 = arith.constant 4096 : i32
    %mul3A_293 = arith.muli %select_n3A_282, %mul3A_292 : i32
    %sub3A_294 = arith.subi %add3A_258, %mul3A_293 : i32
    %sub3A_295 = arith.subi %select_n3A_291, %sub3A_294 : i32
    %max3A_296 = arith.constant 0 : i32
    %max3A_297 = arith.maxsi %sub3A_295, %max3A_296 : i32
    %min3A_298 = arith.constant 8 : i32
    %min3A_299 = arith.minsi %max3A_297, %min3A_298 : i32
    %broadcast_in_dim3A_300 = arith.constant 0 : i32
    %broadcast_in_dim3A_301 = vector.broadcast %broadcast_in_dim3A_300 : i32 to vector<16xi32>
    %add3A_302 = arith.constant 0 : i32
    %add3A_303 = arith.addi %mul3A_43, %add3A_302 : i32
    %shift_right_arithmetic3A_304 = arith.constant 2 : i32
    %shift_right_arithmetic3A_305 = vector.broadcast %shift_right_arithmetic3A_304 : i32 to vector<16xi32>
    %shift_right_arithmetic3A_306 = arith.shrsi %iota3A, %shift_right_arithmetic3A_305 : vector<16xi32>
    %add3A_307 = arith.constant 0 : i32
    %add3A_308 = vector.broadcast %add3A_307 : i32 to vector<16xi32>
    %add3A_309 = arith.addi %shift_right_arithmetic3A_306, %add3A_308 : vector<16xi32>
    %add3A_310 = vector.broadcast %add3A_303 : i32 to vector<16xi32>
    %add3A_311 = arith.addi %add3A_310, %iota3A : vector<16xi32>
    %add3A_312 = arith.constant 0 : i32
    %add3A_313 = vector.broadcast %add3A_312 : i32 to vector<16xi32>
    %add3A_314 = arith.addi %add3A_311, %add3A_313 : vector<16xi32>
    %gather3A = tpu.vector_load_idx %arg9[%broadcast_in_dim3A_301, %add3A_314] : memref<32x128xi32, #tpu.memory_space<vmem>>[vector<16xi32>, vector<16xi32>], vector<16xi32>,
    %lt3A_315 = vector.broadcast %min3A_299 : i32 to vector<16xi32>
    %lt3A_316 = arith.cmpi slt, %add3A_309, %lt3A_315 : vector<16xi32>
    %jit3A_317 = arith.constant 0 : i32
    %broadcast_in_dim3A_318 = vector.broadcast %jit3A_317 : i32 to vector<16xi32>
    %select_n3A_319 = arith.select %lt3A_316, %gather3A, %broadcast_in_dim3A_318 : vector<16xi1>, vector<16xi32>
    %swap3A_320 = arith.constant 0 : index
    %swap3A_321 = tpu.vector_load %arg13[%swap3A_320] {strides = array<i32>} : memref<32xi32, #tpu.memory_space<vmem>>, vector<16xi32>,
    tpu.vector_store %arg13[%swap3A_320], %select_n3A_319 {strides = array<i32>} : memref<32xi32, #tpu.memory_space<vmem>>, vector<16xi32>,
    %shift_right_arithmetic3A_322 = arith.constant 2 : i32
    %shift_right_arithmetic3A_323 = vector.broadcast %shift_right_arithmetic3A_322 : i32 to vector<16xi32>
    %shift_right_arithmetic3A_324 = arith.shrsi %iota3A, %shift_right_arithmetic3A_323 : vector<16xi32>
    %add3A_325 = arith.constant 4 : i32
    %add3A_326 = vector.broadcast %add3A_325 : i32 to vector<16xi32>
    %add3A_327 = arith.addi %shift_right_arithmetic3A_324, %add3A_326 : vector<16xi32>
    %add3A_328 = vector.broadcast %add3A_303 : i32 to vector<16xi32>
    %add3A_329 = arith.addi %add3A_328, %iota3A : vector<16xi32>
    %add3A_330 = arith.constant 16 : i32
    %add3A_331 = vector.broadcast %add3A_330 : i32 to vector<16xi32>
    %add3A_332 = arith.addi %add3A_329, %add3A_331 : vector<16xi32>
    %gather3A_333 = tpu.vector_load_idx %arg9[%broadcast_in_dim3A_301, %add3A_332] : memref<32x128xi32, #tpu.memory_space<vmem>>[vector<16xi32>, vector<16xi32>], vector<16xi32>,
    %lt3A_334 = vector.broadcast %min3A_299 : i32 to vector<16xi32>
    %lt3A_335 = arith.cmpi slt, %add3A_327, %lt3A_334 : vector<16xi32>
    %jit3A_336 = arith.constant 0 : i32
    %broadcast_in_dim3A_337 = vector.broadcast %jit3A_336 : i32 to vector<16xi32>
    %select_n3A_338 = arith.select %lt3A_335, %gather3A_333, %broadcast_in_dim3A_337 : vector<16xi1>, vector<16xi32>
    %swap3A_339 = arith.constant 16 : index
    %swap3A_340 = tpu.vector_load %arg13[%swap3A_339] {strides = array<i32>} : memref<32xi32, #tpu.memory_space<vmem>>, vector<16xi32>,
    tpu.vector_store %arg13[%swap3A_339], %select_n3A_338 {strides = array<i32>} : memref<32xi32, #tpu.memory_space<vmem>>, vector<16xi32>,
    %gt3A = arith.constant 0 : i32
    %gt3A_341 = arith.cmpi sgt, %min3A_299, %gt3A : i32
    %convert_element_type3A = arith.extui %gt3A_341 : i1 to i32
    %cond3A = arith.constant 0 : i32
    %cond3A_342 = arith.cmpi ne, %convert_element_type3A, %cond3A : i32
    scf.if %cond3A_342 {
      %dma_start3A_459 = arith.constant 0 : i32
      %dma_start3A_460 = arith.constant 0 : i32
      %dma_start3A_461 = tpu.memref_slice %arg5[%dma_start3A_459, %dma_start3A_460] : memref<100000x1024xf32, #tpu.memory_space<hbm>> -> memref<100000x1024xf32, #tpu.memory_space<hbm>>
      tpu.enqueue_indirect_dma source(%dma_start3A_461 : memref<100000x1024xf32, #tpu.memory_space<hbm>>) target(%arg15 : memref<32x1024xf32, #tpu.memory_space<vmem>>) offsets(%arg13 : memref<32xi32, #tpu.memory_space<vmem>>) semaphore(%arg21 : memref<!tpu.dma_semaphore, #tpu.memory_space<semaphore_mem>>)
    } else {
    }
    %scan3A_343 = arith.constant 0 : i32
    %scan3A_344 = arith.constant 0 : i32
    %scan3A_345 = arith.constant 16 : i32
    %scan3A_346 = arith.addi %scan3A_344, %scan3A_345 : i32
    %scan3A_347 = arith.constant 1 : i32
    scf.for %scan3A_459 = %scan3A_344 to %scan3A_346 step %scan3A_347  : i32 {
      %mul3A_460 = arith.constant 4 : i32
      %mul3A_461 = arith.muli %mul3A_460, %scan3A_459 : i32
      %add3A_462 = arith.constant 0 : i32
      %add3A_463 = arith.addi %mul3A_461, %add3A_462 : i32
      %shift_right_arithmetic3A_464 = arith.constant 1 : i32
      %shift_right_arithmetic3A_465 = arith.shrsi %add3A_463, %shift_right_arithmetic3A_464 : i32
      %mul3A_466 = arith.constant 32 : i32
      %mul3A_467 = arith.muli %mul3A_466, %shift_right_arithmetic3A_465 : i32
      %add3A_468 = arith.addi %add3A, %mul3A_467 : i32
      %mul3A_469 = arith.constant 16 : i32
      %mul3A_470 = arith.muli %add3A_468, %mul3A_469 : i32
      %and3A_471 = arith.constant 1 : i32
      %and3A_472 = arith.andi %add3A_463, %and3A_471 : i32
      %mul3A_473 = arith.constant 8 : i32
      %mul3A_474 = arith.muli %and3A_472, %mul3A_473 : i32
      %add3A_475 = arith.addi %mul3A_470, %mul3A_474 : i32
      %jit3A_476 = arith.constant 4096 : i32
      %div3A_477 = arith.divsi %add3A_475, %jit3A_476 : i32
      %sign3A_478 = arith.constant 0 : i32
      %sign3A_479 = arith.cmpi sgt, %add3A_475, %sign3A_478 : i32
      %sign3A_480 = arith.extui %sign3A_479 : i1 to i32
      %sign3A_481 = arith.constant 0 : i32
      %sign3A_482 = arith.cmpi slt, %add3A_475, %sign3A_481 : i32
      %sign3A_483 = arith.extui %sign3A_482 : i1 to i32
      %sign3A_484 = arith.subi %sign3A_480, %sign3A_483 : i32
      %sign3A_485 = arith.constant 0 : i32
      %sign3A_486 = arith.cmpi sgt, %jit3A_476, %sign3A_485 : i32
      %sign3A_487 = arith.extui %sign3A_486 : i1 to i32
      %sign3A_488 = arith.constant 0 : i32
      %sign3A_489 = arith.cmpi slt, %jit3A_476, %sign3A_488 : i32
      %sign3A_490 = arith.extui %sign3A_489 : i1 to i32
      %sign3A_491 = arith.subi %sign3A_487, %sign3A_490 : i32
      %ne3A_492 = arith.cmpi ne, %sign3A_484, %sign3A_491 : i32
      %rem3A_493 = arith.remsi %add3A_475, %jit3A_476 : i32
      %ne3A_494 = arith.constant 0 : i32
      %ne3A_495 = arith.cmpi ne, %rem3A_493, %ne3A_494 : i32
      %and3A_496 = arith.andi %ne3A_492, %ne3A_495 : i1
      %sub3A_497 = arith.constant 1 : i32
      %sub3A_498 = arith.subi %div3A_477, %sub3A_497 : i32
      %select_n3A_499 = arith.select %and3A_496, %sub3A_498, %div3A_477 : i32
      %eq3A_500 = arith.constant 1 : i32
      %eq3A_501 = arith.cmpi eq, %select_n3A_499, %eq3A_500 : i32
      %select_n3A_502 = arith.select %eq3A_501, %reduce_max3A_165, %reduce_max3A_151 : i32
      %eq3A_503 = arith.constant 2 : i32
      %eq3A_504 = arith.cmpi eq, %select_n3A_499, %eq3A_503 : i32
      %select_n3A_505 = arith.select %eq3A_504, %reduce_max3A_179, %select_n3A_502 : i32
      %eq3A_506 = arith.constant 3 : i32
      %eq3A_507 = arith.cmpi eq, %select_n3A_499, %eq3A_506 : i32
      %select_n3A_508 = arith.select %eq3A_507, %reduce_max3A_193, %select_n3A_505 : i32
      %mul3A_509 = arith.constant 4096 : i32
      %mul3A_510 = arith.muli %select_n3A_499, %mul3A_509 : i32
      %sub3A_511 = arith.subi %add3A_475, %mul3A_510 : i32
      %sub3A_512 = arith.subi %select_n3A_508, %sub3A_511 : i32
      %max3A_513 = arith.constant 0 : i32
      %max3A_514 = arith.maxsi %sub3A_512, %max3A_513 : i32
      %min3A_515 = arith.constant 8 : i32
      %min3A_516 = arith.minsi %max3A_514, %min3A_515 : i32
      %shift_right_arithmetic3A_517 = arith.constant 1 : i32
      %shift_right_arithmetic3A_518 = arith.shrsi %add3A_463, %shift_right_arithmetic3A_517 : i32
      %add3A_519 = arith.constant 1 : i32
      %add3A_520 = arith.addi %add3A_463, %add3A_519 : i32
      %lt3A_521 = arith.constant 64 : i32
      %lt3A_522 = arith.cmpi slt, %add3A_520, %lt3A_521 : i32
      %convert_element_type3A_523 = arith.extui %lt3A_522 : i1 to i32
      %cond3A_524 = arith.constant 0 : i32
      %cond3A_525 = arith.cmpi ne, %convert_element_type3A_523, %cond3A_524 : i32
      scf.if %cond3A_525 {
        %add3A_911 = arith.constant 1 : i32
        %add3A_912 = arith.addi %add3A_463, %add3A_911 : i32
        %shift_right_arithmetic3A_913 = arith.constant 1 : i32
        %shift_right_arithmetic3A_914 = arith.shrsi %add3A_912, %shift_right_arithmetic3A_913 : i32
        %mul3A_915 = arith.constant 32 : i32
        %mul3A_916 = arith.muli %mul3A_915, %shift_right_arithmetic3A_914 : i32
        %add3A_917 = arith.addi %add3A, %mul3A_916 : i32
        %mul3A_918 = arith.constant 16 : i32
        %mul3A_919 = arith.muli %add3A_917, %mul3A_918 : i32
        %and3A_920 = arith.constant 1 : i32
        %and3A_921 = arith.andi %add3A_912, %and3A_920 : i32
        %mul3A_922 = arith.constant 8 : i32
        %mul3A_923 = arith.muli %and3A_921, %mul3A_922 : i32
        %add3A_924 = arith.addi %mul3A_919, %mul3A_923 : i32
        %jit3A_925 = arith.constant 4096 : i32
        %div3A_926 = arith.divsi %add3A_924, %jit3A_925 : i32
        %sign3A_927 = arith.constant 0 : i32
        %sign3A_928 = arith.cmpi sgt, %add3A_924, %sign3A_927 : i32
        %sign3A_929 = arith.extui %sign3A_928 : i1 to i32
        %sign3A_930 = arith.constant 0 : i32
        %sign3A_931 = arith.cmpi slt, %add3A_924, %sign3A_930 : i32
        %sign3A_932 = arith.extui %sign3A_931 : i1 to i32
        %sign3A_933 = arith.subi %sign3A_929, %sign3A_932 : i32
        %sign3A_934 = arith.constant 0 : i32
        %sign3A_935 = arith.cmpi sgt, %jit3A_925, %sign3A_934 : i32
        %sign3A_936 = arith.extui %sign3A_935 : i1 to i32
        %sign3A_937 = arith.constant 0 : i32
        %sign3A_938 = arith.cmpi slt, %jit3A_925, %sign3A_937 : i32
        %sign3A_939 = arith.extui %sign3A_938 : i1 to i32
        %sign3A_940 = arith.subi %sign3A_936, %sign3A_939 : i32
        %ne3A_941 = arith.cmpi ne, %sign3A_933, %sign3A_940 : i32
        %rem3A_942 = arith.remsi %add3A_924, %jit3A_925 : i32
        %ne3A_943 = arith.constant 0 : i32
        %ne3A_944 = arith.cmpi ne, %rem3A_942, %ne3A_943 : i32
        %and3A_945 = arith.andi %ne3A_941, %ne3A_944 : i1
        %sub3A_946 = arith.constant 1 : i32
        %sub3A_947 = arith.subi %div3A_926, %sub3A_946 : i32
        %select_n3A_948 = arith.select %and3A_945, %sub3A_947, %div3A_926 : i32
        %eq3A_949 = arith.constant 1 : i32
        %eq3A_950 = arith.cmpi eq, %select_n3A_948, %eq3A_949 : i32
        %select_n3A_951 = arith.select %eq3A_950, %reduce_max3A_165, %reduce_max3A_151 : i32
        %eq3A_952 = arith.constant 2 : i32
        %eq3A_953 = arith.cmpi eq, %select_n3A_948, %eq3A_952 : i32
        %select_n3A_954 = arith.select %eq3A_953, %reduce_max3A_179, %select_n3A_951 : i32
        %eq3A_955 = arith.constant 3 : i32
        %eq3A_956 = arith.cmpi eq, %select_n3A_948, %eq3A_955 : i32
        %select_n3A_957 = arith.select %eq3A_956, %reduce_max3A_193, %select_n3A_954 : i32
        %mul3A_958 = arith.constant 4096 : i32
        %mul3A_959 = arith.muli %select_n3A_948, %mul3A_958 : i32
        %sub3A_960 = arith.subi %add3A_924, %mul3A_959 : i32
        %sub3A_961 = arith.subi %select_n3A_957, %sub3A_960 : i32
        %max3A_962 = arith.constant 0 : i32
        %max3A_963 = arith.maxsi %sub3A_961, %max3A_962 : i32
        %min3A_964 = arith.constant 8 : i32
        %min3A_965 = arith.minsi %max3A_963, %min3A_964 : i32
        %shift_right_arithmetic3A_966 = arith.constant 1 : i32
        %shift_right_arithmetic3A_967 = arith.shrsi %add3A_912, %shift_right_arithmetic3A_966 : i32
        %broadcast_in_dim3A_968 = vector.broadcast %shift_right_arithmetic3A_967 : i32 to vector<16xi32>
        %and3A_969 = arith.constant 1 : i32
        %and3A_970 = arith.andi %add3A_912, %and3A_969 : i32
        %mul3A_971 = arith.constant 32 : i32
        %mul3A_972 = arith.muli %and3A_970, %mul3A_971 : i32
        %add3A_973 = arith.addi %mul3A_43, %mul3A_972 : i32
        %shift_right_arithmetic3A_974 = arith.constant 2 : i32
        %shift_right_arithmetic3A_975 = vector.broadcast %shift_right_arithmetic3A_974 : i32 to vector<16xi32>
        %shift_right_arithmetic3A_976 = arith.shrsi %iota3A, %shift_right_arithmetic3A_975 : vector<16xi32>
        %add3A_977 = arith.constant 0 : i32
        %add3A_978 = vector.broadcast %add3A_977 : i32 to vector<16xi32>
        %add3A_979 = arith.addi %shift_right_arithmetic3A_976, %add3A_978 : vector<16xi32>
        %add3A_980 = vector.broadcast %add3A_973 : i32 to vector<16xi32>
        %add3A_981 = arith.addi %add3A_980, %iota3A : vector<16xi32>
        %add3A_982 = arith.constant 0 : i32
        %add3A_983 = vector.broadcast %add3A_982 : i32 to vector<16xi32>
        %add3A_984 = arith.addi %add3A_981, %add3A_983 : vector<16xi32>
        %gather3A_985 = tpu.vector_load_idx %arg9[%broadcast_in_dim3A_968, %add3A_984] : memref<32x128xi32, #tpu.memory_space<vmem>>[vector<16xi32>, vector<16xi32>], vector<16xi32>,
        %lt3A_986 = vector.broadcast %min3A_965 : i32 to vector<16xi32>
        %lt3A_987 = arith.cmpi slt, %add3A_979, %lt3A_986 : vector<16xi32>
        %jit3A_988 = arith.constant 0 : i32
        %broadcast_in_dim3A_989 = vector.broadcast %jit3A_988 : i32 to vector<16xi32>
        %select_n3A_990 = arith.select %lt3A_987, %gather3A_985, %broadcast_in_dim3A_989 : vector<16xi1>, vector<16xi32>
        %swap3A_991 = arith.constant 0 : index
        %swap3A_992 = tpu.vector_load %arg14[%swap3A_991] {strides = array<i32>} : memref<32xi32, #tpu.memory_space<vmem>>, vector<16xi32>,
        tpu.vector_store %arg14[%swap3A_991], %select_n3A_990 {strides = array<i32>} : memref<32xi32, #tpu.memory_space<vmem>>, vector<16xi32>,
        %shift_right_arithmetic3A_993 = arith.constant 2 : i32
        %shift_right_arithmetic3A_994 = vector.broadcast %shift_right_arithmetic3A_993 : i32 to vector<16xi32>
        %shift_right_arithmetic3A_995 = arith.shrsi %iota3A, %shift_right_arithmetic3A_994 : vector<16xi32>
        %add3A_996 = arith.constant 4 : i32
        %add3A_997 = vector.broadcast %add3A_996 : i32 to vector<16xi32>
        %add3A_998 = arith.addi %shift_right_arithmetic3A_995, %add3A_997 : vector<16xi32>
        %add3A_999 = vector.broadcast %add3A_973 : i32 to vector<16xi32>
        %add3A_1000 = arith.addi %add3A_999, %iota3A : vector<16xi32>
        %add3A_1001 = arith.constant 16 : i32
        %add3A_1002 = vector.broadcast %add3A_1001 : i32 to vector<16xi32>
        %add3A_1003 = arith.addi %add3A_1000, %add3A_1002 : vector<16xi32>
        %gather3A_1004 = tpu.vector_load_idx %arg9[%broadcast_in_dim3A_968, %add3A_1003] : memref<32x128xi32, #tpu.memory_space<vmem>>[vector<16xi32>, vector<16xi32>], vector<16xi32>,
        %lt3A_1005 = vector.broadcast %min3A_965 : i32 to vector<16xi32>
        %lt3A_1006 = arith.cmpi slt, %add3A_998, %lt3A_1005 : vector<16xi32>
        %jit3A_1007 = arith.constant 0 : i32
        %broadcast_in_dim3A_1008 = vector.broadcast %jit3A_1007 : i32 to vector<16xi32>
        %select_n3A_1009 = arith.select %lt3A_1006, %gather3A_1004, %broadcast_in_dim3A_1008 : vector<16xi1>, vector<16xi32>
        %swap3A_1010 = arith.constant 16 : index
        %swap3A_1011 = tpu.vector_load %arg14[%swap3A_1010] {strides = array<i32>} : memref<32xi32, #tpu.memory_space<vmem>>, vector<16xi32>,
        tpu.vector_store %arg14[%swap3A_1010], %select_n3A_1009 {strides = array<i32>} : memref<32xi32, #tpu.memory_space<vmem>>, vector<16xi32>,
        %gt3A_1012 = arith.constant 0 : i32
        %gt3A_1013 = arith.cmpi sgt, %min3A_965, %gt3A_1012 : i32
        %convert_element_type3A_1014 = arith.extui %gt3A_1013 : i1 to i32
        %cond3A_1015 = arith.constant 0 : i32
        %cond3A_1016 = arith.cmpi ne, %convert_element_type3A_1014, %cond3A_1015 : i32
        scf.if %cond3A_1016 {
          %dma_start3A_1017 = arith.constant 0 : i32
          %dma_start3A_1018 = arith.constant 0 : i32
          %dma_start3A_1019 = tpu.memref_slice %arg5[%dma_start3A_1017, %dma_start3A_1018] : memref<100000x1024xf32, #tpu.memory_space<hbm>> -> memref<100000x1024xf32, #tpu.memory_space<hbm>>
          tpu.enqueue_indirect_dma source(%dma_start3A_1019 : memref<100000x1024xf32, #tpu.memory_space<hbm>>) target(%arg16 : memref<32x1024xf32, #tpu.memory_space<vmem>>) offsets(%arg14 : memref<32xi32, #tpu.memory_space<vmem>>) semaphore(%arg22 : memref<!tpu.dma_semaphore, #tpu.memory_space<semaphore_mem>>)
        } else {
        }
      } else {
      }
      %gt3A_526 = arith.constant 0 : i32
      %gt3A_527 = arith.cmpi sgt, %min3A_516, %gt3A_526 : i32
      %convert_element_type3A_528 = arith.extui %gt3A_527 : i1 to i32
      %cond3A_529 = arith.constant 0 : i32
      %cond3A_530 = arith.cmpi ne, %convert_element_type3A_528, %cond3A_529 : i32
      scf.if %cond3A_530 {
        %dma_wait3A_911 = arith.constant 0 : i32
        %dma_wait3A_912 = arith.constant 0 : i32
        %dma_wait3A_913 = tpu.memref_slice %arg5[%dma_wait3A_911, %dma_wait3A_912] : memref<100000x1024xf32, #tpu.memory_space<hbm>> -> memref<100000x1024xf32, #tpu.memory_space<hbm>>
        tpu.wait_indirect_dma semaphore(%arg21 : memref<!tpu.dma_semaphore, #tpu.memory_space<semaphore_mem>>) src(%dma_wait3A_913 : memref<100000x1024xf32, #tpu.memory_space<hbm>>) dst(%arg15 : memref<32x1024xf32, #tpu.memory_space<vmem>>)
      } else {
      }
      %ge3A = arith.constant 4 : i32
      %ge3A_531 = arith.cmpi sge, %add3A_463, %ge3A : i32
      %convert_element_type3A_532 = arith.extui %ge3A_531 : i1 to i32
      %cond3A_533 = arith.constant 0 : i32
      %cond3A_534 = arith.cmpi ne, %convert_element_type3A_532, %cond3A_533 : i32
      scf.if %cond3A_534 {
        %sub3A_911 = arith.constant 2 : i32
        %sub3A_912 = arith.subi %shift_right_arithmetic3A_518, %sub3A_911 : i32
        %mul3A_913 = arith.constant 32 : i32
        %mul3A_914 = arith.muli %mul3A_913, %sub3A_912 : i32
        %add3A_915 = arith.addi %add3A, %mul3A_914 : i32
        %mul3A_916 = arith.constant 16 : i32
        %mul3A_917 = arith.muli %add3A_915, %mul3A_916 : i32
        %jit3A_918 = arith.constant 4096 : i32
        %div3A_919 = arith.divsi %mul3A_917, %jit3A_918 : i32
        %sign3A_920 = arith.constant 0 : i32
        %sign3A_921 = arith.cmpi sgt, %mul3A_917, %sign3A_920 : i32
        %sign3A_922 = arith.extui %sign3A_921 : i1 to i32
        %sign3A_923 = arith.constant 0 : i32
        %sign3A_924 = arith.cmpi slt, %mul3A_917, %sign3A_923 : i32
        %sign3A_925 = arith.extui %sign3A_924 : i1 to i32
        %sign3A_926 = arith.subi %sign3A_922, %sign3A_925 : i32
        %sign3A_927 = arith.constant 0 : i32
        %sign3A_928 = arith.cmpi sgt, %jit3A_918, %sign3A_927 : i32
        %sign3A_929 = arith.extui %sign3A_928 : i1 to i32
        %sign3A_930 = arith.constant 0 : i32
        %sign3A_931 = arith.cmpi slt, %jit3A_918, %sign3A_930 : i32
        %sign3A_932 = arith.extui %sign3A_931 : i1 to i32
        %sign3A_933 = arith.subi %sign3A_929, %sign3A_932 : i32
        %ne3A_934 = arith.cmpi ne, %sign3A_926, %sign3A_933 : i32
        %rem3A_935 = arith.remsi %mul3A_917, %jit3A_918 : i32
        %ne3A_936 = arith.constant 0 : i32
        %ne3A_937 = arith.cmpi ne, %rem3A_935, %ne3A_936 : i32
        %and3A_938 = arith.andi %ne3A_934, %ne3A_937 : i1
        %sub3A_939 = arith.constant 1 : i32
        %sub3A_940 = arith.subi %div3A_919, %sub3A_939 : i32
        %select_n3A_941 = arith.select %and3A_938, %sub3A_940, %div3A_919 : i32
        %eq3A_942 = arith.constant 1 : i32
        %eq3A_943 = arith.cmpi eq, %select_n3A_941, %eq3A_942 : i32
        %select_n3A_944 = arith.select %eq3A_943, %reduce_max3A_165, %reduce_max3A_151 : i32
        %eq3A_945 = arith.constant 2 : i32
        %eq3A_946 = arith.cmpi eq, %select_n3A_941, %eq3A_945 : i32
        %select_n3A_947 = arith.select %eq3A_946, %reduce_max3A_179, %select_n3A_944 : i32
        %eq3A_948 = arith.constant 3 : i32
        %eq3A_949 = arith.cmpi eq, %select_n3A_941, %eq3A_948 : i32
        %select_n3A_950 = arith.select %eq3A_949, %reduce_max3A_193, %select_n3A_947 : i32
        %mul3A_951 = arith.constant 4096 : i32
        %mul3A_952 = arith.muli %select_n3A_941, %mul3A_951 : i32
        %sub3A_953 = arith.subi %mul3A_917, %mul3A_952 : i32
        %sub3A_954 = arith.subi %select_n3A_950, %sub3A_953 : i32
        %max3A_955 = arith.constant 0 : i32
        %max3A_956 = arith.maxsi %sub3A_954, %max3A_955 : i32
        %min3A_957 = arith.constant 16 : i32
        %min3A_958 = arith.minsi %max3A_956, %min3A_957 : i32
        %gt3A_959 = arith.constant 0 : i32
        %gt3A_960 = arith.cmpi sgt, %min3A_958, %gt3A_959 : i32
        %convert_element_type3A_961 = arith.extui %gt3A_960 : i1 to i32
        %cond3A_962 = arith.constant 0 : i32
        %cond3A_963 = arith.cmpi ne, %convert_element_type3A_961, %cond3A_962 : i32
        scf.if %cond3A_963 {
          %dma_wait3A_969 = arith.constant 0 : i32
          %dma_wait3A_970 = arith.constant 0 : i32
          %dma_wait3A_971 = tpu.memref_slice %arg6[%dma_wait3A_969, %dma_wait3A_970] : memref<16384x1024xf32, #tpu.memory_space<hbm>> -> memref<16x1024xf32, #tpu.memory_space<hbm>>
          %dma_wait3A_972 = arith.constant 0 : i32
          %dma_wait3A_973 = arith.constant 0 : i32
          %dma_wait3A_974 = tpu.memref_slice %arg6[%dma_wait3A_972, %dma_wait3A_973] : memref<16384x1024xf32, #tpu.memory_space<hbm>> -> memref<16x1024xf32, #tpu.memory_space<hbm>>
          tpu.wait_dma2 semaphore(%arg23 : memref<!tpu.dma_semaphore, #tpu.memory_space<semaphore_mem>>) src(%arg17 : memref<16x1024xf32, #tpu.memory_space<vmem>>) dst(%dma_wait3A_974 : memref<16x1024xf32, #tpu.memory_space<hbm>>)
        } else {
        }
        %eq3A_964 = arith.constant 0 : i32
        %eq3A_965 = arith.cmpi eq, %min3A_958, %eq3A_964 : i32
        %convert_element_type3A_966 = arith.extui %eq3A_965 : i1 to i32
        %cond3A_967 = arith.constant 0 : i32
        %cond3A_968 = arith.cmpi ne, %convert_element_type3A_966, %cond3A_967 : i32
        scf.if %cond3A_968 {
          %dma_wait3A_969 = arith.constant 0 : i32
          %dma_wait3A_970 = arith.constant 0 : i32
          %dma_wait3A_971 = tpu.memref_slice %arg6[%dma_wait3A_969, %dma_wait3A_970] : memref<16384x1024xf32, #tpu.memory_space<hbm>> -> memref<16x1024xf32, #tpu.memory_space<hbm>>
          %dma_wait3A_972 = arith.constant 0 : i32
          %dma_wait3A_973 = arith.constant 0 : i32
          %dma_wait3A_974 = tpu.memref_slice %arg6[%dma_wait3A_972, %dma_wait3A_973] : memref<16384x1024xf32, #tpu.memory_space<hbm>> -> memref<16x1024xf32, #tpu.memory_space<hbm>>
          tpu.wait_dma2 semaphore(%arg25 : memref<!tpu.dma_semaphore, #tpu.memory_space<semaphore_mem>>) src(%arg19 : memref<16x1024xf32, #tpu.memory_space<vmem>>) dst(%dma_wait3A_974 : memref<16x1024xf32, #tpu.memory_space<hbm>>)
        } else {
        }
      } else {
      }
      %gt3A_535 = arith.constant 0 : i32
      %gt3A_536 = arith.cmpi sgt, %min3A_516, %gt3A_535 : i32
      %convert_element_type3A_537 = arith.extui %gt3A_536 : i1 to i32
      %cond3A_538 = arith.constant 0 : i32
      %cond3A_539 = arith.cmpi ne, %convert_element_type3A_537, %cond3A_538 : i32
      scf.if %cond3A_539 {
        %parallel_loop3A = arith.constant 0 : i32
        %parallel_loop3A_911 = arith.constant 512 : i32
        %parallel_loop3A_912 = arith.constant 1 : i32
        scf.for %parallel_loop3A_913 = %parallel_loop3A to %parallel_loop3A_911 step %parallel_loop3A_912  : i32 {
          %parallel_loop3A_914 = arith.constant 64 : i32
          %parallel_loop3A_915 = arith.divsi %parallel_loop3A_913, %parallel_loop3A_914 : i32
          %parallel_loop3A_916 = arith.constant 0 : i32
          %parallel_loop3A_917 = arith.cmpi sgt, %parallel_loop3A_913, %parallel_loop3A_916 : i32
          %parallel_loop3A_918 = arith.extui %parallel_loop3A_917 : i1 to i32
          %parallel_loop3A_919 = arith.constant 0 : i32
          %parallel_loop3A_920 = arith.cmpi slt, %parallel_loop3A_913, %parallel_loop3A_919 : i32
          %parallel_loop3A_921 = arith.extui %parallel_loop3A_920 : i1 to i32
          %parallel_loop3A_922 = arith.subi %parallel_loop3A_918, %parallel_loop3A_921 : i32
          %parallel_loop3A_923 = arith.constant 0 : i32
          %parallel_loop3A_924 = arith.cmpi sgt, %parallel_loop3A_914, %parallel_loop3A_923 : i32
          %parallel_loop3A_925 = arith.extui %parallel_loop3A_924 : i1 to i32
          %parallel_loop3A_926 = arith.constant 0 : i32
          %parallel_loop3A_927 = arith.cmpi slt, %parallel_loop3A_914, %parallel_loop3A_926 : i32
          %parallel_loop3A_928 = arith.extui %parallel_loop3A_927 : i1 to i32
          %parallel_loop3A_929 = arith.subi %parallel_loop3A_925, %parallel_loop3A_928 : i32
          %parallel_loop3A_930 = arith.cmpi ne, %parallel_loop3A_922, %parallel_loop3A_929 : i32
          %parallel_loop3A_931 = arith.remsi %parallel_loop3A_913, %parallel_loop3A_914 : i32
          %parallel_loop3A_932 = arith.constant 0 : i32
          %parallel_loop3A_933 = arith.cmpi ne, %parallel_loop3A_931, %parallel_loop3A_932 : i32
          %parallel_loop3A_934 = arith.andi %parallel_loop3A_930, %parallel_loop3A_933 : i1
          %parallel_loop3A_935 = arith.constant 1 : i32
          %parallel_loop3A_936 = arith.subi %parallel_loop3A_915, %parallel_loop3A_935 : i32
          %parallel_loop3A_937 = arith.select %parallel_loop3A_934, %parallel_loop3A_936, %parallel_loop3A_915 : i32
          %parallel_loop3A_938 = arith.constant 64 : i32
          %parallel_loop3A_939 = arith.muli %parallel_loop3A_937, %parallel_loop3A_938 : i32
          %parallel_loop3A_940 = arith.subi %parallel_loop3A_913, %parallel_loop3A_939 : i32
          %parallel_loop3A_941 = arith.constant 16 : i32
          %parallel_loop3A_942 = arith.muli %parallel_loop3A_940, %parallel_loop3A_941 : i32
          %parallel_loop3A_943 = tpu.assume_multiple %parallel_loop3A_942, 16 : i32
          %parallel_loop3A_944 = arith.constant 4 : i32
          %parallel_loop3A_945 = arith.muli %parallel_loop3A_944, %parallel_loop3A_937 : i32
          %parallel_loop3A_946 = arith.index_cast %parallel_loop3A_945 : i32 to index
          %parallel_loop3A_947 = arith.index_cast %parallel_loop3A_943 : i32 to index
          %parallel_loop3A_948 = tpu.vector_load %arg15[%parallel_loop3A_946, %parallel_loop3A_947] {strides = array<i32>} : memref<32x1024xf32, #tpu.memory_space<vmem>>, vector<16xf32>,
          %parallel_loop3A_949 = arith.constant 4 : i32
          %parallel_loop3A_950 = arith.muli %parallel_loop3A_949, %parallel_loop3A_937 : i32
          %parallel_loop3A_951 = arith.constant 1 : i32
          %parallel_loop3A_952 = arith.addi %parallel_loop3A_950, %parallel_loop3A_951 : i32
          %parallel_loop3A_953 = arith.index_cast %parallel_loop3A_952 : i32 to index
          %parallel_loop3A_954 = arith.index_cast %parallel_loop3A_943 : i32 to index
          %parallel_loop3A_955 = tpu.vector_load %arg15[%parallel_loop3A_953, %parallel_loop3A_954] {strides = array<i32>} : memref<32x1024xf32, #tpu.memory_space<vmem>>, vector<16xf32>,
          %parallel_loop3A_956 = arith.addf %parallel_loop3A_948, %parallel_loop3A_955 : vector<16xf32>
          %parallel_loop3A_957 = arith.constant 4 : i32
          %parallel_loop3A_958 = arith.muli %parallel_loop3A_957, %parallel_loop3A_937 : i32
          %parallel_loop3A_959 = arith.constant 2 : i32
          %parallel_loop3A_960 = arith.addi %parallel_loop3A_958, %parallel_loop3A_959 : i32
          %parallel_loop3A_961 = arith.index_cast %parallel_loop3A_960 : i32 to index
          %parallel_loop3A_962 = arith.index_cast %parallel_loop3A_943 : i32 to index
          %parallel_loop3A_963 = tpu.vector_load %arg15[%parallel_loop3A_961, %parallel_loop3A_962] {strides = array<i32>} : memref<32x1024xf32, #tpu.memory_space<vmem>>, vector<16xf32>,
          %parallel_loop3A_964 = arith.constant 4 : i32
          %parallel_loop3A_965 = arith.muli %parallel_loop3A_964, %parallel_loop3A_937 : i32
          %parallel_loop3A_966 = arith.constant 3 : i32
          %parallel_loop3A_967 = arith.addi %parallel_loop3A_965, %parallel_loop3A_966 : i32
          %parallel_loop3A_968 = arith.index_cast %parallel_loop3A_967 : i32 to index
          %parallel_loop3A_969 = arith.index_cast %parallel_loop3A_943 : i32 to index
          %parallel_loop3A_970 = tpu.vector_load %arg15[%parallel_loop3A_968, %parallel_loop3A_969] {strides = array<i32>} : memref<32x1024xf32, #tpu.memory_space<vmem>>, vector<16xf32>,
          %parallel_loop3A_971 = arith.addf %parallel_loop3A_963, %parallel_loop3A_970 : vector<16xf32>
          %parallel_loop3A_972 = arith.addf %parallel_loop3A_956, %parallel_loop3A_971 : vector<16xf32>
          %parallel_loop3A_973 = arith.constant 0 : i32
          %parallel_loop3A_974 = arith.addi %parallel_loop3A_973, %parallel_loop3A_937 : i32
          %parallel_loop3A_975 = arith.index_cast %parallel_loop3A_974 : i32 to index
          %parallel_loop3A_976 = arith.index_cast %parallel_loop3A_943 : i32 to index
          %parallel_loop3A_977 = tpu.vector_load %arg17[%parallel_loop3A_975, %parallel_loop3A_976] {strides = array<i32>} : memref<16x1024xf32, #tpu.memory_space<vmem>>, vector<16xf32>,
          tpu.vector_store %arg17[%parallel_loop3A_975, %parallel_loop3A_976], %parallel_loop3A_972 {strides = array<i32>} : memref<16x1024xf32, #tpu.memory_space<vmem>>, vector<16xf32>,
        } {sc.loop_unroll_factor = 4 : i64, sc.parallel_access}
      } else {
      }
      %mul3A_540 = arith.constant 4 : i32
      %mul3A_541 = arith.muli %mul3A_540, %scan3A_459 : i32
      %add3A_542 = arith.constant 1 : i32
      %add3A_543 = arith.addi %mul3A_541, %add3A_542 : i32
      %shift_right_arithmetic3A_544 = arith.constant 1 : i32
      %shift_right_arithmetic3A_545 = arith.shrsi %add3A_543, %shift_right_arithmetic3A_544 : i32
      %mul3A_546 = arith.constant 32 : i32
      %mul3A_547 = arith.muli %mul3A_546, %shift_right_arithmetic3A_545 : i32
      %add3A_548 = arith.addi %add3A, %mul3A_547 : i32
      %mul3A_549 = arith.constant 16 : i32
      %mul3A_550 = arith.muli %add3A_548, %mul3A_549 : i32
      %and3A_551 = arith.constant 1 : i32
      %and3A_552 = arith.andi %add3A_543, %and3A_551 : i32
      %mul3A_553 = arith.constant 8 : i32
      %mul3A_554 = arith.muli %and3A_552, %mul3A_553 : i32
      %add3A_555 = arith.addi %mul3A_550, %mul3A_554 : i32
      %jit3A_556 = arith.constant 4096 : i32
      %div3A_557 = arith.divsi %add3A_555, %jit3A_556 : i32
      %sign3A_558 = arith.constant 0 : i32
      %sign3A_559 = arith.cmpi sgt, %add3A_555, %sign3A_558 : i32
      %sign3A_560 = arith.extui %sign3A_559 : i1 to i32
      %sign3A_561 = arith.constant 0 : i32
      %sign3A_562 = arith.cmpi slt, %add3A_555, %sign3A_561 : i32
      %sign3A_563 = arith.extui %sign3A_562 : i1 to i32
      %sign3A_564 = arith.subi %sign3A_560, %sign3A_563 : i32
      %sign3A_565 = arith.constant 0 : i32
      %sign3A_566 = arith.cmpi sgt, %jit3A_556, %sign3A_565 : i32
      %sign3A_567 = arith.extui %sign3A_566 : i1 to i32
      %sign3A_568 = arith.constant 0 : i32
      %sign3A_569 = arith.cmpi slt, %jit3A_556, %sign3A_568 : i32
      %sign3A_570 = arith.extui %sign3A_569 : i1 to i32
      %sign3A_571 = arith.subi %sign3A_567, %sign3A_570 : i32
      %ne3A_572 = arith.cmpi ne, %sign3A_564, %sign3A_571 : i32
      %rem3A_573 = arith.remsi %add3A_555, %jit3A_556 : i32
      %ne3A_574 = arith.constant 0 : i32
      %ne3A_575 = arith.cmpi ne, %rem3A_573, %ne3A_574 : i32
      %and3A_576 = arith.andi %ne3A_572, %ne3A_575 : i1
      %sub3A_577 = arith.constant 1 : i32
      %sub3A_578 = arith.subi %div3A_557, %sub3A_577 : i32
      %select_n3A_579 = arith.select %and3A_576, %sub3A_578, %div3A_557 : i32
      %eq3A_580 = arith.constant 1 : i32
      %eq3A_581 = arith.cmpi eq, %select_n3A_579, %eq3A_580 : i32
      %select_n3A_582 = arith.select %eq3A_581, %reduce_max3A_165, %reduce_max3A_151 : i32
      %eq3A_583 = arith.constant 2 : i32
      %eq3A_584 = arith.cmpi eq, %select_n3A_579, %eq3A_583 : i32
      %select_n3A_585 = arith.select %eq3A_584, %reduce_max3A_179, %select_n3A_582 : i32
      %eq3A_586 = arith.constant 3 : i32
      %eq3A_587 = arith.cmpi eq, %select_n3A_579, %eq3A_586 : i32
      %select_n3A_588 = arith.select %eq3A_587, %reduce_max3A_193, %select_n3A_585 : i32
      %mul3A_589 = arith.constant 4096 : i32
      %mul3A_590 = arith.muli %select_n3A_579, %mul3A_589 : i32
      %sub3A_591 = arith.subi %add3A_555, %mul3A_590 : i32
      %sub3A_592 = arith.subi %select_n3A_588, %sub3A_591 : i32
      %max3A_593 = arith.constant 0 : i32
      %max3A_594 = arith.maxsi %sub3A_592, %max3A_593 : i32
      %min3A_595 = arith.constant 8 : i32
      %min3A_596 = arith.minsi %max3A_594, %min3A_595 : i32
      %shift_right_arithmetic3A_597 = arith.constant 1 : i32
      %shift_right_arithmetic3A_598 = arith.shrsi %add3A_543, %shift_right_arithmetic3A_597 : i32
      %add3A_599 = arith.constant 1 : i32
      %add3A_600 = arith.addi %add3A_543, %add3A_599 : i32
      %lt3A_601 = arith.constant 64 : i32
      %lt3A_602 = arith.cmpi slt, %add3A_600, %lt3A_601 : i32
      %convert_element_type3A_603 = arith.extui %lt3A_602 : i1 to i32
      %cond3A_604 = arith.constant 0 : i32
      %cond3A_605 = arith.cmpi ne, %convert_element_type3A_603, %cond3A_604 : i32
      scf.if %cond3A_605 {
        %add3A_911 = arith.constant 1 : i32
        %add3A_912 = arith.addi %add3A_543, %add3A_911 : i32
        %shift_right_arithmetic3A_913 = arith.constant 1 : i32
        %shift_right_arithmetic3A_914 = arith.shrsi %add3A_912, %shift_right_arithmetic3A_913 : i32
        %mul3A_915 = arith.constant 32 : i32
        %mul3A_916 = arith.muli %mul3A_915, %shift_right_arithmetic3A_914 : i32
        %add3A_917 = arith.addi %add3A, %mul3A_916 : i32
        %mul3A_918 = arith.constant 16 : i32
        %mul3A_919 = arith.muli %add3A_917, %mul3A_918 : i32
        %and3A_920 = arith.constant 1 : i32
        %and3A_921 = arith.andi %add3A_912, %and3A_920 : i32
        %mul3A_922 = arith.constant 8 : i32
        %mul3A_923 = arith.muli %and3A_921, %mul3A_922 : i32
        %add3A_924 = arith.addi %mul3A_919, %mul3A_923 : i32
        %jit3A_925 = arith.constant 4096 : i32
        %div3A_926 = arith.divsi %add3A_924, %jit3A_925 : i32
        %sign3A_927 = arith.constant 0 : i32
        %sign3A_928 = arith.cmpi sgt, %add3A_924, %sign3A_927 : i32
        %sign3A_929 = arith.extui %sign3A_928 : i1 to i32
        %sign3A_930 = arith.constant 0 : i32
        %sign3A_931 = arith.cmpi slt, %add3A_924, %sign3A_930 : i32
        %sign3A_932 = arith.extui %sign3A_931 : i1 to i32
        %sign3A_933 = arith.subi %sign3A_929, %sign3A_932 : i32
        %sign3A_934 = arith.constant 0 : i32
        %sign3A_935 = arith.cmpi sgt, %jit3A_925, %sign3A_934 : i32
        %sign3A_936 = arith.extui %sign3A_935 : i1 to i32
        %sign3A_937 = arith.constant 0 : i32
        %sign3A_938 = arith.cmpi slt, %jit3A_925, %sign3A_937 : i32
        %sign3A_939 = arith.extui %sign3A_938 : i1 to i32
        %sign3A_940 = arith.subi %sign3A_936, %sign3A_939 : i32
        %ne3A_941 = arith.cmpi ne, %sign3A_933, %sign3A_940 : i32
        %rem3A_942 = arith.remsi %add3A_924, %jit3A_925 : i32
        %ne3A_943 = arith.constant 0 : i32
        %ne3A_944 = arith.cmpi ne, %rem3A_942, %ne3A_943 : i32
        %and3A_945 = arith.andi %ne3A_941, %ne3A_944 : i1
        %sub3A_946 = arith.constant 1 : i32
        %sub3A_947 = arith.subi %div3A_926, %sub3A_946 : i32
        %select_n3A_948 = arith.select %and3A_945, %sub3A_947, %div3A_926 : i32
        %eq3A_949 = arith.constant 1 : i32
        %eq3A_950 = arith.cmpi eq, %select_n3A_948, %eq3A_949 : i32
        %select_n3A_951 = arith.select %eq3A_950, %reduce_max3A_165, %reduce_max3A_151 : i32
        %eq3A_952 = arith.constant 2 : i32
        %eq3A_953 = arith.cmpi eq, %select_n3A_948, %eq3A_952 : i32
        %select_n3A_954 = arith.select %eq3A_953, %reduce_max3A_179, %select_n3A_951 : i32
        %eq3A_955 = arith.constant 3 : i32
        %eq3A_956 = arith.cmpi eq, %select_n3A_948, %eq3A_955 : i32
        %select_n3A_957 = arith.select %eq3A_956, %reduce_max3A_193, %select_n3A_954 : i32
        %mul3A_958 = arith.constant 4096 : i32
        %mul3A_959 = arith.muli %select_n3A_948, %mul3A_958 : i32
        %sub3A_960 = arith.subi %add3A_924, %mul3A_959 : i32
        %sub3A_961 = arith.subi %select_n3A_957, %sub3A_960 : i32
        %max3A_962 = arith.constant 0 : i32
        %max3A_963 = arith.maxsi %sub3A_961, %max3A_962 : i32
        %min3A_964 = arith.constant 8 : i32
        %min3A_965 = arith.minsi %max3A_963, %min3A_964 : i32
        %shift_right_arithmetic3A_966 = arith.constant 1 : i32
        %shift_right_arithmetic3A_967 = arith.shrsi %add3A_912, %shift_right_arithmetic3A_966 : i32
        %broadcast_in_dim3A_968 = vector.broadcast %shift_right_arithmetic3A_967 : i32 to vector<16xi32>
        %and3A_969 = arith.constant 1 : i32
        %and3A_970 = arith.andi %add3A_912, %and3A_969 : i32
        %mul3A_971 = arith.constant 32 : i32
        %mul3A_972 = arith.muli %and3A_970, %mul3A_971 : i32
        %add3A_973 = arith.addi %mul3A_43, %mul3A_972 : i32
        %shift_right_arithmetic3A_974 = arith.constant 2 : i32
        %shift_right_arithmetic3A_975 = vector.broadcast %shift_right_arithmetic3A_974 : i32 to vector<16xi32>
        %shift_right_arithmetic3A_976 = arith.shrsi %iota3A, %shift_right_arithmetic3A_975 : vector<16xi32>
        %add3A_977 = arith.constant 0 : i32
        %add3A_978 = vector.broadcast %add3A_977 : i32 to vector<16xi32>
        %add3A_979 = arith.addi %shift_right_arithmetic3A_976, %add3A_978 : vector<16xi32>
        %add3A_980 = vector.broadcast %add3A_973 : i32 to vector<16xi32>
        %add3A_981 = arith.addi %add3A_980, %iota3A : vector<16xi32>
        %add3A_982 = arith.constant 0 : i32
        %add3A_983 = vector.broadcast %add3A_982 : i32 to vector<16xi32>
        %add3A_984 = arith.addi %add3A_981, %add3A_983 : vector<16xi32>
        %gather3A_985 = tpu.vector_load_idx %arg9[%broadcast_in_dim3A_968, %add3A_984] : memref<32x128xi32, #tpu.memory_space<vmem>>[vector<16xi32>, vector<16xi32>], vector<16xi32>,
        %lt3A_986 = vector.broadcast %min3A_965 : i32 to vector<16xi32>
        %lt3A_987 = arith.cmpi slt, %add3A_979, %lt3A_986 : vector<16xi32>
        %jit3A_988 = arith.constant 0 : i32
        %broadcast_in_dim3A_989 = vector.broadcast %jit3A_988 : i32 to vector<16xi32>
        %select_n3A_990 = arith.select %lt3A_987, %gather3A_985, %broadcast_in_dim3A_989 : vector<16xi1>, vector<16xi32>
        %swap3A_991 = arith.constant 0 : index
        %swap3A_992 = tpu.vector_load %arg13[%swap3A_991] {strides = array<i32>} : memref<32xi32, #tpu.memory_space<vmem>>, vector<16xi32>,
        tpu.vector_store %arg13[%swap3A_991], %select_n3A_990 {strides = array<i32>} : memref<32xi32, #tpu.memory_space<vmem>>, vector<16xi32>,
        %shift_right_arithmetic3A_993 = arith.constant 2 : i32
        %shift_right_arithmetic3A_994 = vector.broadcast %shift_right_arithmetic3A_993 : i32 to vector<16xi32>
        %shift_right_arithmetic3A_995 = arith.shrsi %iota3A, %shift_right_arithmetic3A_994 : vector<16xi32>
        %add3A_996 = arith.constant 4 : i32
        %add3A_997 = vector.broadcast %add3A_996 : i32 to vector<16xi32>
        %add3A_998 = arith.addi %shift_right_arithmetic3A_995, %add3A_997 : vector<16xi32>
        %add3A_999 = vector.broadcast %add3A_973 : i32 to vector<16xi32>
        %add3A_1000 = arith.addi %add3A_999, %iota3A : vector<16xi32>
        %add3A_1001 = arith.constant 16 : i32
        %add3A_1002 = vector.broadcast %add3A_1001 : i32 to vector<16xi32>
        %add3A_1003 = arith.addi %add3A_1000, %add3A_1002 : vector<16xi32>
        %gather3A_1004 = tpu.vector_load_idx %arg9[%broadcast_in_dim3A_968, %add3A_1003] : memref<32x128xi32, #tpu.memory_space<vmem>>[vector<16xi32>, vector<16xi32>], vector<16xi32>,
        %lt3A_1005 = vector.broadcast %min3A_965 : i32 to vector<16xi32>
        %lt3A_1006 = arith.cmpi slt, %add3A_998, %lt3A_1005 : vector<16xi32>
        %jit3A_1007 = arith.constant 0 : i32
        %broadcast_in_dim3A_1008 = vector.broadcast %jit3A_1007 : i32 to vector<16xi32>
        %select_n3A_1009 = arith.select %lt3A_1006, %gather3A_1004, %broadcast_in_dim3A_1008 : vector<16xi1>, vector<16xi32>
        %swap3A_1010 = arith.constant 16 : index
        %swap3A_1011 = tpu.vector_load %arg13[%swap3A_1010] {strides = array<i32>} : memref<32xi32, #tpu.memory_space<vmem>>, vector<16xi32>,
        tpu.vector_store %arg13[%swap3A_1010], %select_n3A_1009 {strides = array<i32>} : memref<32xi32, #tpu.memory_space<vmem>>, vector<16xi32>,
        %gt3A_1012 = arith.constant 0 : i32
        %gt3A_1013 = arith.cmpi sgt, %min3A_965, %gt3A_1012 : i32
        %convert_element_type3A_1014 = arith.extui %gt3A_1013 : i1 to i32
        %cond3A_1015 = arith.constant 0 : i32
        %cond3A_1016 = arith.cmpi ne, %convert_element_type3A_1014, %cond3A_1015 : i32
        scf.if %cond3A_1016 {
          %dma_start3A_1017 = arith.constant 0 : i32
          %dma_start3A_1018 = arith.constant 0 : i32
          %dma_start3A_1019 = tpu.memref_slice %arg5[%dma_start3A_1017, %dma_start3A_1018] : memref<100000x1024xf32, #tpu.memory_space<hbm>> -> memref<100000x1024xf32, #tpu.memory_space<hbm>>
          tpu.enqueue_indirect_dma source(%dma_start3A_1019 : memref<100000x1024xf32, #tpu.memory_space<hbm>>) target(%arg15 : memref<32x1024xf32, #tpu.memory_space<vmem>>) offsets(%arg13 : memref<32xi32, #tpu.memory_space<vmem>>) semaphore(%arg21 : memref<!tpu.dma_semaphore, #tpu.memory_space<semaphore_mem>>)
        } else {
        }
      } else {
      }
      %gt3A_606 = arith.constant 0 : i32
      %gt3A_607 = arith.cmpi sgt, %min3A_596, %gt3A_606 : i32
      %convert_element_type3A_608 = arith.extui %gt3A_607 : i1 to i32
      %cond3A_609 = arith.constant 0 : i32
      %cond3A_610 = arith.cmpi ne, %convert_element_type3A_608, %cond3A_609 : i32
      scf.if %cond3A_610 {
        %dma_wait3A_911 = arith.constant 0 : i32
        %dma_wait3A_912 = arith.constant 0 : i32
        %dma_wait3A_913 = tpu.memref_slice %arg5[%dma_wait3A_911, %dma_wait3A_912] : memref<100000x1024xf32, #tpu.memory_space<hbm>> -> memref<100000x1024xf32, #tpu.memory_space<hbm>>
        tpu.wait_indirect_dma semaphore(%arg22 : memref<!tpu.dma_semaphore, #tpu.memory_space<semaphore_mem>>) src(%dma_wait3A_913 : memref<100000x1024xf32, #tpu.memory_space<hbm>>) dst(%arg16 : memref<32x1024xf32, #tpu.memory_space<vmem>>)
      } else {
      }
      %gt3A_611 = arith.constant 0 : i32
      %gt3A_612 = arith.cmpi sgt, %min3A_596, %gt3A_611 : i32
      %convert_element_type3A_613 = arith.extui %gt3A_612 : i1 to i32
      %cond3A_614 = arith.constant 0 : i32
      %cond3A_615 = arith.cmpi ne, %convert_element_type3A_613, %cond3A_614 : i32
      scf.if %cond3A_615 {
        %parallel_loop3A = arith.constant 0 : i32
        %parallel_loop3A_911 = arith.constant 512 : i32
        %parallel_loop3A_912 = arith.constant 1 : i32
        scf.for %parallel_loop3A_913 = %parallel_loop3A to %parallel_loop3A_911 step %parallel_loop3A_912  : i32 {
          %parallel_loop3A_914 = arith.constant 64 : i32
          %parallel_loop3A_915 = arith.divsi %parallel_loop3A_913, %parallel_loop3A_914 : i32
          %parallel_loop3A_916 = arith.constant 0 : i32
          %parallel_loop3A_917 = arith.cmpi sgt, %parallel_loop3A_913, %parallel_loop3A_916 : i32
          %parallel_loop3A_918 = arith.extui %parallel_loop3A_917 : i1 to i32
          %parallel_loop3A_919 = arith.constant 0 : i32
          %parallel_loop3A_920 = arith.cmpi slt, %parallel_loop3A_913, %parallel_loop3A_919 : i32
          %parallel_loop3A_921 = arith.extui %parallel_loop3A_920 : i1 to i32
          %parallel_loop3A_922 = arith.subi %parallel_loop3A_918, %parallel_loop3A_921 : i32
          %parallel_loop3A_923 = arith.constant 0 : i32
          %parallel_loop3A_924 = arith.cmpi sgt, %parallel_loop3A_914, %parallel_loop3A_923 : i32
          %parallel_loop3A_925 = arith.extui %parallel_loop3A_924 : i1 to i32
          %parallel_loop3A_926 = arith.constant 0 : i32
          %parallel_loop3A_927 = arith.cmpi slt, %parallel_loop3A_914, %parallel_loop3A_926 : i32
          %parallel_loop3A_928 = arith.extui %parallel_loop3A_927 : i1 to i32
          %parallel_loop3A_929 = arith.subi %parallel_loop3A_925, %parallel_loop3A_928 : i32
          %parallel_loop3A_930 = arith.cmpi ne, %parallel_loop3A_922, %parallel_loop3A_929 : i32
          %parallel_loop3A_931 = arith.remsi %parallel_loop3A_913, %parallel_loop3A_914 : i32
          %parallel_loop3A_932 = arith.constant 0 : i32
          %parallel_loop3A_933 = arith.cmpi ne, %parallel_loop3A_931, %parallel_loop3A_932 : i32
          %parallel_loop3A_934 = arith.andi %parallel_loop3A_930, %parallel_loop3A_933 : i1
          %parallel_loop3A_935 = arith.constant 1 : i32
          %parallel_loop3A_936 = arith.subi %parallel_loop3A_915, %parallel_loop3A_935 : i32
          %parallel_loop3A_937 = arith.select %parallel_loop3A_934, %parallel_loop3A_936, %parallel_loop3A_915 : i32
          %parallel_loop3A_938 = arith.constant 64 : i32
          %parallel_loop3A_939 = arith.muli %parallel_loop3A_937, %parallel_loop3A_938 : i32
          %parallel_loop3A_940 = arith.subi %parallel_loop3A_913, %parallel_loop3A_939 : i32
          %parallel_loop3A_941 = arith.constant 16 : i32
          %parallel_loop3A_942 = arith.muli %parallel_loop3A_940, %parallel_loop3A_941 : i32
          %parallel_loop3A_943 = tpu.assume_multiple %parallel_loop3A_942, 16 : i32
          %parallel_loop3A_944 = arith.constant 4 : i32
          %parallel_loop3A_945 = arith.muli %parallel_loop3A_944, %parallel_loop3A_937 : i32
          %parallel_loop3A_946 = arith.index_cast %parallel_loop3A_945 : i32 to index
          %parallel_loop3A_947 = arith.index_cast %parallel_loop3A_943 : i32 to index
          %parallel_loop3A_948 = tpu.vector_load %arg16[%parallel_loop3A_946, %parallel_loop3A_947] {strides = array<i32>} : memref<32x1024xf32, #tpu.memory_space<vmem>>, vector<16xf32>,
          %parallel_loop3A_949 = arith.constant 4 : i32
          %parallel_loop3A_950 = arith.muli %parallel_loop3A_949, %parallel_loop3A_937 : i32
          %parallel_loop3A_951 = arith.constant 1 : i32
          %parallel_loop3A_952 = arith.addi %parallel_loop3A_950, %parallel_loop3A_951 : i32
          %parallel_loop3A_953 = arith.index_cast %parallel_loop3A_952 : i32 to index
          %parallel_loop3A_954 = arith.index_cast %parallel_loop3A_943 : i32 to index
          %parallel_loop3A_955 = tpu.vector_load %arg16[%parallel_loop3A_953, %parallel_loop3A_954] {strides = array<i32>} : memref<32x1024xf32, #tpu.memory_space<vmem>>, vector<16xf32>,
          %parallel_loop3A_956 = arith.addf %parallel_loop3A_948, %parallel_loop3A_955 : vector<16xf32>
          %parallel_loop3A_957 = arith.constant 4 : i32
          %parallel_loop3A_958 = arith.muli %parallel_loop3A_957, %parallel_loop3A_937 : i32
          %parallel_loop3A_959 = arith.constant 2 : i32
          %parallel_loop3A_960 = arith.addi %parallel_loop3A_958, %parallel_loop3A_959 : i32
          %parallel_loop3A_961 = arith.index_cast %parallel_loop3A_960 : i32 to index
          %parallel_loop3A_962 = arith.index_cast %parallel_loop3A_943 : i32 to index
          %parallel_loop3A_963 = tpu.vector_load %arg16[%parallel_loop3A_961, %parallel_loop3A_962] {strides = array<i32>} : memref<32x1024xf32, #tpu.memory_space<vmem>>, vector<16xf32>,
          %parallel_loop3A_964 = arith.constant 4 : i32
          %parallel_loop3A_965 = arith.muli %parallel_loop3A_964, %parallel_loop3A_937 : i32
          %parallel_loop3A_966 = arith.constant 3 : i32
          %parallel_loop3A_967 = arith.addi %parallel_loop3A_965, %parallel_loop3A_966 : i32
          %parallel_loop3A_968 = arith.index_cast %parallel_loop3A_967 : i32 to index
          %parallel_loop3A_969 = arith.index_cast %parallel_loop3A_943 : i32 to index
          %parallel_loop3A_970 = tpu.vector_load %arg16[%parallel_loop3A_968, %parallel_loop3A_969] {strides = array<i32>} : memref<32x1024xf32, #tpu.memory_space<vmem>>, vector<16xf32>,
          %parallel_loop3A_971 = arith.addf %parallel_loop3A_963, %parallel_loop3A_970 : vector<16xf32>
          %parallel_loop3A_972 = arith.addf %parallel_loop3A_956, %parallel_loop3A_971 : vector<16xf32>
          %parallel_loop3A_973 = arith.constant 8 : i32
          %parallel_loop3A_974 = arith.addi %parallel_loop3A_973, %parallel_loop3A_937 : i32
          %parallel_loop3A_975 = arith.index_cast %parallel_loop3A_974 : i32 to index
          %parallel_loop3A_976 = arith.index_cast %parallel_loop3A_943 : i32 to index
          %parallel_loop3A_977 = tpu.vector_load %arg17[%parallel_loop3A_975, %parallel_loop3A_976] {strides = array<i32>} : memref<16x1024xf32, #tpu.memory_space<vmem>>, vector<16xf32>,
          tpu.vector_store %arg17[%parallel_loop3A_975, %parallel_loop3A_976], %parallel_loop3A_972 {strides = array<i32>} : memref<16x1024xf32, #tpu.memory_space<vmem>>, vector<16xf32>,
        } {sc.loop_unroll_factor = 4 : i64, sc.parallel_access}
      } else {
      }
      %mul3A_616 = arith.constant 32 : i32
      %mul3A_617 = arith.muli %mul3A_616, %shift_right_arithmetic3A_598 : i32
      %add3A_618 = arith.addi %add3A, %mul3A_617 : i32
      %mul3A_619 = arith.constant 16 : i32
      %mul3A_620 = arith.muli %add3A_618, %mul3A_619 : i32
      %jit3A_621 = arith.constant 4096 : i32
      %div3A_622 = arith.divsi %mul3A_620, %jit3A_621 : i32
      %sign3A_623 = arith.constant 0 : i32
      %sign3A_624 = arith.cmpi sgt, %mul3A_620, %sign3A_623 : i32
      %sign3A_625 = arith.extui %sign3A_624 : i1 to i32
      %sign3A_626 = arith.constant 0 : i32
      %sign3A_627 = arith.cmpi slt, %mul3A_620, %sign3A_626 : i32
      %sign3A_628 = arith.extui %sign3A_627 : i1 to i32
      %sign3A_629 = arith.subi %sign3A_625, %sign3A_628 : i32
      %sign3A_630 = arith.constant 0 : i32
      %sign3A_631 = arith.cmpi sgt, %jit3A_621, %sign3A_630 : i32
      %sign3A_632 = arith.extui %sign3A_631 : i1 to i32
      %sign3A_633 = arith.constant 0 : i32
      %sign3A_634 = arith.cmpi slt, %jit3A_621, %sign3A_633 : i32
      %sign3A_635 = arith.extui %sign3A_634 : i1 to i32
      %sign3A_636 = arith.subi %sign3A_632, %sign3A_635 : i32
      %ne3A_637 = arith.cmpi ne, %sign3A_629, %sign3A_636 : i32
      %rem3A_638 = arith.remsi %mul3A_620, %jit3A_621 : i32
      %ne3A_639 = arith.constant 0 : i32
      %ne3A_640 = arith.cmpi ne, %rem3A_638, %ne3A_639 : i32
      %and3A_641 = arith.andi %ne3A_637, %ne3A_640 : i1
      %sub3A_642 = arith.constant 1 : i32
      %sub3A_643 = arith.subi %div3A_622, %sub3A_642 : i32
      %select_n3A_644 = arith.select %and3A_641, %sub3A_643, %div3A_622 : i32
      %eq3A_645 = arith.constant 1 : i32
      %eq3A_646 = arith.cmpi eq, %select_n3A_644, %eq3A_645 : i32
      %select_n3A_647 = arith.select %eq3A_646, %reduce_max3A_165, %reduce_max3A_151 : i32
      %eq3A_648 = arith.constant 2 : i32
      %eq3A_649 = arith.cmpi eq, %select_n3A_644, %eq3A_648 : i32
      %select_n3A_650 = arith.select %eq3A_649, %reduce_max3A_179, %select_n3A_647 : i32
      %eq3A_651 = arith.constant 3 : i32
      %eq3A_652 = arith.cmpi eq, %select_n3A_644, %eq3A_651 : i32
      %select_n3A_653 = arith.select %eq3A_652, %reduce_max3A_193, %select_n3A_650 : i32
      %mul3A_654 = arith.constant 4096 : i32
      %mul3A_655 = arith.muli %select_n3A_644, %mul3A_654 : i32
      %sub3A_656 = arith.subi %mul3A_620, %mul3A_655 : i32
      %sub3A_657 = arith.subi %select_n3A_653, %sub3A_656 : i32
      %max3A_658 = arith.constant 0 : i32
      %max3A_659 = arith.maxsi %sub3A_657, %max3A_658 : i32
      %min3A_660 = arith.constant 16 : i32
      %min3A_661 = arith.minsi %max3A_659, %min3A_660 : i32
      %eq3A_662 = arith.constant 0 : i32
      %eq3A_663 = arith.cmpi eq, %min3A_596, %eq3A_662 : i32
      %gt3A_664 = arith.constant 0 : i32
      %gt3A_665 = arith.cmpi sgt, %min3A_661, %gt3A_664 : i32
      %and3A_666 = arith.andi %eq3A_663, %gt3A_665 : i1
      %convert_element_type3A_667 = arith.extui %and3A_666 : i1 to i32
      %cond3A_668 = arith.constant 0 : i32
      %cond3A_669 = arith.cmpi ne, %convert_element_type3A_667, %cond3A_668 : i32
      scf.if %cond3A_669 {
        %parallel_loop3A = arith.constant 0 : i32
        %parallel_loop3A_911 = arith.constant 64 : i32
        %parallel_loop3A_912 = arith.constant 1 : i32
        scf.for %parallel_loop3A_934 = %parallel_loop3A to %parallel_loop3A_911 step %parallel_loop3A_912  : i32 {
          %parallel_loop3A_935 = arith.constant 16 : i32
          %parallel_loop3A_936 = arith.muli %parallel_loop3A_934, %parallel_loop3A_935 : i32
          %parallel_loop3A_937 = tpu.assume_multiple %parallel_loop3A_936, 16 : i32
          %parallel_loop3A_938 = arith.constant 8 : i32
          %parallel_loop3A_939 = arith.index_cast %parallel_loop3A_938 : i32 to index
          %parallel_loop3A_940 = arith.index_cast %parallel_loop3A_937 : i32 to index
          %parallel_loop3A_941 = tpu.vector_load %arg17[%parallel_loop3A_939, %parallel_loop3A_940] {strides = array<i32>} : memref<16x1024xf32, #tpu.memory_space<vmem>>, vector<16xf32>,
          tpu.vector_store %arg17[%parallel_loop3A_939, %parallel_loop3A_940], %broadcast_in_dim3A_6 {strides = array<i32>} : memref<16x1024xf32, #tpu.memory_space<vmem>>, vector<16xf32>,
        } {sc.loop_unroll_factor = 4 : i64, sc.parallel_access}
        %parallel_loop3A_913 = arith.constant 0 : i32
        %parallel_loop3A_914 = arith.constant 64 : i32
        %parallel_loop3A_915 = arith.constant 1 : i32
        scf.for %parallel_loop3A_934 = %parallel_loop3A_913 to %parallel_loop3A_914 step %parallel_loop3A_915  : i32 {
          %parallel_loop3A_935 = arith.constant 16 : i32
          %parallel_loop3A_936 = arith.muli %parallel_loop3A_934, %parallel_loop3A_935 : i32
          %parallel_loop3A_937 = tpu.assume_multiple %parallel_loop3A_936, 16 : i32
          %parallel_loop3A_938 = arith.constant 9 : i32
          %parallel_loop3A_939 = arith.index_cast %parallel_loop3A_938 : i32 to index
          %parallel_loop3A_940 = arith.index_cast %parallel_loop3A_937 : i32 to index
          %parallel_loop3A_941 = tpu.vector_load %arg17[%parallel_loop3A_939, %parallel_loop3A_940] {strides = array<i32>} : memref<16x1024xf32, #tpu.memory_space<vmem>>, vector<16xf32>,
          tpu.vector_store %arg17[%parallel_loop3A_939, %parallel_loop3A_940], %broadcast_in_dim3A_6 {strides = array<i32>} : memref<16x1024xf32, #tpu.memory_space<vmem>>, vector<16xf32>,
        } {sc.loop_unroll_factor = 4 : i64, sc.parallel_access}
        %parallel_loop3A_916 = arith.constant 0 : i32
        %parallel_loop3A_917 = arith.constant 64 : i32
        %parallel_loop3A_918 = arith.constant 1 : i32
        scf.for %parallel_loop3A_934 = %parallel_loop3A_916 to %parallel_loop3A_917 step %parallel_loop3A_918  : i32 {
          %parallel_loop3A_935 = arith.constant 16 : i32
          %parallel_loop3A_936 = arith.muli %parallel_loop3A_934, %parallel_loop3A_935 : i32
          %parallel_loop3A_937 = tpu.assume_multiple %parallel_loop3A_936, 16 : i32
          %parallel_loop3A_938 = arith.constant 10 : i32
          %parallel_loop3A_939 = arith.index_cast %parallel_loop3A_938 : i32 to index
          %parallel_loop3A_940 = arith.index_cast %parallel_loop3A_937 : i32 to index
          %parallel_loop3A_941 = tpu.vector_load %arg17[%parallel_loop3A_939, %parallel_loop3A_940] {strides = array<i32>} : memref<16x1024xf32, #tpu.memory_space<vmem>>, vector<16xf32>,
          tpu.vector_store %arg17[%parallel_loop3A_939, %parallel_loop3A_940], %broadcast_in_dim3A_6 {strides = array<i32>} : memref<16x1024xf32, #tpu.memory_space<vmem>>, vector<16xf32>,
        } {sc.loop_unroll_factor = 4 : i64, sc.parallel_access}
        %parallel_loop3A_919 = arith.constant 0 : i32
        %parallel_loop3A_920 = arith.constant 64 : i32
        %parallel_loop3A_921 = arith.constant 1 : i32
        scf.for %parallel_loop3A_934 = %parallel_loop3A_919 to %parallel_loop3A_920 step %parallel_loop3A_921  : i32 {
          %parallel_loop3A_935 = arith.constant 16 : i32
          %parallel_loop3A_936 = arith.muli %parallel_loop3A_934, %parallel_loop3A_935 : i32
          %parallel_loop3A_937 = tpu.assume_multiple %parallel_loop3A_936, 16 : i32
          %parallel_loop3A_938 = arith.constant 11 : i32
          %parallel_loop3A_939 = arith.index_cast %parallel_loop3A_938 : i32 to index
          %parallel_loop3A_940 = arith.index_cast %parallel_loop3A_937 : i32 to index
          %parallel_loop3A_941 = tpu.vector_load %arg17[%parallel_loop3A_939, %parallel_loop3A_940] {strides = array<i32>} : memref<16x1024xf32, #tpu.memory_space<vmem>>, vector<16xf32>,
          tpu.vector_store %arg17[%parallel_loop3A_939, %parallel_loop3A_940], %broadcast_in_dim3A_6 {strides = array<i32>} : memref<16x1024xf32, #tpu.memory_space<vmem>>, vector<16xf32>,
        } {sc.loop_unroll_factor = 4 : i64, sc.parallel_access}
        %parallel_loop3A_922 = arith.constant 0 : i32
        %parallel_loop3A_923 = arith.constant 64 : i32
        %parallel_loop3A_924 = arith.constant 1 : i32
        scf.for %parallel_loop3A_934 = %parallel_loop3A_922 to %parallel_loop3A_923 step %parallel_loop3A_924  : i32 {
          %parallel_loop3A_935 = arith.constant 16 : i32
          %parallel_loop3A_936 = arith.muli %parallel_loop3A_934, %parallel_loop3A_935 : i32
          %parallel_loop3A_937 = tpu.assume_multiple %parallel_loop3A_936, 16 : i32
          %parallel_loop3A_938 = arith.constant 12 : i32
          %parallel_loop3A_939 = arith.index_cast %parallel_loop3A_938 : i32 to index
          %parallel_loop3A_940 = arith.index_cast %parallel_loop3A_937 : i32 to index
          %parallel_loop3A_941 = tpu.vector_load %arg17[%parallel_loop3A_939, %parallel_loop3A_940] {strides = array<i32>} : memref<16x1024xf32, #tpu.memory_space<vmem>>, vector<16xf32>,
          tpu.vector_store %arg17[%parallel_loop3A_939, %parallel_loop3A_940], %broadcast_in_dim3A_6 {strides = array<i32>} : memref<16x1024xf32, #tpu.memory_space<vmem>>, vector<16xf32>,
        } {sc.loop_unroll_factor = 4 : i64, sc.parallel_access}
        %parallel_loop3A_925 = arith.constant 0 : i32
        %parallel_loop3A_926 = arith.constant 64 : i32
        %parallel_loop3A_927 = arith.constant 1 : i32
        scf.for %parallel_loop3A_934 = %parallel_loop3A_925 to %parallel_loop3A_926 step %parallel_loop3A_927  : i32 {
          %parallel_loop3A_935 = arith.constant 16 : i32
          %parallel_loop3A_936 = arith.muli %parallel_loop3A_934, %parallel_loop3A_935 : i32
          %parallel_loop3A_937 = tpu.assume_multiple %parallel_loop3A_936, 16 : i32
          %parallel_loop3A_938 = arith.constant 13 : i32
          %parallel_loop3A_939 = arith.index_cast %parallel_loop3A_938 : i32 to index
          %parallel_loop3A_940 = arith.index_cast %parallel_loop3A_937 : i32 to index
          %parallel_loop3A_941 = tpu.vector_load %arg17[%parallel_loop3A_939, %parallel_loop3A_940] {strides = array<i32>} : memref<16x1024xf32, #tpu.memory_space<vmem>>, vector<16xf32>,
          tpu.vector_store %arg17[%parallel_loop3A_939, %parallel_loop3A_940], %broadcast_in_dim3A_6 {strides = array<i32>} : memref<16x1024xf32, #tpu.memory_space<vmem>>, vector<16xf32>,
        } {sc.loop_unroll_factor = 4 : i64, sc.parallel_access}
        %parallel_loop3A_928 = arith.constant 0 : i32
        %parallel_loop3A_929 = arith.constant 64 : i32
        %parallel_loop3A_930 = arith.constant 1 : i32
        scf.for %parallel_loop3A_934 = %parallel_loop3A_928 to %parallel_loop3A_929 step %parallel_loop3A_930  : i32 {
          %parallel_loop3A_935 = arith.constant 16 : i32
          %parallel_loop3A_936 = arith.muli %parallel_loop3A_934, %parallel_loop3A_935 : i32
          %parallel_loop3A_937 = tpu.assume_multiple %parallel_loop3A_936, 16 : i32
          %parallel_loop3A_938 = arith.constant 14 : i32
          %parallel_loop3A_939 = arith.index_cast %parallel_loop3A_938 : i32 to index
          %parallel_loop3A_940 = arith.index_cast %parallel_loop3A_937 : i32 to index
          %parallel_loop3A_941 = tpu.vector_load %arg17[%parallel_loop3A_939, %parallel_loop3A_940] {strides = array<i32>} : memref<16x1024xf32, #tpu.memory_space<vmem>>, vector<16xf32>,
          tpu.vector_store %arg17[%parallel_loop3A_939, %parallel_loop3A_940], %broadcast_in_dim3A_6 {strides = array<i32>} : memref<16x1024xf32, #tpu.memory_space<vmem>>, vector<16xf32>,
        } {sc.loop_unroll_factor = 4 : i64, sc.parallel_access}
        %parallel_loop3A_931 = arith.constant 0 : i32
        %parallel_loop3A_932 = arith.constant 64 : i32
        %parallel_loop3A_933 = arith.constant 1 : i32
        scf.for %parallel_loop3A_934 = %parallel_loop3A_931 to %parallel_loop3A_932 step %parallel_loop3A_933  : i32 {
          %parallel_loop3A_935 = arith.constant 16 : i32
          %parallel_loop3A_936 = arith.muli %parallel_loop3A_934, %parallel_loop3A_935 : i32
          %parallel_loop3A_937 = tpu.assume_multiple %parallel_loop3A_936, 16 : i32
          %parallel_loop3A_938 = arith.constant 15 : i32
          %parallel_loop3A_939 = arith.index_cast %parallel_loop3A_938 : i32 to index
          %parallel_loop3A_940 = arith.index_cast %parallel_loop3A_937 : i32 to index
          %parallel_loop3A_941 = tpu.vector_load %arg17[%parallel_loop3A_939, %parallel_loop3A_940] {strides = array<i32>} : memref<16x1024xf32, #tpu.memory_space<vmem>>, vector<16xf32>,
          tpu.vector_store %arg17[%parallel_loop3A_939, %parallel_loop3A_940], %broadcast_in_dim3A_6 {strides = array<i32>} : memref<16x1024xf32, #tpu.memory_space<vmem>>, vector<16xf32>,
        } {sc.loop_unroll_factor = 4 : i64, sc.parallel_access}
      } else {
      }
      %mul3A_670 = arith.constant 32 : i32
      %mul3A_671 = arith.muli %mul3A_670, %shift_right_arithmetic3A_598 : i32
      %add3A_672 = arith.addi %add3A, %mul3A_671 : i32
      %mul3A_673 = arith.constant 16 : i32
      %mul3A_674 = arith.muli %add3A_672, %mul3A_673 : i32
      %gt3A_675 = arith.constant 0 : i32
      %gt3A_676 = arith.cmpi sgt, %min3A_661, %gt3A_675 : i32
      %convert_element_type3A_677 = arith.extui %gt3A_676 : i1 to i32
      %cond3A_678 = arith.constant 0 : i32
      %cond3A_679 = arith.cmpi ne, %convert_element_type3A_677, %cond3A_678 : i32
      scf.if %cond3A_679 {
        %dma_start3A_911 = arith.constant 0 : i32
        %dma_start3A_912 = tpu.memref_slice %arg6[%mul3A_674, %dma_start3A_911] : memref<16384x1024xf32, #tpu.memory_space<hbm>> -> memref<16x1024xf32, #tpu.memory_space<hbm>>
        %dma_start3A_913 = arith.constant 0 : i32
        %dma_start3A_914 = tpu.memref_slice %arg6[%mul3A_674, %dma_start3A_913] : memref<16384x1024xf32, #tpu.memory_space<hbm>> -> memref<16x1024xf32, #tpu.memory_space<hbm>>
        tpu.enqueue_dma source(%arg17 : memref<16x1024xf32, #tpu.memory_space<vmem>>) target(%dma_start3A_914 : memref<16x1024xf32, #tpu.memory_space<hbm>>) target_semaphore(%arg23 : memref<!tpu.dma_semaphore, #tpu.memory_space<semaphore_mem>>)
      } else {
      }
      %eq3A_680 = arith.constant 0 : i32
      %eq3A_681 = arith.cmpi eq, %min3A_661, %eq3A_680 : i32
      %convert_element_type3A_682 = arith.extui %eq3A_681 : i1 to i32
      %cond3A_683 = arith.constant 0 : i32
      %cond3A_684 = arith.cmpi ne, %convert_element_type3A_682, %cond3A_683 : i32
      scf.if %cond3A_684 {
        %dma_start3A_911 = arith.constant 0 : i32
        %dma_start3A_912 = tpu.memref_slice %arg6[%mul3A_674, %dma_start3A_911] : memref<16384x1024xf32, #tpu.memory_space<hbm>> -> memref<16x1024xf32, #tpu.memory_space<hbm>>
        %dma_start3A_913 = arith.constant 0 : i32
        %dma_start3A_914 = tpu.memref_slice %arg6[%mul3A_674, %dma_start3A_913] : memref<16384x1024xf32, #tpu.memory_space<hbm>> -> memref<16x1024xf32, #tpu.memory_space<hbm>>
        tpu.enqueue_dma source(%arg19 : memref<16x1024xf32, #tpu.memory_space<vmem>>) target(%dma_start3A_914 : memref<16x1024xf32, #tpu.memory_space<hbm>>) target_semaphore(%arg25 : memref<!tpu.dma_semaphore, #tpu.memory_space<semaphore_mem>>)
      } else {
      }
      %mul3A_685 = arith.constant 4 : i32
      %mul3A_686 = arith.muli %mul3A_685, %scan3A_459 : i32
      %add3A_687 = arith.constant 2 : i32
      %add3A_688 = arith.addi %mul3A_686, %add3A_687 : i32
      %shift_right_arithmetic3A_689 = arith.constant 1 : i32
      %shift_right_arithmetic3A_690 = arith.shrsi %add3A_688, %shift_right_arithmetic3A_689 : i32
      %mul3A_691 = arith.constant 32 : i32
      %mul3A_692 = arith.muli %mul3A_691, %shift_right_arithmetic3A_690 : i32
      %add3A_693 = arith.addi %add3A, %mul3A_692 : i32
      %mul3A_694 = arith.constant 16 : i32
      %mul3A_695 = arith.muli %add3A_693, %mul3A_694 : i32
      %and3A_696 = arith.constant 1 : i32
      %and3A_697 = arith.andi %add3A_688, %and3A_696 : i32
      %mul3A_698 = arith.constant 8 : i32
      %mul3A_699 = arith.muli %and3A_697, %mul3A_698 : i32
      %add3A_700 = arith.addi %mul3A_695, %mul3A_699 : i32
      %jit3A_701 = arith.constant 4096 : i32
      %div3A_702 = arith.divsi %add3A_700, %jit3A_701 : i32
      %sign3A_703 = arith.constant 0 : i32
      %sign3A_704 = arith.cmpi sgt, %add3A_700, %sign3A_703 : i32
      %sign3A_705 = arith.extui %sign3A_704 : i1 to i32
      %sign3A_706 = arith.constant 0 : i32
      %sign3A_707 = arith.cmpi slt, %add3A_700, %sign3A_706 : i32
      %sign3A_708 = arith.extui %sign3A_707 : i1 to i32
      %sign3A_709 = arith.subi %sign3A_705, %sign3A_708 : i32
      %sign3A_710 = arith.constant 0 : i32
      %sign3A_711 = arith.cmpi sgt, %jit3A_701, %sign3A_710 : i32
      %sign3A_712 = arith.extui %sign3A_711 : i1 to i32
      %sign3A_713 = arith.constant 0 : i32
      %sign3A_714 = arith.cmpi slt, %jit3A_701, %sign3A_713 : i32
      %sign3A_715 = arith.extui %sign3A_714 : i1 to i32
      %sign3A_716 = arith.subi %sign3A_712, %sign3A_715 : i32
      %ne3A_717 = arith.cmpi ne, %sign3A_709, %sign3A_716 : i32
      %rem3A_718 = arith.remsi %add3A_700, %jit3A_701 : i32
      %ne3A_719 = arith.constant 0 : i32
      %ne3A_720 = arith.cmpi ne, %rem3A_718, %ne3A_719 : i32
      %and3A_721 = arith.andi %ne3A_717, %ne3A_720 : i1
      %sub3A_722 = arith.constant 1 : i32
      %sub3A_723 = arith.subi %div3A_702, %sub3A_722 : i32
      %select_n3A_724 = arith.select %and3A_721, %sub3A_723, %div3A_702 : i32
      %eq3A_725 = arith.constant 1 : i32
      %eq3A_726 = arith.cmpi eq, %select_n3A_724, %eq3A_725 : i32
      %select_n3A_727 = arith.select %eq3A_726, %reduce_max3A_165, %reduce_max3A_151 : i32
      %eq3A_728 = arith.constant 2 : i32
      %eq3A_729 = arith.cmpi eq, %select_n3A_724, %eq3A_728 : i32
      %select_n3A_730 = arith.select %eq3A_729, %reduce_max3A_179, %select_n3A_727 : i32
      %eq3A_731 = arith.constant 3 : i32
      %eq3A_732 = arith.cmpi eq, %select_n3A_724, %eq3A_731 : i32
      %select_n3A_733 = arith.select %eq3A_732, %reduce_max3A_193, %select_n3A_730 : i32
      %mul3A_734 = arith.constant 4096 : i32
      %mul3A_735 = arith.muli %select_n3A_724, %mul3A_734 : i32
      %sub3A_736 = arith.subi %add3A_700, %mul3A_735 : i32
      %sub3A_737 = arith.subi %select_n3A_733, %sub3A_736 : i32
      %max3A_738 = arith.constant 0 : i32
      %max3A_739 = arith.maxsi %sub3A_737, %max3A_738 : i32
      %min3A_740 = arith.constant 8 : i32
      %min3A_741 = arith.minsi %max3A_739, %min3A_740 : i32
      %shift_right_arithmetic3A_742 = arith.constant 1 : i32
      %shift_right_arithmetic3A_743 = arith.shrsi %add3A_688, %shift_right_arithmetic3A_742 : i32
      %add3A_744 = arith.constant 1 : i32
      %add3A_745 = arith.addi %add3A_688, %add3A_744 : i32
      %lt3A_746 = arith.constant 64 : i32
      %lt3A_747 = arith.cmpi slt, %add3A_745, %lt3A_746 : i32
      %convert_element_type3A_748 = arith.extui %lt3A_747 : i1 to i32
      %cond3A_749 = arith.constant 0 : i32
      %cond3A_750 = arith.cmpi ne, %convert_element_type3A_748, %cond3A_749 : i32
      scf.if %cond3A_750 {
        %add3A_911 = arith.constant 1 : i32
        %add3A_912 = arith.addi %add3A_688, %add3A_911 : i32
        %shift_right_arithmetic3A_913 = arith.constant 1 : i32
        %shift_right_arithmetic3A_914 = arith.shrsi %add3A_912, %shift_right_arithmetic3A_913 : i32
        %mul3A_915 = arith.constant 32 : i32
        %mul3A_916 = arith.muli %mul3A_915, %shift_right_arithmetic3A_914 : i32
        %add3A_917 = arith.addi %add3A, %mul3A_916 : i32
        %mul3A_918 = arith.constant 16 : i32
        %mul3A_919 = arith.muli %add3A_917, %mul3A_918 : i32
        %and3A_920 = arith.constant 1 : i32
        %and3A_921 = arith.andi %add3A_912, %and3A_920 : i32
        %mul3A_922 = arith.constant 8 : i32
        %mul3A_923 = arith.muli %and3A_921, %mul3A_922 : i32
        %add3A_924 = arith.addi %mul3A_919, %mul3A_923 : i32
        %jit3A_925 = arith.constant 4096 : i32
        %div3A_926 = arith.divsi %add3A_924, %jit3A_925 : i32
        %sign3A_927 = arith.constant 0 : i32
        %sign3A_928 = arith.cmpi sgt, %add3A_924, %sign3A_927 : i32
        %sign3A_929 = arith.extui %sign3A_928 : i1 to i32
        %sign3A_930 = arith.constant 0 : i32
        %sign3A_931 = arith.cmpi slt, %add3A_924, %sign3A_930 : i32
        %sign3A_932 = arith.extui %sign3A_931 : i1 to i32
        %sign3A_933 = arith.subi %sign3A_929, %sign3A_932 : i32
        %sign3A_934 = arith.constant 0 : i32
        %sign3A_935 = arith.cmpi sgt, %jit3A_925, %sign3A_934 : i32
        %sign3A_936 = arith.extui %sign3A_935 : i1 to i32
        %sign3A_937 = arith.constant 0 : i32
        %sign3A_938 = arith.cmpi slt, %jit3A_925, %sign3A_937 : i32
        %sign3A_939 = arith.extui %sign3A_938 : i1 to i32
        %sign3A_940 = arith.subi %sign3A_936, %sign3A_939 : i32
        %ne3A_941 = arith.cmpi ne, %sign3A_933, %sign3A_940 : i32
        %rem3A_942 = arith.remsi %add3A_924, %jit3A_925 : i32
        %ne3A_943 = arith.constant 0 : i32
        %ne3A_944 = arith.cmpi ne, %rem3A_942, %ne3A_943 : i32
        %and3A_945 = arith.andi %ne3A_941, %ne3A_944 : i1
        %sub3A_946 = arith.constant 1 : i32
        %sub3A_947 = arith.subi %div3A_926, %sub3A_946 : i32
        %select_n3A_948 = arith.select %and3A_945, %sub3A_947, %div3A_926 : i32
        %eq3A_949 = arith.constant 1 : i32
        %eq3A_950 = arith.cmpi eq, %select_n3A_948, %eq3A_949 : i32
        %select_n3A_951 = arith.select %eq3A_950, %reduce_max3A_165, %reduce_max3A_151 : i32
        %eq3A_952 = arith.constant 2 : i32
        %eq3A_953 = arith.cmpi eq, %select_n3A_948, %eq3A_952 : i32
        %select_n3A_954 = arith.select %eq3A_953, %reduce_max3A_179, %select_n3A_951 : i32
        %eq3A_955 = arith.constant 3 : i32
        %eq3A_956 = arith.cmpi eq, %select_n3A_948, %eq3A_955 : i32
        %select_n3A_957 = arith.select %eq3A_956, %reduce_max3A_193, %select_n3A_954 : i32
        %mul3A_958 = arith.constant 4096 : i32
        %mul3A_959 = arith.muli %select_n3A_948, %mul3A_958 : i32
        %sub3A_960 = arith.subi %add3A_924, %mul3A_959 : i32
        %sub3A_961 = arith.subi %select_n3A_957, %sub3A_960 : i32
        %max3A_962 = arith.constant 0 : i32
        %max3A_963 = arith.maxsi %sub3A_961, %max3A_962 : i32
        %min3A_964 = arith.constant 8 : i32
        %min3A_965 = arith.minsi %max3A_963, %min3A_964 : i32
        %shift_right_arithmetic3A_966 = arith.constant 1 : i32
        %shift_right_arithmetic3A_967 = arith.shrsi %add3A_912, %shift_right_arithmetic3A_966 : i32
        %broadcast_in_dim3A_968 = vector.broadcast %shift_right_arithmetic3A_967 : i32 to vector<16xi32>
        %and3A_969 = arith.constant 1 : i32
        %and3A_970 = arith.andi %add3A_912, %and3A_969 : i32
        %mul3A_971 = arith.constant 32 : i32
        %mul3A_972 = arith.muli %and3A_970, %mul3A_971 : i32
        %add3A_973 = arith.addi %mul3A_43, %mul3A_972 : i32
        %shift_right_arithmetic3A_974 = arith.constant 2 : i32
        %shift_right_arithmetic3A_975 = vector.broadcast %shift_right_arithmetic3A_974 : i32 to vector<16xi32>
        %shift_right_arithmetic3A_976 = arith.shrsi %iota3A, %shift_right_arithmetic3A_975 : vector<16xi32>
        %add3A_977 = arith.constant 0 : i32
        %add3A_978 = vector.broadcast %add3A_977 : i32 to vector<16xi32>
        %add3A_979 = arith.addi %shift_right_arithmetic3A_976, %add3A_978 : vector<16xi32>
        %add3A_980 = vector.broadcast %add3A_973 : i32 to vector<16xi32>
        %add3A_981 = arith.addi %add3A_980, %iota3A : vector<16xi32>
        %add3A_982 = arith.constant 0 : i32
        %add3A_983 = vector.broadcast %add3A_982 : i32 to vector<16xi32>
        %add3A_984 = arith.addi %add3A_981, %add3A_983 : vector<16xi32>
        %gather3A_985 = tpu.vector_load_idx %arg9[%broadcast_in_dim3A_968, %add3A_984] : memref<32x128xi32, #tpu.memory_space<vmem>>[vector<16xi32>, vector<16xi32>], vector<16xi32>,
        %lt3A_986 = vector.broadcast %min3A_965 : i32 to vector<16xi32>
        %lt3A_987 = arith.cmpi slt, %add3A_979, %lt3A_986 : vector<16xi32>
        %jit3A_988 = arith.constant 0 : i32
        %broadcast_in_dim3A_989 = vector.broadcast %jit3A_988 : i32 to vector<16xi32>
        %select_n3A_990 = arith.select %lt3A_987, %gather3A_985, %broadcast_in_dim3A_989 : vector<16xi1>, vector<16xi32>
        %swap3A_991 = arith.constant 0 : index
        %swap3A_992 = tpu.vector_load %arg14[%swap3A_991] {strides = array<i32>} : memref<32xi32, #tpu.memory_space<vmem>>, vector<16xi32>,
        tpu.vector_store %arg14[%swap3A_991], %select_n3A_990 {strides = array<i32>} : memref<32xi32, #tpu.memory_space<vmem>>, vector<16xi32>,
        %shift_right_arithmetic3A_993 = arith.constant 2 : i32
        %shift_right_arithmetic3A_994 = vector.broadcast %shift_right_arithmetic3A_993 : i32 to vector<16xi32>
        %shift_right_arithmetic3A_995 = arith.shrsi %iota3A, %shift_right_arithmetic3A_994 : vector<16xi32>
        %add3A_996 = arith.constant 4 : i32
        %add3A_997 = vector.broadcast %add3A_996 : i32 to vector<16xi32>
        %add3A_998 = arith.addi %shift_right_arithmetic3A_995, %add3A_997 : vector<16xi32>
        %add3A_999 = vector.broadcast %add3A_973 : i32 to vector<16xi32>
        %add3A_1000 = arith.addi %add3A_999, %iota3A : vector<16xi32>
        %add3A_1001 = arith.constant 16 : i32
        %add3A_1002 = vector.broadcast %add3A_1001 : i32 to vector<16xi32>
        %add3A_1003 = arith.addi %add3A_1000, %add3A_1002 : vector<16xi32>
        %gather3A_1004 = tpu.vector_load_idx %arg9[%broadcast_in_dim3A_968, %add3A_1003] : memref<32x128xi32, #tpu.memory_space<vmem>>[vector<16xi32>, vector<16xi32>], vector<16xi32>,
        %lt3A_1005 = vector.broadcast %min3A_965 : i32 to vector<16xi32>
        %lt3A_1006 = arith.cmpi slt, %add3A_998, %lt3A_1005 : vector<16xi32>
        %jit3A_1007 = arith.constant 0 : i32
        %broadcast_in_dim3A_1008 = vector.broadcast %jit3A_1007 : i32 to vector<16xi32>
        %select_n3A_1009 = arith.select %lt3A_1006, %gather3A_1004, %broadcast_in_dim3A_1008 : vector<16xi1>, vector<16xi32>
        %swap3A_1010 = arith.constant 16 : index
        %swap3A_1011 = tpu.vector_load %arg14[%swap3A_1010] {strides = array<i32>} : memref<32xi32, #tpu.memory_space<vmem>>, vector<16xi32>,
        tpu.vector_store %arg14[%swap3A_1010], %select_n3A_1009 {strides = array<i32>} : memref<32xi32, #tpu.memory_space<vmem>>, vector<16xi32>,
        %gt3A_1012 = arith.constant 0 : i32
        %gt3A_1013 = arith.cmpi sgt, %min3A_965, %gt3A_1012 : i32
        %convert_element_type3A_1014 = arith.extui %gt3A_1013 : i1 to i32
        %cond3A_1015 = arith.constant 0 : i32
        %cond3A_1016 = arith.cmpi ne, %convert_element_type3A_1014, %cond3A_1015 : i32
        scf.if %cond3A_1016 {
          %dma_start3A_1017 = arith.constant 0 : i32
          %dma_start3A_1018 = arith.constant 0 : i32
          %dma_start3A_1019 = tpu.memref_slice %arg5[%dma_start3A_1017, %dma_start3A_1018] : memref<100000x1024xf32, #tpu.memory_space<hbm>> -> memref<100000x1024xf32, #tpu.memory_space<hbm>>
          tpu.enqueue_indirect_dma source(%dma_start3A_1019 : memref<100000x1024xf32, #tpu.memory_space<hbm>>) target(%arg16 : memref<32x1024xf32, #tpu.memory_space<vmem>>) offsets(%arg14 : memref<32xi32, #tpu.memory_space<vmem>>) semaphore(%arg22 : memref<!tpu.dma_semaphore, #tpu.memory_space<semaphore_mem>>)
        } else {
        }
      } else {
      }
      %gt3A_751 = arith.constant 0 : i32
      %gt3A_752 = arith.cmpi sgt, %min3A_741, %gt3A_751 : i32
      %convert_element_type3A_753 = arith.extui %gt3A_752 : i1 to i32
      %cond3A_754 = arith.constant 0 : i32
      %cond3A_755 = arith.cmpi ne, %convert_element_type3A_753, %cond3A_754 : i32
      scf.if %cond3A_755 {
        %dma_wait3A_911 = arith.constant 0 : i32
        %dma_wait3A_912 = arith.constant 0 : i32
        %dma_wait3A_913 = tpu.memref_slice %arg5[%dma_wait3A_911, %dma_wait3A_912] : memref<100000x1024xf32, #tpu.memory_space<hbm>> -> memref<100000x1024xf32, #tpu.memory_space<hbm>>
        tpu.wait_indirect_dma semaphore(%arg21 : memref<!tpu.dma_semaphore, #tpu.memory_space<semaphore_mem>>) src(%dma_wait3A_913 : memref<100000x1024xf32, #tpu.memory_space<hbm>>) dst(%arg15 : memref<32x1024xf32, #tpu.memory_space<vmem>>)
      } else {
      }
      %ge3A_756 = arith.constant 4 : i32
      %ge3A_757 = arith.cmpi sge, %add3A_688, %ge3A_756 : i32
      %convert_element_type3A_758 = arith.extui %ge3A_757 : i1 to i32
      %cond3A_759 = arith.constant 0 : i32
      %cond3A_760 = arith.cmpi ne, %convert_element_type3A_758, %cond3A_759 : i32
      scf.if %cond3A_760 {
        %sub3A_911 = arith.constant 2 : i32
        %sub3A_912 = arith.subi %shift_right_arithmetic3A_743, %sub3A_911 : i32
        %mul3A_913 = arith.constant 32 : i32
        %mul3A_914 = arith.muli %mul3A_913, %sub3A_912 : i32
        %add3A_915 = arith.addi %add3A, %mul3A_914 : i32
        %mul3A_916 = arith.constant 16 : i32
        %mul3A_917 = arith.muli %add3A_915, %mul3A_916 : i32
        %jit3A_918 = arith.constant 4096 : i32
        %div3A_919 = arith.divsi %mul3A_917, %jit3A_918 : i32
        %sign3A_920 = arith.constant 0 : i32
        %sign3A_921 = arith.cmpi sgt, %mul3A_917, %sign3A_920 : i32
        %sign3A_922 = arith.extui %sign3A_921 : i1 to i32
        %sign3A_923 = arith.constant 0 : i32
        %sign3A_924 = arith.cmpi slt, %mul3A_917, %sign3A_923 : i32
        %sign3A_925 = arith.extui %sign3A_924 : i1 to i32
        %sign3A_926 = arith.subi %sign3A_922, %sign3A_925 : i32
        %sign3A_927 = arith.constant 0 : i32
        %sign3A_928 = arith.cmpi sgt, %jit3A_918, %sign3A_927 : i32
        %sign3A_929 = arith.extui %sign3A_928 : i1 to i32
        %sign3A_930 = arith.constant 0 : i32
        %sign3A_931 = arith.cmpi slt, %jit3A_918, %sign3A_930 : i32
        %sign3A_932 = arith.extui %sign3A_931 : i1 to i32
        %sign3A_933 = arith.subi %sign3A_929, %sign3A_932 : i32
        %ne3A_934 = arith.cmpi ne, %sign3A_926, %sign3A_933 : i32
        %rem3A_935 = arith.remsi %mul3A_917, %jit3A_918 : i32
        %ne3A_936 = arith.constant 0 : i32
        %ne3A_937 = arith.cmpi ne, %rem3A_935, %ne3A_936 : i32
        %and3A_938 = arith.andi %ne3A_934, %ne3A_937 : i1
        %sub3A_939 = arith.constant 1 : i32
        %sub3A_940 = arith.subi %div3A_919, %sub3A_939 : i32
        %select_n3A_941 = arith.select %and3A_938, %sub3A_940, %div3A_919 : i32
        %eq3A_942 = arith.constant 1 : i32
        %eq3A_943 = arith.cmpi eq, %select_n3A_941, %eq3A_942 : i32
        %select_n3A_944 = arith.select %eq3A_943, %reduce_max3A_165, %reduce_max3A_151 : i32
        %eq3A_945 = arith.constant 2 : i32
        %eq3A_946 = arith.cmpi eq, %select_n3A_941, %eq3A_945 : i32
        %select_n3A_947 = arith.select %eq3A_946, %reduce_max3A_179, %select_n3A_944 : i32
        %eq3A_948 = arith.constant 3 : i32
        %eq3A_949 = arith.cmpi eq, %select_n3A_941, %eq3A_948 : i32
        %select_n3A_950 = arith.select %eq3A_949, %reduce_max3A_193, %select_n3A_947 : i32
        %mul3A_951 = arith.constant 4096 : i32
        %mul3A_952 = arith.muli %select_n3A_941, %mul3A_951 : i32
        %sub3A_953 = arith.subi %mul3A_917, %mul3A_952 : i32
        %sub3A_954 = arith.subi %select_n3A_950, %sub3A_953 : i32
        %max3A_955 = arith.constant 0 : i32
        %max3A_956 = arith.maxsi %sub3A_954, %max3A_955 : i32
        %min3A_957 = arith.constant 16 : i32
        %min3A_958 = arith.minsi %max3A_956, %min3A_957 : i32
        %gt3A_959 = arith.constant 0 : i32
        %gt3A_960 = arith.cmpi sgt, %min3A_958, %gt3A_959 : i32
        %convert_element_type3A_961 = arith.extui %gt3A_960 : i1 to i32
        %cond3A_962 = arith.constant 0 : i32
        %cond3A_963 = arith.cmpi ne, %convert_element_type3A_961, %cond3A_962 : i32
        scf.if %cond3A_963 {
          %dma_wait3A_969 = arith.constant 0 : i32
          %dma_wait3A_970 = arith.constant 0 : i32
          %dma_wait3A_971 = tpu.memref_slice %arg6[%dma_wait3A_969, %dma_wait3A_970] : memref<16384x1024xf32, #tpu.memory_space<hbm>> -> memref<16x1024xf32, #tpu.memory_space<hbm>>
          %dma_wait3A_972 = arith.constant 0 : i32
          %dma_wait3A_973 = arith.constant 0 : i32
          %dma_wait3A_974 = tpu.memref_slice %arg6[%dma_wait3A_972, %dma_wait3A_973] : memref<16384x1024xf32, #tpu.memory_space<hbm>> -> memref<16x1024xf32, #tpu.memory_space<hbm>>
          tpu.wait_dma2 semaphore(%arg24 : memref<!tpu.dma_semaphore, #tpu.memory_space<semaphore_mem>>) src(%arg18 : memref<16x1024xf32, #tpu.memory_space<vmem>>) dst(%dma_wait3A_974 : memref<16x1024xf32, #tpu.memory_space<hbm>>)
        } else {
        }
        %eq3A_964 = arith.constant 0 : i32
        %eq3A_965 = arith.cmpi eq, %min3A_958, %eq3A_964 : i32
        %convert_element_type3A_966 = arith.extui %eq3A_965 : i1 to i32
        %cond3A_967 = arith.constant 0 : i32
        %cond3A_968 = arith.cmpi ne, %convert_element_type3A_966, %cond3A_967 : i32
        scf.if %cond3A_968 {
          %dma_wait3A_969 = arith.constant 0 : i32
          %dma_wait3A_970 = arith.constant 0 : i32
          %dma_wait3A_971 = tpu.memref_slice %arg6[%dma_wait3A_969, %dma_wait3A_970] : memref<16384x1024xf32, #tpu.memory_space<hbm>> -> memref<16x1024xf32, #tpu.memory_space<hbm>>
          %dma_wait3A_972 = arith.constant 0 : i32
          %dma_wait3A_973 = arith.constant 0 : i32
          %dma_wait3A_974 = tpu.memref_slice %arg6[%dma_wait3A_972, %dma_wait3A_973] : memref<16384x1024xf32, #tpu.memory_space<hbm>> -> memref<16x1024xf32, #tpu.memory_space<hbm>>
          tpu.wait_dma2 semaphore(%arg25 : memref<!tpu.dma_semaphore, #tpu.memory_space<semaphore_mem>>) src(%arg19 : memref<16x1024xf32, #tpu.memory_space<vmem>>) dst(%dma_wait3A_974 : memref<16x1024xf32, #tpu.memory_space<hbm>>)
        } else {
        }
      } else {
      }
      %gt3A_761 = arith.constant 0 : i32
      %gt3A_762 = arith.cmpi sgt, %min3A_741, %gt3A_761 : i32
      %convert_element_type3A_763 = arith.extui %gt3A_762 : i1 to i32
      %cond3A_764 = arith.constant 0 : i32
      %cond3A_765 = arith.cmpi ne, %convert_element_type3A_763, %cond3A_764 : i32
      scf.if %cond3A_765 {
        %parallel_loop3A = arith.constant 0 : i32
        %parallel_loop3A_911 = arith.constant 512 : i32
        %parallel_loop3A_912 = arith.constant 1 : i32
        scf.for %parallel_loop3A_913 = %parallel_loop3A to %parallel_loop3A_911 step %parallel_loop3A_912  : i32 {
          %parallel_loop3A_914 = arith.constant 64 : i32
          %parallel_loop3A_915 = arith.divsi %parallel_loop3A_913, %parallel_loop3A_914 : i32
          %parallel_loop3A_916 = arith.constant 0 : i32
          %parallel_loop3A_917 = arith.cmpi sgt, %parallel_loop3A_913, %parallel_loop3A_916 : i32
          %parallel_loop3A_918 = arith.extui %parallel_loop3A_917 : i1 to i32
          %parallel_loop3A_919 = arith.constant 0 : i32
          %parallel_loop3A_920 = arith.cmpi slt, %parallel_loop3A_913, %parallel_loop3A_919 : i32
          %parallel_loop3A_921 = arith.extui %parallel_loop3A_920 : i1 to i32
          %parallel_loop3A_922 = arith.subi %parallel_loop3A_918, %parallel_loop3A_921 : i32
          %parallel_loop3A_923 = arith.constant 0 : i32
          %parallel_loop3A_924 = arith.cmpi sgt, %parallel_loop3A_914, %parallel_loop3A_923 : i32
          %parallel_loop3A_925 = arith.extui %parallel_loop3A_924 : i1 to i32
          %parallel_loop3A_926 = arith.constant 0 : i32
          %parallel_loop3A_927 = arith.cmpi slt, %parallel_loop3A_914, %parallel_loop3A_926 : i32
          %parallel_loop3A_928 = arith.extui %parallel_loop3A_927 : i1 to i32
          %parallel_loop3A_929 = arith.subi %parallel_loop3A_925, %parallel_loop3A_928 : i32
          %parallel_loop3A_930 = arith.cmpi ne, %parallel_loop3A_922, %parallel_loop3A_929 : i32
          %parallel_loop3A_931 = arith.remsi %parallel_loop3A_913, %parallel_loop3A_914 : i32
          %parallel_loop3A_932 = arith.constant 0 : i32
          %parallel_loop3A_933 = arith.cmpi ne, %parallel_loop3A_931, %parallel_loop3A_932 : i32
          %parallel_loop3A_934 = arith.andi %parallel_loop3A_930, %parallel_loop3A_933 : i1
          %parallel_loop3A_935 = arith.constant 1 : i32
          %parallel_loop3A_936 = arith.subi %parallel_loop3A_915, %parallel_loop3A_935 : i32
          %parallel_loop3A_937 = arith.select %parallel_loop3A_934, %parallel_loop3A_936, %parallel_loop3A_915 : i32
          %parallel_loop3A_938 = arith.constant 64 : i32
          %parallel_loop3A_939 = arith.muli %parallel_loop3A_937, %parallel_loop3A_938 : i32
          %parallel_loop3A_940 = arith.subi %parallel_loop3A_913, %parallel_loop3A_939 : i32
          %parallel_loop3A_941 = arith.constant 16 : i32
          %parallel_loop3A_942 = arith.muli %parallel_loop3A_940, %parallel_loop3A_941 : i32
          %parallel_loop3A_943 = tpu.assume_multiple %parallel_loop3A_942, 16 : i32
          %parallel_loop3A_944 = arith.constant 4 : i32
          %parallel_loop3A_945 = arith.muli %parallel_loop3A_944, %parallel_loop3A_937 : i32
          %parallel_loop3A_946 = arith.index_cast %parallel_loop3A_945 : i32 to index
          %parallel_loop3A_947 = arith.index_cast %parallel_loop3A_943 : i32 to index
          %parallel_loop3A_948 = tpu.vector_load %arg15[%parallel_loop3A_946, %parallel_loop3A_947] {strides = array<i32>} : memref<32x1024xf32, #tpu.memory_space<vmem>>, vector<16xf32>,
          %parallel_loop3A_949 = arith.constant 4 : i32
          %parallel_loop3A_950 = arith.muli %parallel_loop3A_949, %parallel_loop3A_937 : i32
          %parallel_loop3A_951 = arith.constant 1 : i32
          %parallel_loop3A_952 = arith.addi %parallel_loop3A_950, %parallel_loop3A_951 : i32
          %parallel_loop3A_953 = arith.index_cast %parallel_loop3A_952 : i32 to index
          %parallel_loop3A_954 = arith.index_cast %parallel_loop3A_943 : i32 to index
          %parallel_loop3A_955 = tpu.vector_load %arg15[%parallel_loop3A_953, %parallel_loop3A_954] {strides = array<i32>} : memref<32x1024xf32, #tpu.memory_space<vmem>>, vector<16xf32>,
          %parallel_loop3A_956 = arith.addf %parallel_loop3A_948, %parallel_loop3A_955 : vector<16xf32>
          %parallel_loop3A_957 = arith.constant 4 : i32
          %parallel_loop3A_958 = arith.muli %parallel_loop3A_957, %parallel_loop3A_937 : i32
          %parallel_loop3A_959 = arith.constant 2 : i32
          %parallel_loop3A_960 = arith.addi %parallel_loop3A_958, %parallel_loop3A_959 : i32
          %parallel_loop3A_961 = arith.index_cast %parallel_loop3A_960 : i32 to index
          %parallel_loop3A_962 = arith.index_cast %parallel_loop3A_943 : i32 to index
          %parallel_loop3A_963 = tpu.vector_load %arg15[%parallel_loop3A_961, %parallel_loop3A_962] {strides = array<i32>} : memref<32x1024xf32, #tpu.memory_space<vmem>>, vector<16xf32>,
          %parallel_loop3A_964 = arith.constant 4 : i32
          %parallel_loop3A_965 = arith.muli %parallel_loop3A_964, %parallel_loop3A_937 : i32
          %parallel_loop3A_966 = arith.constant 3 : i32
          %parallel_loop3A_967 = arith.addi %parallel_loop3A_965, %parallel_loop3A_966 : i32
          %parallel_loop3A_968 = arith.index_cast %parallel_loop3A_967 : i32 to index
          %parallel_loop3A_969 = arith.index_cast %parallel_loop3A_943 : i32 to index
          %parallel_loop3A_970 = tpu.vector_load %arg15[%parallel_loop3A_968, %parallel_loop3A_969] {strides = array<i32>} : memref<32x1024xf32, #tpu.memory_space<vmem>>, vector<16xf32>,
          %parallel_loop3A_971 = arith.addf %parallel_loop3A_963, %parallel_loop3A_970 : vector<16xf32>
          %parallel_loop3A_972 = arith.addf %parallel_loop3A_956, %parallel_loop3A_971 : vector<16xf32>
          %parallel_loop3A_973 = arith.constant 0 : i32
          %parallel_loop3A_974 = arith.addi %parallel_loop3A_973, %parallel_loop3A_937 : i32
          %parallel_loop3A_975 = arith.index_cast %parallel_loop3A_974 : i32 to index
          %parallel_loop3A_976 = arith.index_cast %parallel_loop3A_943 : i32 to index
          %parallel_loop3A_977 = tpu.vector_load %arg18[%parallel_loop3A_975, %parallel_loop3A_976] {strides = array<i32>} : memref<16x1024xf32, #tpu.memory_space<vmem>>, vector<16xf32>,
          tpu.vector_store %arg18[%parallel_loop3A_975, %parallel_loop3A_976], %parallel_loop3A_972 {strides = array<i32>} : memref<16x1024xf32, #tpu.memory_space<vmem>>, vector<16xf32>,
        } {sc.loop_unroll_factor = 4 : i64, sc.parallel_access}
      } else {
      }
      %mul3A_766 = arith.constant 4 : i32
      %mul3A_767 = arith.muli %mul3A_766, %scan3A_459 : i32
      %add3A_768 = arith.constant 3 : i32
      %add3A_769 = arith.addi %mul3A_767, %add3A_768 : i32
      %shift_right_arithmetic3A_770 = arith.constant 1 : i32
      %shift_right_arithmetic3A_771 = arith.shrsi %add3A_769, %shift_right_arithmetic3A_770 : i32
      %mul3A_772 = arith.constant 32 : i32
      %mul3A_773 = arith.muli %mul3A_772, %shift_right_arithmetic3A_771 : i32
      %add3A_774 = arith.addi %add3A, %mul3A_773 : i32
      %mul3A_775 = arith.constant 16 : i32
      %mul3A_776 = arith.muli %add3A_774, %mul3A_775 : i32
      %and3A_777 = arith.constant 1 : i32
      %and3A_778 = arith.andi %add3A_769, %and3A_777 : i32
      %mul3A_779 = arith.constant 8 : i32
      %mul3A_780 = arith.muli %and3A_778, %mul3A_779 : i32
      %add3A_781 = arith.addi %mul3A_776, %mul3A_780 : i32
      %jit3A_782 = arith.constant 4096 : i32
      %div3A_783 = arith.divsi %add3A_781, %jit3A_782 : i32
      %sign3A_784 = arith.constant 0 : i32
      %sign3A_785 = arith.cmpi sgt, %add3A_781, %sign3A_784 : i32
      %sign3A_786 = arith.extui %sign3A_785 : i1 to i32
      %sign3A_787 = arith.constant 0 : i32
      %sign3A_788 = arith.cmpi slt, %add3A_781, %sign3A_787 : i32
      %sign3A_789 = arith.extui %sign3A_788 : i1 to i32
      %sign3A_790 = arith.subi %sign3A_786, %sign3A_789 : i32
      %sign3A_791 = arith.constant 0 : i32
      %sign3A_792 = arith.cmpi sgt, %jit3A_782, %sign3A_791 : i32
      %sign3A_793 = arith.extui %sign3A_792 : i1 to i32
      %sign3A_794 = arith.constant 0 : i32
      %sign3A_795 = arith.cmpi slt, %jit3A_782, %sign3A_794 : i32
      %sign3A_796 = arith.extui %sign3A_795 : i1 to i32
      %sign3A_797 = arith.subi %sign3A_793, %sign3A_796 : i32
      %ne3A_798 = arith.cmpi ne, %sign3A_790, %sign3A_797 : i32
      %rem3A_799 = arith.remsi %add3A_781, %jit3A_782 : i32
      %ne3A_800 = arith.constant 0 : i32
      %ne3A_801 = arith.cmpi ne, %rem3A_799, %ne3A_800 : i32
      %and3A_802 = arith.andi %ne3A_798, %ne3A_801 : i1
      %sub3A_803 = arith.constant 1 : i32
      %sub3A_804 = arith.subi %div3A_783, %sub3A_803 : i32
      %select_n3A_805 = arith.select %and3A_802, %sub3A_804, %div3A_783 : i32
      %eq3A_806 = arith.constant 1 : i32
      %eq3A_807 = arith.cmpi eq, %select_n3A_805, %eq3A_806 : i32
      %select_n3A_808 = arith.select %eq3A_807, %reduce_max3A_165, %reduce_max3A_151 : i32
      %eq3A_809 = arith.constant 2 : i32
      %eq3A_810 = arith.cmpi eq, %select_n3A_805, %eq3A_809 : i32
      %select_n3A_811 = arith.select %eq3A_810, %reduce_max3A_179, %select_n3A_808 : i32
      %eq3A_812 = arith.constant 3 : i32
      %eq3A_813 = arith.cmpi eq, %select_n3A_805, %eq3A_812 : i32
      %select_n3A_814 = arith.select %eq3A_813, %reduce_max3A_193, %select_n3A_811 : i32
      %mul3A_815 = arith.constant 4096 : i32
      %mul3A_816 = arith.muli %select_n3A_805, %mul3A_815 : i32
      %sub3A_817 = arith.subi %add3A_781, %mul3A_816 : i32
      %sub3A_818 = arith.subi %select_n3A_814, %sub3A_817 : i32
      %max3A_819 = arith.constant 0 : i32
      %max3A_820 = arith.maxsi %sub3A_818, %max3A_819 : i32
      %min3A_821 = arith.constant 8 : i32
      %min3A_822 = arith.minsi %max3A_820, %min3A_821 : i32
      %shift_right_arithmetic3A_823 = arith.constant 1 : i32
      %shift_right_arithmetic3A_824 = arith.shrsi %add3A_769, %shift_right_arithmetic3A_823 : i32
      %add3A_825 = arith.constant 1 : i32
      %add3A_826 = arith.addi %add3A_769, %add3A_825 : i32
      %lt3A_827 = arith.constant 64 : i32
      %lt3A_828 = arith.cmpi slt, %add3A_826, %lt3A_827 : i32
      %convert_element_type3A_829 = arith.extui %lt3A_828 : i1 to i32
      %cond3A_830 = arith.constant 0 : i32
      %cond3A_831 = arith.cmpi ne, %convert_element_type3A_829, %cond3A_830 : i32
      scf.if %cond3A_831 {
        %add3A_911 = arith.constant 1 : i32
        %add3A_912 = arith.addi %add3A_769, %add3A_911 : i32
        %shift_right_arithmetic3A_913 = arith.constant 1 : i32
        %shift_right_arithmetic3A_914 = arith.shrsi %add3A_912, %shift_right_arithmetic3A_913 : i32
        %mul3A_915 = arith.constant 32 : i32
        %mul3A_916 = arith.muli %mul3A_915, %shift_right_arithmetic3A_914 : i32
        %add3A_917 = arith.addi %add3A, %mul3A_916 : i32
        %mul3A_918 = arith.constant 16 : i32
        %mul3A_919 = arith.muli %add3A_917, %mul3A_918 : i32
        %and3A_920 = arith.constant 1 : i32
        %and3A_921 = arith.andi %add3A_912, %and3A_920 : i32
        %mul3A_922 = arith.constant 8 : i32
        %mul3A_923 = arith.muli %and3A_921, %mul3A_922 : i32
        %add3A_924 = arith.addi %mul3A_919, %mul3A_923 : i32
        %jit3A_925 = arith.constant 4096 : i32
        %div3A_926 = arith.divsi %add3A_924, %jit3A_925 : i32
        %sign3A_927 = arith.constant 0 : i32
        %sign3A_928 = arith.cmpi sgt, %add3A_924, %sign3A_927 : i32
        %sign3A_929 = arith.extui %sign3A_928 : i1 to i32
        %sign3A_930 = arith.constant 0 : i32
        %sign3A_931 = arith.cmpi slt, %add3A_924, %sign3A_930 : i32
        %sign3A_932 = arith.extui %sign3A_931 : i1 to i32
        %sign3A_933 = arith.subi %sign3A_929, %sign3A_932 : i32
        %sign3A_934 = arith.constant 0 : i32
        %sign3A_935 = arith.cmpi sgt, %jit3A_925, %sign3A_934 : i32
        %sign3A_936 = arith.extui %sign3A_935 : i1 to i32
        %sign3A_937 = arith.constant 0 : i32
        %sign3A_938 = arith.cmpi slt, %jit3A_925, %sign3A_937 : i32
        %sign3A_939 = arith.extui %sign3A_938 : i1 to i32
        %sign3A_940 = arith.subi %sign3A_936, %sign3A_939 : i32
        %ne3A_941 = arith.cmpi ne, %sign3A_933, %sign3A_940 : i32
        %rem3A_942 = arith.remsi %add3A_924, %jit3A_925 : i32
        %ne3A_943 = arith.constant 0 : i32
        %ne3A_944 = arith.cmpi ne, %rem3A_942, %ne3A_943 : i32
        %and3A_945 = arith.andi %ne3A_941, %ne3A_944 : i1
        %sub3A_946 = arith.constant 1 : i32
        %sub3A_947 = arith.subi %div3A_926, %sub3A_946 : i32
        %select_n3A_948 = arith.select %and3A_945, %sub3A_947, %div3A_926 : i32
        %eq3A_949 = arith.constant 1 : i32
        %eq3A_950 = arith.cmpi eq, %select_n3A_948, %eq3A_949 : i32
        %select_n3A_951 = arith.select %eq3A_950, %reduce_max3A_165, %reduce_max3A_151 : i32
        %eq3A_952 = arith.constant 2 : i32
        %eq3A_953 = arith.cmpi eq, %select_n3A_948, %eq3A_952 : i32
        %select_n3A_954 = arith.select %eq3A_953, %reduce_max3A_179, %select_n3A_951 : i32
        %eq3A_955 = arith.constant 3 : i32
        %eq3A_956 = arith.cmpi eq, %select_n3A_948, %eq3A_955 : i32
        %select_n3A_957 = arith.select %eq3A_956, %reduce_max3A_193, %select_n3A_954 : i32
        %mul3A_958 = arith.constant 4096 : i32
        %mul3A_959 = arith.muli %select_n3A_948, %mul3A_958 : i32
        %sub3A_960 = arith.subi %add3A_924, %mul3A_959 : i32
        %sub3A_961 = arith.subi %select_n3A_957, %sub3A_960 : i32
        %max3A_962 = arith.constant 0 : i32
        %max3A_963 = arith.maxsi %sub3A_961, %max3A_962 : i32
        %min3A_964 = arith.constant 8 : i32
        %min3A_965 = arith.minsi %max3A_963, %min3A_964 : i32
        %shift_right_arithmetic3A_966 = arith.constant 1 : i32
        %shift_right_arithmetic3A_967 = arith.shrsi %add3A_912, %shift_right_arithmetic3A_966 : i32
        %broadcast_in_dim3A_968 = vector.broadcast %shift_right_arithmetic3A_967 : i32 to vector<16xi32>
        %and3A_969 = arith.constant 1 : i32
        %and3A_970 = arith.andi %add3A_912, %and3A_969 : i32
        %mul3A_971 = arith.constant 32 : i32
        %mul3A_972 = arith.muli %and3A_970, %mul3A_971 : i32
        %add3A_973 = arith.addi %mul3A_43, %mul3A_972 : i32
        %shift_right_arithmetic3A_974 = arith.constant 2 : i32
        %shift_right_arithmetic3A_975 = vector.broadcast %shift_right_arithmetic3A_974 : i32 to vector<16xi32>
        %shift_right_arithmetic3A_976 = arith.shrsi %iota3A, %shift_right_arithmetic3A_975 : vector<16xi32>
        %add3A_977 = arith.constant 0 : i32
        %add3A_978 = vector.broadcast %add3A_977 : i32 to vector<16xi32>
        %add3A_979 = arith.addi %shift_right_arithmetic3A_976, %add3A_978 : vector<16xi32>
        %add3A_980 = vector.broadcast %add3A_973 : i32 to vector<16xi32>
        %add3A_981 = arith.addi %add3A_980, %iota3A : vector<16xi32>
        %add3A_982 = arith.constant 0 : i32
        %add3A_983 = vector.broadcast %add3A_982 : i32 to vector<16xi32>
        %add3A_984 = arith.addi %add3A_981, %add3A_983 : vector<16xi32>
        %gather3A_985 = tpu.vector_load_idx %arg9[%broadcast_in_dim3A_968, %add3A_984] : memref<32x128xi32, #tpu.memory_space<vmem>>[vector<16xi32>, vector<16xi32>], vector<16xi32>,
        %lt3A_986 = vector.broadcast %min3A_965 : i32 to vector<16xi32>
        %lt3A_987 = arith.cmpi slt, %add3A_979, %lt3A_986 : vector<16xi32>
        %jit3A_988 = arith.constant 0 : i32
        %broadcast_in_dim3A_989 = vector.broadcast %jit3A_988 : i32 to vector<16xi32>
        %select_n3A_990 = arith.select %lt3A_987, %gather3A_985, %broadcast_in_dim3A_989 : vector<16xi1>, vector<16xi32>
        %swap3A_991 = arith.constant 0 : index
        %swap3A_992 = tpu.vector_load %arg13[%swap3A_991] {strides = array<i32>} : memref<32xi32, #tpu.memory_space<vmem>>, vector<16xi32>,
        tpu.vector_store %arg13[%swap3A_991], %select_n3A_990 {strides = array<i32>} : memref<32xi32, #tpu.memory_space<vmem>>, vector<16xi32>,
        %shift_right_arithmetic3A_993 = arith.constant 2 : i32
        %shift_right_arithmetic3A_994 = vector.broadcast %shift_right_arithmetic3A_993 : i32 to vector<16xi32>
        %shift_right_arithmetic3A_995 = arith.shrsi %iota3A, %shift_right_arithmetic3A_994 : vector<16xi32>
        %add3A_996 = arith.constant 4 : i32
        %add3A_997 = vector.broadcast %add3A_996 : i32 to vector<16xi32>
        %add3A_998 = arith.addi %shift_right_arithmetic3A_995, %add3A_997 : vector<16xi32>
        %add3A_999 = vector.broadcast %add3A_973 : i32 to vector<16xi32>
        %add3A_1000 = arith.addi %add3A_999, %iota3A : vector<16xi32>
        %add3A_1001 = arith.constant 16 : i32
        %add3A_1002 = vector.broadcast %add3A_1001 : i32 to vector<16xi32>
        %add3A_1003 = arith.addi %add3A_1000, %add3A_1002 : vector<16xi32>
        %gather3A_1004 = tpu.vector_load_idx %arg9[%broadcast_in_dim3A_968, %add3A_1003] : memref<32x128xi32, #tpu.memory_space<vmem>>[vector<16xi32>, vector<16xi32>], vector<16xi32>,
        %lt3A_1005 = vector.broadcast %min3A_965 : i32 to vector<16xi32>
        %lt3A_1006 = arith.cmpi slt, %add3A_998, %lt3A_1005 : vector<16xi32>
        %jit3A_1007 = arith.constant 0 : i32
        %broadcast_in_dim3A_1008 = vector.broadcast %jit3A_1007 : i32 to vector<16xi32>
        %select_n3A_1009 = arith.select %lt3A_1006, %gather3A_1004, %broadcast_in_dim3A_1008 : vector<16xi1>, vector<16xi32>
        %swap3A_1010 = arith.constant 16 : index
        %swap3A_1011 = tpu.vector_load %arg13[%swap3A_1010] {strides = array<i32>} : memref<32xi32, #tpu.memory_space<vmem>>, vector<16xi32>,
        tpu.vector_store %arg13[%swap3A_1010], %select_n3A_1009 {strides = array<i32>} : memref<32xi32, #tpu.memory_space<vmem>>, vector<16xi32>,
        %gt3A_1012 = arith.constant 0 : i32
        %gt3A_1013 = arith.cmpi sgt, %min3A_965, %gt3A_1012 : i32
        %convert_element_type3A_1014 = arith.extui %gt3A_1013 : i1 to i32
        %cond3A_1015 = arith.constant 0 : i32
        %cond3A_1016 = arith.cmpi ne, %convert_element_type3A_1014, %cond3A_1015 : i32
        scf.if %cond3A_1016 {
          %dma_start3A_1017 = arith.constant 0 : i32
          %dma_start3A_1018 = arith.constant 0 : i32
          %dma_start3A_1019 = tpu.memref_slice %arg5[%dma_start3A_1017, %dma_start3A_1018] : memref<100000x1024xf32, #tpu.memory_space<hbm>> -> memref<100000x1024xf32, #tpu.memory_space<hbm>>
          tpu.enqueue_indirect_dma source(%dma_start3A_1019 : memref<100000x1024xf32, #tpu.memory_space<hbm>>) target(%arg15 : memref<32x1024xf32, #tpu.memory_space<vmem>>) offsets(%arg13 : memref<32xi32, #tpu.memory_space<vmem>>) semaphore(%arg21 : memref<!tpu.dma_semaphore, #tpu.memory_space<semaphore_mem>>)
        } else {
        }
      } else {
      }
      %gt3A_832 = arith.constant 0 : i32
      %gt3A_833 = arith.cmpi sgt, %min3A_822, %gt3A_832 : i32
      %convert_element_type3A_834 = arith.extui %gt3A_833 : i1 to i32
      %cond3A_835 = arith.constant 0 : i32
      %cond3A_836 = arith.cmpi ne, %convert_element_type3A_834, %cond3A_835 : i32
      scf.if %cond3A_836 {
        %dma_wait3A_911 = arith.constant 0 : i32
        %dma_wait3A_912 = arith.constant 0 : i32
        %dma_wait3A_913 = tpu.memref_slice %arg5[%dma_wait3A_911, %dma_wait3A_912] : memref<100000x1024xf32, #tpu.memory_space<hbm>> -> memref<100000x1024xf32, #tpu.memory_space<hbm>>
        tpu.wait_indirect_dma semaphore(%arg22 : memref<!tpu.dma_semaphore, #tpu.memory_space<semaphore_mem>>) src(%dma_wait3A_913 : memref<100000x1024xf32, #tpu.memory_space<hbm>>) dst(%arg16 : memref<32x1024xf32, #tpu.memory_space<vmem>>)
      } else {
      }
      %gt3A_837 = arith.constant 0 : i32
      %gt3A_838 = arith.cmpi sgt, %min3A_822, %gt3A_837 : i32
      %convert_element_type3A_839 = arith.extui %gt3A_838 : i1 to i32
      %cond3A_840 = arith.constant 0 : i32
      %cond3A_841 = arith.cmpi ne, %convert_element_type3A_839, %cond3A_840 : i32
      scf.if %cond3A_841 {
        %parallel_loop3A = arith.constant 0 : i32
        %parallel_loop3A_911 = arith.constant 512 : i32
        %parallel_loop3A_912 = arith.constant 1 : i32
        scf.for %parallel_loop3A_913 = %parallel_loop3A to %parallel_loop3A_911 step %parallel_loop3A_912  : i32 {
          %parallel_loop3A_914 = arith.constant 64 : i32
          %parallel_loop3A_915 = arith.divsi %parallel_loop3A_913, %parallel_loop3A_914 : i32
          %parallel_loop3A_916 = arith.constant 0 : i32
          %parallel_loop3A_917 = arith.cmpi sgt, %parallel_loop3A_913, %parallel_loop3A_916 : i32
          %parallel_loop3A_918 = arith.extui %parallel_loop3A_917 : i1 to i32
          %parallel_loop3A_919 = arith.constant 0 : i32
          %parallel_loop3A_920 = arith.cmpi slt, %parallel_loop3A_913, %parallel_loop3A_919 : i32
          %parallel_loop3A_921 = arith.extui %parallel_loop3A_920 : i1 to i32
          %parallel_loop3A_922 = arith.subi %parallel_loop3A_918, %parallel_loop3A_921 : i32
          %parallel_loop3A_923 = arith.constant 0 : i32
          %parallel_loop3A_924 = arith.cmpi sgt, %parallel_loop3A_914, %parallel_loop3A_923 : i32
          %parallel_loop3A_925 = arith.extui %parallel_loop3A_924 : i1 to i32
          %parallel_loop3A_926 = arith.constant 0 : i32
          %parallel_loop3A_927 = arith.cmpi slt, %parallel_loop3A_914, %parallel_loop3A_926 : i32
          %parallel_loop3A_928 = arith.extui %parallel_loop3A_927 : i1 to i32
          %parallel_loop3A_929 = arith.subi %parallel_loop3A_925, %parallel_loop3A_928 : i32
          %parallel_loop3A_930 = arith.cmpi ne, %parallel_loop3A_922, %parallel_loop3A_929 : i32
          %parallel_loop3A_931 = arith.remsi %parallel_loop3A_913, %parallel_loop3A_914 : i32
          %parallel_loop3A_932 = arith.constant 0 : i32
          %parallel_loop3A_933 = arith.cmpi ne, %parallel_loop3A_931, %parallel_loop3A_932 : i32
          %parallel_loop3A_934 = arith.andi %parallel_loop3A_930, %parallel_loop3A_933 : i1
          %parallel_loop3A_935 = arith.constant 1 : i32
          %parallel_loop3A_936 = arith.subi %parallel_loop3A_915, %parallel_loop3A_935 : i32
          %parallel_loop3A_937 = arith.select %parallel_loop3A_934, %parallel_loop3A_936, %parallel_loop3A_915 : i32
          %parallel_loop3A_938 = arith.constant 64 : i32
          %parallel_loop3A_939 = arith.muli %parallel_loop3A_937, %parallel_loop3A_938 : i32
          %parallel_loop3A_940 = arith.subi %parallel_loop3A_913, %parallel_loop3A_939 : i32
          %parallel_loop3A_941 = arith.constant 16 : i32
          %parallel_loop3A_942 = arith.muli %parallel_loop3A_940, %parallel_loop3A_941 : i32
          %parallel_loop3A_943 = tpu.assume_multiple %parallel_loop3A_942, 16 : i32
          %parallel_loop3A_944 = arith.constant 4 : i32
          %parallel_loop3A_945 = arith.muli %parallel_loop3A_944, %parallel_loop3A_937 : i32
          %parallel_loop3A_946 = arith.index_cast %parallel_loop3A_945 : i32 to index
          %parallel_loop3A_947 = arith.index_cast %parallel_loop3A_943 : i32 to index
          %parallel_loop3A_948 = tpu.vector_load %arg16[%parallel_loop3A_946, %parallel_loop3A_947] {strides = array<i32>} : memref<32x1024xf32, #tpu.memory_space<vmem>>, vector<16xf32>,
          %parallel_loop3A_949 = arith.constant 4 : i32
          %parallel_loop3A_950 = arith.muli %parallel_loop3A_949, %parallel_loop3A_937 : i32
          %parallel_loop3A_951 = arith.constant 1 : i32
          %parallel_loop3A_952 = arith.addi %parallel_loop3A_950, %parallel_loop3A_951 : i32
          %parallel_loop3A_953 = arith.index_cast %parallel_loop3A_952 : i32 to index
          %parallel_loop3A_954 = arith.index_cast %parallel_loop3A_943 : i32 to index
          %parallel_loop3A_955 = tpu.vector_load %arg16[%parallel_loop3A_953, %parallel_loop3A_954] {strides = array<i32>} : memref<32x1024xf32, #tpu.memory_space<vmem>>, vector<16xf32>,
          %parallel_loop3A_956 = arith.addf %parallel_loop3A_948, %parallel_loop3A_955 : vector<16xf32>
          %parallel_loop3A_957 = arith.constant 4 : i32
          %parallel_loop3A_958 = arith.muli %parallel_loop3A_957, %parallel_loop3A_937 : i32
          %parallel_loop3A_959 = arith.constant 2 : i32
          %parallel_loop3A_960 = arith.addi %parallel_loop3A_958, %parallel_loop3A_959 : i32
          %parallel_loop3A_961 = arith.index_cast %parallel_loop3A_960 : i32 to index
          %parallel_loop3A_962 = arith.index_cast %parallel_loop3A_943 : i32 to index
          %parallel_loop3A_963 = tpu.vector_load %arg16[%parallel_loop3A_961, %parallel_loop3A_962] {strides = array<i32>} : memref<32x1024xf32, #tpu.memory_space<vmem>>, vector<16xf32>,
          %parallel_loop3A_964 = arith.constant 4 : i32
          %parallel_loop3A_965 = arith.muli %parallel_loop3A_964, %parallel_loop3A_937 : i32
          %parallel_loop3A_966 = arith.constant 3 : i32
          %parallel_loop3A_967 = arith.addi %parallel_loop3A_965, %parallel_loop3A_966 : i32
          %parallel_loop3A_968 = arith.index_cast %parallel_loop3A_967 : i32 to index
          %parallel_loop3A_969 = arith.index_cast %parallel_loop3A_943 : i32 to index
          %parallel_loop3A_970 = tpu.vector_load %arg16[%parallel_loop3A_968, %parallel_loop3A_969] {strides = array<i32>} : memref<32x1024xf32, #tpu.memory_space<vmem>>, vector<16xf32>,
          %parallel_loop3A_971 = arith.addf %parallel_loop3A_963, %parallel_loop3A_970 : vector<16xf32>
          %parallel_loop3A_972 = arith.addf %parallel_loop3A_956, %parallel_loop3A_971 : vector<16xf32>
          %parallel_loop3A_973 = arith.constant 8 : i32
          %parallel_loop3A_974 = arith.addi %parallel_loop3A_973, %parallel_loop3A_937 : i32
          %parallel_loop3A_975 = arith.index_cast %parallel_loop3A_974 : i32 to index
          %parallel_loop3A_976 = arith.index_cast %parallel_loop3A_943 : i32 to index
          %parallel_loop3A_977 = tpu.vector_load %arg18[%parallel_loop3A_975, %parallel_loop3A_976] {strides = array<i32>} : memref<16x1024xf32, #tpu.memory_space<vmem>>, vector<16xf32>,
          tpu.vector_store %arg18[%parallel_loop3A_975, %parallel_loop3A_976], %parallel_loop3A_972 {strides = array<i32>} : memref<16x1024xf32, #tpu.memory_space<vmem>>, vector<16xf32>,
        } {sc.loop_unroll_factor = 4 : i64, sc.parallel_access}
      } else {
      }
      %mul3A_842 = arith.constant 32 : i32
      %mul3A_843 = arith.muli %mul3A_842, %shift_right_arithmetic3A_824 : i32
      %add3A_844 = arith.addi %add3A, %mul3A_843 : i32
      %mul3A_845 = arith.constant 16 : i32
      %mul3A_846 = arith.muli %add3A_844, %mul3A_845 : i32
      %jit3A_847 = arith.constant 4096 : i32
      %div3A_848 = arith.divsi %mul3A_846, %jit3A_847 : i32
      %sign3A_849 = arith.constant 0 : i32
      %sign3A_850 = arith.cmpi sgt, %mul3A_846, %sign3A_849 : i32
      %sign3A_851 = arith.extui %sign3A_850 : i1 to i32
      %sign3A_852 = arith.constant 0 : i32
      %sign3A_853 = arith.cmpi slt, %mul3A_846, %sign3A_852 : i32
      %sign3A_854 = arith.extui %sign3A_853 : i1 to i32
      %sign3A_855 = arith.subi %sign3A_851, %sign3A_854 : i32
      %sign3A_856 = arith.constant 0 : i32
      %sign3A_857 = arith.cmpi sgt, %jit3A_847, %sign3A_856 : i32
      %sign3A_858 = arith.extui %sign3A_857 : i1 to i32
      %sign3A_859 = arith.constant 0 : i32
      %sign3A_860 = arith.cmpi slt, %jit3A_847, %sign3A_859 : i32
      %sign3A_861 = arith.extui %sign3A_860 : i1 to i32
      %sign3A_862 = arith.subi %sign3A_858, %sign3A_861 : i32
      %ne3A_863 = arith.cmpi ne, %sign3A_855, %sign3A_862 : i32
      %rem3A_864 = arith.remsi %mul3A_846, %jit3A_847 : i32
      %ne3A_865 = arith.constant 0 : i32
      %ne3A_866 = arith.cmpi ne, %rem3A_864, %ne3A_865 : i32
      %and3A_867 = arith.andi %ne3A_863, %ne3A_866 : i1
      %sub3A_868 = arith.constant 1 : i32
      %sub3A_869 = arith.subi %div3A_848, %sub3A_868 : i32
      %select_n3A_870 = arith.select %and3A_867, %sub3A_869, %div3A_848 : i32
      %eq3A_871 = arith.constant 1 : i32
      %eq3A_872 = arith.cmpi eq, %select_n3A_870, %eq3A_871 : i32
      %select_n3A_873 = arith.select %eq3A_872, %reduce_max3A_165, %reduce_max3A_151 : i32
      %eq3A_874 = arith.constant 2 : i32
      %eq3A_875 = arith.cmpi eq, %select_n3A_870, %eq3A_874 : i32
      %select_n3A_876 = arith.select %eq3A_875, %reduce_max3A_179, %select_n3A_873 : i32
      %eq3A_877 = arith.constant 3 : i32
      %eq3A_878 = arith.cmpi eq, %select_n3A_870, %eq3A_877 : i32
      %select_n3A_879 = arith.select %eq3A_878, %reduce_max3A_193, %select_n3A_876 : i32
      %mul3A_880 = arith.constant 4096 : i32
      %mul3A_881 = arith.muli %select_n3A_870, %mul3A_880 : i32
      %sub3A_882 = arith.subi %mul3A_846, %mul3A_881 : i32
      %sub3A_883 = arith.subi %select_n3A_879, %sub3A_882 : i32
      %max3A_884 = arith.constant 0 : i32
      %max3A_885 = arith.maxsi %sub3A_883, %max3A_884 : i32
      %min3A_886 = arith.constant 16 : i32
      %min3A_887 = arith.minsi %max3A_885, %min3A_886 : i32
      %eq3A_888 = arith.constant 0 : i32
      %eq3A_889 = arith.cmpi eq, %min3A_822, %eq3A_888 : i32
      %gt3A_890 = arith.constant 0 : i32
      %gt3A_891 = arith.cmpi sgt, %min3A_887, %gt3A_890 : i32
      %and3A_892 = arith.andi %eq3A_889, %gt3A_891 : i1
      %convert_element_type3A_893 = arith.extui %and3A_892 : i1 to i32
      %cond3A_894 = arith.constant 0 : i32
      %cond3A_895 = arith.cmpi ne, %convert_element_type3A_893, %cond3A_894 : i32
      scf.if %cond3A_895 {
        %parallel_loop3A = arith.constant 0 : i32
        %parallel_loop3A_911 = arith.constant 64 : i32
        %parallel_loop3A_912 = arith.constant 1 : i32
        scf.for %parallel_loop3A_934 = %parallel_loop3A to %parallel_loop3A_911 step %parallel_loop3A_912  : i32 {
          %parallel_loop3A_935 = arith.constant 16 : i32
          %parallel_loop3A_936 = arith.muli %parallel_loop3A_934, %parallel_loop3A_935 : i32
          %parallel_loop3A_937 = tpu.assume_multiple %parallel_loop3A_936, 16 : i32
          %parallel_loop3A_938 = arith.constant 8 : i32
          %parallel_loop3A_939 = arith.index_cast %parallel_loop3A_938 : i32 to index
          %parallel_loop3A_940 = arith.index_cast %parallel_loop3A_937 : i32 to index
          %parallel_loop3A_941 = tpu.vector_load %arg18[%parallel_loop3A_939, %parallel_loop3A_940] {strides = array<i32>} : memref<16x1024xf32, #tpu.memory_space<vmem>>, vector<16xf32>,
          tpu.vector_store %arg18[%parallel_loop3A_939, %parallel_loop3A_940], %broadcast_in_dim3A_6 {strides = array<i32>} : memref<16x1024xf32, #tpu.memory_space<vmem>>, vector<16xf32>,
        } {sc.loop_unroll_factor = 4 : i64, sc.parallel_access}
        %parallel_loop3A_913 = arith.constant 0 : i32
        %parallel_loop3A_914 = arith.constant 64 : i32
        %parallel_loop3A_915 = arith.constant 1 : i32
        scf.for %parallel_loop3A_934 = %parallel_loop3A_913 to %parallel_loop3A_914 step %parallel_loop3A_915  : i32 {
          %parallel_loop3A_935 = arith.constant 16 : i32
          %parallel_loop3A_936 = arith.muli %parallel_loop3A_934, %parallel_loop3A_935 : i32
          %parallel_loop3A_937 = tpu.assume_multiple %parallel_loop3A_936, 16 : i32
          %parallel_loop3A_938 = arith.constant 9 : i32
          %parallel_loop3A_939 = arith.index_cast %parallel_loop3A_938 : i32 to index
          %parallel_loop3A_940 = arith.index_cast %parallel_loop3A_937 : i32 to index
          %parallel_loop3A_941 = tpu.vector_load %arg18[%parallel_loop3A_939, %parallel_loop3A_940] {strides = array<i32>} : memref<16x1024xf32, #tpu.memory_space<vmem>>, vector<16xf32>,
          tpu.vector_store %arg18[%parallel_loop3A_939, %parallel_loop3A_940], %broadcast_in_dim3A_6 {strides = array<i32>} : memref<16x1024xf32, #tpu.memory_space<vmem>>, vector<16xf32>,
        } {sc.loop_unroll_factor = 4 : i64, sc.parallel_access}
        %parallel_loop3A_916 = arith.constant 0 : i32
        %parallel_loop3A_917 = arith.constant 64 : i32
        %parallel_loop3A_918 = arith.constant 1 : i32
        scf.for %parallel_loop3A_934 = %parallel_loop3A_916 to %parallel_loop3A_917 step %parallel_loop3A_918  : i32 {
          %parallel_loop3A_935 = arith.constant 16 : i32
          %parallel_loop3A_936 = arith.muli %parallel_loop3A_934, %parallel_loop3A_935 : i32
          %parallel_loop3A_937 = tpu.assume_multiple %parallel_loop3A_936, 16 : i32
          %parallel_loop3A_938 = arith.constant 10 : i32
          %parallel_loop3A_939 = arith.index_cast %parallel_loop3A_938 : i32 to index
          %parallel_loop3A_940 = arith.index_cast %parallel_loop3A_937 : i32 to index
          %parallel_loop3A_941 = tpu.vector_load %arg18[%parallel_loop3A_939, %parallel_loop3A_940] {strides = array<i32>} : memref<16x1024xf32, #tpu.memory_space<vmem>>, vector<16xf32>,
          tpu.vector_store %arg18[%parallel_loop3A_939, %parallel_loop3A_940], %broadcast_in_dim3A_6 {strides = array<i32>} : memref<16x1024xf32, #tpu.memory_space<vmem>>, vector<16xf32>,
        } {sc.loop_unroll_factor = 4 : i64, sc.parallel_access}
        %parallel_loop3A_919 = arith.constant 0 : i32
        %parallel_loop3A_920 = arith.constant 64 : i32
        %parallel_loop3A_921 = arith.constant 1 : i32
        scf.for %parallel_loop3A_934 = %parallel_loop3A_919 to %parallel_loop3A_920 step %parallel_loop3A_921  : i32 {
          %parallel_loop3A_935 = arith.constant 16 : i32
          %parallel_loop3A_936 = arith.muli %parallel_loop3A_934, %parallel_loop3A_935 : i32
          %parallel_loop3A_937 = tpu.assume_multiple %parallel_loop3A_936, 16 : i32
          %parallel_loop3A_938 = arith.constant 11 : i32
          %parallel_loop3A_939 = arith.index_cast %parallel_loop3A_938 : i32 to index
          %parallel_loop3A_940 = arith.index_cast %parallel_loop3A_937 : i32 to index
          %parallel_loop3A_941 = tpu.vector_load %arg18[%parallel_loop3A_939, %parallel_loop3A_940] {strides = array<i32>} : memref<16x1024xf32, #tpu.memory_space<vmem>>, vector<16xf32>,
          tpu.vector_store %arg18[%parallel_loop3A_939, %parallel_loop3A_940], %broadcast_in_dim3A_6 {strides = array<i32>} : memref<16x1024xf32, #tpu.memory_space<vmem>>, vector<16xf32>,
        } {sc.loop_unroll_factor = 4 : i64, sc.parallel_access}
        %parallel_loop3A_922 = arith.constant 0 : i32
        %parallel_loop3A_923 = arith.constant 64 : i32
        %parallel_loop3A_924 = arith.constant 1 : i32
        scf.for %parallel_loop3A_934 = %parallel_loop3A_922 to %parallel_loop3A_923 step %parallel_loop3A_924  : i32 {
          %parallel_loop3A_935 = arith.constant 16 : i32
          %parallel_loop3A_936 = arith.muli %parallel_loop3A_934, %parallel_loop3A_935 : i32
          %parallel_loop3A_937 = tpu.assume_multiple %parallel_loop3A_936, 16 : i32
          %parallel_loop3A_938 = arith.constant 12 : i32
          %parallel_loop3A_939 = arith.index_cast %parallel_loop3A_938 : i32 to index
          %parallel_loop3A_940 = arith.index_cast %parallel_loop3A_937 : i32 to index
          %parallel_loop3A_941 = tpu.vector_load %arg18[%parallel_loop3A_939, %parallel_loop3A_940] {strides = array<i32>} : memref<16x1024xf32, #tpu.memory_space<vmem>>, vector<16xf32>,
          tpu.vector_store %arg18[%parallel_loop3A_939, %parallel_loop3A_940], %broadcast_in_dim3A_6 {strides = array<i32>} : memref<16x1024xf32, #tpu.memory_space<vmem>>, vector<16xf32>,
        } {sc.loop_unroll_factor = 4 : i64, sc.parallel_access}
        %parallel_loop3A_925 = arith.constant 0 : i32
        %parallel_loop3A_926 = arith.constant 64 : i32
        %parallel_loop3A_927 = arith.constant 1 : i32
        scf.for %parallel_loop3A_934 = %parallel_loop3A_925 to %parallel_loop3A_926 step %parallel_loop3A_927  : i32 {
          %parallel_loop3A_935 = arith.constant 16 : i32
          %parallel_loop3A_936 = arith.muli %parallel_loop3A_934, %parallel_loop3A_935 : i32
          %parallel_loop3A_937 = tpu.assume_multiple %parallel_loop3A_936, 16 : i32
          %parallel_loop3A_938 = arith.constant 13 : i32
          %parallel_loop3A_939 = arith.index_cast %parallel_loop3A_938 : i32 to index
          %parallel_loop3A_940 = arith.index_cast %parallel_loop3A_937 : i32 to index
          %parallel_loop3A_941 = tpu.vector_load %arg18[%parallel_loop3A_939, %parallel_loop3A_940] {strides = array<i32>} : memref<16x1024xf32, #tpu.memory_space<vmem>>, vector<16xf32>,
          tpu.vector_store %arg18[%parallel_loop3A_939, %parallel_loop3A_940], %broadcast_in_dim3A_6 {strides = array<i32>} : memref<16x1024xf32, #tpu.memory_space<vmem>>, vector<16xf32>,
        } {sc.loop_unroll_factor = 4 : i64, sc.parallel_access}
        %parallel_loop3A_928 = arith.constant 0 : i32
        %parallel_loop3A_929 = arith.constant 64 : i32
        %parallel_loop3A_930 = arith.constant 1 : i32
        scf.for %parallel_loop3A_934 = %parallel_loop3A_928 to %parallel_loop3A_929 step %parallel_loop3A_930  : i32 {
          %parallel_loop3A_935 = arith.constant 16 : i32
          %parallel_loop3A_936 = arith.muli %parallel_loop3A_934, %parallel_loop3A_935 : i32
          %parallel_loop3A_937 = tpu.assume_multiple %parallel_loop3A_936, 16 : i32
          %parallel_loop3A_938 = arith.constant 14 : i32
          %parallel_loop3A_939 = arith.index_cast %parallel_loop3A_938 : i32 to index
          %parallel_loop3A_940 = arith.index_cast %parallel_loop3A_937 : i32 to index
          %parallel_loop3A_941 = tpu.vector_load %arg18[%parallel_loop3A_939, %parallel_loop3A_940] {strides = array<i32>} : memref<16x1024xf32, #tpu.memory_space<vmem>>, vector<16xf32>,
          tpu.vector_store %arg18[%parallel_loop3A_939, %parallel_loop3A_940], %broadcast_in_dim3A_6 {strides = array<i32>} : memref<16x1024xf32, #tpu.memory_space<vmem>>, vector<16xf32>,
        } {sc.loop_unroll_factor = 4 : i64, sc.parallel_access}
        %parallel_loop3A_931 = arith.constant 0 : i32
        %parallel_loop3A_932 = arith.constant 64 : i32
        %parallel_loop3A_933 = arith.constant 1 : i32
        scf.for %parallel_loop3A_934 = %parallel_loop3A_931 to %parallel_loop3A_932 step %parallel_loop3A_933  : i32 {
          %parallel_loop3A_935 = arith.constant 16 : i32
          %parallel_loop3A_936 = arith.muli %parallel_loop3A_934, %parallel_loop3A_935 : i32
          %parallel_loop3A_937 = tpu.assume_multiple %parallel_loop3A_936, 16 : i32
          %parallel_loop3A_938 = arith.constant 15 : i32
          %parallel_loop3A_939 = arith.index_cast %parallel_loop3A_938 : i32 to index
          %parallel_loop3A_940 = arith.index_cast %parallel_loop3A_937 : i32 to index
          %parallel_loop3A_941 = tpu.vector_load %arg18[%parallel_loop3A_939, %parallel_loop3A_940] {strides = array<i32>} : memref<16x1024xf32, #tpu.memory_space<vmem>>, vector<16xf32>,
          tpu.vector_store %arg18[%parallel_loop3A_939, %parallel_loop3A_940], %broadcast_in_dim3A_6 {strides = array<i32>} : memref<16x1024xf32, #tpu.memory_space<vmem>>, vector<16xf32>,
        } {sc.loop_unroll_factor = 4 : i64, sc.parallel_access}
      } else {
      }
      %mul3A_896 = arith.constant 32 : i32
      %mul3A_897 = arith.muli %mul3A_896, %shift_right_arithmetic3A_824 : i32
      %add3A_898 = arith.addi %add3A, %mul3A_897 : i32
      %mul3A_899 = arith.constant 16 : i32
      %mul3A_900 = arith.muli %add3A_898, %mul3A_899 : i32
      %gt3A_901 = arith.constant 0 : i32
      %gt3A_902 = arith.cmpi sgt, %min3A_887, %gt3A_901 : i32
      %convert_element_type3A_903 = arith.extui %gt3A_902 : i1 to i32
      %cond3A_904 = arith.constant 0 : i32
      %cond3A_905 = arith.cmpi ne, %convert_element_type3A_903, %cond3A_904 : i32
      scf.if %cond3A_905 {
        %dma_start3A_911 = arith.constant 0 : i32
        %dma_start3A_912 = tpu.memref_slice %arg6[%mul3A_900, %dma_start3A_911] : memref<16384x1024xf32, #tpu.memory_space<hbm>> -> memref<16x1024xf32, #tpu.memory_space<hbm>>
        %dma_start3A_913 = arith.constant 0 : i32
        %dma_start3A_914 = tpu.memref_slice %arg6[%mul3A_900, %dma_start3A_913] : memref<16384x1024xf32, #tpu.memory_space<hbm>> -> memref<16x1024xf32, #tpu.memory_space<hbm>>
        tpu.enqueue_dma source(%arg18 : memref<16x1024xf32, #tpu.memory_space<vmem>>) target(%dma_start3A_914 : memref<16x1024xf32, #tpu.memory_space<hbm>>) target_semaphore(%arg24 : memref<!tpu.dma_semaphore, #tpu.memory_space<semaphore_mem>>)
      } else {
      }
      %eq3A_906 = arith.constant 0 : i32
      %eq3A_907 = arith.cmpi eq, %min3A_887, %eq3A_906 : i32
      %convert_element_type3A_908 = arith.extui %eq3A_907 : i1 to i32
      %cond3A_909 = arith.constant 0 : i32
      %cond3A_910 = arith.cmpi ne, %convert_element_type3A_908, %cond3A_909 : i32
      scf.if %cond3A_910 {
        %dma_start3A_911 = arith.constant 0 : i32
        %dma_start3A_912 = tpu.memref_slice %arg6[%mul3A_900, %dma_start3A_911] : memref<16384x1024xf32, #tpu.memory_space<hbm>> -> memref<16x1024xf32, #tpu.memory_space<hbm>>
        %dma_start3A_913 = arith.constant 0 : i32
        %dma_start3A_914 = tpu.memref_slice %arg6[%mul3A_900, %dma_start3A_913] : memref<16384x1024xf32, #tpu.memory_space<hbm>> -> memref<16x1024xf32, #tpu.memory_space<hbm>>
        tpu.enqueue_dma source(%arg19 : memref<16x1024xf32, #tpu.memory_space<vmem>>) target(%dma_start3A_914 : memref<16x1024xf32, #tpu.memory_space<hbm>>) target_semaphore(%arg25 : memref<!tpu.dma_semaphore, #tpu.memory_space<semaphore_mem>>)
      } else {
      }
    }
    %scan3A_348 = arith.constant 16 : i32
    %add3A_349 = arith.constant 960 : i32
    %add3A_350 = arith.addi %add3A, %add3A_349 : i32
    %mul3A_351 = arith.constant 16 : i32
    %mul3A_352 = arith.muli %add3A_350, %mul3A_351 : i32
    %jit3A_353 = arith.constant 4096 : i32
    %div3A_354 = arith.divsi %mul3A_352, %jit3A_353 : i32
    %sign3A_355 = arith.constant 0 : i32
    %sign3A_356 = arith.cmpi sgt, %mul3A_352, %sign3A_355 : i32
    %sign3A_357 = arith.extui %sign3A_356 : i1 to i32
    %sign3A_358 = arith.constant 0 : i32
    %sign3A_359 = arith.cmpi slt, %mul3A_352, %sign3A_358 : i32
    %sign3A_360 = arith.extui %sign3A_359 : i1 to i32
    %sign3A_361 = arith.subi %sign3A_357, %sign3A_360 : i32
    %sign3A_362 = arith.constant 0 : i32
    %sign3A_363 = arith.cmpi sgt, %jit3A_353, %sign3A_362 : i32
    %sign3A_364 = arith.extui %sign3A_363 : i1 to i32
    %sign3A_365 = arith.constant 0 : i32
    %sign3A_366 = arith.cmpi slt, %jit3A_353, %sign3A_365 : i32
    %sign3A_367 = arith.extui %sign3A_366 : i1 to i32
    %sign3A_368 = arith.subi %sign3A_364, %sign3A_367 : i32
    %ne3A_369 = arith.cmpi ne, %sign3A_361, %sign3A_368 : i32
    %rem3A_370 = arith.remsi %mul3A_352, %jit3A_353 : i32
    %ne3A_371 = arith.constant 0 : i32
    %ne3A_372 = arith.cmpi ne, %rem3A_370, %ne3A_371 : i32
    %and3A_373 = arith.andi %ne3A_369, %ne3A_372 : i1
    %sub3A_374 = arith.constant 1 : i32
    %sub3A_375 = arith.subi %div3A_354, %sub3A_374 : i32
    %select_n3A_376 = arith.select %and3A_373, %sub3A_375, %div3A_354 : i32
    %eq3A_377 = arith.constant 1 : i32
    %eq3A_378 = arith.cmpi eq, %select_n3A_376, %eq3A_377 : i32
    %select_n3A_379 = arith.select %eq3A_378, %reduce_max3A_165, %reduce_max3A_151 : i32
    %eq3A_380 = arith.constant 2 : i32
    %eq3A_381 = arith.cmpi eq, %select_n3A_376, %eq3A_380 : i32
    %select_n3A_382 = arith.select %eq3A_381, %reduce_max3A_179, %select_n3A_379 : i32
    %eq3A_383 = arith.constant 3 : i32
    %eq3A_384 = arith.cmpi eq, %select_n3A_376, %eq3A_383 : i32
    %select_n3A_385 = arith.select %eq3A_384, %reduce_max3A_193, %select_n3A_382 : i32
    %mul3A_386 = arith.constant 4096 : i32
    %mul3A_387 = arith.muli %select_n3A_376, %mul3A_386 : i32
    %sub3A_388 = arith.subi %mul3A_352, %mul3A_387 : i32
    %sub3A_389 = arith.subi %select_n3A_385, %sub3A_388 : i32
    %max3A_390 = arith.constant 0 : i32
    %max3A_391 = arith.maxsi %sub3A_389, %max3A_390 : i32
    %min3A_392 = arith.constant 16 : i32
    %min3A_393 = arith.minsi %max3A_391, %min3A_392 : i32
    %gt3A_394 = arith.constant 0 : i32
    %gt3A_395 = arith.cmpi sgt, %min3A_393, %gt3A_394 : i32
    %convert_element_type3A_396 = arith.extui %gt3A_395 : i1 to i32
    %cond3A_397 = arith.constant 0 : i32
    %cond3A_398 = arith.cmpi ne, %convert_element_type3A_396, %cond3A_397 : i32
    scf.if %cond3A_398 {
      %dma_wait3A_459 = arith.constant 0 : i32
      %dma_wait3A_460 = arith.constant 0 : i32
      %dma_wait3A_461 = tpu.memref_slice %arg6[%dma_wait3A_459, %dma_wait3A_460] : memref<16384x1024xf32, #tpu.memory_space<hbm>> -> memref<16x1024xf32, #tpu.memory_space<hbm>>
      %dma_wait3A_462 = arith.constant 0 : i32
      %dma_wait3A_463 = arith.constant 0 : i32
      %dma_wait3A_464 = tpu.memref_slice %arg6[%dma_wait3A_462, %dma_wait3A_463] : memref<16384x1024xf32, #tpu.memory_space<hbm>> -> memref<16x1024xf32, #tpu.memory_space<hbm>>
      tpu.wait_dma2 semaphore(%arg23 : memref<!tpu.dma_semaphore, #tpu.memory_space<semaphore_mem>>) src(%arg17 : memref<16x1024xf32, #tpu.memory_space<vmem>>) dst(%dma_wait3A_464 : memref<16x1024xf32, #tpu.memory_space<hbm>>)
    } else {
    }
    %eq3A_399 = arith.constant 0 : i32
    %eq3A_400 = arith.cmpi eq, %min3A_393, %eq3A_399 : i32
    %convert_element_type3A_401 = arith.extui %eq3A_400 : i1 to i32
    %cond3A_402 = arith.constant 0 : i32
    %cond3A_403 = arith.cmpi ne, %convert_element_type3A_401, %cond3A_402 : i32
    scf.if %cond3A_403 {
      %dma_wait3A_459 = arith.constant 0 : i32
      %dma_wait3A_460 = arith.constant 0 : i32
      %dma_wait3A_461 = tpu.memref_slice %arg6[%dma_wait3A_459, %dma_wait3A_460] : memref<16384x1024xf32, #tpu.memory_space<hbm>> -> memref<16x1024xf32, #tpu.memory_space<hbm>>
      %dma_wait3A_462 = arith.constant 0 : i32
      %dma_wait3A_463 = arith.constant 0 : i32
      %dma_wait3A_464 = tpu.memref_slice %arg6[%dma_wait3A_462, %dma_wait3A_463] : memref<16384x1024xf32, #tpu.memory_space<hbm>> -> memref<16x1024xf32, #tpu.memory_space<hbm>>
      tpu.wait_dma2 semaphore(%arg25 : memref<!tpu.dma_semaphore, #tpu.memory_space<semaphore_mem>>) src(%arg19 : memref<16x1024xf32, #tpu.memory_space<vmem>>) dst(%dma_wait3A_464 : memref<16x1024xf32, #tpu.memory_space<hbm>>)
    } else {
    }
    %add3A_404 = arith.constant 992 : i32
    %add3A_405 = arith.addi %add3A, %add3A_404 : i32
    %mul3A_406 = arith.constant 16 : i32
    %mul3A_407 = arith.muli %add3A_405, %mul3A_406 : i32
    %jit3A_408 = arith.constant 4096 : i32
    %div3A_409 = arith.divsi %mul3A_407, %jit3A_408 : i32
    %sign3A_410 = arith.constant 0 : i32
    %sign3A_411 = arith.cmpi sgt, %mul3A_407, %sign3A_410 : i32
    %sign3A_412 = arith.extui %sign3A_411 : i1 to i32
    %sign3A_413 = arith.constant 0 : i32
    %sign3A_414 = arith.cmpi slt, %mul3A_407, %sign3A_413 : i32
    %sign3A_415 = arith.extui %sign3A_414 : i1 to i32
    %sign3A_416 = arith.subi %sign3A_412, %sign3A_415 : i32
    %sign3A_417 = arith.constant 0 : i32
    %sign3A_418 = arith.cmpi sgt, %jit3A_408, %sign3A_417 : i32
    %sign3A_419 = arith.extui %sign3A_418 : i1 to i32
    %sign3A_420 = arith.constant 0 : i32
    %sign3A_421 = arith.cmpi slt, %jit3A_408, %sign3A_420 : i32
    %sign3A_422 = arith.extui %sign3A_421 : i1 to i32
    %sign3A_423 = arith.subi %sign3A_419, %sign3A_422 : i32
    %ne3A_424 = arith.cmpi ne, %sign3A_416, %sign3A_423 : i32
    %rem3A_425 = arith.remsi %mul3A_407, %jit3A_408 : i32
    %ne3A_426 = arith.constant 0 : i32
    %ne3A_427 = arith.cmpi ne, %rem3A_425, %ne3A_426 : i32
    %and3A_428 = arith.andi %ne3A_424, %ne3A_427 : i1
    %sub3A_429 = arith.constant 1 : i32
    %sub3A_430 = arith.subi %div3A_409, %sub3A_429 : i32
    %select_n3A_431 = arith.select %and3A_428, %sub3A_430, %div3A_409 : i32
    %eq3A_432 = arith.constant 1 : i32
    %eq3A_433 = arith.cmpi eq, %select_n3A_431, %eq3A_432 : i32
    %select_n3A_434 = arith.select %eq3A_433, %reduce_max3A_165, %reduce_max3A_151 : i32
    %eq3A_435 = arith.constant 2 : i32
    %eq3A_436 = arith.cmpi eq, %select_n3A_431, %eq3A_435 : i32
    %select_n3A_437 = arith.select %eq3A_436, %reduce_max3A_179, %select_n3A_434 : i32
    %eq3A_438 = arith.constant 3 : i32
    %eq3A_439 = arith.cmpi eq, %select_n3A_431, %eq3A_438 : i32
    %select_n3A_440 = arith.select %eq3A_439, %reduce_max3A_193, %select_n3A_437 : i32
    %mul3A_441 = arith.constant 4096 : i32
    %mul3A_442 = arith.muli %select_n3A_431, %mul3A_441 : i32
    %sub3A_443 = arith.subi %mul3A_407, %mul3A_442 : i32
    %sub3A_444 = arith.subi %select_n3A_440, %sub3A_443 : i32
    %max3A_445 = arith.constant 0 : i32
    %max3A_446 = arith.maxsi %sub3A_444, %max3A_445 : i32
    %min3A_447 = arith.constant 16 : i32
    %min3A_448 = arith.minsi %max3A_446, %min3A_447 : i32
    %gt3A_449 = arith.constant 0 : i32
    %gt3A_450 = arith.cmpi sgt, %min3A_448, %gt3A_449 : i32
    %convert_element_type3A_451 = arith.extui %gt3A_450 : i1 to i32
    %cond3A_452 = arith.constant 0 : i32
    %cond3A_453 = arith.cmpi ne, %convert_element_type3A_451, %cond3A_452 : i32
    scf.if %cond3A_453 {
      %dma_wait3A_459 = arith.constant 0 : i32
      %dma_wait3A_460 = arith.constant 0 : i32
      %dma_wait3A_461 = tpu.memref_slice %arg6[%dma_wait3A_459, %dma_wait3A_460] : memref<16384x1024xf32, #tpu.memory_space<hbm>> -> memref<16x1024xf32, #tpu.memory_space<hbm>>
      %dma_wait3A_462 = arith.constant 0 : i32
      %dma_wait3A_463 = arith.constant 0 : i32
      %dma_wait3A_464 = tpu.memref_slice %arg6[%dma_wait3A_462, %dma_wait3A_463] : memref<16384x1024xf32, #tpu.memory_space<hbm>> -> memref<16x1024xf32, #tpu.memory_space<hbm>>
      tpu.wait_dma2 semaphore(%arg24 : memref<!tpu.dma_semaphore, #tpu.memory_space<semaphore_mem>>) src(%arg18 : memref<16x1024xf32, #tpu.memory_space<vmem>>) dst(%dma_wait3A_464 : memref<16x1024xf32, #tpu.memory_space<hbm>>)
    } else {
    }
    %eq3A_454 = arith.constant 0 : i32
    %eq3A_455 = arith.cmpi eq, %min3A_448, %eq3A_454 : i32
    %convert_element_type3A_456 = arith.extui %eq3A_455 : i1 to i32
    %cond3A_457 = arith.constant 0 : i32
    %cond3A_458 = arith.cmpi ne, %convert_element_type3A_456, %cond3A_457 : i32
    scf.if %cond3A_458 {
      %dma_wait3A_459 = arith.constant 0 : i32
      %dma_wait3A_460 = arith.constant 0 : i32
      %dma_wait3A_461 = tpu.memref_slice %arg6[%dma_wait3A_459, %dma_wait3A_460] : memref<16384x1024xf32, #tpu.memory_space<hbm>> -> memref<16x1024xf32, #tpu.memory_space<hbm>>
      %dma_wait3A_462 = arith.constant 0 : i32
      %dma_wait3A_463 = arith.constant 0 : i32
      %dma_wait3A_464 = tpu.memref_slice %arg6[%dma_wait3A_462, %dma_wait3A_463] : memref<16384x1024xf32, #tpu.memory_space<hbm>> -> memref<16x1024xf32, #tpu.memory_space<hbm>>
      tpu.wait_dma2 semaphore(%arg25 : memref<!tpu.dma_semaphore, #tpu.memory_space<semaphore_mem>>) src(%arg19 : memref<16x1024xf32, #tpu.memory_space<vmem>>) dst(%dma_wait3A_464 : memref<16x1024xf32, #tpu.memory_space<hbm>>)
    } else {
    }
    return
  }
}

</mosaic_0001>

<sc_bundles>
// kernel: _compose_sc.3.cloned.1.call-start
scs
__scs_entry_jumppad:
0x0: {  	(pc) =	sbr.rel $0x88, $3  }
0x1: {  	(tag) =	ssettag $0x0;
	lr =	simm.s32 $0x1  }
0x2: {  	[smem:$0x3F9D] =	sst lr;
	_ =	strace $0xD0000000  }
0x3: {  	_ = 	snop  }
0x4: {  	_ = 	snop  }
0x5: {  	_ = 	snop  }
0x6: {  	_ = 	snop  }
0x7: {  	_ = 	snop  }
__scs_overlays_trampoline_lowered:
0x8: {  	[smem:$0x3FAC] =	sst s0  }
0x9: {  	[smem:$0x3FAD] =	sst s1  }
0xa: {  	[smem:$0x3FAE] =	sst s2  }
0xb: {  	[smem:$0x3FAF] =	sst s3  }
0xc: {  	[smem:$0x3FB0] =	sst s4  }
0xd: {  	[smem:$0x3FB1] =	sst s5  }
0xe: {  	[smem:$0x3FB2] =	sst s6  }
0xf: {  	[smem:$0x3FB3] =	sst s7  }
0x10: {  	[smem:$0x3FB4] =	sst s8  }
0x11: {  	[smem:$0x3FB5] =	sst s9;
	s0 =	simm.s32 @!p0 $0x0  }
0x12: {  	s1 =	sld [smem:$0x3F9B];
	s0 =	simm.s32 @p0 $0x1  }
0x13: {  	[smem:$0x3FB6] =	sst s0;
	s0 =	simm.s32 @!p1 $0x0  }
0x14: {  	s2 =	sld [smem:$0x3F9A];
	s0 =	simm.s32 @p1 $0x1  }
0x15: {  	[smem:$0x3FB7] =	sst s0;
	s0 =	simm.s32 @!p2 $0x0  }
0x16: {  	s3 =	sld [smem:$0x3FDB];
	s0 =	simm.s32 @p2 $0x1  }
0x17: {  	s4 =	simm.s32 $0x1BF5;
	[smem:$0x3FB9] =	sst s0  }
0x18: {  	s0 =	sld [smem:$0x3F9C];
	_ =	swait.ge [sflag:s4], $0x0  }
0x19: {  	s7 =	sld [smem:$0x3F9D]  }
0x1a: {  	s8 =	sadd.s32 $0xFFFFE003, lr  }
0x1b: {  	s9 =	sadd.s32 $0xFFFFFEF7, lr;
	s5 =	simm.s32 $0xFFFFFFFF;
	p2 =	slt.u32 s8, $0xFFFFF086  }
0x1c: {  	p1 =	slt.u32 s9, $0xF7A;
	s5 =	simm.s32 @!p2 $0x0  }
0x1d: {  	s5 =	simm.s32 @p1 $0x1;
	p0 =	seq.s32 s7, s2  }
0x1e: {  	s7 =	smul.u32 @!p0 $0xF7A, s2;
	p2 =	seq.s32 @!p0 s5, $0x0  }
0x1f: {  	s9 =	smul.u32 $0xF7A, s1;
	s8 =	simm.s32 @!p0 $0x1BF5;
	p2 =	por !p2, p0  }
0x20: {  	[sflag:s8] =	ssyncset.s32 @!p0 $0xFFFFF086;
	s6 =	sadd.s32 @!p0 s3, s7;
	s7 =	simm.s32 @!p0 $0x108  }
0x21: {  	s3 =	sadd.s32 s3, s9;
	s6 =	sadd.s32 @!p0 $0x88, s6;
	s7 =	simm.s32 @p2 $0x1082  }
0x22: {  	[simem:s7], [sflag:s8] =	dma.local @!p0 [hbm:s6], $0xF7A  }
0x23: {  	s9 =	sor.u32 $0xD0000000, s2;
	s6 =	simm.s32 $0x108;
	_ =	swait.ge @!p0 [sflag:s8], $0x0  }
0x24: {  	s3 =	sadd.s32 $0x88, s3;
	s6 =	simm.s32 @!p1 $0x1082;
	[sflag:s4] =	ssyncset.s32 $0xFFFFF086  }
0x25: {  	[simem:s6], [sflag:s4] =	dma.local [hbm:s3], $0xF7A  }
0x26: {  	[smem:$0x3F9D] =	sst s1;
	(tag) =	ssettag s2;
	_ =	strace s9  }
0x27: {  	s1 =	sld [smem:$0x3FAD]  }
0x28: {  	s2 =	sld [smem:$0x3FAE]  }
0x29: {  	s4 =	sld [smem:$0x3FB0]  }
0x2a: {  	p0 =	seq.s32 s5, $0x0;
	s5 =	sld [smem:$0x3FB1]  }
0x2b: {  	s6 =	sld [smem:$0x3FB2]  }
0x2c: {  	s7 =	sld [smem:$0x3FB3]  }
0x2d: {  	s3 =	simm.s32 $0x108;
	s8 =	sld [smem:$0x3FB4]  }
0x2e: {  	s3 =	simm.s32 @!p0 $0x1082;
	s9 =	sld [smem:$0x3FB5]  }
0x2f: {  	lr =	sadd.s32 s0, s3;
	s0 =	sld [smem:$0x3FAC]  }
0x30: {  	s3 =	sld [smem:$0x3FAF]  }
0x31: {  	[smem:$0x3FB8] =	sst s10  }
0x32: {  	s10 =	sld [smem:$0x3FB6];
	_ =	sdelay $0x3  }
0x33: {  	p0 =	seq.s32 s10, $0x1;
	s10 =	sld [smem:$0x3FB8];
	_ =	sdelay $0x3  }
0x34: {  	[smem:$0x3FB8] =	sst s10  }
0x35: {  	s10 =	sld [smem:$0x3FB7];
	_ =	sdelay $0x3  }
0x36: {  	p1 =	seq.s32 s10, $0x1;
	s10 =	sld [smem:$0x3FB8];
	_ =	sdelay $0x3  }
0x37: {  	[smem:$0x3FB8] =	sst s10  }
0x38: {  	s10 =	sld [smem:$0x3FB9]  }
0x39: {  	_ = 	snop;
	(pc) =	sbr.ind lr, $3  }
0x3a: {  	_ = 	snop  }
0x3b: {  	_ = 	snop  }
0x3c: {  	p2 =	seq.s32 s10, $0x1;
	s10 =	sld [smem:$0x3FB8]  }
0x3d: {  	_ =	shalt  }
0x3e: {  	_ =	shalt  }
0x3f: {  	_ =	shalt  }
0x40: {  	_ =	shalt  }
0x41: {  	_ =	shalt  }
0x42: {  	_ =	shalt  }
0x43: {  	_ =	shalt  }
0x44: {  	_ =	shalt  }
0x45: {  	_ =	shalt  }
0x46: {  	_ =	shalt  }
0x47: {  	_ =	shalt  }
0x48: {  	_ =	shalt  }
0x49: {  	_ =	shalt  }
0x4a: {  	_ =	shalt  }
0x4b: {  	_ =	shalt  }
0x4c: {  	_ =	shalt  }
0x4d: {  	_ =	shalt  }
0x4e: {  	_ =	shalt  }
0x4f: {  	_ =	shalt  }
0x50: {  	_ =	shalt  }
0x51: {  	_ =	shalt  }
0x52: {  	_ =	shalt  }
0x53: {  	_ =	shalt  }
0x54: {  	_ =	shalt  }
0x55: {  	_ =	shalt  }
0x56: {  	_ =	shalt  }
0x57: {  	_ =	shalt  }
0x58: {  	_ =	shalt  }
0x59: {  	_ =	shalt  }
0x5a: {  	_ =	shalt  }
0x5b: {  	_ =	shalt  }
0x5c: {  	_ =	shalt  }
0x5d: {  	_ =	shalt  }
0x5e: {  	_ =	shalt  }
0x5f: {  	_ =	shalt  }
0x60: {  	_ =	shalt  }
0x61: {  	_ =	shalt  }
0x62: {  	_ =	shalt  }
0x63: {  	_ =	shalt  }
0x64: {  	_ =	shalt  }
0x65: {  	_ =	shalt  }
0x66: {  	_ =	shalt  }
0x67: {  	_ =	shalt  }
0x68: {  	_ =	shalt  }
0x69: {  	_ =	shalt  }
0x6a: {  	_ =	shalt  }
0x6b: {  	_ =	shalt  }
0x6c: {  	_ =	shalt  }
0x6d: {  	_ =	shalt  }
0x6e: {  	_ =	shalt  }
0x6f: {  	_ =	shalt  }
0x70: {  	_ =	shalt  }
0x71: {  	_ =	shalt  }
0x72: {  	_ =	shalt  }
0x73: {  	_ =	shalt  }
0x74: {  	_ =	shalt  }
0x75: {  	_ =	shalt  }
0x76: {  	_ =	shalt  }
0x77: {  	_ =	shalt  }
0x78: {  	_ =	shalt  }
0x79: {  	_ =	shalt  }
0x7a: {  	_ =	shalt  }
0x7b: {  	_ =	shalt  }
0x7c: {  	_ =	shalt  }
0x7d: {  	_ =	shalt  }
0x7e: {  	_ =	shalt  }
0x7f: {  	_ =	shalt  }
0x80: {  	_ =	shalt  }
0x81: {  	_ =	shalt  }
0x82: {  	_ =	shalt  }
0x83: {  	_ =	shalt  }
0x84: {  	_ =	shalt  }
0x85: {  	_ =	shalt  }
0x86: {  	_ =	shalt  }
0x87: {  	_ =	shalt  }
.Lfunc_end0:
.L_simem_size_0:
called_computation_lowered:
.L_overlay_start_0:
0x88: {  	s2 =	sld [smem:$0x3FD9]  }
0x89: {  	s3 =	sld [smem:$0x3FFE];
	_ =	sdelay $0x1  }
0x8a: {  	s1 =	srdreg.scid  }
0x8b: {  	s0 =	sand.u32 $0x1, s1  }
0x8c: {  	s15 =	sshll.u32 s0, $0xA;
	s2 =	sadd.s32 s3, s2  }
0x8d: {  	s2 =	sadd.s32 s2, s15  }
0x8e: {  	[smem:$0x3FC4] =	sst s2  }
0x8f: {  	_ = 	snop  }
0x90: {  	s2 =	sld [smem:$0x3FC9]  }
0x91: {  	s16 =	sld [smem:$0x3FD0]  }
0x92: {  	s4 =	sld [smem:$0x3FC8]  }
0x93: {  	s5 =	sld [smem:$0x3FC7]  }
0x94: {  	s7 =	simm.s32 $0xA;
	s8 =	simm.s32 $0x10;
	s6 =	sld [smem:$0x3FC6]  }
0x95: {  	[smem:s8], [sflag:s7] =	dma.local [hbm:s16], $0x1  }
0x96: {  	_ =	swait.eq [sflag:s7], $0x1  }
0x97: {  	[sflag:s7] =	ssyncset.done $0x0  }
0x98: {  	s17 =	sld [smem:$0x10];
	[sflag:s7] =	ssyncadd.s32 $0xFFFFFFFF  }
0x99: {  	s18 =	sld [smem:$0x11];
	(tm) =	ssettm $0x1  }
0x9a: {  	s19 =	sld [smem:$0x3FFB];
	_ =	sdelay $0x3  }
0x9b: {  	_ =	strace s19  }
0x9c: {  	s8 =	sld [smem:$0x3FFC];
	_ =	sdelay $0x3  }
0x9d: {  	_ =	strace s8  }
0x9e: {  	s8 =	sld [smem:$0x3FFD];
	_ =	sdelay $0x3  }
0x9f: {  	_ =	strace s8  }
0xa0: {  	_ =	strace $0x8FFFFFFF  }
0xa1: {  	s20 =	sld [smem:$0x3FDB];
	_ =	sdelay $0x1  }
0xa2: {  	s9 =	simm.s32 $_scs_section_size  }
0xa3: {  	s10 =	simm.s32 $_size__tile_overlayer_lowered;
	s11 =	simm.s32 $_tile_overlayer_lowered  }
0xa4: {  	s23 =	simm.s32 $0x1BFF;
	s22 =	sshll.u32 s11, $0x1;
	s8 =	sadd.s32 s9, s20  }
0xa5: {  	s12 =	simm.s32 $0x0;
	s21 =	sshll.u32 s10, $0x1;
	s10 =	sadd.s32 s22, s8  }
0xa6: {  	[timem:s12], [sflag:s23] =	dma.local [hbm:s10], s21  }
0xa7: {  	_ =	swait.ge [sflag:s23], s21  }
0xa8: {  	s9 =	ssub.s32 $0x0, s21;
	[sflag:s23] =	ssyncset.done $0x0  }
0xa9: {  	[sflag:s23] =	ssyncadd.s32 s9;
	_ =	sdelay $0x1  }
0xaa: {  	s24 =	simm.s32 $0x1B8B  }
0xab: {  	_ =	swait.ge [sflag:s24], $0x1  }
0xac: {  	[sflag:s24] =	ssyncset.done $0x0  }
0xad: {  	s25 =	simm.s32 $0x1B8E;
	[sflag:s24] =	ssyncadd.s32 $0xFFFFFFFF  }
0xae: {  	s26 =	simm.s32 $execute0_lowered;
	[smem:$0x3FD2] =	sst s25  }
0xaf: {  	s9 =	sshll.u32 s26, $0x1;
	_ =	strace $0x80000046;
	[dreg:$0x1] =	wrdreg $0xFFFFFFFF  }
0xb0: {  	s28 =	simm.s32 $_size_execute0_lowered;
	s8 =	sadd.s32 s8, s9;
	[dreg:$0x0] =	wrdreg $0x0  }
0xb1: {  	s9 =	sshll.u32 s28, $0x1;
	[dreg:$0x2] =	wrdreg s8  }
0xb2: {  	[dreg:$0x3] =	wrdreg s9  }
0xb3: {  	[dreg:$0x4] =	wrdreg $0xC0  }
0xb4: {  	_ =	task [dreg:s12], $0x5FFFF  }
0xb5: {  	[dreg:$0x1] =	wrdreg $0xFFFFFFFF  }
0xb6: {  	[dreg:$0x0] =	wrdreg $0x60  }
0xb7: {  	[dreg:$0x2] =	wrdreg s2  }
0xb8: {  	[dreg:$0x3] =	wrdreg s4  }
0xb9: {  	[dreg:$0x4] =	wrdreg s5  }
0xba: {  	[dreg:$0x5] =	wrdreg s6  }
0xbb: {  	[dreg:$0x6] =	wrdreg s17  }
0xbc: {  	[dreg:$0x7] =	wrdreg s18  }
0xbd: {  	[dreg:$0x8] =	wrdreg $0x9  }
0xbe: {  	_ =	task.clear_ibuf [dreg:s12], $0x9FFFF;
	_ =	strace $0x90000046  }
0xbf: {  	s29 =	simm.s32 $0x9;
	_ =	strace $0x80000048  }
0xc0: {  	_ =	swait.ge [sflag:s29], $0x1  }
0xc1: {  	[sflag:s29] =	ssyncadd.s32 $0xFFFFFFFF  }
0xc2: {  	_ =	strace $0x90000048  }
0xc3: {  	_ =	sfence  }
0xc4: {  	s30 =	sld [smem:$0x0];
	_ =	sdelay $0x2  }
0xc5: {  	s31 =	sshll.u32 s1, $0xD;
	s1 =	sshrl.u32 s1, $0x2  }
0xc6: {  	s3 =	sand.u32 $0x4000, s31;
	s1 =	sadd.s32 s1, s30  }
0xc7: {  	s0 =	sor.u32 s3, s0;
	s1 =	sshll.u32 s1, $0x11  }
0xc8: {  	s0 =	sor.u32 s1, s0  }
0xc9: {  	s0 =	sadd.s32 $0x8F2B, s0  }
0xca: {  	[sflag:s0] =	ssyncadd.remote.s32 $0x1  }
0xcb: {  	_ =	sfence.sel $0xFFFF  }
0xcc: {  	[dreg:$0x0] =	wrdreg $0xFFFFFFFF;
	(pc) =	sbr.abs _section_cstart, $3  }
0xcd: {  	[dreg:$0x1] =	wrdreg $0xFFFFFFFF  }
0xce: {  	_ =	task.clear_ibuf [dreg:s12], $0x2FFFF;
	_ =	strace $0x9FFFFFFF  }
0xcf: {  	(tm) =	ssettm $0x7FFFFFFF  }
tec
execute0_lowered:
.L_overlay_start_1:
0x0: {  	(tag) =	ssettag $0x1  }
0x1: {  	s0 =	rddreg [dreg:$0x0]  }
0x2: {  	s14 =	rddreg [dreg:$0x3]  }
0x3: {  	s1 =	rddreg [dreg:$0x5]  }
0x4: {  	s2 =	srdreg.scid;
	s3 =	stileid.u32  }
0x5: {  	s6 =	simm.s32 $0x0;
	s2 =	sand.u32 $0x1, s2;
	s5 =	sshll.u32 s3, $0x1  }
0x6: {  	[smem:$0x7FF] =	sst s6;
	s22 =	sshrl.u32 s3, $0x2;
	s25 =	sadd.s32 $0x100, s14  }
0x7: {  	s26 =	sadd.s32 $0x200, s14;
	s28 =	sadd.s32 $0x300, s14;
	s3 =	simm.s32 $0x7  }
0x8: {  	s4 =	ssub.s32 $0x2, s2;
	_ =	strace $0x80000047;
	[dreg:$0xc] =	wrdreg s25  }
0x9: {  	s8 =	sor.u32 s2, s5;
	s20 =	sshll.u32 s2, $0x6;
	[dreg:$0xd] =	wrdreg s26  }
0xa: {  	[dreg:$0xe] =	wrdreg s28;
	p0 =	seq.s32 s22, $0x3;
	s7 =	sshrl.u32 s4, $0x1  }
0xb: {  	s5 =	sshll.u32 s8, $0x8;
	[dreg:$0x7] =	wrdreg s8;
	s30 =	sor.u32 $0xFFFFFC0, s8  }
0xc: {  	v0 =	vlaneseq.u32;
	v7 =	vimm.f32 $0.0e+00;
	s21 =	sshll.u32 s8, $0x9;
	s24 =	sshll.u32 s8, $0x4;
	[dreg:$0xf] =	wrdreg s30  }
0xd: {  	vm0 =	vmmov $0x1;
	vm1 =	vcmask $0x308;
	vm2 =	vcmask $0x70C;
	s23 =	sshll.u32 s8, $0x6;
	s0 =	sadd.s32 s0, s5;
	[dreg:$0xb] =	wrdreg s24  }
.Ltmp0:
0xe: {  	vm3 =	vcmask $0xB10;
	v1 =	vmul.u32 $0x20, v0;
	v8 =	vshrl.u32 v0, $0x2;
	s2 =	sand.u32 $0xE00, s21;
	[dreg:$0x8] =	wrdreg s0;
	(pc) =	sbr.rel .LBB2_1-.Ltmp0, $4  }
0xf: {  	v9 =	vimm.s32 $0x0;
	v6 =	vor.u32 $0x10, v0;
	v10 =	vor.u32 $0x4, v8;
	s4 =	ssub.s32 s4, s7;
	s1 =	sadd.s32 s1, s23;
	[dreg:$0x9] =	wrdreg s2  }
0x10: {  	p1 =	seq.s32 s22, $0x2;
	v2 =	vor.u32 $0x200, v1;
	v1 =	vor.u32 s8, v1;
	v3 =	vor.u32 s20, v0;
	[dreg:$0xa] =	wrdreg s1;
	s31 =	smax.u32 s4, $0x1  }
0x11: {  	s29 =	sor.u32 $0x20, s20;
	v4 =	vor.u32 s20, v6;
	v2 =	vor.u32 s8, v2;
	v1 =	vshrl.u32 v1, $0x1;
	s2 =	sor.u32 $0xFFFFFC00, s24;
	[dreg:$0x10] =	wrdreg s31  }
0x12: {  	p2 =	seq.s32 s22, $0x1;
	v5 =	vor.u32 s29, v0;
	v6 =	vor.u32 s29, v6;
	v2 =	vshrl.u32 v2, $0x1;
	[dreg:$0x11] =	wrdreg s2;
	s2 =	simm.s32 $0x0  }
.LBB2_101:
0x13: {  	s0 =	rddreg [dreg:$0xb]  }
0x14: {  	s1 =	rddreg [dreg:$0x16]  }
0x15: {  	s0 =	ssub.s32 s1, s0  }
0x16: {  	s1 =	sadd.s32 $0xFFFFF400, s0  }
0x17: {  	p3 =	slt.s32 s1, $0x1;
	s1 =	simm.s32 $0x6  }
0x18: {  	s1 =	simm.s32 @!p3 $0x4  }
0x19: {  	s0 =	sadd.s32 $0xFFFFF200, s0;
	_ =	swait.ge [sflag:s1], $0x4000  }
0x1a: {  	p3 =	slt.s32 s0, $0x1;
	s0 =	simm.s32 $0x6;
	[sflag:s1] =	ssyncset.done $0x0  }
0x1b: {  	s0 =	simm.s32 @!p3 $0x5;
	[sflag:s1] =	ssyncadd.s32 $0xFFFFC000  }
0x1c: {  	_ =	swait.ge [sflag:s0], $0x4000  }
0x1d: {  	s2 =	rddreg [dreg:$0x12]  }
0x1e: {  	s31 =	rddreg [dreg:$0x10];
	s2 =	sadd.s32 $0x1, s2  }
0x1f: {  	p3 =	sne.s32 s2, s31  }
.Ltmp1:
0x20: {  	_ = 	snop;
	(pc) =	sbr.rel @!p3 .LBB2_102-.Ltmp1, $3  }
0x21: {  	_ =	sdelay $0x1  }
0x22: {  	[sflag:s0] =	ssyncset.done $0x0  }
0x23: {  	s3 =	simm.s32 $0x7;
	[sflag:s0] =	ssyncadd.s32 $0xFFFFC000  }
.LBB2_1:
0x24: {  	[dreg:$0x12] =	wrdreg s2  }
0x25: {  	s0 =	rddreg [dreg:$0x2];
	s1 =	simm.s32 $0x1A80  }
0x26: {  	[tilespmem:s1], [sflag:$0x7] =	stream.linear.gather [hbm4b:s0+s6], $0x80, $0x38;
	[tilespmem:$0x1DC00] =	vst v63  }
0x27: {  	_ =	swait.ge [sflag:s3], $0x80  }
0x28: {  	[sflag:s3] =	ssyncset.done $0x0  }
0x29: {  	s25 =	rddreg [dreg:$0x8];
	[sflag:s3] =	ssyncadd.s32 $0xFFFFFF80  }
0x2a: {  	[tilespmem:s6], [sflag:$0x7] =	stream.linear.gather [hbm4b:s25+s6], $0x800, $0x38;
	[tilespmem:$0x1DC00] =	vst v63  }
0x2b: {  	_ =	swait.ge [sflag:s3], $0x800  }
0x2c: {  	[sflag:s3] =	ssyncset.done $0x0  }
0x2d: {  	s28 =	simm.s32 $0x20;
	s29 =	simm.s32 $0x1800;
	[sflag:s3] =	ssyncadd.s32 $0xFFFFF800  }
0x2e: {  	s4 =	simm.s32 $0x800;
	s30 =	sand.u32 $0x40, s6;
	s31 =	sand.u32 $0x1C00, s6;
	[tilespmem:$0x1800] =	vst v1  }
0x2f: {  	s2 =	simm.s32 $0x0;
	s1 =	sor.u32 s30, s31;
	[tilespmem:$0x1810] =	vst v2;
	s26 =	rddreg [dreg:$0x1]  }
0x30: {  	v11 =	vld [tilespmem:$0x1A80];
	[tilespmem:s4], [sflag:$0x1] =	stream.indirect.gather [hbm4b:s26+s28], $0x80, s29, s28, $0xb8  }
0x31: {  	s5 =	simm.s32 $0x0;
	s0 =	simm.s32 $0x0;
	s4 =	sadd.s32 $0x19C00, s1;
	[tilespmem:s1+$0x19C00] =	vst v7  }
.LBB2_2:
0x32: {  	s0 =	sadd.s32 $0x4, s0  }
0x33: {  	[tilespmem:s4+$0x30] =	vst v7;
	s2 =	sadd.s32 $0x200, s2;
	s5 =	sadd.s32 $0x40, s5;
	p3 =	slt.u32 s0, $0x3C  }
.Ltmp2:
0x34: {  	[tilespmem:s4+$0x10] =	vst v7;
	(pc) =	sbr.rel @p3 .LBB2_2-.Ltmp2, $4  }
0x35: {  	[tilespmem:s4+$0x20] =	vst v7  }
0x36: {  	s1 =	sand.u32 $0x40, s5;
	s4 =	sand.u32 $0x1C00, s2  }
0x37: {  	s1 =	sor.u32 s1, s4  }
0x38: {  	s4 =	sadd.s32 $0x19C00, s1;
	[tilespmem:s1+$0x19C00] =	vst v7;
	s1 =	simm.s32 $0x0  }
0x39: {  	[tilespmem:s4+$0x30] =	vst v7;
	s0 =	sand.u32 $0x40, s1;
	s5 =	sand.u32 $0x1C00, s1  }
0x3a: {  	[tilespmem:s4+$0x10] =	vst v7;
	s2 =	simm.s32 $0x0;
	s0 =	sor.u32 s0, s5  }
0x3b: {  	[tilespmem:s4+$0x20] =	vst v7;
	s7 =	simm.s32 $0x0;
	s5 =	simm.s32 $0x0;
	s4 =	sadd.s32 $0x19C00, s0  }
.LBB2_4:
0x3c: {  	s2 =	sadd.s32 $0x4, s2  }
0x3d: {  	[tilespmem:s4+$0xB0] =	vst v7;
	s5 =	sadd.s32 $0x200, s5;
	s7 =	sadd.s32 $0x40, s7;
	p3 =	slt.u32 s2, $0x3C  }
.Ltmp3:
0x3e: {  	[tilespmem:s4+$0x90] =	vst v7;
	(pc) =	sbr.rel @p3 .LBB2_4-.Ltmp3, $4  }
0x3f: {  	[tilespmem:s4+$0xA0] =	vst v7  }
0x40: {  	s8 =	sand.u32 $0x40, s7;
	s9 =	sand.u32 $0x1C00, s5;
	[tilespmem:s4+$0x80] =	vst v7  }
0x41: {  	s4 =	sor.u32 s8, s9  }
0x42: {  	s4 =	sadd.s32 $0x19C00, s4  }
0x43: {  	[tilespmem:s4+$0xB0] =	vst v7  }
0x44: {  	[tilespmem:s4+$0x90] =	vst v7  }
0x45: {  	[tilespmem:s4+$0xA0] =	vst v7  }
0x46: {  	[tilespmem:s4+$0x80] =	vst v7;
	s2 =	simm.s32 $0x0;
	s4 =	sadd.s32 $0x19C00, s0;
	s5 =	simm.s32 $0x0  }
.LBB2_6:
0x47: {  	s2 =	sadd.s32 $0x4, s2  }
0x48: {  	[tilespmem:s4+$0x130] =	vst v7;
	s1 =	sadd.s32 $0x200, s1;
	s5 =	sadd.s32 $0x40, s5;
	p3 =	slt.u32 s2, $0x3C  }
.Ltmp4:
0x49: {  	[tilespmem:s4+$0x110] =	vst v7;
	(pc) =	sbr.rel @p3 .LBB2_6-.Ltmp4, $4  }
0x4a: {  	[tilespmem:s4+$0x120] =	vst v7  }
0x4b: {  	s0 =	sand.u32 $0x40, s5;
	s7 =	sand.u32 $0x1C00, s1;
	[tilespmem:s4+$0x100] =	vst v7  }
0x4c: {  	s0 =	sor.u32 s0, s7  }
0x4d: {  	s4 =	sadd.s32 $0x19C00, s0;
	s0 =	simm.s32 $0x0  }
0x4e: {  	[tilespmem:s4+$0x130] =	vst v7  }
0x4f: {  	[tilespmem:s4+$0x110] =	vst v7  }
0x50: {  	s1 =	sand.u32 $0x40, s0;
	s2 =	sand.u32 $0x1C00, s0;
	[tilespmem:s4+$0x120] =	vst v7  }
0x51: {  	[tilespmem:s4+$0x100] =	vst v7;
	p3 =	por $0x0, $0x0;
	s4 =	simm.s32 $0x0;
	s2 =	sor.u32 s1, s2  }
0x52: {  	s5 =	simm.s32 $0x0;
	s1 =	simm.s32 $0x0;
	s2 =	sadd.s32 $0x19C00, s2  }
.LBB2_8:
0x53: {  	s1 =	sadd.s32 $0x4, s1  }
0x54: {  	[tilespmem:s2+$0x1B0] =	vst v7;
	s4 =	sadd.s32 $0x200, s4;
	s5 =	sadd.s32 $0x40, s5;
	p4 =	slt.u32 s1, $0x3C  }
.Ltmp5:
0x55: {  	[tilespmem:s2+$0x190] =	vst v7;
	(pc) =	sbr.rel @p4 .LBB2_8-.Ltmp5, $4  }
0x56: {  	[tilespmem:s2+$0x1A0] =	vst v7  }
0x57: {  	s7 =	sand.u32 $0x40, s5;
	s8 =	sand.u32 $0x1C00, s4;
	[tilespmem:s2+$0x180] =	vst v7  }
0x58: {  	s2 =	sor.u32 s7, s8  }
0x59: {  	s2 =	sadd.s32 $0x19C00, s2  }
0x5a: {  	s1 =	simm.s32 $0x1  }
0x5b: {  	[tilespmem:s2+$0x1B0] =	vst v7;
	s1 =	simm.s32 @!p3 $0x0  }
0x5c: {  	[tilespmem:s2+$0x190] =	vst v7;
	s1 =	sshll.u32 s1, $0x6  }
0x5d: {  	[tilespmem:s2+$0x1A0] =	vst v7;
	s5 =	sadd.s32 $0x0, s1  }
0x5e: {  	[tilespmem:s2+$0x180] =	vst v7;
	s30 =	sor.u32 $0x200, s5  }
0x5f: {  	s31 =	sor.u32 $0x210, s5;
	[tilespmem:s30+$0x19C00] =	vst v7  }
0x60: {  	p4 =	por !p3, !p3;
	s4 =	simm.s32 $0x1;
	s7 =	sor.u32 $0x220, s5;
	[tilespmem:s31+$0x19C00] =	vst v7  }
0x61: {  	s2 =	simm.s32 $0x4;
	s4 =	simm.s32 @!p4 $0x0;
	s5 =	sor.u32 $0x230, s5;
	[tilespmem:s7+$0x19C00] =	vst v7  }
.LBB2_10:
0x62: {  	s2 =	sadd.s32 $0x4, s2  }
0x63: {  	s4 =	sshll.u32 s4, $0x6;
	[tilespmem:s5+$0x19C00] =	vst v7;
	s0 =	sadd.s32 $0x200, s0;
	p5 =	slt.u32 s2, $0x3C  }
.Ltmp6:
0x64: {  	s5 =	sadd.s32 s4, s0;
	(pc) =	sbr.rel @p5 .LBB2_10-.Ltmp6, $4  }
0x65: {  	s4 =	sor.u32 $0x200, s5  }
0x66: {  	[tilespmem:s4+$0x19C00] =	vst v7;
	s4 =	sor.u32 $0x210, s5  }
0x67: {  	p4 =	por !p4, !p4;
	s7 =	sor.u32 $0x220, s5;
	[tilespmem:s4+$0x19C00] =	vst v7;
	s4 =	simm.s32 $0x1  }
0x68: {  	s5 =	sor.u32 $0x230, s5;
	s4 =	simm.s32 @!p4 $0x0;
	[tilespmem:s7+$0x19C00] =	vst v7  }
0x69: {  	s2 =	sshll.u32 s4, $0x6;
	s0 =	sadd.s32 $0x200, s0  }
0x6a: {  	s0 =	sadd.s32 s2, s0  }
0x6b: {  	[tilespmem:s5+$0x19C00] =	vst v7;
	s2 =	sor.u32 $0x200, s0  }
0x6c: {  	s25 =	sor.u32 $0x210, s0;
	[tilespmem:s2+$0x19C00] =	vst v7  }
0x6d: {  	s26 =	sor.u32 $0x220, s0;
	[tilespmem:s25+$0x19C00] =	vst v7  }
0x6e: {  	s28 =	sadd.s32 $0x0, s1;
	s0 =	sor.u32 $0x230, s0;
	[tilespmem:s26+$0x19C00] =	vst v7  }
0x6f: {  	s29 =	sor.u32 $0x280, s28;
	[tilespmem:s0+$0x19C00] =	vst v7  }
0x70: {  	p3 =	por !p3, !p3;
	s4 =	simm.s32 $0x1;
	s30 =	sor.u32 $0x290, s28;
	[tilespmem:s29+$0x19C00] =	vst v7  }
0x71: {  	s1 =	simm.s32 $0x0;
	s31 =	sor.u32 $0x2A0, s28;
	s4 =	simm.s32 @!p3 $0x0;
	[tilespmem:s30+$0x19C00] =	vst v7  }
0x72: {  	s5 =	sor.u32 $0x2B0, s28;
	s2 =	simm.s32 $0x0;
	s0 =	simm.s32 $0x4;
	[tilespmem:s31+$0x19C00] =	vst v7  }
.LBB2_12:
0x73: {  	s0 =	sadd.s32 $0x4, s0  }
0x74: {  	s4 =	sshll.u32 s4, $0x6;
	[tilespmem:s5+$0x19C00] =	vst v7;
	s2 =	sadd.s32 $0x200, s2;
	p4 =	slt.u32 s0, $0x3C  }
.Ltmp7:
0x75: {  	s5 =	sadd.s32 s4, s2;
	(pc) =	sbr.rel @p4 .LBB2_12-.Ltmp7, $4  }
0x76: {  	s4 =	sor.u32 $0x280, s5  }
0x77: {  	[tilespmem:s4+$0x19C00] =	vst v7;
	s4 =	sor.u32 $0x290, s5  }
0x78: {  	p3 =	por !p3, !p3;
	s7 =	sor.u32 $0x2A0, s5;
	[tilespmem:s4+$0x19C00] =	vst v7;
	s4 =	simm.s32 $0x1  }
0x79: {  	s5 =	sor.u32 $0x2B0, s5;
	s4 =	simm.s32 @!p3 $0x0;
	[tilespmem:s7+$0x19C00] =	vst v7  }
0x7a: {  	s0 =	sshll.u32 s4, $0x6;
	s2 =	sadd.s32 $0x200, s2  }
0x7b: {  	p3 =	por $0x1, $0x1;
	s0 =	sadd.s32 s0, s2  }
.Ltmp8:
0x7c: {  	[tilespmem:s5+$0x19C00] =	vst v7;
	s2 =	sor.u32 $0x280, s0;
	(pc) =	sbr.rel @!p3 .LBB2_14-.Ltmp8, $4  }
0x7d: {  	s29 =	sor.u32 $0x290, s0;
	[tilespmem:s2+$0x19C00] =	vst v7  }
0x7e: {  	s30 =	sor.u32 $0x2A0, s0;
	[tilespmem:s29+$0x19C00] =	vst v7  }
0x7f: {  	p4 =	por $0x0, $0x0;
	s5 =	simm.s32 $0x1;
	s31 =	sor.u32 $0x2B0, s0;
	[tilespmem:s30+$0x19C00] =	vst v7  }
0x80: {  	s5 =	simm.s32 @!p4 $0x0;
	s0 =	simm.s32 $0xFFFFFFFC;
	s2 =	simm.s32 $0x0;
	[tilespmem:s31+$0x19C00] =	vst v7  }
0x81: {  	s4 =	sshll.u32 s5, $0x6;
	p6 =	por $0x1, $0x1  }
.Ltmp9:
0x82: {  	s7 =	sadd.s32 $0x0, s4;
	(pc) =	sbr.rel @!p6 .LBB2_16-.Ltmp9, $4  }
0x83: {  	s30 =	sor.u32 $0x300, s7  }
0x84: {  	p5 =	por !p4, !p4;
	s5 =	simm.s32 $0x1;
	s8 =	sor.u32 $0x310, s7;
	[tilespmem:s30+$0x19C00] =	vst v7  }
0x85: {  	p4 =	por $0x1, $0x1;
	s4 =	simm.s32 $0x4;
	s31 =	sor.u32 $0x320, s7;
	[tilespmem:s8+$0x19C00] =	vst v7  }
0x86: {  	s5 =	simm.s32 @!p5 $0x0;
	s8 =	sor.u32 $0x330, s7;
	s7 =	simm.s32 $0x0;
	[tilespmem:s31+$0x19C00] =	vst v7  }
.LBB2_17:
0x87: {  	s4 =	sadd.s32 $0x4, s4  }
0x88: {  	s5 =	sshll.u32 s5, $0x6;
	[tilespmem:s8+$0x19C00] =	vst v7;
	s7 =	sadd.s32 $0x200, s7;
	p6 =	slt.u32 s4, $0x3C  }
.Ltmp10:
0x89: {  	s8 =	sadd.s32 s5, s7;
	(pc) =	sbr.rel @p6 .LBB2_17-.Ltmp10, $4  }
0x8a: {  	s5 =	sor.u32 $0x300, s8  }
0x8b: {  	[tilespmem:s5+$0x19C00] =	vst v7;
	s5 =	sor.u32 $0x310, s8  }
0x8c: {  	p5 =	por !p5, !p5;
	s9 =	sor.u32 $0x320, s8;
	[tilespmem:s5+$0x19C00] =	vst v7;
	s5 =	simm.s32 $0x1  }
0x8d: {  	s8 =	sor.u32 $0x330, s8;
	s5 =	simm.s32 @!p5 $0x0;
	[tilespmem:s9+$0x19C00] =	vst v7  }
.LBB2_18:
0x8e: {  	s4 =	sadd.s32 @p4 $0x200, s7  }
0x8f: {  	s5 =	sshll.u32 s5, $0x6;
	s1 =	smov.u32 @p4 s4  }
0x90: {  	s4 =	sadd.s32 s5, s1  }
0x91: {  	[tilespmem:s8+$0x19C00] =	vst @p4 v7;
	s1 =	sor.u32 $0x300, s4  }
0x92: {  	s26 =	sor.u32 $0x310, s4;
	[tilespmem:s1+$0x19C00] =	vst v7  }
0x93: {  	s5 =	sor.u32 $0x320, s4;
	s1 =	simm.s32 $0x0;
	[tilespmem:s26+$0x19C00] =	vst v7  }
.Ltmp11:
0x94: {  	s4 =	sor.u32 $0x330, s4;
	s28 =	sor.u32 s1, s1;
	[tilespmem:s5+$0x19C00] =	vst v7;
	(pc) =	sbr.rel @!p3 .LBB2_20-.Ltmp11, $4  }
0x95: {  	s29 =	sor.u32 $0x380, s28;
	[tilespmem:s4+$0x19C00] =	vst v7  }
0x96: {  	s30 =	sor.u32 $0x390, s28;
	[tilespmem:s29+$0x19C00] =	vst v7  }
0x97: {  	s31 =	sor.u32 $0x3A0, s28;
	[tilespmem:s30+$0x19C00] =	vst v7  }
0x98: {  	s7 =	sor.u32 $0x3B0, s28;
	s5 =	simm.s32 $0x0;
	s4 =	simm.s32 $0x0;
	[tilespmem:s31+$0x19C00] =	vst v7  }
.LBB2_19:
0x99: {  	s2 =	sadd.s32 $0x4, s2  }
0x9a: {  	[tilespmem:s7+$0x19C00] =	vst v7;
	s4 =	sadd.s32 $0x200, s4;
	s5 =	sadd.s32 $0x40, s5;
	p3 =	slt.u32 s2, $0x3C  }
.Ltmp12:
0x9b: {  	s7 =	sor.u32 s5, s4;
	(pc) =	sbr.rel @p3 .LBB2_19-.Ltmp12, $4  }
0x9c: {  	s8 =	sor.u32 $0x380, s7  }
0x9d: {  	[tilespmem:s8+$0x19C00] =	vst v7;
	s8 =	sor.u32 $0x390, s7  }
0x9e: {  	[tilespmem:s8+$0x19C00] =	vst v7;
	s8 =	sor.u32 $0x3A0, s7  }
0x9f: {  	s7 =	sor.u32 $0x3B0, s7;
	[tilespmem:s8+$0x19C00] =	vst v7  }
.LBB2_20:
0xa0: {  	s2 =	sadd.s32 $0x4, s0  }
0xa1: {  	p3 =	slt.u32 s2, $0x3C  }
.Ltmp13:
0xa2: {  	_ = 	snop;
	(pc) =	sbr.rel @!p3 .LBB2_22-.Ltmp13, $3  }
0xa3: {  	_ =	sdelay $0x1  }
0xa4: {  	s4 =	sand.u32 $0x40, s1;
	s5 =	sand.u32 $0x1C00, s1  }
0xa5: {  	[tilespmem:s7+$0x19C00] =	vst v7;
	s7 =	simm.s32 $0x0;
	s4 =	sor.u32 s4, s5;
	s5 =	simm.s32 $0x0  }
.LBB2_21:
0xa6: {  	s2 =	sadd.s32 $0x4, s2  }
0xa7: {  	[tilespmem:s4+$0x1BC20] =	vst v7;
	s5 =	sadd.s32 $0x200, s5;
	s7 =	sadd.s32 $0x40, s7;
	p3 =	slt.u32 s2, $0x3C  }
.Ltmp14:
0xa8: {  	[tilespmem:s4+$0x1BC10] =	vst v7;
	(pc) =	sbr.rel @p3 .LBB2_21-.Ltmp14, $4  }
0xa9: {  	[tilespmem:s4+$0x1BC30] =	vst v7  }
0xaa: {  	[tilespmem:s4+$0x1BC00] =	vst v7  }
0xab: {  	s8 =	sand.u32 $0x1C00, s5;
	s4 =	sand.u32 $0x40, s7  }
0xac: {  	s4 =	sor.u32 s4, s8  }
.LBB2_22:
0xad: {  	s0 =	sadd.s32 $0x4, s0  }
0xae: {  	p3 =	slt.u32 s0, $0x3C  }
.Ltmp15:
0xaf: {  	[tilespmem:s4+$0x1BC20] =	vst v7;
	(pc) =	sbr.rel @!p3 .LBB2_23-.Ltmp15, $4  }
0xb0: {  	[tilespmem:s4+$0x1BC10] =	vst v7  }
0xb1: {  	s2 =	sand.u32 $0x40, s1;
	s5 =	sand.u32 $0x1C00, s1;
	[tilespmem:s4+$0x1BC30] =	vst v7  }
0xb2: {  	[tilespmem:s4+$0x1BC00] =	vst v7;
	s4 =	simm.s32 $0xFFFFFFFC;
	s2 =	sor.u32 s2, s5  }
0xb3: {  	s7 =	smov.u32 s1;
	s8 =	smov.u32 s1;
	s5 =	smov.u32 s2  }
.LBB2_24:
0xb4: {  	s0 =	sadd.s32 $0x4, s0  }
0xb5: {  	[tilespmem:s5+$0x1BCA0] =	vst v7;
	s7 =	sadd.s32 $0x200, s7;
	s8 =	sadd.s32 $0x40, s8;
	p3 =	slt.u32 s0, $0x3C  }
.Ltmp16:
0xb6: {  	[tilespmem:s5+$0x1BC90] =	vst v7;
	(pc) =	sbr.rel @p3 .LBB2_24-.Ltmp16, $4  }
0xb7: {  	[tilespmem:s5+$0x1BCB0] =	vst v7  }
0xb8: {  	[tilespmem:s5+$0x1BC80] =	vst v7  }
0xb9: {  	s9 =	sand.u32 $0x1C00, s7;
	s5 =	sand.u32 $0x40, s8  }
0xba: {  	s5 =	sor.u32 s5, s9  }
.LBB2_25:
0xbb: {  	s7 =	sadd.s32 $0x4, s4  }
0xbc: {  	p3 =	slt.u32 s7, $0x3C  }
.Ltmp17:
0xbd: {  	_ = 	snop;
	(pc) =	sbr.rel @!p3 .LBB2_27-.Ltmp17, $4  }
0xbe: {  	[tilespmem:s5+$0x1BCA0] =	vst v7  }
0xbf: {  	[tilespmem:s5+$0x1BC90] =	vst v7  }
0xc0: {  	[tilespmem:s5+$0x1BCB0] =	vst v7  }
0xc1: {  	[tilespmem:s5+$0x1BC80] =	vst v7;
	s0 =	simm.s32 $0x0;
	s5 =	smov.u32 s1  }
.LBB2_26:
0xc2: {  	s7 =	sadd.s32 $0x4, s7  }
0xc3: {  	[tilespmem:s2+$0x1BD20] =	vst v7;
	s1 =	sadd.s32 $0x200, s1;
	s5 =	sadd.s32 $0x40, s5;
	p3 =	slt.u32 s7, $0x3C  }
.Ltmp18:
0xc4: {  	[tilespmem:s2+$0x1BD10] =	vst v7;
	(pc) =	sbr.rel @p3 .LBB2_26-.Ltmp18, $4  }
0xc5: {  	[tilespmem:s2+$0x1BD30] =	vst v7  }
0xc6: {  	[tilespmem:s2+$0x1BD00] =	vst v7  }
0xc7: {  	s8 =	sand.u32 $0x1C00, s1;
	s2 =	sand.u32 $0x40, s5  }
0xc8: {  	s2 =	sor.u32 s2, s8  }
.LBB2_27:
0xc9: {  	s1 =	sadd.s32 $0x4, s4  }
0xca: {  	p3 =	slt.u32 s1, $0x3C  }
.Ltmp19:
0xcb: {  	[tilespmem:s2+$0x1BD20] =	vst v7;
	(pc) =	sbr.rel @!p3 .LBB2_28-.Ltmp19, $4  }
0xcc: {  	[tilespmem:s2+$0x1BD10] =	vst v7  }
0xcd: {  	s31 =	sand.u32 $0x40, s0;
	s5 =	sand.u32 $0x1C00, s0;
	[tilespmem:s2+$0x1BD30] =	vst v7  }
0xce: {  	[tilespmem:s2+$0x1BD00] =	vst v7;
	s2 =	simm.s32 $0xFFFFFFFC;
	s4 =	sor.u32 s31, s5  }
0xcf: {  	s7 =	smov.u32 s0;
	s8 =	smov.u32 s0;
	s5 =	smov.u32 s4  }
.LBB2_29:
0xd0: {  	s1 =	sadd.s32 $0x4, s1  }
0xd1: {  	[tilespmem:s5+$0x1BDA0] =	vst v7;
	s7 =	sadd.s32 $0x200, s7;
	s8 =	sadd.s32 $0x40, s8;
	p3 =	slt.u32 s1, $0x3C  }
.Ltmp20:
0xd2: {  	[tilespmem:s5+$0x1BD90] =	vst v7;
	(pc) =	sbr.rel @p3 .LBB2_29-.Ltmp20, $4  }
0xd3: {  	[tilespmem:s5+$0x1BDB0] =	vst v7  }
0xd4: {  	[tilespmem:s5+$0x1BD80] =	vst v7  }
0xd5: {  	s9 =	sand.u32 $0x1C00, s7;
	s5 =	sand.u32 $0x40, s8  }
0xd6: {  	s5 =	sor.u32 s5, s9  }
.LBB2_30:
0xd7: {  	s7 =	sadd.s32 $0x4, s2  }
0xd8: {  	p3 =	slt.u32 s7, $0x3C  }
.Ltmp21:
0xd9: {  	_ = 	snop;
	(pc) =	sbr.rel @!p3 .LBB2_32-.Ltmp21, $4  }
0xda: {  	[tilespmem:s5+$0x1BDA0] =	vst v7  }
0xdb: {  	[tilespmem:s5+$0x1BD90] =	vst v7  }
0xdc: {  	[tilespmem:s5+$0x1BDB0] =	vst v7  }
0xdd: {  	[tilespmem:s5+$0x1BD80] =	vst v7;
	s1 =	simm.s32 $0x0;
	s5 =	smov.u32 s0  }
.LBB2_31:
0xde: {  	s7 =	sadd.s32 $0x4, s7  }
0xdf: {  	[tilespmem:s4+$0x1BE20] =	vst v7;
	s0 =	sadd.s32 $0x200, s0;
	s5 =	sadd.s32 $0x40, s5;
	p3 =	slt.u32 s7, $0x3C  }
.Ltmp22:
0xe0: {  	[tilespmem:s4+$0x1BE10] =	vst v7;
	(pc) =	sbr.rel @p3 .LBB2_31-.Ltmp22, $4  }
0xe1: {  	[tilespmem:s4+$0x1BE30] =	vst v7  }
0xe2: {  	[tilespmem:s4+$0x1BE00] =	vst v7  }
0xe3: {  	s8 =	sand.u32 $0x1C00, s0;
	s4 =	sand.u32 $0x40, s5  }
0xe4: {  	s4 =	sor.u32 s4, s8  }
.LBB2_32:
0xe5: {  	s5 =	sadd.s32 $0x4, s2  }
0xe6: {  	p3 =	slt.u32 s5, $0x3C  }
.Ltmp23:
0xe7: {  	_ = 	snop;
	(pc) =	sbr.rel @!p3 .LBB2_33-.Ltmp23, $4  }
0xe8: {  	[tilespmem:s4+$0x1BE20] =	vst v7  }
0xe9: {  	[tilespmem:s4+$0x1BE10] =	vst v7;
	s0 =	sand.u32 $0x40, s1;
	s31 =	sand.u32 $0x1C00, s1  }
0xea: {  	[tilespmem:s4+$0x1BE30] =	vst v7;
	s2 =	simm.s32 $0xFFFFFFFC;
	s0 =	sor.u32 s0, s31  }
0xeb: {  	[tilespmem:s4+$0x1BE00] =	vst v7;
	s7 =	smov.u32 s1;
	s8 =	smov.u32 s1;
	s4 =	smov.u32 s0  }
.LBB2_34:
0xec: {  	s5 =	sadd.s32 $0x4, s5  }
0xed: {  	[tilespmem:s4+$0x1BEA0] =	vst v7;
	s7 =	sadd.s32 $0x200, s7;
	s8 =	sadd.s32 $0x40, s8;
	p3 =	slt.u32 s5, $0x3C  }
.Ltmp24:
0xee: {  	[tilespmem:s4+$0x1BE90] =	vst v7;
	(pc) =	sbr.rel @p3 .LBB2_34-.Ltmp24, $4  }
0xef: {  	[tilespmem:s4+$0x1BEB0] =	vst v7  }
0xf0: {  	[tilespmem:s4+$0x1BE80] =	vst v7  }
0xf1: {  	s9 =	sand.u32 $0x1C00, s7;
	s4 =	sand.u32 $0x40, s8  }
0xf2: {  	s4 =	sor.u32 s4, s9  }
.LBB2_35:
0xf3: {  	s5 =	sadd.s32 $0x4, s2  }
0xf4: {  	p3 =	slt.u32 s5, $0x3C  }
.Ltmp25:
0xf5: {  	_ = 	snop;
	(pc) =	sbr.rel @!p3 .LBB2_37-.Ltmp25, $4  }
0xf6: {  	[tilespmem:s4+$0x1BEA0] =	vst v7  }
0xf7: {  	[tilespmem:s4+$0x1BE90] =	vst v7  }
0xf8: {  	[tilespmem:s4+$0x1BEB0] =	vst v7  }
0xf9: {  	[tilespmem:s4+$0x1BE80] =	vst v7;
	s4 =	simm.s32 $0x0;
	s7 =	smov.u32 s1  }
.LBB2_36:
0xfa: {  	s5 =	sadd.s32 $0x4, s5  }
0xfb: {  	[tilespmem:s0+$0x1BF20] =	vst v7;
	s1 =	sadd.s32 $0x200, s1;
	s7 =	sadd.s32 $0x40, s7;
	p3 =	slt.u32 s5, $0x3C  }
.Ltmp26:
0xfc: {  	[tilespmem:s0+$0x1BF10] =	vst v7;
	(pc) =	sbr.rel @p3 .LBB2_36-.Ltmp26, $4  }
0xfd: {  	[tilespmem:s0+$0x1BF30] =	vst v7  }
0xfe: {  	[tilespmem:s0+$0x1BF00] =	vst v7  }
0xff: {  	s8 =	sand.u32 $0x1C00, s1;
	s0 =	sand.u32 $0x40, s7  }
0x100: {  	s0 =	sor.u32 s0, s8  }
.LBB2_37:
0x101: {  	s1 =	sadd.s32 $0x4, s2  }
0x102: {  	p3 =	slt.u32 s1, $0x3C  }
.Ltmp27:
0x103: {  	_ = 	snop;
	(pc) =	sbr.rel @!p3 .LBB2_39-.Ltmp27, $4  }
0x104: {  	[tilespmem:s0+$0x1BF20] =	vst v7  }
0x105: {  	[tilespmem:s0+$0x1BF10] =	vst v7  }
0x106: {  	[tilespmem:s0+$0x1BF30] =	vst v7;
	s31 =	sand.u32 $0x40, s4;
	s5 =	sand.u32 $0x1C00, s4  }
0x107: {  	[tilespmem:s0+$0x1BF00] =	vst v7;
	s2 =	smov.u32 s4;
	s0 =	sor.u32 s31, s5  }
.LBB2_38:
0x108: {  	s1 =	sadd.s32 $0x4, s1  }
0x109: {  	[tilespmem:s0+$0x1BFA0] =	vst v7;
	s4 =	sadd.s32 $0x200, s4;
	s2 =	sadd.s32 $0x40, s2;
	p3 =	slt.u32 s1, $0x3C  }
.Ltmp28:
0x10a: {  	[tilespmem:s0+$0x1BF90] =	vst v7;
	(pc) =	sbr.rel @p3 .LBB2_38-.Ltmp28, $4  }
0x10b: {  	[tilespmem:s0+$0x1BFB0] =	vst v7  }
0x10c: {  	[tilespmem:s0+$0x1BF80] =	vst v7  }
0x10d: {  	s5 =	sand.u32 $0x1C00, s4;
	s0 =	sand.u32 $0x40, s2  }
0x10e: {  	s0 =	sor.u32 s0, s5  }
.LBB2_39:
0x10f: {  	v12 =	vnsel vm0, $0x0, v11  }
0x110: {  	v13 =	vsel vm1, $0x0, v11;
	v12 =	vxor.u32 $0x80000000, v12  }
0x111: {  	(xrf0) =	vmax.scan.msk.u32 $0xffff, v12;
	v12 =	vxor.u32 $0x80000000, v13;
	v13 =	vsel vm2, $0x0, v11  }
0x112: {  	(xrf0) =	vmax.scan.msk.u32 $0xffff, v12;
	v12 =	vxor.u32 $0x80000000, v13  }
0x113: {  	v11 =	vsel vm3, $0x0, v11;
	(xrf0) =	vmax.scan.msk.u32 $0xffff, v12  }
0x114: {  	v11 =	vxor.u32 $0x80000000, v11  }
0x115: {  	(xrf0) =	vmax.scan.msk.u32 $0xffff, v11;
	_ =	sdelay $0x1  }
0x116: {  	v11, _, _ =	vpop (xrf0)  }
0x117: {  	v12, _, _ =	vpop (xrf0);
	(v2sf) =	vpush v11, $0xF  }
0x118: {  	v11, _, _ =	vpop (xrf0);
	(v2sf) =	vpush v12, $0xF  }
0x119: {  	(v2sf) =	vpush v11, $0xF  }
0x11a: {  	v11, _, _ =	vpop (xrf0)  }
0x11b: {  	(v2sf) =	vpush v11, $0xF;
	_ =	sdelay $0x6  }
0x11c: {  	s1 =	simm.s32 $0x0  }
0x11d: {  	v13 =	vor.u32 s1, v0  }
0x11e: {  	v11 =	vshll.u32 v13, $0x2  }
0x11f: {  	[tilespmem:s0+$0x1BFA0] =	vst v7;
	v12 =	vor.u32 $0x1, v11  }
0x120: {  	[tilespmem:s0+$0x1BF90] =	vst v7;
	v14 =	vor.u32 $0x2, v11;
	s25 =	spop (v2sf)  }
0x121: {  	[tilespmem:s0+$0x1BFB0] =	vst v7;
	v15 =	vor.u32 $0x3, v11;
	s2 =	spop (v2sf)  }
0x122: {  	[tilespmem:s0+$0x1BF80] =	vst v7;
	s1 =	sxor.u32 $0x80000000, s25;
	s26 =	spop (v2sf)  }
0x123: {  	v11 =	vld.idx.msk [tilespmem:v11+s6+$0x0], $0xffff;
	s4 =	sxor.u32 $0x80000000, s2;
	[dreg:$0x13] =	wrdreg s1;
	s2 =	smov.u32 s1  }
0x124: {  	v16 =	vld.idx.msk [tilespmem:v12+s6+$0x0], $0xffff;
	s1 =	sxor.u32 $0x80000000, s26;
	s28 =	spop (v2sf);
	s2 =	smov.u32 @p2 s4  }
0x125: {  	v14 =	vld.idx.msk [tilespmem:v14+s6+$0x0], $0xffff;
	s0 =	sxor.u32 $0x80000000, s28;
	s2 =	smov.u32 @p1 s1  }
0x126: {  	s29 =	rddreg [dreg:$0x9];
	v15 =	vld.idx.msk [tilespmem:v15+s6+$0x0], $0xffff;
	s2 =	smov.u32 @p0 s0  }
0x127: {  	[dreg:$0x16] =	wrdreg s0;
	s0 =	ssub.s32 s2, s29  }
0x128: {  	s30 =	simm.s32 $0x10;
	p3 =	sgt.s32 s0, $0x0  }
0x129: {  	v12 =	vor.u32 s30, v0;
	v11 =	vor.u32 v11, v16;
	s0 =	simm.s32 @!p3 $0x0  }
0x12a: {  	v16 =	vshll.u32 v12, $0x2;
	v14 =	vor.u32 v14, v11;
	s0 =	smin.u32 s0, $0x200  }
0x12b: {  	v17 =	vor.u32 $0x1, v16;
	v14 =	vor.u32 v15, v14;
	v11 =	vmov s0  }
0x12c: {  	vm4 =	vne.s32 v14, $0x0;
	vm5 =	vlt.u32 v13, v11  }
0x12d: {  	vm4 =	vmand vm5, vm4  }
0x12e: {  	s2 =	simm.s32 $0x1880;
	v14 =	vsel vm4, $0x1, v9  }
0x12f: {  	[tilespmem:s2+$0x0] =	vst v14  }
0x130: {  	v13 =	vor.u32 $0x2, v16;
	v15 =	vld.idx.msk [tilespmem:v17+s6+$0x0], $0xffff  }
0x131: {  	v17 =	vld.idx.msk [tilespmem:v16+s6+$0x0], $0xffff;
	v16 =	vor.u32 $0x3, v16;
	_ =	sdelay $0x3  }
0x132: {  	v18 =	vld.idx.msk [tilespmem:v13+s6+$0x0], $0xffff  }
0x133: {  	v17 =	vor.u32 v17, v15;
	v15 =	vld.idx.msk [tilespmem:v16+s6+$0x0], $0xffff;
	_ =	sdelay $0x1  }
0x134: {  	s31 =	simm.s32 $0x20  }
0x135: {  	[dreg:$0x14] =	wrdreg s4;
	v14 =	vor.u32 s31, v0  }
0x136: {  	[dreg:$0x15] =	wrdreg s1;
	s0 =	simm.s32 $0x30;
	v13 =	vshll.u32 v14, $0x2;
	v16 =	vor.u32 v18, v17  }
.LBB2_40:
0x137: {  	p3 =	sne.s32 s0, $0x1F0;
	v17 =	vor.u32 $0x1, v13;
	v15 =	vor.u32 v15, v16  }
0x138: {  	vm5 =	vlt.u32 v12, v11;
	v12 =	vmov v14;
	vm4 =	vne.s32 v15, $0x0  }
0x139: {  	v14 =	vor.u32 $0x2, v13;
	vm4 =	vmand vm5, vm4  }
0x13a: {  	s2 =	sadd.s32 $0x10, s2;
	v15 =	vor.u32 $0x3, v13;
	v16 =	vsel vm4, $0x1, v9  }
0x13b: {  	[tilespmem:s2+$0x0] =	vst v16  }
0x13c: {  	v16 =	vld.idx.msk [tilespmem:v17+s6+$0x0], $0xffff  }
0x13d: {  	v13 =	vld.idx.msk [tilespmem:v13+s6+$0x0], $0xffff  }
0x13e: {  	v17 =	vld.idx.msk [tilespmem:v14+s6+$0x0], $0xffff  }
0x13f: {  	v15 =	vld.idx.msk [tilespmem:v15+s6+$0x0], $0xffff  }
.Ltmp29:
0x140: {  	(pc) =	sbr.rel @p3 .LBB2_40-.Ltmp29, $3  }
0x141: {  	_ =	sdelay $0x1  }
0x142: {  	v14 =	vor.u32 s0, v0;
	v16 =	vor.u32 v13, v16  }
0x143: {  	s0 =	sadd.s32 $0x10, s0;
	v13 =	vshll.u32 v14, $0x2;
	v16 =	vor.u32 v17, v16  }
0x144: {  	v17 =	vor.u32 $0x1, v13;
	v15 =	vor.u32 v15, v16  }
0x145: {  	vm5 =	vlt.u32 v12, v11;
	vm4 =	vne.s32 v15, $0x0  }
0x146: {  	v58 =	vor.u32 $0x2, v13;
	vm4 =	vmand vm5, vm4  }
0x147: {  	v59 =	vor.u32 $0x3, v13;
	s0 =	sadd.s32 $0x10, s2;
	v60 =	vsel vm4, $0x1, v9  }
0x148: {  	[tilespmem:s0+$0x0] =	vst v60  }
0x149: {  	v16 =	vld.idx.msk [tilespmem:v17+s6+$0x0], $0xffff  }
0x14a: {  	v61 =	vld.idx.msk [tilespmem:v13+s6+$0x0], $0xffff  }
0x14b: {  	v12 =	vld.idx.msk [tilespmem:v58+s6+$0x0], $0xffff  }
0x14c: {  	v15 =	vld.idx.msk [tilespmem:v59+s6+$0x0], $0xffff;
	_ =	sdelay $0x2  }
0x14d: {  	v13 =	vor.u32 v61, v16  }
0x14e: {  	v12 =	vor.u32 v12, v13  }
0x14f: {  	v12 =	vor.u32 v15, v12  }
0x150: {  	vm5 =	vlt.u32 v14, v11;
	vm4 =	vne.s32 v12, $0x0  }
0x151: {  	vm4 =	vmand vm5, vm4  }
0x152: {  	s0 =	sadd.s32 $0x10, s0;
	v11 =	vsel vm4, $0x1, v9  }
0x153: {  	s26 =	rddreg [dreg:$0xa];
	s1 =	simm.s32 $0x1880;
	[tilespmem:s0+$0x0] =	vst v11  }
0x154: {  	[hbm4b:s26+s6] =	stream.linear.scatter [tilespmem:s1], [sflag:$0x7], $0x200, $0x38;
	[tilespmem:$0x1DC00] =	vst v63  }
0x155: {  	_ =	swait.ge [sflag:s3], $0x200  }
0x156: {  	[sflag:s3] =	ssyncset.done $0x0  }
0x157: {  	s28 =	simm.s32 $0x1;
	[sflag:s3] =	ssyncadd.s32 $0xFFFFFE00  }
0x158: {  	_ =	swait.ge [sflag:s28], $0x1000  }
0x159: {  	s29 =	rddreg [dreg:$0xb]  }
0x15a: {  	[sflag:s28] =	ssyncset.done $0x0;
	s30 =	rddreg [dreg:$0x13]  }
0x15b: {  	s31 =	simm.s32 $0x800;
	[sflag:s28] =	ssyncadd.s32 $0xFFFFF000;
	s0 =	ssub.s32 s30, s29  }
0x15c: {  	p4 =	sgt.s32 s0, $0x0;
	v11 =	vld.idx.msk [tilespmem:v3+s31+$0x0], $0xffff  }
0x15d: {  	p3 =	slt.s32 s0, $0x1;
	s0 =	simm.s32 @!p4 $0x0  }
0x15e: {  	s0 =	smin.u32 s0, $0x8  }
0x15f: {  	v62 =	vmov s0  }
0x160: {  	vm4 =	vgt.u32 v62, v8  }
0x161: {  	v11 =	vnsel vm4, $0x0, v11  }
0x162: {  	v13 =	vshll.u32 @!p3 v11, $0x3  }
0x163: {  	v15 =	vlaneseq.u32 @!p3;
	v14 =	vand.u32 @!p3 $0x7, v11;
	v13 =	vand.u32 @!p3 $0xFFFFFFC0, v13  }
0x164: {  	[tilespmem:$0x1B00] =	vst v11;
	v11 =	vor.u32 @!p3 v14, v13;
	v13 =	vand.u32 @!p3 $0x7, v15;
	v14 =	vshrl.u32 @!p3 v15, $0x3  }
0x165: {  	v63 =	vld.idx.msk [tilespmem:v4+s31+$0x0], $0xffff;
	v17 =	vperm.xlane @!p3 v11, v13;
	v14 =	vmul.u32 @!p3 $0x8, v14;
	_ =	sdelay $0x1  }
0x166: {  	v17 =	vadd.s32 @!p3 v14, v17;
	_ =	sdelay $0x1  }
0x167: {  	vm4 =	vgt.u32 v62, v10  }
0x168: {  	v12 =	vnsel vm4, $0x0, v63  }
0x169: {  	s2 =	simm.s32 @!p3 $0x1C00;
	s0 =	simm.s32 @!p3 $0x0;
	vm4 =	vmmov @!p3 $0xffff;
	[tilespmem:$0x1B10] =	vst v12  }
0x16a: {  	v12 =	vor.u32 @!p3 $0x8, v15;
	[tilespmem:s2], [sflag:$0x2] =	stream.indirect_vreg.gather @!p3 [hbm4b:s14+s0], $0x80, v17, vm4, $0xb8;
	[tilespmem:$0x1DC00] =	vst v63  }
0x16b: {  	s1 =	rddreg [dreg:$0xc];
	v11 =	vperm.xlane @!p3 v11, v12;
	s2 =	simm.s32 @!p3 $0x2400  }
0x16c: {  	[tilespmem:s2], [sflag:$0x2] =	stream.indirect_vreg.gather @!p3 [hbm4b:s1+s0], $0x80, v17, vm4, $0xb8;
	[tilespmem:$0x1DC00] =	vst v63  }
0x16d: {  	s3 =	rddreg [dreg:$0xd];
	v11 =	vadd.s32 @!p3 v14, v11;
	s2 =	simm.s32 @!p3 $0x2C00  }
0x16e: {  	[tilespmem:s2], [sflag:$0x2] =	stream.indirect_vreg.gather @!p3 [hbm4b:s3+s0], $0x80, v17, vm4, $0xb8;
	[tilespmem:$0x1DC00] =	vst v63  }
0x16f: {  	s4 =	rddreg [dreg:$0xe];
	s2 =	simm.s32 @!p3 $0x3400  }
0x170: {  	[tilespmem:s2], [sflag:$0x2] =	stream.indirect_vreg.gather @!p3 [hbm4b:s4+s0], $0x80, v17, vm4, $0xb8;
	[tilespmem:$0x1DC00] =	vst v63  }
0x171: {  	s2 =	simm.s32 @!p3 $0x3C00  }
0x172: {  	[tilespmem:s2], [sflag:$0x2] =	stream.indirect_vreg.gather @!p3 [hbm4b:s14+s0], $0x80, v11, vm4, $0xb8;
	[tilespmem:$0x1DC00] =	vst v63  }
0x173: {  	s2 =	simm.s32 @!p3 $0x4400  }
0x174: {  	[tilespmem:s2], [sflag:$0x2] =	stream.indirect_vreg.gather @!p3 [hbm4b:s1+s0], $0x80, v11, vm4, $0xb8;
	[tilespmem:$0x1DC00] =	vst v63  }
0x175: {  	s2 =	simm.s32 @!p3 $0x4C00  }
0x176: {  	[tilespmem:s2], [sflag:$0x2] =	stream.indirect_vreg.gather @!p3 [hbm4b:s3+s0], $0x80, v11, vm4, $0xb8;
	[tilespmem:$0x1DC00] =	vst v63  }
0x177: {  	s2 =	simm.s32 @!p3 $0x5400  }
0x178: {  	[tilespmem:s2], [sflag:$0x2] =	stream.indirect_vreg.gather @!p3 [hbm4b:s4+s0], $0x80, v11, vm4, $0xb8;
	[tilespmem:$0x1DC00] =	vst v63  }
0x179: {  	v11 =	vld @!p3 [tilespmem:$0x1B10];
	_ =	sdelay $0x4  }
0x17a: {  	v15 =	vshll.u32 @!p3 v11, $0x3  }
0x17b: {  	v11 =	vand.u32 @!p3 $0x7, v11;
	v15 =	vand.u32 @!p3 $0xFFFFFFC0, v15  }
0x17c: {  	v11 =	vor.u32 @!p3 v11, v15  }
0x17d: {  	v13 =	vperm.xlane @!p3 v11, v13;
	_ =	sdelay $0x1  }
0x17e: {  	v13 =	vadd.s32 @!p3 v14, v13;
	_ =	sdelay $0x3  }
0x17f: {  	s2 =	simm.s32 @!p3 $0x5C00  }
0x180: {  	[tilespmem:s2], [sflag:$0x2] =	stream.indirect_vreg.gather @!p3 [hbm4b:s14+s0], $0x80, v13, vm4, $0xb8;
	[tilespmem:$0x1DC00] =	vst v63  }
0x181: {  	v11 =	vperm.xlane @!p3 v11, v12;
	s2 =	simm.s32 @!p3 $0x6400  }
0x182: {  	[tilespmem:s2], [sflag:$0x2] =	stream.indirect_vreg.gather @!p3 [hbm4b:s1+s0], $0x80, v13, vm4, $0xb8;
	[tilespmem:$0x1DC00] =	vst v63  }
0x183: {  	v11 =	vadd.s32 @!p3 v14, v11;
	s2 =	simm.s32 @!p3 $0x6C00  }
0x184: {  	[tilespmem:s2], [sflag:$0x2] =	stream.indirect_vreg.gather @!p3 [hbm4b:s3+s0], $0x80, v13, vm4, $0xb8;
	[tilespmem:$0x1DC00] =	vst v63  }
0x185: {  	s2 =	simm.s32 @!p3 $0x7400  }
0x186: {  	[tilespmem:s2], [sflag:$0x2] =	stream.indirect_vreg.gather @!p3 [hbm4b:s4+s0], $0x80, v13, vm4, $0xb8;
	[tilespmem:$0x1DC00] =	vst v63  }
0x187: {  	s2 =	simm.s32 @!p3 $0x7C00  }
0x188: {  	[tilespmem:s2], [sflag:$0x2] =	stream.indirect_vreg.gather @!p3 [hbm4b:s14+s0], $0x80, v11, vm4, $0xb8;
	[tilespmem:$0x1DC00] =	vst v63  }
0x189: {  	s2 =	simm.s32 @!p3 $0x8400  }
0x18a: {  	[tilespmem:s2], [sflag:$0x2] =	stream.indirect_vreg.gather @!p3 [hbm4b:s1+s0], $0x80, v11, vm4, $0xb8;
	[tilespmem:$0x1DC00] =	vst v63  }
.Ltmp30:
0x18b: {  	_ = 	snop;
	(pc) =	sbr.rel .LBB2_42-.Ltmp30, $4  }
0x18c: {  	s2 =	simm.s32 @!p3 $0x8C00  }
0x18d: {  	[tilespmem:s2], [sflag:$0x2] =	stream.indirect_vreg.gather @!p3 [hbm4b:s3+s0], $0x80, v11, vm4, $0xb8;
	[tilespmem:$0x1DC00] =	vst v63  }
0x18e: {  	s18 =	simm.s32 $0x0;
	s2 =	simm.s32 @!p3 $0x9400  }
0x18f: {  	[tilespmem:s2], [sflag:$0x2] =	stream.indirect_vreg.gather @!p3 [hbm4b:s4+s0], $0x80, v11, vm4, $0xb8;
	[tilespmem:$0x1DC00] =	vst v63  }
.LBB2_99:
0x190: {  	s0 =	sshll.u32 s8, $0xB;
	s1 =	rddreg [dreg:$0x4]  }
0x191: {  	s31 =	simm.s32 $0x15C00;
	s0 =	sadd.s32 s1, s0  }
0x192: {  	[hbm4b:s0+s6] =	stream.linear.scatter [tilespmem:s31], [sflag:$0x5], $0x4000, $0x38;
	[tilespmem:$0x1DC00] =	vst v63  }
.LBB2_100:
0x193: {  	s18 =	sadd.s32 $0x1, s18  }
0x194: {  	p3 =	sne.s32 s18, $0x10  }
.Ltmp31:
0x195: {  	_ = 	snop;
	(pc) =	sbr.rel @!p3 .LBB2_101-.Ltmp31, $1  }
0x196: {  	_ =	sdelay $0x3  }
.LBB2_42:
0x197: {  	s5 =	rddreg [dreg:$0x13]  }
0x198: {  	s1 =	rddreg [dreg:$0xb]  }
0x199: {  	s0 =	sshrl.u32 s18, $0x2;
	s7 =	rddreg [dreg:$0x14]  }
0x19a: {  	s2 =	sshll.u32 s18, $0xA;
	s4 =	sshll.u32 s18, $0x8;
	s8 =	rddreg [dreg:$0x15]  }
0x19b: {  	s9 =	rddreg [dreg:$0x16];
	p3 =	seq.s32 s0, $0x1;
	s31 =	smov.u32 s5  }
0x19c: {  	s1 =	sor.u32 s1, s2;
	v11 =	vor.u32 s4, v5;
	s31 =	smov.u32 @p3 s7;
	p3 =	seq.s32 s0, $0x2  }
0x19d: {  	s12 =	sshll.u32 s0, $0xC;
	s31 =	smov.u32 @p3 s8;
	p3 =	seq.s32 s0, $0x3  }
0x19e: {  	s0 =	ssub.s32 s12, s1;
	s31 =	smov.u32 @p3 s9  }
0x19f: {  	s10 =	sadd.s32 s0, s31  }
0x1a0: {  	s30 =	simm.s32 $0x800;
	s0 =	sadd.s32 $0xFFFFFFF8, s10  }
0x1a1: {  	v11 =	vld.idx.msk [tilespmem:v11+s30+$0x0], $0xffff;
	p3 =	sgt.s32 s0, $0x0;
	s2 =	smov.u32 s0  }
0x1a2: {  	s2 =	simm.s32 @!p3 $0x0  }
0x1a3: {  	s2 =	smin.u32 s2, $0x8  }
0x1a4: {  	v12 =	vmov s2  }
0x1a5: {  	v13 =	vor.u32 s4, v6;
	vm4 =	vgt.u32 v12, v8  }
0x1a6: {  	p5 =	slt.s32 s0, $0x1;
	v11 =	vnsel vm4, $0x0, v11  }
0x1a7: {  	v14 =	vshll.u32 @!p5 v11, $0x3  }
0x1a8: {  	v16 =	vlaneseq.u32 @!p5;
	v15 =	vand.u32 @!p5 $0x7, v11;
	v14 =	vand.u32 @!p5 $0xFFFFFFC0, v14  }
0x1a9: {  	[tilespmem:$0x1B80] =	vst v11;
	v11 =	vor.u32 @!p5 v15, v14;
	v14 =	vand.u32 @!p5 $0x7, v16;
	v15 =	vshrl.u32 @!p5 v16, $0x3  }
0x1aa: {  	v13 =	vld.idx.msk [tilespmem:v13+s30+$0x0], $0xffff;
	v17 =	vperm.xlane @!p5 v11, v14;
	v15 =	vmul.u32 @!p5 $0x8, v15;
	_ =	sdelay $0x1  }
0x1ab: {  	v17 =	vadd.s32 @!p5 v15, v17;
	_ =	sdelay $0x1  }
0x1ac: {  	vm4 =	vgt.u32 v12, v10  }
0x1ad: {  	v12 =	vnsel vm4, $0x0, v13  }
0x1ae: {  	[dreg:$0x19] =	wrdreg s1;
	s0 =	simm.s32 @!p5 $0x0;
	s2 =	simm.s32 @!p5 $0x9C00;
	vm4 =	vmmov @!p5 $0xffff;
	[tilespmem:$0x1B90] =	vst v12  }
0x1af: {  	v12 =	vor.u32 @!p5 $0x8, v16;
	[tilespmem:s2], [sflag:$0x3] =	stream.indirect_vreg.gather @!p5 [hbm4b:s14+s0], $0x80, v17, vm4, $0xb8;
	[tilespmem:$0x1DC00] =	vst v63  }
0x1b0: {  	s1 =	rddreg [dreg:$0xc];
	v11 =	vperm.xlane @!p5 v11, v12;
	s2 =	simm.s32 @!p5 $0xA400  }
0x1b1: {  	[tilespmem:s2], [sflag:$0x3] =	stream.indirect_vreg.gather @!p5 [hbm4b:s1+s0], $0x80, v17, vm4, $0xb8;
	[tilespmem:$0x1DC00] =	vst v63  }
0x1b2: {  	s3 =	rddreg [dreg:$0xd];
	v11 =	vadd.s32 @!p5 v15, v11;
	s2 =	simm.s32 @!p5 $0xAC00  }
0x1b3: {  	[tilespmem:s2], [sflag:$0x3] =	stream.indirect_vreg.gather @!p5 [hbm4b:s3+s0], $0x80, v17, vm4, $0xb8;
	[tilespmem:$0x1DC00] =	vst v63  }
0x1b4: {  	s4 =	rddreg [dreg:$0xe];
	s2 =	simm.s32 @!p5 $0xB400  }
0x1b5: {  	[tilespmem:s2], [sflag:$0x3] =	stream.indirect_vreg.gather @!p5 [hbm4b:s4+s0], $0x80, v17, vm4, $0xb8;
	[tilespmem:$0x1DC00] =	vst v63  }
0x1b6: {  	s2 =	simm.s32 @!p5 $0xBC00  }
0x1b7: {  	[tilespmem:s2], [sflag:$0x3] =	stream.indirect_vreg.gather @!p5 [hbm4b:s14+s0], $0x80, v11, vm4, $0xb8;
	[tilespmem:$0x1DC00] =	vst v63  }
0x1b8: {  	s2 =	simm.s32 @!p5 $0xC400  }
0x1b9: {  	[tilespmem:s2], [sflag:$0x3] =	stream.indirect_vreg.gather @!p5 [hbm4b:s1+s0], $0x80, v11, vm4, $0xb8;
	[tilespmem:$0x1DC00] =	vst v63  }
0x1ba: {  	s2 =	simm.s32 @!p5 $0xCC00  }
0x1bb: {  	[tilespmem:s2], [sflag:$0x3] =	stream.indirect_vreg.gather @!p5 [hbm4b:s3+s0], $0x80, v11, vm4, $0xb8;
	[tilespmem:$0x1DC00] =	vst v63  }
0x1bc: {  	s2 =	simm.s32 @!p5 $0xD400  }
0x1bd: {  	[tilespmem:s2], [sflag:$0x3] =	stream.indirect_vreg.gather @!p5 [hbm4b:s4+s0], $0x80, v11, vm4, $0xb8;
	[tilespmem:$0x1DC00] =	vst v63  }
0x1be: {  	v11 =	vld @!p5 [tilespmem:$0x1B90];
	_ =	sdelay $0x4  }
0x1bf: {  	v13 =	vshll.u32 @!p5 v11, $0x3  }
0x1c0: {  	v11 =	vand.u32 @!p5 $0x7, v11;
	v13 =	vand.u32 @!p5 $0xFFFFFFC0, v13  }
0x1c1: {  	v11 =	vor.u32 @!p5 v11, v13  }
0x1c2: {  	v13 =	vperm.xlane @!p5 v11, v14;
	_ =	sdelay $0x1  }
0x1c3: {  	v13 =	vadd.s32 @!p5 v15, v13;
	_ =	sdelay $0x3  }
0x1c4: {  	s2 =	simm.s32 @!p5 $0xDC00  }
0x1c5: {  	[tilespmem:s2], [sflag:$0x3] =	stream.indirect_vreg.gather @!p5 [hbm4b:s14+s0], $0x80, v13, vm4, $0xb8;
	[tilespmem:$0x1DC00] =	vst v63  }
0x1c6: {  	v11 =	vperm.xlane @!p5 v11, v12;
	s2 =	simm.s32 @!p5 $0xE400  }
0x1c7: {  	[tilespmem:s2], [sflag:$0x3] =	stream.indirect_vreg.gather @!p5 [hbm4b:s1+s0], $0x80, v13, vm4, $0xb8;
	[tilespmem:$0x1DC00] =	vst v63  }
0x1c8: {  	v11 =	vadd.s32 @!p5 v15, v11;
	s2 =	simm.s32 @!p5 $0xEC00  }
0x1c9: {  	[tilespmem:s2], [sflag:$0x3] =	stream.indirect_vreg.gather @!p5 [hbm4b:s3+s0], $0x80, v13, vm4, $0xb8;
	[tilespmem:$0x1DC00] =	vst v63  }
0x1ca: {  	s2 =	simm.s32 @!p5 $0xF400  }
0x1cb: {  	[tilespmem:s2], [sflag:$0x3] =	stream.indirect_vreg.gather @!p5 [hbm4b:s4+s0], $0x80, v13, vm4, $0xb8;
	[tilespmem:$0x1DC00] =	vst v63  }
0x1cc: {  	s2 =	simm.s32 @!p5 $0xFC00  }
0x1cd: {  	[tilespmem:s2], [sflag:$0x3] =	stream.indirect_vreg.gather @!p5 [hbm4b:s14+s0], $0x80, v11, vm4, $0xb8;
	[tilespmem:$0x1DC00] =	vst v63  }
0x1ce: {  	s2 =	simm.s32 @!p5 $0x10400  }
0x1cf: {  	[tilespmem:s2], [sflag:$0x3] =	stream.indirect_vreg.gather @!p5 [hbm4b:s1+s0], $0x80, v11, vm4, $0xb8;
	[tilespmem:$0x1DC00] =	vst v63  }
0x1d0: {  	s2 =	simm.s32 @!p5 $0x10C00  }
0x1d1: {  	[tilespmem:s2], [sflag:$0x3] =	stream.indirect_vreg.gather @!p5 [hbm4b:s3+s0], $0x80, v11, vm4, $0xb8;
	[tilespmem:$0x1DC00] =	vst v63  }
0x1d2: {  	p3 =	seq.s32 s18, $0x0;
	s2 =	simm.s32 @!p5 $0x11400  }
0x1d3: {  	[tilespmem:s2], [sflag:$0x3] =	stream.indirect_vreg.gather @!p5 [hbm4b:s4+s0], $0x80, v11, vm4, $0xb8;
	[tilespmem:$0x1DC00] =	vst v63  }
0x1d4: {  	s1 =	rddreg [dreg:$0xf];
	s0 =	sshll.u32 @!p3 s18, $0x6  }
0x1d5: {  	s0 =	sadd.s32 @!p3 s1, s0  }
0x1d6: {  	s2 =	sshll.u32 @!p3 s0, $0x4;
	s0 =	sand.u32 @!p3 $0xDF, s0  }
0x1d7: {  	p4 =	slt.s32 @!p3 s2, $0x1;
	p6 =	sne.s32 @!p3 s0, $0x0  }
0x1d8: {  	s0 =	sshra.s32 @!p3 s2, $0x1F;
	p4 =	por @!p3 !p4, !p6  }
0x1d9: {  	s0 =	sshrl.u32 @!p3 s0, $0x14;
	p4 =	por @!p3 !p4, !p4  }
0x1da: {  	s4 =	simm.s32 @!p3 $0x1;
	s0 =	sadd.s32 @!p3 s0, s2;
	p4 =	por !p4, p3  }
0x1db: {  	s0 =	sshra.s32 @!p3 s0, $0xC;
	s4 =	simm.s32 @p4 $0x0  }
0x1dc: {  	s0 =	ssub.s32 @!p3 s0, s4  }
0x1dd: {  	p4 =	seq.s32 @!p3 s0, $0x1  }
0x1de: {  	s4 =	smov.u32 s7;
	p6 =	seq.s32 @!p3 s0, $0x2;
	p4 =	por !p4, p3  }
0x1df: {  	s4 =	smov.u32 @p4 s5;
	p4 =	por !p6, p3;
	s5 =	smov.u32 s8  }
0x1e0: {  	p6 =	seq.s32 @!p3 s0, $0x3;
	s0 =	sshll.u32 @!p3 s0, $0xC;
	s5 =	smov.u32 @p4 s4  }
0x1e1: {  	p4 =	por !p6, p3;
	s4 =	smov.u32 s9;
	p6 =	slt.s32 s10, $0x1  }
0x1e2: {  	s0 =	ssub.s32 @!p3 s0, s2;
	s4 =	smov.u32 @p4 s5;
	s2 =	simm.s32 @!p6 $0x2  }
0x1e3: {  	s0 =	sadd.s32 @!p3 s4, s0;
	_ =	swait.ge @!p6 [sflag:s2], $0x8000  }
0x1e4: {  	p4 =	slt.s32 @!p3 s0, $0x1;
	[sflag:s2] =	ssyncset.done @!p6 $0x0  }
.Ltmp32:
0x1e5: {  	s0 =	simm.s32 @!p3 $0x6;
	p4 =	por !p4, p3;
	(pc) =	sbr.rel @p6 .LBB2_46-.Ltmp32, $4  }
0x1e6: {  	[sflag:s2] =	ssyncadd.s32 @!p6 $0xFFFF8000;
	s0 =	simm.s32 @p4 $0x4  }
0x1e7: {  	_ =	swait.ge @!p3 [sflag:s0], $0x4000  }
0x1e8: {  	[sflag:s0] =	ssyncset.done @!p3 $0x0  }
0x1e9: {  	[dreg:$0x17] =	wrdreg s12;
	[sflag:s0] =	ssyncadd.s32 @!p3 $0xFFFFC000  }
0x1ea: {  	s0 =	simm.s32 $0x0  }
0x1eb: {  	s0 =	sand.u32 $0xFFFFE000, s0  }
0x1ec: {  	s2 =	simm.s32 $0x0;
	s0 =	ssub.s32 $0x0, s0  }
0x1ed: {  	s4 =	simm.s32 $0x0;
	s2 =	sand.u32 $0x6000, s2;
	s19 =	sand.u32 $0xFFFFFC00, s0  }
0x1ee: {  	s1 =	simm.s32 $0x0;
	s12 =	sand.u32 $0x200, s4;
	s2 =	sadd.s32 s19, s2  }
0x1ef: {  	s9 =	sand.u32 $0x40, s1;
	s0 =	sor.u32 s12, s2  }
0x1f0: {  	s24 =	sor.u32 $0x30, s9;
	s2 =	sadd.s32 $0x1C00, s0  }
0x1f1: {  	s13 =	sadd.s32 $0x1C80, s0;
	s5 =	sor.u32 s24, s2  }
0x1f2: {  	s7 =	sadd.s32 $0x1D00, s0;
	s16 =	sor.u32 s24, s13;
	v16 =	vld [tilespmem:s5+$0x0]  }
0x1f3: {  	s22 =	sadd.s32 $0x1D80, s0;
	s17 =	sor.u32 s24, s7;
	v17 =	vld [tilespmem:s16+$0x0]  }
0x1f4: {  	s20 =	sor.u32 s24, s22;
	v18 =	vld [tilespmem:s17+$0x0]  }
0x1f5: {  	s25 =	simm.s32 $0x0;
	s21 =	sor.u32 s9, s2;
	v19 =	vld [tilespmem:s20+$0x0]  }
0x1f6: {  	s23 =	sor.u32 $0x10, s9;
	s15 =	sor.u32 s9, s13;
	s26 =	sor.u32 s9, s7;
	v11 =	vld [tilespmem:s21+$0x0]  }
0x1f7: {  	s28 =	sor.u32 s9, s22;
	s0 =	sor.u32 s23, s13;
	s11 =	sor.u32 s23, s7;
	v14 =	vld [tilespmem:s15+$0x0]  }
0x1f8: {  	s30 =	sor.u32 s23, s22;
	s16 =	sor.u32 $0x20, s9;
	s20 =	sor.u32 s23, s2;
	v12 =	vld [tilespmem:s26+$0x0]  }
0x1f9: {  	s26 =	simm.s32 $0x0;
	v15 =	vld [tilespmem:s28+$0x0];
	s28 =	simm.s32 $0x0;
	s29 =	sor.u32 s16, s2  }
0x1fa: {  	s17 =	sor.u32 s16, s13;
	s15 =	sor.u32 s16, s7;
	s5 =	sor.u32 s16, s22  }
0x1fb: {  	s4 =	sand.u32 $0x3FFFFF80, s26;
	v13 =	vld [tilespmem:s20+$0x0];
	s26 =	simm.s32 $0x4;
	s2 =	simm.s32 $0x0;
	v16 =	vadd.f32 v17, v16;
	v17 =	vadd.f32 v19, v18  }
.LBB2_44:
0x1fc: {  	s7 =	sshll.u32 s26, $0x7;
	s4 =	sadd.s32 s4, s19;
	s28 =	sadd.s32 $0x200, s28  }
0x1fd: {  	v18 =	vld [tilespmem:s0+$0x0];
	s25 =	sadd.s32 $0x4, s25;
	s0 =	sand.u32 $0xFFFFE000, s7;
	s7 =	sadd.s32 $0x11C00, s4  }
0x1fe: {  	v11 =	vadd.f32 v14, v11;
	v14 =	vld [tilespmem:s11+$0x0];
	v16 =	vadd.f32 v17, v16;
	s4 =	sshll.u32 s25, $0x6;
	s20 =	sshll.u32 s25, $0x3;
	s0 =	ssub.s32 s28, s0  }
0x1ff: {  	v17 =	vld [tilespmem:s30+$0x0];
	s11 =	sor.u32 s24, s7;
	s4 =	sand.u32 $0x6000, s4;
	s19 =	sand.u32 $0xFFFFFC00, s0  }
0x200: {  	v12 =	vadd.f32 v15, v12;
	v15 =	vld [tilespmem:s29+$0x0];
	[tilespmem:s11+$0x0] =	vst v16;
	s0 =	sand.u32 $0x200, s20;
	s4 =	sadd.s32 s19, s4  }
0x201: {  	s2 =	sadd.s32 $0x40, s2;
	p4 =	slt.u32 s25, $0x1FC;
	v16 =	vld [tilespmem:s17+$0x0];
	s0 =	sor.u32 s0, s4  }
0x202: {  	v11 =	vadd.f32 v12, v11;
	s4 =	sor.u32 s9, s7;
	s9 =	sand.u32 $0x40, s2;
	v12 =	vadd.f32 v18, v13;
	v13 =	vld [tilespmem:s15+$0x0];
	s15 =	sadd.s32 $0x1C00, s0  }
0x203: {  	s20 =	sor.u32 $0x10, s9;
	s24 =	sor.u32 $0x30, s9;
	v18 =	vld [tilespmem:s5+$0x0];
	s5 =	sadd.s32 $0x1C80, s0  }
0x204: {  	s22 =	sor.u32 $0x20, s9;
	s1 =	sadd.s32 $0x1D00, s0;
	s11 =	sor.u32 s24, s15;
	[tilespmem:s4+$0x0] =	vst v11;
	v11 =	vadd.f32 v17, v14  }
0x205: {  	s8 =	sadd.s32 $0x1D80, s0;
	s4 =	sor.u32 s9, s15;
	v17 =	vld [tilespmem:s11+$0x0];
	s11 =	sor.u32 s24, s5  }
0x206: {  	s3 =	sor.u32 s9, s5;
	s0 =	sor.u32 s24, s1;
	s21 =	sor.u32 s9, s1;
	v19 =	vld [tilespmem:s11+$0x0];
	v20 =	vadd.f32 v11, v12;
	v12 =	vadd.f32 v16, v15  }
0x207: {  	s12 =	sor.u32 s9, s8;
	s17 =	sor.u32 s24, s8;
	s13 =	sor.u32 s20, s15;
	v21 =	vld [tilespmem:s0+$0x0]  }
0x208: {  	s30 =	sor.u32 s20, s8;
	s11 =	sor.u32 s20, s1;
	s0 =	sor.u32 s20, s5;
	v22 =	vld [tilespmem:s17+$0x0];
	v13 =	vadd.f32 v18, v13  }
.Ltmp33:
0x209: {  	s29 =	sor.u32 s22, s15;
	s17 =	sor.u32 s22, s5;
	v11 =	vld [tilespmem:s4+$0x0];
	(pc) =	sbr.rel @p4 .LBB2_44-.Ltmp33, $4  }
0x20a: {  	s15 =	sor.u32 s22, s1;
	s1 =	sor.u32 s23, s7;
	s5 =	sor.u32 s22, s8;
	v14 =	vld [tilespmem:s3+$0x0];
	v13 =	vadd.f32 v13, v12  }
0x20b: {  	s23 =	smov.u32 s20;
	v12 =	vld [tilespmem:s21+$0x0];
	[tilespmem:s1+$0x0] =	vst v20;
	s1 =	sor.u32 s16, s7  }
0x20c: {  	s3 =	sshll.u32 s25, $0x1;
	s16 =	smov.u32 s22;
	v15 =	vld [tilespmem:s12+$0x0];
	[tilespmem:s1+$0x0] =	vst v13  }
0x20d: {  	s26 =	sadd.s32 $0x4, s26;
	s4 =	sand.u32 $0x3FFFFF80, s3;
	v16 =	vadd.f32 v19, v17;
	v13 =	vld [tilespmem:s13+$0x0];
	v17 =	vadd.f32 v22, v21  }
0x20e: {  	v18 =	vld [tilespmem:s0+$0x0]  }
0x20f: {  	v19 =	vld [tilespmem:s11+$0x0]  }
0x210: {  	v20 =	vld [tilespmem:s30+$0x0]  }
0x211: {  	v21 =	vld [tilespmem:s29+$0x0]  }
0x212: {  	v22 =	vld [tilespmem:s17+$0x0]  }
0x213: {  	v23 =	vld [tilespmem:s15+$0x0]  }
0x214: {  	v24 =	vld [tilespmem:s5+$0x0]  }
0x215: {  	v11 =	vadd.f32 v14, v11;
	v12 =	vadd.f32 v15, v12;
	_ =	sdelay $0x1  }
0x216: {  	s28 =	sadd.s32 s4, s19;
	v59 =	vadd.f32 v17, v16;
	v11 =	vadd.f32 v12, v11  }
0x217: {  	s0 =	sadd.s32 $0x11C00, s28;
	v60 =	vadd.f32 v18, v13;
	v61 =	vadd.f32 v20, v19  }
0x218: {  	s1 =	sor.u32 s24, s0;
	v62 =	vadd.f32 v22, v21;
	v63 =	vadd.f32 v24, v23  }
0x219: {  	s29 =	sor.u32 s9, s0;
	[tilespmem:s1+$0x0] =	vst v59;
	v12 =	vadd.f32 v61, v60  }
0x21a: {  	s30 =	sor.u32 s23, s0;
	[tilespmem:s29+$0x0] =	vst v11;
	v11 =	vadd.f32 v63, v62  }
0x21b: {  	s0 =	sor.u32 s16, s0;
	[tilespmem:s30+$0x0] =	vst v12  }
0x21c: {  	[tilespmem:s0+$0x0] =	vst v11  }
0x21d: {  	s12 =	rddreg [dreg:$0x17]  }
.LBB2_46:
0x21e: {  	s0 =	sshll.u32 s18, $0x2  }
0x21f: {  	[dreg:$0x18] =	wrdreg s0;
	s0 =	sor.u32 $0x2, s0  }
0x220: {  	s1 =	sshll.u32 s0, $0x6  }
0x221: {  	v11 =	vor.u32 s1, v3  }
0x222: {  	s30 =	rddreg [dreg:$0xb];
	s9 =	sshll.u32 s0, $0x8  }
0x223: {  	s0 =	sor.u32 s9, s30  }
0x224: {  	s0 =	ssub.s32 s12, s0  }
0x225: {  	s3 =	simm.s32 $0x800;
	s0 =	sadd.s32 s31, s0  }
0x226: {  	p4 =	sgt.s32 s0, $0x0;
	s2 =	smov.u32 s0;
	v11 =	vld.idx.msk [tilespmem:v11+s3+$0x0], $0xffff  }
0x227: {  	s2 =	simm.s32 @!p4 $0x0  }
0x228: {  	s2 =	smin.u32 s2, $0x8  }
0x229: {  	v12 =	vmov s2  }
0x22a: {  	v13 =	vor.u32 s1, v4;
	vm4 =	vgt.u32 v12, v8  }
0x22b: {  	p4 =	slt.s32 s0, $0x1;
	v11 =	vnsel vm4, $0x0, v11  }
0x22c: {  	v14 =	vshll.u32 @!p4 v11, $0x3  }
0x22d: {  	v16 =	vlaneseq.u32 @!p4;
	v15 =	vand.u32 @!p4 $0x7, v11;
	v14 =	vand.u32 @!p4 $0xFFFFFFC0, v14  }
0x22e: {  	[tilespmem:$0x1B00] =	vst v11;
	v11 =	vor.u32 @!p4 v15, v14;
	v14 =	vand.u32 @!p4 $0x7, v16;
	v15 =	vshrl.u32 @!p4 v16, $0x3  }
0x22f: {  	v13 =	vld.idx.msk [tilespmem:v13+s3+$0x0], $0xffff;
	v17 =	vperm.xlane @!p4 v11, v14;
	v15 =	vmul.u32 @!p4 $0x8, v15;
	_ =	sdelay $0x1  }
0x230: {  	v17 =	vadd.s32 @!p4 v15, v17;
	_ =	sdelay $0x1  }
0x231: {  	vm4 =	vgt.u32 v12, v10  }
0x232: {  	v12 =	vnsel vm4, $0x0, v13  }
0x233: {  	s0 =	simm.s32 @!p4 $0x0;
	s1 =	simm.s32 @!p4 $0x1C00;
	vm4 =	vmmov @!p4 $0xffff;
	[tilespmem:$0x1B10] =	vst v12  }
0x234: {  	v12 =	vor.u32 @!p4 $0x8, v16;
	[tilespmem:s1], [sflag:$0x2] =	stream.indirect_vreg.gather @!p4 [hbm4b:s14+s0], $0x80, v17, vm4, $0xb8;
	[tilespmem:$0x1DC00] =	vst v63  }
0x235: {  	s2 =	rddreg [dreg:$0xc];
	v11 =	vperm.xlane @!p4 v11, v12;
	s1 =	simm.s32 @!p4 $0x2400  }
0x236: {  	[tilespmem:s1], [sflag:$0x2] =	stream.indirect_vreg.gather @!p4 [hbm4b:s2+s0], $0x80, v17, vm4, $0xb8;
	[tilespmem:$0x1DC00] =	vst v63  }
0x237: {  	s3 =	rddreg [dreg:$0xd];
	v11 =	vadd.s32 @!p4 v15, v11;
	s1 =	simm.s32 @!p4 $0x2C00  }
0x238: {  	[tilespmem:s1], [sflag:$0x2] =	stream.indirect_vreg.gather @!p4 [hbm4b:s3+s0], $0x80, v17, vm4, $0xb8;
	[tilespmem:$0x1DC00] =	vst v63  }
0x239: {  	s4 =	rddreg [dreg:$0xe];
	s1 =	simm.s32 @!p4 $0x3400  }
0x23a: {  	[tilespmem:s1], [sflag:$0x2] =	stream.indirect_vreg.gather @!p4 [hbm4b:s4+s0], $0x80, v17, vm4, $0xb8;
	[tilespmem:$0x1DC00] =	vst v63  }
0x23b: {  	s1 =	simm.s32 @!p4 $0x3C00  }
0x23c: {  	[tilespmem:s1], [sflag:$0x2] =	stream.indirect_vreg.gather @!p4 [hbm4b:s14+s0], $0x80, v11, vm4, $0xb8;
	[tilespmem:$0x1DC00] =	vst v63  }
0x23d: {  	s1 =	simm.s32 @!p4 $0x4400  }
0x23e: {  	[tilespmem:s1], [sflag:$0x2] =	stream.indirect_vreg.gather @!p4 [hbm4b:s2+s0], $0x80, v11, vm4, $0xb8;
	[tilespmem:$0x1DC00] =	vst v63  }
0x23f: {  	s1 =	simm.s32 @!p4 $0x4C00  }
0x240: {  	[tilespmem:s1], [sflag:$0x2] =	stream.indirect_vreg.gather @!p4 [hbm4b:s3+s0], $0x80, v11, vm4, $0xb8;
	[tilespmem:$0x1DC00] =	vst v63  }
0x241: {  	s1 =	simm.s32 @!p4 $0x5400  }
0x242: {  	[tilespmem:s1], [sflag:$0x2] =	stream.indirect_vreg.gather @!p4 [hbm4b:s4+s0], $0x80, v11, vm4, $0xb8;
	[tilespmem:$0x1DC00] =	vst v63  }
0x243: {  	v11 =	vld @!p4 [tilespmem:$0x1B10];
	_ =	sdelay $0x4  }
0x244: {  	v13 =	vshll.u32 @!p4 v11, $0x3  }
0x245: {  	v11 =	vand.u32 @!p4 $0x7, v11;
	v13 =	vand.u32 @!p4 $0xFFFFFFC0, v13  }
0x246: {  	v11 =	vor.u32 @!p4 v11, v13  }
0x247: {  	v13 =	vperm.xlane @!p4 v11, v14;
	_ =	sdelay $0x1  }
0x248: {  	v13 =	vadd.s32 @!p4 v15, v13;
	_ =	sdelay $0x3  }
0x249: {  	s1 =	simm.s32 @!p4 $0x5C00  }
0x24a: {  	[tilespmem:s1], [sflag:$0x2] =	stream.indirect_vreg.gather @!p4 [hbm4b:s14+s0], $0x80, v13, vm4, $0xb8;
	[tilespmem:$0x1DC00] =	vst v63  }
0x24b: {  	v11 =	vperm.xlane @!p4 v11, v12;
	s1 =	simm.s32 @!p4 $0x6400  }
0x24c: {  	[tilespmem:s1], [sflag:$0x2] =	stream.indirect_vreg.gather @!p4 [hbm4b:s2+s0], $0x80, v13, vm4, $0xb8;
	[tilespmem:$0x1DC00] =	vst v63  }
0x24d: {  	v11 =	vadd.s32 @!p4 v15, v11;
	s1 =	simm.s32 @!p4 $0x6C00  }
0x24e: {  	[tilespmem:s1], [sflag:$0x2] =	stream.indirect_vreg.gather @!p4 [hbm4b:s3+s0], $0x80, v13, vm4, $0xb8;
	[tilespmem:$0x1DC00] =	vst v63  }
0x24f: {  	s1 =	simm.s32 @!p4 $0x7400  }
0x250: {  	[tilespmem:s1], [sflag:$0x2] =	stream.indirect_vreg.gather @!p4 [hbm4b:s4+s0], $0x80, v13, vm4, $0xb8;
	[tilespmem:$0x1DC00] =	vst v63  }
0x251: {  	s1 =	simm.s32 @!p4 $0x7C00  }
0x252: {  	[tilespmem:s1], [sflag:$0x2] =	stream.indirect_vreg.gather @!p4 [hbm4b:s14+s0], $0x80, v11, vm4, $0xb8;
	[tilespmem:$0x1DC00] =	vst v63  }
0x253: {  	s1 =	simm.s32 @!p4 $0x8400  }
0x254: {  	[tilespmem:s1], [sflag:$0x2] =	stream.indirect_vreg.gather @!p4 [hbm4b:s2+s0], $0x80, v11, vm4, $0xb8;
	[tilespmem:$0x1DC00] =	vst v63  }
.Ltmp34:
0x255: {  	_ = 	snop;
	(pc) =	sbr.rel @p5 .LBB2_51-.Ltmp34, $4  }
0x256: {  	s1 =	simm.s32 @!p4 $0x8C00  }
0x257: {  	[tilespmem:s1], [sflag:$0x2] =	stream.indirect_vreg.gather @!p4 [hbm4b:s3+s0], $0x80, v11, vm4, $0xb8;
	[tilespmem:$0x1DC00] =	vst v63  }
0x258: {  	s1 =	simm.s32 @!p4 $0x9400  }
0x259: {  	[tilespmem:s1], [sflag:$0x2] =	stream.indirect_vreg.gather @!p4 [hbm4b:s4+s0], $0x80, v11, vm4, $0xb8;
	[tilespmem:$0x1DC00] =	vst v63  }
0x25a: {  	s0 =	simm.s32 $0x0  }
0x25b: {  	[dreg:$0x1a] =	wrdreg s9;
	s0 =	sand.u32 $0xFFFFE000, s0  }
0x25c: {  	s1 =	simm.s32 $0x0;
	s2 =	simm.s32 $0x0;
	s0 =	ssub.s32 $0x0, s0  }
0x25d: {  	s23 =	simm.s32 $0x0;
	s1 =	sand.u32 $0x6000, s1;
	s25 =	sand.u32 $0xFFFFFC00, s0  }
0x25e: {  	s8 =	simm.s32 $0x3;
	s7 =	sand.u32 $0x200, s2;
	s1 =	sadd.s32 s25, s1  }
0x25f: {  	_ =	swait.ge [sflag:s8], $0x8000;
	s16 =	sand.u32 $0x40, s23;
	s0 =	sor.u32 s7, s1  }
0x260: {  	[sflag:s8] =	ssyncset.done $0x0;
	s26 =	sor.u32 $0x30, s16;
	s1 =	sadd.s32 $0x9C00, s0  }
0x261: {  	[sflag:s8] =	ssyncadd.s32 $0xFFFF8000;
	s9 =	sadd.s32 $0x9C80, s0;
	s3 =	sor.u32 s26, s1  }
0x262: {  	s5 =	sadd.s32 $0x9D00, s0;
	s12 =	sor.u32 s26, s9;
	v16 =	vld [tilespmem:s3+$0x0]  }
0x263: {  	s7 =	sadd.s32 $0x9D80, s0;
	s13 =	sor.u32 s26, s5;
	v17 =	vld [tilespmem:s12+$0x0]  }
0x264: {  	s28 =	simm.s32 $0x0;
	s15 =	sor.u32 s26, s7;
	v18 =	vld [tilespmem:s13+$0x0]  }
0x265: {  	s24 =	simm.s32 $0x0;
	s2 =	simm.s32 $0x4;
	s17 =	sor.u32 s16, s1;
	v19 =	vld [tilespmem:s15+$0x0]  }
0x266: {  	s30 =	sor.u32 $0x10, s16;
	s19 =	sor.u32 $0x20, s16;
	s20 =	sor.u32 s16, s9;
	v11 =	vld [tilespmem:s17+$0x0]  }
0x267: {  	s8 =	sor.u32 s16, s5;
	s21 =	sor.u32 s30, s1;
	s4 =	sor.u32 s30, s9;
	v14 =	vld [tilespmem:s20+$0x0]  }
0x268: {  	s22 =	sor.u32 s30, s5;
	s0 =	sor.u32 s30, s7;
	s11 =	sor.u32 s19, s1;
	v12 =	vld [tilespmem:s8+$0x0]  }
0x269: {  	s29 =	sor.u32 s19, s9;
	s12 =	sor.u32 s16, s7;
	s17 =	sor.u32 s19, s5;
	v13 =	vld [tilespmem:s21+$0x0]  }
0x26a: {  	s7 =	sor.u32 s19, s7;
	s15 =	sand.u32 $0x3FFFFF80, s24;
	s5 =	simm.s32 $0x0;
	v15 =	vld [tilespmem:s12+$0x0];
	v16 =	vadd.f32 v17, v16;
	v17 =	vadd.f32 v19, v18  }
.LBB2_48:
0x26b: {  	s1 =	sshll.u32 s2, $0x7;
	s3 =	sadd.s32 s15, s25;
	s23 =	sadd.s32 $0x200, s23  }
0x26c: {  	v18 =	vld [tilespmem:s4+$0x0];
	s28 =	sadd.s32 $0x4, s28;
	s1 =	sand.u32 $0xFFFFE000, s1;
	s15 =	sadd.s32 $0x13C00, s3  }
0x26d: {  	v11 =	vadd.f32 v14, v11;
	v14 =	vld [tilespmem:s22+$0x0];
	v16 =	vadd.f32 v17, v16;
	s3 =	sshll.u32 s28, $0x6;
	s4 =	sshll.u32 s28, $0x3;
	s1 =	ssub.s32 s23, s1  }
0x26e: {  	v17 =	vld [tilespmem:s0+$0x0];
	s0 =	sor.u32 s26, s15;
	s3 =	sand.u32 $0x6000, s3;
	s25 =	sand.u32 $0xFFFFFC00, s1  }
0x26f: {  	v12 =	vadd.f32 v15, v12;
	v15 =	vld [tilespmem:s11+$0x0];
	[tilespmem:s0+$0x0] =	vst v16;
	s0 =	sand.u32 $0x200, s4;
	s1 =	sadd.s32 s25, s3  }
0x270: {  	s5 =	sadd.s32 $0x40, s5;
	p5 =	slt.u32 s28, $0x1FC;
	v16 =	vld [tilespmem:s29+$0x0];
	s0 =	sor.u32 s0, s1  }
0x271: {  	v11 =	vadd.f32 v12, v11;
	s1 =	sor.u32 s16, s15;
	s16 =	sand.u32 $0x40, s5;
	v12 =	vadd.f32 v18, v13;
	v13 =	vld [tilespmem:s17+$0x0];
	s3 =	sadd.s32 $0x9C00, s0  }
0x272: {  	s8 =	sor.u32 $0x10, s16;
	s26 =	sor.u32 $0x30, s16;
	v18 =	vld [tilespmem:s7+$0x0];
	s7 =	sadd.s32 $0x9C80, s0  }
0x273: {  	s12 =	sor.u32 $0x20, s16;
	s13 =	sadd.s32 $0x9D00, s0;
	s4 =	sor.u32 s26, s3;
	[tilespmem:s1+$0x0] =	vst v11;
	v11 =	vadd.f32 v17, v14  }
0x274: {  	s20 =	sadd.s32 $0x9D80, s0;
	s1 =	sor.u32 s16, s3;
	v17 =	vld [tilespmem:s4+$0x0];
	s4 =	sor.u32 s26, s7  }
0x275: {  	s17 =	sor.u32 s16, s7;
	s0 =	sor.u32 s26, s13;
	s21 =	sor.u32 s16, s13;
	v19 =	vld [tilespmem:s4+$0x0];
	v20 =	vadd.f32 v11, v12;
	v12 =	vadd.f32 v16, v15  }
0x276: {  	s24 =	sor.u32 s16, s20;
	s9 =	sor.u32 s8, s3;
	v21 =	vld [tilespmem:s0+$0x0];
	s0 =	sor.u32 s26, s20  }
0x277: {  	s22 =	sor.u32 s8, s13;
	s11 =	sor.u32 s12, s3;
	s4 =	sor.u32 s8, s7;
	v22 =	vld [tilespmem:s0+$0x0];
	v13 =	vadd.f32 v18, v13  }
.Ltmp35:
0x278: {  	s29 =	sor.u32 s12, s7;
	s0 =	sor.u32 s8, s20;
	v11 =	vld [tilespmem:s1+$0x0];
	(pc) =	sbr.rel @p5 .LBB2_48-.Ltmp35, $4  }
0x279: {  	s7 =	sor.u32 s12, s20;
	s1 =	sor.u32 s30, s15;
	v14 =	vld [tilespmem:s17+$0x0];
	s17 =	sor.u32 s12, s13;
	v13 =	vadd.f32 v13, v12  }
0x27a: {  	s30 =	smov.u32 s8;
	v12 =	vld [tilespmem:s21+$0x0];
	[tilespmem:s1+$0x0] =	vst v20;
	s1 =	sor.u32 s19, s15  }
0x27b: {  	s3 =	sshll.u32 s28, $0x1;
	s19 =	smov.u32 s12;
	v15 =	vld [tilespmem:s24+$0x0];
	[tilespmem:s1+$0x0] =	vst v13  }
0x27c: {  	s2 =	sadd.s32 $0x4, s2;
	s15 =	sand.u32 $0x3FFFFF80, s3;
	v16 =	vadd.f32 v19, v17;
	v13 =	vld [tilespmem:s9+$0x0];
	v17 =	vadd.f32 v22, v21  }
0x27d: {  	v18 =	vld [tilespmem:s4+$0x0]  }
0x27e: {  	v19 =	vld [tilespmem:s22+$0x0]  }
0x27f: {  	v20 =	vld [tilespmem:s0+$0x0]  }
0x280: {  	v21 =	vld [tilespmem:s11+$0x0]  }
0x281: {  	v22 =	vld [tilespmem:s29+$0x0]  }
0x282: {  	v23 =	vld [tilespmem:s17+$0x0]  }
0x283: {  	v24 =	vld [tilespmem:s7+$0x0]  }
0x284: {  	v11 =	vadd.f32 v14, v11;
	v12 =	vadd.f32 v15, v12;
	_ =	sdelay $0x1  }
0x285: {  	s28 =	sadd.s32 s15, s25;
	v59 =	vadd.f32 v17, v16;
	v11 =	vadd.f32 v12, v11  }
0x286: {  	s0 =	sadd.s32 $0x13C00, s28;
	v60 =	vadd.f32 v18, v13;
	v61 =	vadd.f32 v20, v19  }
0x287: {  	s1 =	sor.u32 s26, s0;
	v62 =	vadd.f32 v22, v21;
	v63 =	vadd.f32 v24, v23  }
0x288: {  	p5 =	sgt.s32 s10, $0x0;
	s29 =	sor.u32 s16, s0;
	[tilespmem:s1+$0x0] =	vst v59;
	v12 =	vadd.f32 v61, v60  }
.Ltmp36:
0x289: {  	s30 =	sor.u32 s30, s0;
	[tilespmem:s29+$0x0] =	vst v11;
	v11 =	vadd.f32 v63, v62;
	(pc) =	sbr.rel @p5 .LBB2_69-.Ltmp36, $4  }
.Ltmp37:
0x28a: {  	s0 =	sor.u32 s19, s0;
	[tilespmem:s30+$0x0] =	vst v12;
	(pc) =	sbr.rel @!p5 .LBB2_50-.Ltmp37, $4  }
0x28b: {  	[tilespmem:s0+$0x0] =	vst v11  }
0x28c: {  	s12 =	rddreg [dreg:$0x17]  }
0x28d: {  	s9 =	rddreg [dreg:$0x1a]  }
0x28e: {  	_ = 	snop  }
.LBB2_51:
.Ltmp38:
0x28f: {  	(pc) =	sbr.rel @p6 .LBB2_50-.Ltmp38, $2  }
0x290: {  	_ =	sdelay $0x2  }
0x291: {  	s2 =	simm.s32 $0xFFFFFFFC;
	s0 =	simm.s32 $0x0  }
0x292: {  	s2 =	sadd.s32 $0x4, s2;
	s1 =	sand.u32 $0x40, s0;
	s3 =	sand.u32 $0x1C00, s0  }
0x293: {  	s5 =	simm.s32 $0x0;
	s7 =	simm.s32 $0x0;
	s4 =	sor.u32 s1, s3  }
.LBB2_53:
0x294: {  	s2 =	sadd.s32 $0x4, s2  }
0x295: {  	[tilespmem:s4+$0x13C20] =	vst v7;
	s5 =	sadd.s32 $0x200, s5;
	s7 =	sadd.s32 $0x40, s7;
	p5 =	slt.u32 s2, $0x3C  }
.Ltmp39:
0x296: {  	[tilespmem:s4+$0x13C10] =	vst v7;
	(pc) =	sbr.rel @p5 .LBB2_53-.Ltmp39, $4  }
0x297: {  	[tilespmem:s4+$0x13C30] =	vst v7  }
0x298: {  	[tilespmem:s4+$0x13C00] =	vst v7  }
0x299: {  	s1 =	sand.u32 $0x40, s7;
	s3 =	sand.u32 $0x1C00, s5  }
0x29a: {  	s4 =	sor.u32 s1, s3  }
0x29b: {  	[tilespmem:s4+$0x13C20] =	vst v7  }
0x29c: {  	[tilespmem:s4+$0x13C10] =	vst v7  }
0x29d: {  	[tilespmem:s4+$0x13C30] =	vst v7;
	s1 =	sand.u32 $0x40, s0;
	s2 =	sand.u32 $0x1C00, s0  }
0x29e: {  	[tilespmem:s4+$0x13C00] =	vst v7;
	s4 =	simm.s32 $0x0;
	s5 =	simm.s32 $0x0;
	s7 =	sor.u32 s1, s2  }
.LBB2_55:
0x29f: {  	s4 =	sadd.s32 $0x4, s4  }
0x2a0: {  	[tilespmem:s7+$0x13CA0] =	vst v7;
	s0 =	sadd.s32 $0x200, s0;
	s5 =	sadd.s32 $0x40, s5;
	p5 =	slt.u32 s4, $0x3C  }
.Ltmp40:
0x2a1: {  	[tilespmem:s7+$0x13C90] =	vst v7;
	(pc) =	sbr.rel @p5 .LBB2_55-.Ltmp40, $4  }
0x2a2: {  	[tilespmem:s7+$0x13CB0] =	vst v7  }
0x2a3: {  	[tilespmem:s7+$0x13C80] =	vst v7  }
0x2a4: {  	s1 =	sand.u32 $0x40, s5;
	s2 =	sand.u32 $0x1C00, s0  }
0x2a5: {  	s7 =	sor.u32 s1, s2;
	s2 =	simm.s32 $0x0  }
0x2a6: {  	[tilespmem:s7+$0x13CA0] =	vst v7  }
0x2a7: {  	[tilespmem:s7+$0x13C90] =	vst v7  }
0x2a8: {  	[tilespmem:s7+$0x13CB0] =	vst v7;
	s5 =	simm.s32 $0x0;
	s0 =	sand.u32 $0x40, s2;
	s4 =	sand.u32 $0x1C00, s2  }
0x2a9: {  	[tilespmem:s7+$0x13C80] =	vst v7;
	s10 =	simm.s32 $0x0;
	s11 =	simm.s32 $0x0;
	s7 =	sor.u32 s0, s4  }
.LBB2_57:
0x2aa: {  	s5 =	sadd.s32 $0x4, s5  }
0x2ab: {  	[tilespmem:s7+$0x13D20] =	vst v7;
	s10 =	sadd.s32 $0x200, s10;
	s11 =	sadd.s32 $0x40, s11;
	p5 =	slt.u32 s5, $0x3C  }
.Ltmp41:
0x2ac: {  	[tilespmem:s7+$0x13D10] =	vst v7;
	(pc) =	sbr.rel @p5 .LBB2_57-.Ltmp41, $4  }
0x2ad: {  	[tilespmem:s7+$0x13D30] =	vst v7  }
0x2ae: {  	[tilespmem:s7+$0x13D00] =	vst v7  }
0x2af: {  	s1 =	sand.u32 $0x40, s11;
	s3 =	sand.u32 $0x1C00, s10  }
0x2b0: {  	s7 =	sor.u32 s1, s3  }
0x2b1: {  	[tilespmem:s7+$0x13D20] =	vst v7  }
0x2b2: {  	[tilespmem:s7+$0x13D10] =	vst v7  }
0x2b3: {  	[tilespmem:s7+$0x13D30] =	vst v7  }
0x2b4: {  	[tilespmem:s7+$0x13D00] =	vst v7;
	s10 =	simm.s32 $0x0;
	s7 =	sor.u32 s0, s4;
	s0 =	simm.s32 $0x0  }
.LBB2_59:
0x2b5: {  	s10 =	sadd.s32 $0x4, s10  }
0x2b6: {  	[tilespmem:s7+$0x13DA0] =	vst v7;
	s2 =	sadd.s32 $0x200, s2;
	s0 =	sadd.s32 $0x40, s0;
	p5 =	slt.u32 s10, $0x3C  }
.Ltmp42:
0x2b7: {  	[tilespmem:s7+$0x13D90] =	vst v7;
	(pc) =	sbr.rel @p5 .LBB2_59-.Ltmp42, $4  }
0x2b8: {  	[tilespmem:s7+$0x13DB0] =	vst v7  }
0x2b9: {  	[tilespmem:s7+$0x13D80] =	vst v7  }
0x2ba: {  	s1 =	sand.u32 $0x40, s0;
	s3 =	sand.u32 $0x1C00, s2  }
0x2bb: {  	s5 =	simm.s32 $0x0;
	s7 =	sor.u32 s1, s3  }
0x2bc: {  	[tilespmem:s7+$0x13DA0] =	vst v7  }
0x2bd: {  	[tilespmem:s7+$0x13D90] =	vst v7  }
0x2be: {  	[tilespmem:s7+$0x13DB0] =	vst v7;
	s4 =	simm.s32 $0x0;
	s0 =	sand.u32 $0x40, s5;
	s2 =	sand.u32 $0x1C00, s5  }
0x2bf: {  	[tilespmem:s7+$0x13D80] =	vst v7;
	s10 =	simm.s32 $0x0;
	s11 =	simm.s32 $0x0;
	s7 =	sor.u32 s0, s2  }
.LBB2_61:
0x2c0: {  	s4 =	sadd.s32 $0x4, s4  }
0x2c1: {  	[tilespmem:s7+$0x13E20] =	vst v7;
	s10 =	sadd.s32 $0x200, s10;
	s11 =	sadd.s32 $0x40, s11;
	p5 =	slt.u32 s4, $0x3C  }
.Ltmp43:
0x2c2: {  	[tilespmem:s7+$0x13E10] =	vst v7;
	(pc) =	sbr.rel @p5 .LBB2_61-.Ltmp43, $4  }
0x2c3: {  	[tilespmem:s7+$0x13E30] =	vst v7  }
0x2c4: {  	[tilespmem:s7+$0x13E00] =	vst v7  }
0x2c5: {  	s1 =	sand.u32 $0x40, s11;
	s3 =	sand.u32 $0x1C00, s10  }
0x2c6: {  	s7 =	sor.u32 s1, s3  }
0x2c7: {  	[tilespmem:s7+$0x13E20] =	vst v7  }
0x2c8: {  	[tilespmem:s7+$0x13E10] =	vst v7  }
0x2c9: {  	[tilespmem:s7+$0x13E30] =	vst v7  }
0x2ca: {  	[tilespmem:s7+$0x13E00] =	vst v7;
	s4 =	simm.s32 $0x0;
	s7 =	sor.u32 s0, s2;
	s0 =	simm.s32 $0x0  }
.LBB2_63:
0x2cb: {  	s4 =	sadd.s32 $0x4, s4  }
0x2cc: {  	[tilespmem:s7+$0x13EA0] =	vst v7;
	s5 =	sadd.s32 $0x200, s5;
	s0 =	sadd.s32 $0x40, s0;
	p5 =	slt.u32 s4, $0x3C  }
.Ltmp44:
0x2cd: {  	[tilespmem:s7+$0x13E90] =	vst v7;
	(pc) =	sbr.rel @p5 .LBB2_63-.Ltmp44, $4  }
0x2ce: {  	[tilespmem:s7+$0x13EB0] =	vst v7  }
0x2cf: {  	[tilespmem:s7+$0x13E80] =	vst v7  }
0x2d0: {  	s1 =	sand.u32 $0x40, s0;
	s2 =	sand.u32 $0x1C00, s5  }
0x2d1: {  	s7 =	sor.u32 s1, s2;
	s2 =	simm.s32 $0x0  }
0x2d2: {  	[tilespmem:s7+$0x13EA0] =	vst v7  }
0x2d3: {  	[tilespmem:s7+$0x13E90] =	vst v7  }
0x2d4: {  	[tilespmem:s7+$0x13EB0] =	vst v7;
	s5 =	simm.s32 $0x0;
	s0 =	sand.u32 $0x40, s2;
	s4 =	sand.u32 $0x1C00, s2  }
0x2d5: {  	[tilespmem:s7+$0x13E80] =	vst v7;
	s10 =	simm.s32 $0x0;
	s11 =	simm.s32 $0x0;
	s7 =	sor.u32 s0, s4  }
.LBB2_65:
0x2d6: {  	s5 =	sadd.s32 $0x4, s5  }
0x2d7: {  	[tilespmem:s7+$0x13F20] =	vst v7;
	s10 =	sadd.s32 $0x200, s10;
	s11 =	sadd.s32 $0x40, s11;
	p5 =	slt.u32 s5, $0x3C  }
.Ltmp45:
0x2d8: {  	[tilespmem:s7+$0x13F10] =	vst v7;
	(pc) =	sbr.rel @p5 .LBB2_65-.Ltmp45, $4  }
0x2d9: {  	[tilespmem:s7+$0x13F30] =	vst v7  }
0x2da: {  	[tilespmem:s7+$0x13F00] =	vst v7  }
0x2db: {  	s1 =	sand.u32 $0x40, s11;
	s3 =	sand.u32 $0x1C00, s10  }
0x2dc: {  	s7 =	sor.u32 s1, s3  }
0x2dd: {  	[tilespmem:s7+$0x13F20] =	vst v7  }
0x2de: {  	[tilespmem:s7+$0x13F10] =	vst v7  }
0x2df: {  	[tilespmem:s7+$0x13F30] =	vst v7  }
0x2e0: {  	[tilespmem:s7+$0x13F00] =	vst v7;
	s5 =	simm.s32 $0x0;
	s0 =	sor.u32 s0, s4;
	s4 =	simm.s32 $0x0  }
.LBB2_67:
0x2e1: {  	s5 =	sadd.s32 $0x4, s5  }
0x2e2: {  	[tilespmem:s0+$0x13FA0] =	vst v7;
	s2 =	sadd.s32 $0x200, s2;
	s4 =	sadd.s32 $0x40, s4;
	p5 =	slt.u32 s5, $0x3C  }
.Ltmp46:
0x2e3: {  	[tilespmem:s0+$0x13F90] =	vst v7;
	(pc) =	sbr.rel @p5 .LBB2_67-.Ltmp46, $4  }
0x2e4: {  	[tilespmem:s0+$0x13FB0] =	vst v7  }
0x2e5: {  	[tilespmem:s0+$0x13F80] =	vst v7  }
0x2e6: {  	s1 =	sand.u32 $0x1C00, s2;
	s0 =	sand.u32 $0x40, s4  }
0x2e7: {  	s0 =	sor.u32 s0, s1  }
0x2e8: {  	[tilespmem:s0+$0x13FA0] =	vst v7  }
0x2e9: {  	[tilespmem:s0+$0x13F90] =	vst v7  }
0x2ea: {  	[tilespmem:s0+$0x13FB0] =	vst v7  }
0x2eb: {  	[tilespmem:s0+$0x13F80] =	vst v7  }
.LBB2_69:
.Ltmp47:
0x2ec: {  	(pc) =	sbr.rel .LBB2_70-.Ltmp47, $4  }
0x2ed: {  	s0 =	rddreg [dreg:$0x19]  }
0x2ee: {  	s1 =	rddreg [dreg:$0x4];
	s0 =	sshll.u32 s0, $0x7  }
0x2ef: {  	s30 =	simm.s32 $0x11C00;
	s0 =	sadd.s32 s1, s0  }
0x2f0: {  	[hbm4b:s0+s6] =	stream.linear.scatter [tilespmem:s30], [sflag:$0x4], $0x4000, $0x38;
	[tilespmem:$0x1DC00] =	vst v63  }
.LBB2_50:
0x2f1: {  	s0 =	rddreg [dreg:$0x19]  }
0x2f2: {  	s1 =	rddreg [dreg:$0x4];
	s0 =	sshll.u32 s0, $0x7  }
0x2f3: {  	s30 =	simm.s32 $0x19C00;
	s0 =	sadd.s32 s1, s0  }
0x2f4: {  	[hbm4b:s0+s6] =	stream.linear.scatter [tilespmem:s30], [sflag:$0x6], $0x4000, $0x38;
	[tilespmem:$0x1DC00] =	vst v63  }
.LBB2_70:
0x2f5: {  	s0 =	rddreg [dreg:$0x18]  }
0x2f6: {  	s8 =	sor.u32 $0x3, s0  }
0x2f7: {  	s0 =	sshrl.u32 s8, $0x1  }
0x2f8: {  	s1 =	sshll.u32 s0, $0x7  }
0x2f9: {  	v11 =	vor.u32 s1, v5  }
0x2fa: {  	s2 =	rddreg [dreg:$0xb];
	s0 =	sshll.u32 s0, $0x9  }
0x2fb: {  	s10 =	sadd.s32 $0xFFFFFFF8, s12;
	s0 =	sor.u32 s2, s0  }
0x2fc: {  	s0 =	ssub.s32 s10, s0  }
0x2fd: {  	s3 =	simm.s32 $0x800;
	s0 =	sadd.s32 s31, s0  }
0x2fe: {  	p5 =	sgt.s32 s0, $0x0;
	s2 =	smov.u32 s0;
	v11 =	vld.idx.msk [tilespmem:v11+s3+$0x0], $0xffff  }
0x2ff: {  	s2 =	simm.s32 @!p5 $0x0  }
0x300: {  	s2 =	smin.u32 s2, $0x8  }
0x301: {  	v12 =	vmov s2  }
0x302: {  	v13 =	vor.u32 s1, v6;
	vm4 =	vgt.u32 v12, v8  }
0x303: {  	p5 =	slt.s32 s0, $0x1;
	v11 =	vnsel vm4, $0x0, v11  }
0x304: {  	v14 =	vshll.u32 @!p5 v11, $0x3  }
0x305: {  	v16 =	vlaneseq.u32 @!p5;
	v15 =	vand.u32 @!p5 $0x7, v11;
	v14 =	vand.u32 @!p5 $0xFFFFFFC0, v14  }
0x306: {  	[tilespmem:$0x1B80] =	vst v11;
	v11 =	vor.u32 @!p5 v15, v14;
	v14 =	vand.u32 @!p5 $0x7, v16;
	v15 =	vshrl.u32 @!p5 v16, $0x3  }
0x307: {  	v13 =	vld.idx.msk [tilespmem:v13+s3+$0x0], $0xffff;
	v17 =	vperm.xlane @!p5 v11, v14;
	v15 =	vmul.u32 @!p5 $0x8, v15;
	_ =	sdelay $0x1  }
0x308: {  	v17 =	vadd.s32 @!p5 v15, v17;
	_ =	sdelay $0x1  }
0x309: {  	vm4 =	vgt.u32 v12, v10  }
0x30a: {  	v12 =	vnsel vm4, $0x0, v13  }
0x30b: {  	s0 =	simm.s32 @!p5 $0x0;
	s1 =	simm.s32 @!p5 $0x9C00;
	vm4 =	vmmov @!p5 $0xffff;
	[tilespmem:$0x1B90] =	vst v12  }
0x30c: {  	v12 =	vor.u32 @!p5 $0x8, v16;
	[tilespmem:s1], [sflag:$0x3] =	stream.indirect_vreg.gather @!p5 [hbm4b:s14+s0], $0x80, v17, vm4, $0xb8;
	[tilespmem:$0x1DC00] =	vst v63  }
0x30d: {  	s2 =	rddreg [dreg:$0xc];
	v11 =	vperm.xlane @!p5 v11, v12;
	s1 =	simm.s32 @!p5 $0xA400  }
0x30e: {  	[tilespmem:s1], [sflag:$0x3] =	stream.indirect_vreg.gather @!p5 [hbm4b:s2+s0], $0x80, v17, vm4, $0xb8;
	[tilespmem:$0x1DC00] =	vst v63  }
0x30f: {  	s3 =	rddreg [dreg:$0xd];
	v11 =	vadd.s32 @!p5 v15, v11;
	s1 =	simm.s32 @!p5 $0xAC00  }
0x310: {  	[tilespmem:s1], [sflag:$0x3] =	stream.indirect_vreg.gather @!p5 [hbm4b:s3+s0], $0x80, v17, vm4, $0xb8;
	[tilespmem:$0x1DC00] =	vst v63  }
0x311: {  	s4 =	rddreg [dreg:$0xe];
	s1 =	simm.s32 @!p5 $0xB400  }
0x312: {  	[tilespmem:s1], [sflag:$0x3] =	stream.indirect_vreg.gather @!p5 [hbm4b:s4+s0], $0x80, v17, vm4, $0xb8;
	[tilespmem:$0x1DC00] =	vst v63  }
0x313: {  	s1 =	simm.s32 @!p5 $0xBC00  }
0x314: {  	[tilespmem:s1], [sflag:$0x3] =	stream.indirect_vreg.gather @!p5 [hbm4b:s14+s0], $0x80, v11, vm4, $0xb8;
	[tilespmem:$0x1DC00] =	vst v63  }
0x315: {  	s1 =	simm.s32 @!p5 $0xC400  }
0x316: {  	[tilespmem:s1], [sflag:$0x3] =	stream.indirect_vreg.gather @!p5 [hbm4b:s2+s0], $0x80, v11, vm4, $0xb8;
	[tilespmem:$0x1DC00] =	vst v63  }
0x317: {  	s1 =	simm.s32 @!p5 $0xCC00  }
0x318: {  	[tilespmem:s1], [sflag:$0x3] =	stream.indirect_vreg.gather @!p5 [hbm4b:s3+s0], $0x80, v11, vm4, $0xb8;
	[tilespmem:$0x1DC00] =	vst v63  }
0x319: {  	s1 =	simm.s32 @!p5 $0xD400  }
0x31a: {  	[tilespmem:s1], [sflag:$0x3] =	stream.indirect_vreg.gather @!p5 [hbm4b:s4+s0], $0x80, v11, vm4, $0xb8;
	[tilespmem:$0x1DC00] =	vst v63  }
0x31b: {  	v11 =	vld @!p5 [tilespmem:$0x1B90];
	_ =	sdelay $0x4  }
0x31c: {  	v13 =	vshll.u32 @!p5 v11, $0x3  }
0x31d: {  	v11 =	vand.u32 @!p5 $0x7, v11;
	v13 =	vand.u32 @!p5 $0xFFFFFFC0, v13  }
0x31e: {  	v11 =	vor.u32 @!p5 v11, v13  }
0x31f: {  	v13 =	vperm.xlane @!p5 v11, v14;
	_ =	sdelay $0x1  }
0x320: {  	v13 =	vadd.s32 @!p5 v15, v13;
	_ =	sdelay $0x3  }
0x321: {  	s1 =	simm.s32 @!p5 $0xDC00  }
0x322: {  	[tilespmem:s1], [sflag:$0x3] =	stream.indirect_vreg.gather @!p5 [hbm4b:s14+s0], $0x80, v13, vm4, $0xb8;
	[tilespmem:$0x1DC00] =	vst v63  }
0x323: {  	v11 =	vperm.xlane @!p5 v11, v12;
	s1 =	simm.s32 @!p5 $0xE400  }
0x324: {  	[tilespmem:s1], [sflag:$0x3] =	stream.indirect_vreg.gather @!p5 [hbm4b:s2+s0], $0x80, v13, vm4, $0xb8;
	[tilespmem:$0x1DC00] =	vst v63  }
0x325: {  	v11 =	vadd.s32 @!p5 v15, v11;
	s1 =	simm.s32 @!p5 $0xEC00  }
0x326: {  	[tilespmem:s1], [sflag:$0x3] =	stream.indirect_vreg.gather @!p5 [hbm4b:s3+s0], $0x80, v13, vm4, $0xb8;
	[tilespmem:$0x1DC00] =	vst v63  }
0x327: {  	s1 =	simm.s32 @!p5 $0xF400  }
0x328: {  	[tilespmem:s1], [sflag:$0x3] =	stream.indirect_vreg.gather @!p5 [hbm4b:s4+s0], $0x80, v13, vm4, $0xb8;
	[tilespmem:$0x1DC00] =	vst v63  }
0x329: {  	s1 =	simm.s32 @!p5 $0xFC00  }
0x32a: {  	[tilespmem:s1], [sflag:$0x3] =	stream.indirect_vreg.gather @!p5 [hbm4b:s14+s0], $0x80, v11, vm4, $0xb8;
	[tilespmem:$0x1DC00] =	vst v63  }
0x32b: {  	s1 =	simm.s32 @!p5 $0x10400  }
0x32c: {  	[tilespmem:s1], [sflag:$0x3] =	stream.indirect_vreg.gather @!p5 [hbm4b:s2+s0], $0x80, v11, vm4, $0xb8;
	[tilespmem:$0x1DC00] =	vst v63  }
0x32d: {  	s1 =	simm.s32 @!p5 $0x10C00  }
0x32e: {  	[tilespmem:s1], [sflag:$0x3] =	stream.indirect_vreg.gather @!p5 [hbm4b:s3+s0], $0x80, v11, vm4, $0xb8;
	[tilespmem:$0x1DC00] =	vst v63  }
0x32f: {  	s1 =	simm.s32 @!p5 $0x11400  }
0x330: {  	[tilespmem:s1], [sflag:$0x3] =	stream.indirect_vreg.gather @!p5 [hbm4b:s4+s0], $0x80, v11, vm4, $0xb8;
	[tilespmem:$0x1DC00] =	vst v63  }
0x331: {  	s0 =	rddreg [dreg:$0x11]  }
0x332: {  	s0 =	sadd.s32 @!p3 s0, s9  }
0x333: {  	s1 =	sshra.s32 @!p3 s0, $0x1F  }
0x334: {  	p5 =	slt.s32 @!p3 s0, $0x1;
	s1 =	sshrl.u32 @!p3 s1, $0x14  }
0x335: {  	s2 =	simm.s32 @!p3 $0x1;
	p5 =	por !p5, p3;
	s1 =	sadd.s32 @!p3 s1, s0  }
0x336: {  	s2 =	simm.s32 @p5 $0x0;
	s1 =	sshra.s32 @!p3 s1, $0xC  }
0x337: {  	s1 =	ssub.s32 @!p3 s1, s2  }
0x338: {  	s3 =	rddreg [dreg:$0x13];
	p5 =	seq.s32 @!p3 s1, $0x1  }
0x339: {  	s2 =	rddreg [dreg:$0x14];
	p6 =	seq.s32 @!p3 s1, $0x2;
	p5 =	por !p5, p3  }
0x33a: {  	s2 =	smov.u32 @p5 s3;
	p5 =	por !p6, p3  }
0x33b: {  	s3 =	rddreg [dreg:$0x15];
	p6 =	seq.s32 @!p3 s1, $0x3;
	s1 =	sshll.u32 @!p3 s1, $0xC  }
0x33c: {  	s3 =	smov.u32 @p5 s2;
	p5 =	por !p6, p3;
	s2 =	rddreg [dreg:$0x16]  }
0x33d: {  	s0 =	ssub.s32 @!p3 s1, s0;
	s1 =	simm.s32 @!p4 $0x2;
	s2 =	smov.u32 @p5 s3  }
0x33e: {  	_ =	swait.ge @!p4 [sflag:s1], $0x8000;
	s0 =	sadd.s32 @!p3 s2, s0  }
0x33f: {  	[sflag:s1] =	ssyncset.done @!p4 $0x0;
	p5 =	slt.s32 @!p3 s0, $0x1  }
.Ltmp48:
0x340: {  	s0 =	simm.s32 @!p3 $0x6;
	p5 =	por !p5, p3;
	(pc) =	sbr.rel @p4 .LBB2_74-.Ltmp48, $4  }
0x341: {  	[sflag:s1] =	ssyncadd.s32 @!p4 $0xFFFF8000;
	s0 =	simm.s32 @p5 $0x5  }
0x342: {  	_ =	swait.ge @!p3 [sflag:s0], $0x4000  }
0x343: {  	[sflag:s0] =	ssyncset.done @!p3 $0x0  }
0x344: {  	[sflag:s0] =	ssyncadd.s32 @!p3 $0xFFFFC000  }
0x345: {  	s0 =	simm.s32 $0x0  }
0x346: {  	s0 =	sand.u32 $0xFFFFE000, s0  }
0x347: {  	s1 =	simm.s32 $0x0;
	s0 =	ssub.s32 $0x0, s0  }
0x348: {  	s2 =	simm.s32 $0x0;
	s1 =	sand.u32 $0x6000, s1;
	s25 =	sand.u32 $0xFFFFFC00, s0  }
0x349: {  	s19 =	simm.s32 $0x0;
	s13 =	sand.u32 $0x200, s2;
	s1 =	sadd.s32 s25, s1  }
0x34a: {  	s9 =	sand.u32 $0x40, s19;
	s0 =	sor.u32 s13, s1  }
0x34b: {  	s26 =	sor.u32 $0x30, s9;
	s1 =	sadd.s32 $0x1C00, s0  }
0x34c: {  	s14 =	sadd.s32 $0x1C80, s0;
	s3 =	sor.u32 s26, s1  }
0x34d: {  	s5 =	sadd.s32 $0x1D00, s0;
	s15 =	sor.u32 s26, s14;
	v16 =	vld [tilespmem:s3+$0x0]  }
0x34e: {  	s7 =	sadd.s32 $0x1D80, s0;
	s16 =	sor.u32 s26, s5;
	v17 =	vld [tilespmem:s15+$0x0]  }
0x34f: {  	s28 =	simm.s32 $0x0;
	s17 =	sor.u32 s26, s7;
	v18 =	vld [tilespmem:s16+$0x0]  }
0x350: {  	s30 =	simm.s32 $0x0;
	s2 =	simm.s32 $0x4;
	s20 =	sor.u32 s9, s1;
	v19 =	vld [tilespmem:s17+$0x0]  }
0x351: {  	s23 =	sor.u32 $0x10, s9;
	s21 =	sor.u32 s9, s14;
	s12 =	sor.u32 s9, s5;
	v11 =	vld [tilespmem:s20+$0x0]  }
0x352: {  	s13 =	sor.u32 s9, s7;
	s24 =	sor.u32 s23, s1;
	s4 =	sor.u32 s23, s14;
	v14 =	vld [tilespmem:s21+$0x0]  }
0x353: {  	s22 =	sor.u32 s23, s5;
	s0 =	sor.u32 s23, s7;
	s16 =	sor.u32 $0x20, s9;
	v12 =	vld [tilespmem:s12+$0x0]  }
0x354: {  	v15 =	vld [tilespmem:s13+$0x0];
	s15 =	sand.u32 $0x3FFFFF80, s30;
	s11 =	sor.u32 s16, s1;
	s29 =	sor.u32 s16, s14  }
0x355: {  	v13 =	vld [tilespmem:s24+$0x0];
	s17 =	sor.u32 s16, s5;
	s7 =	sor.u32 s16, s7;
	s5 =	simm.s32 $0x0;
	v16 =	vadd.f32 v17, v16;
	v17 =	vadd.f32 v19, v18  }
.LBB2_72:
0x356: {  	s1 =	sshll.u32 s2, $0x7;
	s3 =	sadd.s32 s15, s25;
	s19 =	sadd.s32 $0x200, s19  }
0x357: {  	v18 =	vld [tilespmem:s4+$0x0];
	s28 =	sadd.s32 $0x4, s28;
	s1 =	sand.u32 $0xFFFFE000, s1;
	s15 =	sadd.s32 $0x15C00, s3  }
0x358: {  	v11 =	vadd.f32 v14, v11;
	v14 =	vld [tilespmem:s22+$0x0];
	v16 =	vadd.f32 v17, v16;
	s3 =	sshll.u32 s28, $0x6;
	s4 =	sshll.u32 s28, $0x3;
	s1 =	ssub.s32 s19, s1  }
0x359: {  	v17 =	vld [tilespmem:s0+$0x0];
	s0 =	sor.u32 s26, s15;
	s3 =	sand.u32 $0x6000, s3;
	s25 =	sand.u32 $0xFFFFFC00, s1  }
0x35a: {  	v12 =	vadd.f32 v15, v12;
	v15 =	vld [tilespmem:s11+$0x0];
	[tilespmem:s0+$0x0] =	vst v16;
	s0 =	sand.u32 $0x200, s4;
	s1 =	sadd.s32 s25, s3  }
0x35b: {  	s5 =	sadd.s32 $0x40, s5;
	p3 =	slt.u32 s28, $0x1FC;
	v16 =	vld [tilespmem:s29+$0x0];
	s0 =	sor.u32 s0, s1  }
0x35c: {  	v11 =	vadd.f32 v12, v11;
	s1 =	sor.u32 s9, s15;
	s9 =	sand.u32 $0x40, s5;
	v12 =	vadd.f32 v18, v13;
	v13 =	vld [tilespmem:s17+$0x0];
	s3 =	sadd.s32 $0x1C00, s0  }
0x35d: {  	s12 =	sor.u32 $0x10, s9;
	s26 =	sor.u32 $0x30, s9;
	v18 =	vld [tilespmem:s7+$0x0];
	s7 =	sadd.s32 $0x1C80, s0  }
0x35e: {  	s13 =	sor.u32 $0x20, s9;
	s17 =	sadd.s32 $0x1D00, s0;
	s4 =	sor.u32 s26, s3;
	[tilespmem:s1+$0x0] =	vst v11;
	v11 =	vadd.f32 v17, v14  }
0x35f: {  	s21 =	sadd.s32 $0x1D80, s0;
	s1 =	sor.u32 s9, s3;
	v17 =	vld [tilespmem:s4+$0x0];
	s4 =	sor.u32 s26, s7  }
0x360: {  	s20 =	sor.u32 s9, s7;
	s0 =	sor.u32 s26, s17;
	s24 =	sor.u32 s9, s17;
	v19 =	vld [tilespmem:s4+$0x0];
	v20 =	vadd.f32 v11, v12;
	v12 =	vadd.f32 v16, v15  }
0x361: {  	s30 =	sor.u32 s9, s21;
	s14 =	sor.u32 s12, s3;
	v21 =	vld [tilespmem:s0+$0x0];
	s0 =	sor.u32 s26, s21  }
0x362: {  	s22 =	sor.u32 s12, s17;
	s11 =	sor.u32 s13, s3;
	s4 =	sor.u32 s12, s7;
	v22 =	vld [tilespmem:s0+$0x0];
	v13 =	vadd.f32 v18, v13  }
.Ltmp49:
0x363: {  	s29 =	sor.u32 s13, s7;
	s0 =	sor.u32 s12, s21;
	v11 =	vld [tilespmem:s1+$0x0];
	(pc) =	sbr.rel @p3 .LBB2_72-.Ltmp49, $4  }
0x364: {  	s17 =	sor.u32 s13, s17;
	s7 =	sor.u32 s13, s21;
	s1 =	sor.u32 s23, s15;
	v14 =	vld [tilespmem:s20+$0x0];
	v13 =	vadd.f32 v13, v12  }
0x365: {  	s23 =	smov.u32 s12;
	v12 =	vld [tilespmem:s24+$0x0];
	[tilespmem:s1+$0x0] =	vst v20;
	s1 =	sor.u32 s16, s15  }
0x366: {  	s3 =	sshll.u32 s28, $0x1;
	s16 =	smov.u32 s13;
	v15 =	vld [tilespmem:s30+$0x0];
	[tilespmem:s1+$0x0] =	vst v13  }
0x367: {  	s2 =	sadd.s32 $0x4, s2;
	s15 =	sand.u32 $0x3FFFFF80, s3;
	v16 =	vadd.f32 v19, v17;
	v13 =	vld [tilespmem:s14+$0x0];
	v17 =	vadd.f32 v22, v21  }
0x368: {  	v18 =	vld [tilespmem:s4+$0x0]  }
0x369: {  	v19 =	vld [tilespmem:s22+$0x0]  }
0x36a: {  	v20 =	vld [tilespmem:s0+$0x0]  }
0x36b: {  	v21 =	vld [tilespmem:s11+$0x0]  }
0x36c: {  	v22 =	vld [tilespmem:s29+$0x0]  }
0x36d: {  	v23 =	vld [tilespmem:s17+$0x0]  }
0x36e: {  	v24 =	vld [tilespmem:s7+$0x0]  }
0x36f: {  	v11 =	vadd.f32 v14, v11;
	v12 =	vadd.f32 v15, v12;
	_ =	sdelay $0x1  }
0x370: {  	s28 =	sadd.s32 s15, s25;
	v59 =	vadd.f32 v17, v16;
	v11 =	vadd.f32 v12, v11  }
0x371: {  	s0 =	sadd.s32 $0x15C00, s28;
	v60 =	vadd.f32 v18, v13;
	v61 =	vadd.f32 v20, v19  }
0x372: {  	s1 =	sor.u32 s26, s0;
	v62 =	vadd.f32 v22, v21;
	v63 =	vadd.f32 v24, v23  }
0x373: {  	s29 =	sor.u32 s9, s0;
	[tilespmem:s1+$0x0] =	vst v59;
	v12 =	vadd.f32 v61, v60  }
0x374: {  	s30 =	sor.u32 s23, s0;
	[tilespmem:s29+$0x0] =	vst v11;
	v11 =	vadd.f32 v63, v62  }
0x375: {  	s0 =	sor.u32 s16, s0;
	[tilespmem:s30+$0x0] =	vst v12  }
0x376: {  	s14 =	rddreg [dreg:$0x3];
	[tilespmem:s0+$0x0] =	vst v11  }
0x377: {  	s12 =	rddreg [dreg:$0x17]  }
.LBB2_74:
0x378: {  	p3 =	seq.s32 s18, $0xF  }
.Ltmp50:
0x379: {  	_ = 	snop;
	(pc) =	sbr.rel @p3 .LBB2_76-.Ltmp50, $1  }
0x37a: {  	_ =	sdelay $0x3  }
0x37b: {  	s0 =	rddreg [dreg:$0x18]  }
0x37c: {  	s2 =	rddreg [dreg:$0x13]  }
0x37d: {  	s4 =	rddreg [dreg:$0x14];
	s0 =	sadd.s32 $0x4, s0  }
0x37e: {  	s29 =	rddreg [dreg:$0xb];
	s1 =	sshrl.u32 s0, $0x4  }
0x37f: {  	s3 =	sshll.u32 s0, $0x6;
	s0 =	sshll.u32 s0, $0x8;
	p3 =	seq.s32 s1, $0x1  }
0x380: {  	v11 =	vor.u32 s3, v3;
	s2 =	smov.u32 @p3 s4;
	p3 =	seq.s32 s1, $0x2;
	s4 =	rddreg [dreg:$0x15]  }
0x381: {  	s0 =	sadd.s32 s29, s0;
	s2 =	smov.u32 @p3 s4  }
0x382: {  	p3 =	seq.s32 s1, $0x3;
	s1 =	sshll.u32 s1, $0xC;
	s4 =	rddreg [dreg:$0x16]  }
0x383: {  	s2 =	smov.u32 @p3 s4;
	s0 =	ssub.s32 s1, s0  }
0x384: {  	s30 =	simm.s32 $0x800;
	s0 =	sadd.s32 s2, s0  }
0x385: {  	p3 =	sgt.s32 s0, $0x0;
	s1 =	smov.u32 s0;
	v11 =	vld.idx.msk [tilespmem:v11+s30+$0x0], $0xffff  }
0x386: {  	s1 =	simm.s32 @!p3 $0x0  }
0x387: {  	s1 =	smin.u32 s1, $0x8  }
0x388: {  	v12 =	vmov s1  }
0x389: {  	v13 =	vor.u32 s3, v4;
	vm4 =	vgt.u32 v12, v8  }
0x38a: {  	p3 =	slt.s32 s0, $0x1;
	v11 =	vnsel vm4, $0x0, v11  }
0x38b: {  	v14 =	vshll.u32 @!p3 v11, $0x3  }
0x38c: {  	v16 =	vlaneseq.u32 @!p3;
	v15 =	vand.u32 @!p3 $0x7, v11;
	v14 =	vand.u32 @!p3 $0xFFFFFFC0, v14  }
0x38d: {  	[tilespmem:$0x1B00] =	vst v11;
	v11 =	vor.u32 @!p3 v15, v14;
	v14 =	vand.u32 @!p3 $0x7, v16;
	v15 =	vshrl.u32 @!p3 v16, $0x3  }
0x38e: {  	v13 =	vld.idx.msk [tilespmem:v13+s30+$0x0], $0xffff;
	v17 =	vperm.xlane @!p3 v11, v14;
	v15 =	vmul.u32 @!p3 $0x8, v15;
	_ =	sdelay $0x1  }
0x38f: {  	v17 =	vadd.s32 @!p3 v15, v17;
	_ =	sdelay $0x1  }
0x390: {  	vm4 =	vgt.u32 v12, v10  }
0x391: {  	v12 =	vnsel vm4, $0x0, v13  }
0x392: {  	s0 =	simm.s32 @!p3 $0x0;
	s1 =	simm.s32 @!p3 $0x1C00;
	vm4 =	vmmov @!p3 $0xffff;
	[tilespmem:$0x1B10] =	vst v12  }
0x393: {  	v12 =	vor.u32 @!p3 $0x8, v16;
	[tilespmem:s1], [sflag:$0x2] =	stream.indirect_vreg.gather @!p3 [hbm4b:s14+s0], $0x80, v17, vm4, $0xb8;
	[tilespmem:$0x1DC00] =	vst v63  }
0x394: {  	s2 =	rddreg [dreg:$0xc];
	v11 =	vperm.xlane @!p3 v11, v12;
	s1 =	simm.s32 @!p3 $0x2400  }
0x395: {  	[tilespmem:s1], [sflag:$0x2] =	stream.indirect_vreg.gather @!p3 [hbm4b:s2+s0], $0x80, v17, vm4, $0xb8;
	[tilespmem:$0x1DC00] =	vst v63  }
0x396: {  	s3 =	rddreg [dreg:$0xd];
	v11 =	vadd.s32 @!p3 v15, v11;
	s1 =	simm.s32 @!p3 $0x2C00  }
0x397: {  	[tilespmem:s1], [sflag:$0x2] =	stream.indirect_vreg.gather @!p3 [hbm4b:s3+s0], $0x80, v17, vm4, $0xb8;
	[tilespmem:$0x1DC00] =	vst v63  }
0x398: {  	s4 =	rddreg [dreg:$0xe];
	s1 =	simm.s32 @!p3 $0x3400  }
0x399: {  	[tilespmem:s1], [sflag:$0x2] =	stream.indirect_vreg.gather @!p3 [hbm4b:s4+s0], $0x80, v17, vm4, $0xb8;
	[tilespmem:$0x1DC00] =	vst v63  }
0x39a: {  	s1 =	simm.s32 @!p3 $0x3C00  }
0x39b: {  	[tilespmem:s1], [sflag:$0x2] =	stream.indirect_vreg.gather @!p3 [hbm4b:s14+s0], $0x80, v11, vm4, $0xb8;
	[tilespmem:$0x1DC00] =	vst v63  }
0x39c: {  	s1 =	simm.s32 @!p3 $0x4400  }
0x39d: {  	[tilespmem:s1], [sflag:$0x2] =	stream.indirect_vreg.gather @!p3 [hbm4b:s2+s0], $0x80, v11, vm4, $0xb8;
	[tilespmem:$0x1DC00] =	vst v63  }
0x39e: {  	s1 =	simm.s32 @!p3 $0x4C00  }
0x39f: {  	[tilespmem:s1], [sflag:$0x2] =	stream.indirect_vreg.gather @!p3 [hbm4b:s3+s0], $0x80, v11, vm4, $0xb8;
	[tilespmem:$0x1DC00] =	vst v63  }
0x3a0: {  	s1 =	simm.s32 @!p3 $0x5400  }
0x3a1: {  	[tilespmem:s1], [sflag:$0x2] =	stream.indirect_vreg.gather @!p3 [hbm4b:s4+s0], $0x80, v11, vm4, $0xb8;
	[tilespmem:$0x1DC00] =	vst v63  }
0x3a2: {  	v11 =	vld @!p3 [tilespmem:$0x1B10];
	_ =	sdelay $0x4  }
0x3a3: {  	v13 =	vshll.u32 @!p3 v11, $0x3  }
0x3a4: {  	v11 =	vand.u32 @!p3 $0x7, v11;
	v13 =	vand.u32 @!p3 $0xFFFFFFC0, v13  }
0x3a5: {  	v11 =	vor.u32 @!p3 v11, v13  }
0x3a6: {  	v13 =	vperm.xlane @!p3 v11, v14;
	_ =	sdelay $0x1  }
0x3a7: {  	v13 =	vadd.s32 @!p3 v15, v13;
	_ =	sdelay $0x3  }
0x3a8: {  	s1 =	simm.s32 @!p3 $0x5C00  }
0x3a9: {  	[tilespmem:s1], [sflag:$0x2] =	stream.indirect_vreg.gather @!p3 [hbm4b:s14+s0], $0x80, v13, vm4, $0xb8;
	[tilespmem:$0x1DC00] =	vst v63  }
0x3aa: {  	v11 =	vperm.xlane @!p3 v11, v12;
	s1 =	simm.s32 @!p3 $0x6400  }
0x3ab: {  	[tilespmem:s1], [sflag:$0x2] =	stream.indirect_vreg.gather @!p3 [hbm4b:s2+s0], $0x80, v13, vm4, $0xb8;
	[tilespmem:$0x1DC00] =	vst v63  }
0x3ac: {  	v11 =	vadd.s32 @!p3 v15, v11;
	s1 =	simm.s32 @!p3 $0x6C00  }
0x3ad: {  	[tilespmem:s1], [sflag:$0x2] =	stream.indirect_vreg.gather @!p3 [hbm4b:s3+s0], $0x80, v13, vm4, $0xb8;
	[tilespmem:$0x1DC00] =	vst v63  }
0x3ae: {  	s1 =	simm.s32 @!p3 $0x7400  }
0x3af: {  	[tilespmem:s1], [sflag:$0x2] =	stream.indirect_vreg.gather @!p3 [hbm4b:s4+s0], $0x80, v13, vm4, $0xb8;
	[tilespmem:$0x1DC00] =	vst v63  }
0x3b0: {  	s1 =	simm.s32 @!p3 $0x7C00  }
0x3b1: {  	[tilespmem:s1], [sflag:$0x2] =	stream.indirect_vreg.gather @!p3 [hbm4b:s14+s0], $0x80, v11, vm4, $0xb8;
	[tilespmem:$0x1DC00] =	vst v63  }
0x3b2: {  	s1 =	simm.s32 @!p3 $0x8400  }
0x3b3: {  	[tilespmem:s1], [sflag:$0x2] =	stream.indirect_vreg.gather @!p3 [hbm4b:s2+s0], $0x80, v11, vm4, $0xb8;
	[tilespmem:$0x1DC00] =	vst v63  }
0x3b4: {  	s1 =	simm.s32 @!p3 $0x8C00  }
0x3b5: {  	[tilespmem:s1], [sflag:$0x2] =	stream.indirect_vreg.gather @!p3 [hbm4b:s3+s0], $0x80, v11, vm4, $0xb8;
	[tilespmem:$0x1DC00] =	vst v63  }
0x3b6: {  	s1 =	simm.s32 @!p3 $0x9400  }
0x3b7: {  	[tilespmem:s1], [sflag:$0x2] =	stream.indirect_vreg.gather @!p3 [hbm4b:s4+s0], $0x80, v11, vm4, $0xb8;
	[tilespmem:$0x1DC00] =	vst v63  }
.LBB2_76:
0x3b8: {  	s0 =	sshll.u32 s8, $0x4  }
0x3b9: {  	s1 =	rddreg [dreg:$0x7];
	s0 =	sand.u32 $0x3E0, s0  }
0x3ba: {  	s8 =	sor.u32 s1, s0  }
0x3bb: {  	s30 =	sadd.s32 s31, s10;
	s0 =	sshll.u32 s8, $0x4  }
0x3bc: {  	s1 =	ssub.s32 s30, s0  }
0x3bd: {  	p3 =	slt.s32 s1, $0x1  }
.Ltmp51:
0x3be: {  	_ = 	snop;
	(pc) =	sbr.rel @p3 .LBB2_81-.Ltmp51, $3  }
0x3bf: {  	_ =	sdelay $0x1  }
0x3c0: {  	s31 =	sadd.s32 s12, s31;
	s0 =	ssub.s32 $0x0, s0  }
0x3c1: {  	s9 =	sadd.s32 s0, s31  }
0x3c2: {  	s0 =	simm.s32 $0x0  }
0x3c3: {  	s0 =	sand.u32 $0xFFFFE000, s0  }
0x3c4: {  	s1 =	simm.s32 $0x0;
	s2 =	simm.s32 $0x0;
	s0 =	ssub.s32 $0x0, s0  }
0x3c5: {  	s16 =	simm.s32 $0x0;
	s1 =	sand.u32 $0x6000, s1;
	s23 =	sand.u32 $0xFFFFFC00, s0  }
0x3c6: {  	s19 =	simm.s32 $0x3;
	s17 =	sand.u32 $0x200, s2;
	s1 =	sadd.s32 s23, s1  }
0x3c7: {  	_ =	swait.ge [sflag:s19], $0x8000;
	s10 =	sand.u32 $0x40, s16;
	s0 =	sor.u32 s17, s1  }
0x3c8: {  	[sflag:s19] =	ssyncset.done $0x0;
	s24 =	sor.u32 $0x30, s10;
	s1 =	sadd.s32 $0x9C00, s0  }
0x3c9: {  	[sflag:s19] =	ssyncadd.s32 $0xFFFF8000;
	s20 =	sadd.s32 $0x9C80, s0;
	s3 =	sor.u32 s24, s1  }
0x3ca: {  	s5 =	sadd.s32 $0x9D00, s0;
	s21 =	sor.u32 s24, s20;
	v16 =	vld [tilespmem:s3+$0x0]  }
0x3cb: {  	s7 =	sadd.s32 $0x9D80, s0;
	s22 =	sor.u32 s24, s5;
	v17 =	vld [tilespmem:s21+$0x0]  }
0x3cc: {  	s31 =	simm.s32 $0x0;
	s26 =	sor.u32 s24, s7;
	v18 =	vld [tilespmem:s22+$0x0]  }
0x3cd: {  	s25 =	simm.s32 $0x0;
	s15 =	sand.u32 $0x3FFFFF80, s31;
	s28 =	sor.u32 s10, s1;
	v19 =	vld [tilespmem:s26+$0x0]  }
0x3ce: {  	s2 =	simm.s32 $0x4;
	s19 =	sor.u32 $0x20, s10;
	s29 =	sor.u32 s10, s20;
	v11 =	vld [tilespmem:s28+$0x0]  }
0x3cf: {  	s12 =	sor.u32 s10, s5;
	s13 =	sor.u32 s10, s7;
	s11 =	sor.u32 s19, s1;
	v14 =	vld [tilespmem:s29+$0x0]  }
0x3d0: {  	s17 =	sor.u32 s19, s5;
	s21 =	sor.u32 $0x10, s10;
	s26 =	sor.u32 s19, s20;
	v12 =	vld [tilespmem:s12+$0x0]  }
0x3d1: {  	v15 =	vld [tilespmem:s13+$0x0];
	s30 =	sor.u32 s21, s1;
	s4 =	sor.u32 s21, s20;
	s22 =	sor.u32 s21, s5  }
0x3d2: {  	s0 =	sor.u32 s21, s7;
	s7 =	sor.u32 s19, s7;
	s5 =	simm.s32 $0x0;
	v13 =	vld [tilespmem:s30+$0x0];
	v16 =	vadd.f32 v17, v16;
	v17 =	vadd.f32 v19, v18  }
.LBB2_78:
0x3d3: {  	s1 =	sshll.u32 s2, $0x7;
	s3 =	sadd.s32 s15, s23;
	s16 =	sadd.s32 $0x200, s16  }
0x3d4: {  	v18 =	vld [tilespmem:s4+$0x0];
	s25 =	sadd.s32 $0x4, s25;
	s1 =	sand.u32 $0xFFFFE000, s1;
	s15 =	sadd.s32 $0x17C00, s3  }
0x3d5: {  	v11 =	vadd.f32 v14, v11;
	v14 =	vld [tilespmem:s22+$0x0];
	v16 =	vadd.f32 v17, v16;
	s3 =	sshll.u32 s25, $0x6;
	s4 =	sshll.u32 s25, $0x3;
	s1 =	ssub.s32 s16, s1  }
0x3d6: {  	v17 =	vld [tilespmem:s0+$0x0];
	s0 =	sor.u32 s24, s15;
	s3 =	sand.u32 $0x6000, s3;
	s23 =	sand.u32 $0xFFFFFC00, s1  }
0x3d7: {  	v12 =	vadd.f32 v15, v12;
	v15 =	vld [tilespmem:s11+$0x0];
	[tilespmem:s0+$0x0] =	vst v16;
	s0 =	sand.u32 $0x200, s4;
	s1 =	sadd.s32 s23, s3  }
0x3d8: {  	s5 =	sadd.s32 $0x40, s5;
	p3 =	slt.u32 s25, $0x1FC;
	v16 =	vld [tilespmem:s26+$0x0];
	s0 =	sor.u32 s0, s1  }
0x3d9: {  	v11 =	vadd.f32 v12, v11;
	s1 =	sor.u32 s10, s15;
	s10 =	sand.u32 $0x40, s5;
	v12 =	vadd.f32 v18, v13;
	v13 =	vld [tilespmem:s17+$0x0];
	s3 =	sadd.s32 $0x9C00, s0  }
0x3da: {  	s12 =	sor.u32 $0x10, s10;
	s24 =	sor.u32 $0x30, s10;
	v18 =	vld [tilespmem:s7+$0x0];
	s7 =	sadd.s32 $0x9C80, s0  }
0x3db: {  	s13 =	sor.u32 $0x20, s10;
	s14 =	sadd.s32 $0x9D00, s0;
	s4 =	sor.u32 s24, s3;
	[tilespmem:s1+$0x0] =	vst v11;
	v11 =	vadd.f32 v17, v14  }
0x3dc: {  	s20 =	sadd.s32 $0x9D80, s0;
	s1 =	sor.u32 s10, s3;
	v17 =	vld [tilespmem:s4+$0x0];
	s4 =	sor.u32 s24, s7  }
0x3dd: {  	s17 =	sor.u32 s10, s7;
	s0 =	sor.u32 s24, s14;
	s28 =	sor.u32 s10, s14;
	v19 =	vld [tilespmem:s4+$0x0];
	v20 =	vadd.f32 v11, v12;
	v12 =	vadd.f32 v16, v15  }
0x3de: {  	s29 =	sor.u32 s10, s20;
	s30 =	sor.u32 s12, s3;
	v21 =	vld [tilespmem:s0+$0x0];
	s0 =	sor.u32 s24, s20  }
0x3df: {  	s22 =	sor.u32 s12, s14;
	s11 =	sor.u32 s13, s3;
	s4 =	sor.u32 s12, s7;
	v22 =	vld [tilespmem:s0+$0x0];
	v13 =	vadd.f32 v18, v13  }
.Ltmp52:
0x3e0: {  	s26 =	sor.u32 s13, s7;
	s0 =	sor.u32 s12, s20;
	v11 =	vld [tilespmem:s1+$0x0];
	(pc) =	sbr.rel @p3 .LBB2_78-.Ltmp52, $4  }
0x3e1: {  	s7 =	sor.u32 s13, s20;
	s1 =	sor.u32 s21, s15;
	v14 =	vld [tilespmem:s17+$0x0];
	s17 =	sor.u32 s13, s14;
	v13 =	vadd.f32 v13, v12  }
0x3e2: {  	s21 =	smov.u32 s12;
	v12 =	vld [tilespmem:s28+$0x0];
	[tilespmem:s1+$0x0] =	vst v20;
	s1 =	sor.u32 s19, s15  }
0x3e3: {  	s3 =	sshll.u32 s25, $0x1;
	s19 =	smov.u32 s13;
	v15 =	vld [tilespmem:s29+$0x0];
	[tilespmem:s1+$0x0] =	vst v13  }
0x3e4: {  	s2 =	sadd.s32 $0x4, s2;
	s15 =	sand.u32 $0x3FFFFF80, s3;
	v16 =	vadd.f32 v19, v17;
	v13 =	vld [tilespmem:s30+$0x0];
	v17 =	vadd.f32 v22, v21  }
0x3e5: {  	v18 =	vld [tilespmem:s4+$0x0]  }
0x3e6: {  	v19 =	vld [tilespmem:s22+$0x0]  }
0x3e7: {  	v20 =	vld [tilespmem:s0+$0x0]  }
0x3e8: {  	v21 =	vld [tilespmem:s11+$0x0]  }
0x3e9: {  	v22 =	vld [tilespmem:s26+$0x0]  }
0x3ea: {  	v23 =	vld [tilespmem:s17+$0x0]  }
0x3eb: {  	v24 =	vld [tilespmem:s7+$0x0]  }
0x3ec: {  	v11 =	vadd.f32 v14, v11;
	v12 =	vadd.f32 v15, v12;
	_ =	sdelay $0x1  }
0x3ed: {  	s29 =	sadd.s32 s15, s23;
	v59 =	vadd.f32 v17, v16;
	v11 =	vadd.f32 v12, v11  }
0x3ee: {  	p3 =	sgt.s32 s9, $0x0;
	s0 =	sadd.s32 $0x17C00, s29;
	v60 =	vadd.f32 v18, v13;
	v61 =	vadd.f32 v20, v19  }
.Ltmp53:
0x3ef: {  	s1 =	sor.u32 s24, s0;
	v62 =	vadd.f32 v22, v21;
	v63 =	vadd.f32 v24, v23;
	(pc) =	sbr.rel @p3 .LBB2_99-.Ltmp53, $4  }
.Ltmp54:
0x3f0: {  	s30 =	sor.u32 s10, s0;
	[tilespmem:s1+$0x0] =	vst v59;
	v12 =	vadd.f32 v61, v60;
	(pc) =	sbr.rel @!p3 .LBB2_80-.Ltmp54, $4  }
0x3f1: {  	s31 =	sor.u32 s21, s0;
	[tilespmem:s30+$0x0] =	vst v11;
	v11 =	vadd.f32 v63, v62  }
0x3f2: {  	s0 =	sor.u32 s19, s0;
	[tilespmem:s31+$0x0] =	vst v12  }
0x3f3: {  	s14 =	rddreg [dreg:$0x3];
	[tilespmem:s0+$0x0] =	vst v11  }
0x3f4: {  	_ = 	snop  }
.LBB2_81:
0x3f5: {  	p3 =	slt.s32 s9, $0x1  }
.Ltmp55:
0x3f6: {  	_ = 	snop;
	(pc) =	sbr.rel @p3 .LBB2_80-.Ltmp55, $2  }
0x3f7: {  	_ =	sdelay $0x2  }
0x3f8: {  	s2 =	simm.s32 $0xFFFFFFFC;
	s0 =	simm.s32 $0x0  }
0x3f9: {  	s2 =	sadd.s32 $0x4, s2;
	s1 =	sand.u32 $0x40, s0;
	s3 =	sand.u32 $0x1C00, s0  }
0x3fa: {  	s5 =	simm.s32 $0x0;
	s7 =	simm.s32 $0x0;
	s4 =	sor.u32 s1, s3  }
.LBB2_83:
0x3fb: {  	s2 =	sadd.s32 $0x4, s2  }
0x3fc: {  	[tilespmem:s4+$0x17C20] =	vst v7;
	s5 =	sadd.s32 $0x200, s5;
	s7 =	sadd.s32 $0x40, s7;
	p3 =	slt.u32 s2, $0x3C  }
.Ltmp56:
0x3fd: {  	[tilespmem:s4+$0x17C10] =	vst v7;
	(pc) =	sbr.rel @p3 .LBB2_83-.Ltmp56, $4  }
0x3fe: {  	[tilespmem:s4+$0x17C30] =	vst v7  }
0x3ff: {  	[tilespmem:s4+$0x17C00] =	vst v7  }
0x400: {  	s1 =	sand.u32 $0x40, s7;
	s3 =	sand.u32 $0x1C00, s5  }
0x401: {  	s4 =	sor.u32 s1, s3  }
0x402: {  	[tilespmem:s4+$0x17C20] =	vst v7  }
0x403: {  	[tilespmem:s4+$0x17C10] =	vst v7  }
0x404: {  	[tilespmem:s4+$0x17C30] =	vst v7;
	s1 =	sand.u32 $0x40, s0;
	s2 =	sand.u32 $0x1C00, s0  }
0x405: {  	[tilespmem:s4+$0x17C00] =	vst v7;
	s4 =	simm.s32 $0x0;
	s5 =	simm.s32 $0x0;
	s7 =	sor.u32 s1, s2  }
.LBB2_85:
0x406: {  	s4 =	sadd.s32 $0x4, s4  }
0x407: {  	[tilespmem:s7+$0x17CA0] =	vst v7;
	s0 =	sadd.s32 $0x200, s0;
	s5 =	sadd.s32 $0x40, s5;
	p3 =	slt.u32 s4, $0x3C  }
.Ltmp57:
0x408: {  	[tilespmem:s7+$0x17C90] =	vst v7;
	(pc) =	sbr.rel @p3 .LBB2_85-.Ltmp57, $4  }
0x409: {  	[tilespmem:s7+$0x17CB0] =	vst v7  }
0x40a: {  	[tilespmem:s7+$0x17C80] =	vst v7  }
0x40b: {  	s1 =	sand.u32 $0x40, s5;
	s2 =	sand.u32 $0x1C00, s0  }
0x40c: {  	s7 =	sor.u32 s1, s2;
	s2 =	simm.s32 $0x0  }
0x40d: {  	[tilespmem:s7+$0x17CA0] =	vst v7  }
0x40e: {  	[tilespmem:s7+$0x17C90] =	vst v7  }
0x40f: {  	[tilespmem:s7+$0x17CB0] =	vst v7;
	s5 =	simm.s32 $0x0;
	s0 =	sand.u32 $0x40, s2;
	s4 =	sand.u32 $0x1C00, s2  }
0x410: {  	[tilespmem:s7+$0x17C80] =	vst v7;
	s9 =	simm.s32 $0x0;
	s10 =	simm.s32 $0x0;
	s7 =	sor.u32 s0, s4  }
.LBB2_87:
0x411: {  	s5 =	sadd.s32 $0x4, s5  }
0x412: {  	[tilespmem:s7+$0x17D20] =	vst v7;
	s9 =	sadd.s32 $0x200, s9;
	s10 =	sadd.s32 $0x40, s10;
	p3 =	slt.u32 s5, $0x3C  }
.Ltmp58:
0x413: {  	[tilespmem:s7+$0x17D10] =	vst v7;
	(pc) =	sbr.rel @p3 .LBB2_87-.Ltmp58, $4  }
0x414: {  	[tilespmem:s7+$0x17D30] =	vst v7  }
0x415: {  	[tilespmem:s7+$0x17D00] =	vst v7  }
0x416: {  	s1 =	sand.u32 $0x40, s10;
	s3 =	sand.u32 $0x1C00, s9  }
0x417: {  	s7 =	sor.u32 s1, s3  }
0x418: {  	[tilespmem:s7+$0x17D20] =	vst v7  }
0x419: {  	[tilespmem:s7+$0x17D10] =	vst v7  }
0x41a: {  	[tilespmem:s7+$0x17D30] =	vst v7  }
0x41b: {  	[tilespmem:s7+$0x17D00] =	vst v7;
	s9 =	simm.s32 $0x0;
	s7 =	sor.u32 s0, s4;
	s0 =	simm.s32 $0x0  }
.LBB2_89:
0x41c: {  	s9 =	sadd.s32 $0x4, s9  }
0x41d: {  	[tilespmem:s7+$0x17DA0] =	vst v7;
	s2 =	sadd.s32 $0x200, s2;
	s0 =	sadd.s32 $0x40, s0;
	p3 =	slt.u32 s9, $0x3C  }
.Ltmp59:
0x41e: {  	[tilespmem:s7+$0x17D90] =	vst v7;
	(pc) =	sbr.rel @p3 .LBB2_89-.Ltmp59, $4  }
0x41f: {  	[tilespmem:s7+$0x17DB0] =	vst v7  }
0x420: {  	[tilespmem:s7+$0x17D80] =	vst v7  }
0x421: {  	s1 =	sand.u32 $0x40, s0;
	s3 =	sand.u32 $0x1C00, s2  }
0x422: {  	s5 =	simm.s32 $0x0;
	s7 =	sor.u32 s1, s3  }
0x423: {  	[tilespmem:s7+$0x17DA0] =	vst v7  }
0x424: {  	[tilespmem:s7+$0x17D90] =	vst v7  }
0x425: {  	[tilespmem:s7+$0x17DB0] =	vst v7;
	s4 =	simm.s32 $0x0;
	s0 =	sand.u32 $0x40, s5;
	s2 =	sand.u32 $0x1C00, s5  }
0x426: {  	[tilespmem:s7+$0x17D80] =	vst v7;
	s9 =	simm.s32 $0x0;
	s10 =	simm.s32 $0x0;
	s7 =	sor.u32 s0, s2  }
.LBB2_91:
0x427: {  	s4 =	sadd.s32 $0x4, s4  }
0x428: {  	[tilespmem:s7+$0x17E20] =	vst v7;
	s9 =	sadd.s32 $0x200, s9;
	s10 =	sadd.s32 $0x40, s10;
	p3 =	slt.u32 s4, $0x3C  }
.Ltmp60:
0x429: {  	[tilespmem:s7+$0x17E10] =	vst v7;
	(pc) =	sbr.rel @p3 .LBB2_91-.Ltmp60, $4  }
0x42a: {  	[tilespmem:s7+$0x17E30] =	vst v7  }
0x42b: {  	[tilespmem:s7+$0x17E00] =	vst v7  }
0x42c: {  	s1 =	sand.u32 $0x40, s10;
	s3 =	sand.u32 $0x1C00, s9  }
0x42d: {  	s7 =	sor.u32 s1, s3  }
0x42e: {  	[tilespmem:s7+$0x17E20] =	vst v7  }
0x42f: {  	[tilespmem:s7+$0x17E10] =	vst v7  }
0x430: {  	[tilespmem:s7+$0x17E30] =	vst v7  }
0x431: {  	[tilespmem:s7+$0x17E00] =	vst v7;
	s4 =	simm.s32 $0x0;
	s7 =	sor.u32 s0, s2;
	s0 =	simm.s32 $0x0  }
.LBB2_93:
0x432: {  	s4 =	sadd.s32 $0x4, s4  }
0x433: {  	[tilespmem:s7+$0x17EA0] =	vst v7;
	s5 =	sadd.s32 $0x200, s5;
	s0 =	sadd.s32 $0x40, s0;
	p3 =	slt.u32 s4, $0x3C  }
.Ltmp61:
0x434: {  	[tilespmem:s7+$0x17E90] =	vst v7;
	(pc) =	sbr.rel @p3 .LBB2_93-.Ltmp61, $4  }
0x435: {  	[tilespmem:s7+$0x17EB0] =	vst v7  }
0x436: {  	[tilespmem:s7+$0x17E80] =	vst v7  }
0x437: {  	s1 =	sand.u32 $0x40, s0;
	s2 =	sand.u32 $0x1C00, s5  }
0x438: {  	s7 =	sor.u32 s1, s2;
	s2 =	simm.s32 $0x0  }
0x439: {  	[tilespmem:s7+$0x17EA0] =	vst v7  }
0x43a: {  	[tilespmem:s7+$0x17E90] =	vst v7  }
0x43b: {  	[tilespmem:s7+$0x17EB0] =	vst v7;
	s5 =	simm.s32 $0x0;
	s0 =	sand.u32 $0x40, s2;
	s4 =	sand.u32 $0x1C00, s2  }
0x43c: {  	[tilespmem:s7+$0x17E80] =	vst v7;
	s9 =	simm.s32 $0x0;
	s10 =	simm.s32 $0x0;
	s7 =	sor.u32 s0, s4  }
.LBB2_95:
0x43d: {  	s5 =	sadd.s32 $0x4, s5  }
0x43e: {  	[tilespmem:s7+$0x17F20] =	vst v7;
	s9 =	sadd.s32 $0x200, s9;
	s10 =	sadd.s32 $0x40, s10;
	p3 =	slt.u32 s5, $0x3C  }
.Ltmp62:
0x43f: {  	[tilespmem:s7+$0x17F10] =	vst v7;
	(pc) =	sbr.rel @p3 .LBB2_95-.Ltmp62, $4  }
0x440: {  	[tilespmem:s7+$0x17F30] =	vst v7  }
0x441: {  	[tilespmem:s7+$0x17F00] =	vst v7  }
0x442: {  	s1 =	sand.u32 $0x40, s10;
	s3 =	sand.u32 $0x1C00, s9  }
0x443: {  	s7 =	sor.u32 s1, s3  }
0x444: {  	[tilespmem:s7+$0x17F20] =	vst v7  }
0x445: {  	[tilespmem:s7+$0x17F10] =	vst v7  }
0x446: {  	[tilespmem:s7+$0x17F30] =	vst v7  }
0x447: {  	[tilespmem:s7+$0x17F00] =	vst v7;
	s5 =	simm.s32 $0x0;
	s0 =	sor.u32 s0, s4;
	s4 =	simm.s32 $0x0  }
.LBB2_97:
0x448: {  	s5 =	sadd.s32 $0x4, s5  }
0x449: {  	[tilespmem:s0+$0x17FA0] =	vst v7;
	s2 =	sadd.s32 $0x200, s2;
	s4 =	sadd.s32 $0x40, s4;
	p3 =	slt.u32 s5, $0x3C  }
.Ltmp63:
0x44a: {  	[tilespmem:s0+$0x17F90] =	vst v7;
	(pc) =	sbr.rel @p3 .LBB2_97-.Ltmp63, $4  }
0x44b: {  	[tilespmem:s0+$0x17FB0] =	vst v7  }
0x44c: {  	[tilespmem:s0+$0x17F80] =	vst v7  }
0x44d: {  	s1 =	sand.u32 $0x1C00, s2;
	s0 =	sand.u32 $0x40, s4  }
0x44e: {  	s0 =	sor.u32 s0, s1  }
.Ltmp64:
0x44f: {  	(pc) =	sbr.rel .LBB2_99-.Ltmp64, $4  }
0x450: {  	[tilespmem:s0+$0x17FA0] =	vst v7  }
0x451: {  	[tilespmem:s0+$0x17F90] =	vst v7  }
0x452: {  	[tilespmem:s0+$0x17FB0] =	vst v7  }
0x453: {  	[tilespmem:s0+$0x17F80] =	vst v7  }
.LBB2_80:
.Ltmp65:
0x454: {  	(pc) =	sbr.rel .LBB2_100-.Ltmp65, $4  }
0x455: {  	_ = 	snop  }
0x456: {  	s0 =	sshll.u32 s8, $0xB;
	s1 =	rddreg [dreg:$0x4]  }
0x457: {  	s31 =	simm.s32 $0x19C00;
	s0 =	sadd.s32 s1, s0  }
0x458: {  	[hbm4b:s0+s6] =	stream.linear.scatter [tilespmem:s31], [sflag:$0x6], $0x4000, $0x38;
	[tilespmem:$0x1DC00] =	vst v63  }
.LBB2_14:
.Ltmp66:
0x459: {  	(pc) =	sbr.rel .LBB2_18-.Ltmp66, $2  }
0x45a: {  	_ =	sdelay $0x2  }
0x45b: {  	s7 =	simm.s32 $0x0  }
.LBB2_23:
.Ltmp67:
0x45c: {  	(pc) =	sbr.rel .LBB2_25-.Ltmp67, $2  }
0x45d: {  	_ =	sdelay $0x2  }
0x45e: {  	s5 =	smov.u32 s2  }
.LBB2_28:
.Ltmp68:
0x45f: {  	(pc) =	sbr.rel .LBB2_30-.Ltmp68, $2  }
0x460: {  	_ =	sdelay $0x2  }
0x461: {  	s5 =	smov.u32 s4  }
.LBB2_33:
.Ltmp69:
0x462: {  	(pc) =	sbr.rel .LBB2_35-.Ltmp69, $2  }
0x463: {  	_ =	sdelay $0x2  }
0x464: {  	s4 =	smov.u32 s0  }
.LBB2_16:
.Ltmp70:
0x465: {  	(pc) =	sbr.rel .LBB2_18-.Ltmp70, $2  }
0x466: {  	_ =	sdelay $0x2  }
0x467: {  	s7 =	simm.s32 $0x0  }
.LBB2_102:
0x468: {  	_ =	sfence.sel $0x180000  }
0x469: {  	[bflag:$0x0] =	sbarrier.arrive $0xFFFF  }
0x46a: {  	_ =	strace $0x90000047  }
0x46b: {  	s0 =	stileid.u32;
	[bflag:$0x2] =	sbarrier.arrive $0xFFFF  }
0x46c: {  	p0 =	sne.s32 s0, $0x0;
	s0 =	rddreg [dreg:$0x6]  }
0x46d: {  	s0 =	sadd.s32 @!p0 $0x100000, s0  }
0x46e: {  	[sflag:s0] =	ssyncadd.tile.s32 @!p0 $0x1;
	_ =	shalt  }
.Lfunc_end2:
_tile_overlayer_lowered:
.L_overlay_start_2:
0x46f: {  	(tag) =	ssettag $0x2  }
0x470: {  	s0 =	rddreg [dreg:$0x0];
	s2 =	stileid.u32  }
0x471: {  	s1 =	rddreg [dreg:$0x1];
	p0 =	sne.s32 s2, $0x0  }
0x472: {  	s3 =	rddreg [dreg:$0x2];
	[bflag:$0x3] =	sbarrier.arrive $0xFFFF;
	s2 =	simm.s32 @!p0 $0x1C07  }
0x473: {  	[timem:s3], [sflag:s2] =	dma.local @!p0 [hbm:s0], s1  }
0x474: {  	s0 =	simm.s32 @!p0 $0x7  }
0x475: {  	_ =	swait.ge @!p0 [sflag:s0], s1  }
0x476: {  	s1 =	ssub.s32 @!p0 $0x0, s1;
	[sflag:s0] =	ssyncset.done @!p0 $0x0  }
0x477: {  	[sflag:s0] =	ssyncadd.s32 @!p0 s1  }
0x478: {  	[bflag:$0x3] =	sbarrier.arrive $0xFFFF  }
0x479: {  	_ =	shalt  }

</sc_bundles>
